<compile_context>
chip_gen: v7x
topology: tpu7x:2x2x1
jax: 0.10.2.dev20260603
libtpu: 0.0.44.dev20260713+nightly
codegen_flags: <defaults>
</compile_context>

<pallas_src>
import jax
import jax.numpy as jnp
from jax import lax
from jax.experimental import pallas as pl
from jax.experimental.pallas import tpu as pltpu
from jax.experimental.pallas import tpu_sc as plsc

N_NODES = 50000
H = 32
NW = 32
NPASS = 2
R = 784
HALF = NW * R
N_PAD = NPASS * HALF
RPAD = R + 8
E = 1600000
CH = 4096
NV = CH // 16
NCHUNK = 392
E_PAD = NCHUNK * CH
B = 256
HB = 4352

_mesh = plsc.VectorSubcoreMesh(core_axis_name="c", subcore_axis_name="s")


def _sc_body(feat, srcp, dstp, s_out, s2_out, mx_out, mn_out, cnt_out,
             dst_buf, sem2, pcnt_buf, pbase_buf, hs_buf, hd_buf, hdsh_buf,
             srcv_buf, rows_buf, mx_acc, mn_acc, cnt_acc,
             s_sh, s2_sh, sem):
    c = lax.axis_index("c")
    s = lax.axis_index("s")
    wid = s * 2 + c
    soff = s * RPAD

    lane = lax.iota(jnp.int32, 16)
    lane2 = lane + 16
    lane0 = lane == 0
    fones = jnp.full((16,), 1.0, jnp.float32)
    zf = jnp.zeros((16,), jnp.float32)
    zi = jnp.zeros((16,), jnp.int32)
    NEG = jnp.full((16,), -3.0e38, jnp.float32)
    POS = jnp.full((16,), 3.0e38, jnp.float32)

    _dnums = lax.GatherDimensionNumbers(
        offset_dims=(), collapsed_slice_dims=(0,), start_index_map=(0,))

    def _bcast(v, jj):
        idx = jnp.full((16, 1), jj, jnp.int32)
        return lax.gather(v, idx, _dnums, (1,),
                          mode=lax.GatherScatterMode.PROMISE_IN_BOUNDS)

    def _splat(x):
        return jnp.full((16,), x, jnp.int32)

    def init_hs(j, _):
        hs_buf[pl.ds(j * 16, 16)] = zi
        return 0
    lax.fori_loop(0, HB // 16, init_hs, 0)

    def one_pass(p, _):
        lo = pl.multiple_of(p * HALF + wid * R, 16)
        dump = R + soff

        def init_acc(j, _):
            mx_acc[j, pl.ds(0, 16)] = NEG
            mx_acc[j, pl.ds(16, 16)] = NEG
            mn_acc[j, pl.ds(0, 16)] = POS
            mn_acc[j, pl.ds(16, 16)] = POS
            return 0
        lax.fori_loop(0, R, init_acc, 0)

        def init_cnt(j, _):
            cnt_acc[pl.ds(j * 16, 16)] = zf
            return 0
        lax.fori_loop(0, 50, init_cnt, 0)

        def init_rows(j, _):
            rows_buf[j, pl.ds(0, 16)] = zf
            rows_buf[j, pl.ds(16, 16)] = zf
            return 0
        lax.fori_loop(0, B, init_rows, 0)

        for k in range(3):
            pltpu.sync_copy(rows_buf, s_sh.at[pl.ds(soff + k * B, B)])
            pltpu.sync_copy(rows_buf, s2_sh.at[pl.ds(soff + k * B, B)])
        rem = RPAD - 3 * B
        pltpu.sync_copy(rows_buf.at[pl.ds(0, rem)],
                        s_sh.at[pl.ds(soff + 3 * B, rem)])
        pltpu.sync_copy(rows_buf.at[pl.ds(0, rem)],
                        s2_sh.at[pl.ds(soff + 3 * B, rem)])

        def flush(fofs):
            fofs = pl.multiple_of(fofs, B)
            def mkw(j, _):
                hdsh_buf[pl.ds(j * 16, 16)] = hd_buf[pl.ds(fofs + j * 16, 16)]
                return 0
            lax.fori_loop(0, B // 16, mkw, 0)

            pltpu.async_copy(srcp.at[hs_buf.at[pl.ds(fofs, B)]],
                             srcv_buf, sem).wait()
            pltpu.async_copy(feat.at[srcv_buf], rows_buf, sem).wait()

            sum_cp = pltpu.async_copy(rows_buf, s_sh.at[hdsh_buf], sem,
                                      add=True)

            def edge_vreg(jv, _):
                hdv = hd_buf[pl.ds(fofs + jv * 16, 16)] - soff
                for jj in range(16):
                    d_splat = _bcast(hdv, jj)
                    j = jv * 16 + jj
                    m0 = rows_buf[j, pl.ds(0, 16)]
                    m1 = rows_buf[j, pl.ds(16, 16)]
                    a0 = plsc.load_gather(mx_acc, [d_splat, lane])
                    plsc.store_scatter(mx_acc, [d_splat, lane],
                                       jnp.maximum(a0, m0))
                    a1 = plsc.load_gather(mx_acc, [d_splat, lane2])
                    plsc.store_scatter(mx_acc, [d_splat, lane2],
                                       jnp.maximum(a1, m1))
                    b0 = plsc.load_gather(mn_acc, [d_splat, lane])
                    plsc.store_scatter(mn_acc, [d_splat, lane],
                                       jnp.minimum(b0, m0))
                    b1 = plsc.load_gather(mn_acc, [d_splat, lane2])
                    plsc.store_scatter(mn_acc, [d_splat, lane2],
                                       jnp.minimum(b1, m1))
                    plsc.addupdate_scatter(cnt_acc, [d_splat], fones,
                                           mask=lane0)
                return 0
            lax.fori_loop(0, B // 16, edge_vreg, 0)

            sum_cp.wait()

            @plsc.parallel_loop(0, B, unroll=4)
            def sq_loop(j):
                m0 = rows_buf[j, pl.ds(0, 16)]
                m1 = rows_buf[j, pl.ds(16, 16)]
                rows_buf[j, pl.ds(0, 16)] = m0 * m0
                rows_buf[j, pl.ds(16, 16)] = m1 * m1

            pltpu.sync_copy(rows_buf, s2_sh.at[hdsh_buf], add=True)

        pltpu.async_copy(dstp.at[pl.ds(0, CH)], dst_buf.at[pl.ds(0, CH)],
                         sem2)

        def chunk_body(ci, ptr):
            par = pl.multiple_of((ci & 1) * CH, CH)
            cofs = pl.multiple_of(ci * CH, CH)
            pltpu.make_async_copy(dstp.at[pl.ds(cofs, CH)],
                                  dst_buf.at[pl.ds(par, CH)], sem2).wait()

            @pl.when(ci + 1 < NCHUNK)
            def _prefetch():
                nofs = pl.multiple_of((ci + 1) * CH, CH)
                npar = pl.multiple_of(((ci + 1) & 1) * CH, CH)
                pltpu.async_copy(dstp.at[pl.ds(nofs, CH)],
                                 dst_buf.at[pl.ds(npar, CH)], sem2)

            @plsc.parallel_loop(0, NV // 16, unroll=2)
            def l1(g):
                gofs = pl.multiple_of(par + g * 256, 256)
                acc = zi
                for k in range(16):
                    u = dst_buf[pl.ds(gofs + k * 16, 16)] - lo
                    m = (u >= 0) & (u < R)
                    pop = plsc.all_reduce_population_count(m)
                    acc = jnp.where(lane == k, pop, acc)
                pcnt_buf[pl.ds(g * 16, 16)] = acc

            def l2(g, carry):
                cg = pcnt_buf[pl.ds(g * 16, 16)]
                inc = plsc.cumsum(cg)
                pbase_buf[pl.ds(g * 16, 16)] = inc - cg + carry
                return carry + _bcast(inc, 15)
            tot = lax.fori_loop(0, NV // 16, l2, _splat(ptr))

            @plsc.parallel_loop(0, NV // 16, unroll=2)
            def l3(g):
                gofs = pl.multiple_of(par + g * 256, 256)
                pb = pbase_buf[pl.ds(g * 16, 16)]
                for k in range(16):
                    u = dst_buf[pl.ds(gofs + k * 16, 16)] - lo
                    m = (u >= 0) & (u < R)
                    inc = plsc.cumsum(jnp.where(m, 1, 0))
                    pos = _bcast(pb, k) + inc - 1
                    eid = _splat(cofs + g * 256 + k * 16) + lane
                    plsc.store_scatter(hs_buf, [pos], eid, mask=m)
                    plsc.store_scatter(hd_buf, [pos], u + soff, mask=m)

            ptr_new = jnp.sum(jnp.where(lane == 15, tot, 0))

            def drain_cond(st):
                return st[0] + B <= st[1]

            def drain_body(st):
                fofs, pn = st
                flush(fofs)
                return (fofs + B, pn)
            fofs, _ = lax.while_loop(drain_cond, drain_body,
                                     (jnp.int32(0), ptr_new))

            def compact(q):
                q = pl.multiple_of(q, B)
                def cp(j, _):
                    hs_buf[pl.ds(j * 16, 16)] = hs_buf[pl.ds(q + j * 16, 16)]
                    hd_buf[pl.ds(j * 16, 16)] = hd_buf[pl.ds(q + j * 16, 16)]
                    return 0
                lax.fori_loop(0, B // 16, cp, 0)
                return jnp.int32(0)
            fofs = lax.cond(fofs > 0, compact, lambda q: q, fofs)
            return ptr_new - (ptr_new // B) * B

        ptr = lax.fori_loop(0, NCHUNK, chunk_body, jnp.int32(0))

        def final_flush(q):
            def fix(j, _):
                gidx = lane + j * 16
                hd_buf[pl.ds(j * 16, 16)] = jnp.where(
                    gidx >= q, dump, hd_buf[pl.ds(j * 16, 16)])
                return 0
            lax.fori_loop(0, B // 16, fix, 0)
            flush(jnp.int32(0))
            return jnp.int32(0)
        ptr = lax.cond(ptr > 0, final_flush, lambda q: q, ptr)

        pltpu.sync_copy(mx_acc.at[pl.ds(0, R)], mx_out.at[pl.ds(lo, R)])
        pltpu.sync_copy(mn_acc.at[pl.ds(0, R)], mn_out.at[pl.ds(lo, R)])
        pltpu.sync_copy(cnt_acc.at[pl.ds(0, R)], cnt_out.at[pl.ds(lo, R)])
        pltpu.sync_copy(s_sh.at[pl.ds(soff, R)], s_out.at[pl.ds(lo, R)])
        pltpu.sync_copy(s2_sh.at[pl.ds(soff, R)], s2_out.at[pl.ds(lo, R)])
        return 0

    lax.fori_loop(0, NPASS, one_pass, 0)


_sc_call = pl.kernel(
    _sc_body,
    out_type=[
        jax.ShapeDtypeStruct((N_PAD, H), jnp.float32),
        jax.ShapeDtypeStruct((N_PAD, H), jnp.float32),
        jax.ShapeDtypeStruct((N_PAD, H), jnp.float32),
        jax.ShapeDtypeStruct((N_PAD, H), jnp.float32),
        jax.ShapeDtypeStruct((N_PAD,), jnp.float32),
    ],
    mesh=_mesh,
    compiler_params=pltpu.CompilerParams(
        use_tc_tiling_on_sc=False, needs_layout_passes=False),
    scratch_types=[
        pltpu.VMEM((2 * CH,), jnp.int32),
        pltpu.SemaphoreType.DMA,
        pltpu.VMEM((NV,), jnp.int32),
        pltpu.VMEM((NV,), jnp.int32),
        pltpu.VMEM((HB,), jnp.int32),
        pltpu.VMEM((HB,), jnp.int32),
        pltpu.VMEM((B,), jnp.int32),
        pltpu.VMEM((B,), jnp.int32),
        pltpu.VMEM((B, H), jnp.float32),
        pltpu.VMEM((R + 8, H), jnp.float32),
        pltpu.VMEM((R + 8, H), jnp.float32),
        pltpu.VMEM((800,), jnp.float32),
        pltpu.VMEM_SHARED((16 * RPAD, H), jnp.float32),
        pltpu.VMEM_SHARED((16 * RPAD, H), jnp.float32),
        pltpu.SemaphoreType.DMA,
    ],
)


def _tc_body(s_ref, s2_ref, mx_ref, mn_ref, cnt_ref, w_ref, b_ref, o_ref):
    cnt = cnt_ref[...]
    denom = jnp.maximum(cnt, 1.0)
    has = cnt > 0.0
    mean = s_ref[...] / denom
    mx = jnp.where(has, mx_ref[...], 0.0)
    mn = jnp.where(has, mn_ref[...], 0.0)
    msq = s2_ref[...] / denom
    var = jnp.maximum(msq - mean * mean, 0.0)
    std = jnp.sqrt(var + 1e-5)
    h = jnp.concatenate([mean, mx, mn, std], axis=1)
    o = jnp.dot(h, w_ref[...], preferred_element_type=jnp.float32) + b_ref[...]
    o_ref[...] = jnp.maximum(o, 0.0)


BN = 512
_tc_call = pl.pallas_call(
    _tc_body,
    grid=(N_PAD // BN,),
    in_specs=[
        pl.BlockSpec((BN, H), lambda i: (i, 0)),
        pl.BlockSpec((BN, H), lambda i: (i, 0)),
        pl.BlockSpec((BN, H), lambda i: (i, 0)),
        pl.BlockSpec((BN, H), lambda i: (i, 0)),
        pl.BlockSpec((BN, 1), lambda i: (i, 0)),
        pl.BlockSpec((4 * H, H), lambda i: (0, 0)),
        pl.BlockSpec((1, H), lambda i: (0, 0)),
    ],
    out_specs=pl.BlockSpec((BN, H), lambda i: (i, 0)),
    out_shape=jax.ShapeDtypeStruct((N_PAD, H), jnp.float32),
)


def kernel(feat, edge_index, W, b):
    src = edge_index[0].astype(jnp.int32)
    dst = edge_index[1].astype(jnp.int32)
    pad = E_PAD - E
    srcp = jnp.concatenate([src, jnp.zeros((pad,), jnp.int32)])
    dstp = jnp.concatenate([dst, jnp.full((pad,), N_PAD - 1, jnp.int32)])
    s_, s2_, mx_, mn_, cnt_ = _sc_call(feat, srcp, dstp)
    out = _tc_call(s_, s2_, mx_, mn_, cnt_.reshape(N_PAD, 1), W,
                   b.reshape(1, H))
    return out[:N_NODES]

# --- scband reference (transcript-rebuilt; emitter-appended) ---
"""Pipeline reference for scband-principal-aggregate-21045339750807 (READ-ONLY COPY).

The authoritative reference and input builder live on the scoring server;
editing this copy changes nothing except your own understanding.
"""

import jax, jax.numpy as jnp
import numpy as np

N_NODES = 50000
N_EDGES = 1600000
H_FEATS = 32
N_AGG = 4


def setup_inputs(seed: int = 0) -> dict:
    key = jax.random.key(seed)
    k_feat, k_edge, k_w, k_b = jax.random.split(key, 4)
    feat = jax.random.normal(k_feat, (N_NODES, H_FEATS), dtype=jnp.float32)
    edge_index = jax.random.randint(k_edge, (2, N_EDGES), 0, N_NODES, dtype=jnp.int64)
    fan_in = N_AGG * H_FEATS
    bound = 1.0 / np.sqrt(fan_in)
    W = jax.random.uniform(k_w, (fan_in, H_FEATS), dtype=jnp.float32, minval=-bound, maxval=bound)
    b = jax.random.uniform(k_b, (H_FEATS,), dtype=jnp.float32, minval=-bound, maxval=bound)
    return {"feat": feat, "edge_index": edge_index, "W": W, "b": b}


def reference(feat, edge_index, W, b):
    # PrincipalAggregate forward: aggregators = [mean, max, min, std], then Linear + ReLU
    N = feat.shape[0]
    src = edge_index[0]
    dst = edge_index[1]
    msg = feat[src]  # copy_u: gather source features onto edges

    cnt = jax.ops.segment_sum(jnp.ones((msg.shape[0],), dtype=feat.dtype), dst, num_segments=N)
    denom = jnp.maximum(cnt, 1.0)[:, None]
    has_edge = (cnt > 0)[:, None]

    # agg_mean
    s = jax.ops.segment_sum(msg, dst, num_segments=N)
    mean = s / denom

    # agg_max (DGL yields 0 for zero-degree dst nodes)
    mx = jax.ops.segment_max(msg, dst, num_segments=N)
    mx = jnp.where(has_edge, mx, 0.0)

    # agg_min
    mn = jax.ops.segment_min(msg, dst, num_segments=N)
    mn = jnp.where(has_edge, mn, 0.0)

    # agg_std = sqrt(relu(mean(X^2) - mean(X)^2) + 1e-5)
    s2 = jax.ops.segment_sum(msg * msg, dst, num_segments=N)
    mean_sq = s2 / denom
    std = jnp.sqrt(jax.nn.relu(mean_sq - mean * mean) + 1e-5)

    h = jnp.concatenate([mean, mx, mn, std], axis=1)
    out = jax.nn.relu(h @ W + b)
    return out

if __name__ == "__main__":
    import jax
    _d = setup_inputs()
    print(jax.jit(kernel)(*tuple(_d.values())))

</pallas_src>

<mosaic_0001>
#map = affine_map<(d0, d1) -> (0, 0)>
#map1 = affine_map<(d0, d1) -> (0)>
module attributes {stable_mosaic.version = 14 : i64} {
  func.func @_sc_body(%arg0: i32, %arg1: i32, %arg2: memref<50000x32xf32, #tpu.memory_space<hbm>>, %arg3: memref<1605632xi32, #tpu.memory_space<hbm>>, %arg4: memref<1605632xi32, #tpu.memory_space<hbm>>, %arg5: memref<50176x32xf32, #tpu.memory_space<hbm>>, %arg6: memref<50176x32xf32, #tpu.memory_space<hbm>>, %arg7: memref<50176x32xf32, #tpu.memory_space<hbm>>, %arg8: memref<50176x32xf32, #tpu.memory_space<hbm>>, %arg9: memref<50176xf32, #tpu.memory_space<hbm>>, %arg10: memref<8192xi32, #tpu.memory_space<vmem>>, %arg11: memref<!tpu.dma_semaphore, #tpu.memory_space<semaphore_mem>>, %arg12: memref<256xi32, #tpu.memory_space<vmem>>, %arg13: memref<256xi32, #tpu.memory_space<vmem>>, %arg14: memref<4352xi32, #tpu.memory_space<vmem>>, %arg15: memref<4352xi32, #tpu.memory_space<vmem>>, %arg16: memref<256xi32, #tpu.memory_space<vmem>>, %arg17: memref<256xi32, #tpu.memory_space<vmem>>, %arg18: memref<256x32xf32, #tpu.memory_space<vmem>>, %arg19: memref<792x32xf32, #tpu.memory_space<vmem>>, %arg20: memref<792x32xf32, #tpu.memory_space<vmem>>, %arg21: memref<800xf32, #tpu.memory_space<vmem>>, %arg22: memref<12672x32xf32, #tpu.memory_space<vmem_shared>>, %arg23: memref<12672x32xf32, #tpu.memory_space<vmem_shared>>, %arg24: memref<!tpu.dma_semaphore, #tpu.memory_space<semaphore_mem>>) attributes {dimension_semantics = [#tpu.dimension_semantics<core_parallel>, #tpu.dimension_semantics<subcore_parallel>], iteration_bounds = array<i64: 2, 16>, scalar_prefetch = 0 : i64, scratch_operands = 15 : i64, tpu.core_type = #tpu.core_type<sc_vector_subcore>, window_params = [{transform_indices = #map}, {transform_indices = #map1}, {transform_indices = #map1}, {transform_indices = #map}, {transform_indices = #map}, {transform_indices = #map}, {transform_indices = #map}, {transform_indices = #map1}]} {
    %mul3A = arith.constant 2 : i32
    %mul3A_0 = arith.muli %arg1, %mul3A : i32
    %add3A = arith.addi %mul3A_0, %arg0 : i32
    %mul3A_1 = arith.constant 792 : i32
    %mul3A_2 = arith.muli %arg1, %mul3A_1 : i32
    %iota3A = tpu.iota {dimensions = array<i32: 0>} : vector<16xi32>
    %add3A_3 = arith.constant 16 : i32
    %add3A_4 = vector.broadcast %add3A_3 : i32 to vector<16xi32>
    %add3A_5 = arith.addi %iota3A, %add3A_4 : vector<16xi32>
    %eq3A = arith.constant 0 : i32
    %eq3A_6 = vector.broadcast %eq3A : i32 to vector<16xi32>
    %eq3A_7 = arith.cmpi eq, %iota3A, %eq3A_6 : vector<16xi32>
    %broadcast_in_dim3A = arith.constant 1.000000e+00 : f32
    %broadcast_in_dim3A_8 = vector.broadcast %broadcast_in_dim3A : f32 to vector<16xf32>
    %broadcast_in_dim3A_9 = arith.constant 0.000000e+00 : f32
    %broadcast_in_dim3A_10 = vector.broadcast %broadcast_in_dim3A_9 : f32 to vector<16xf32>
    %broadcast_in_dim3A_11 = arith.constant 0 : i32
    %broadcast_in_dim3A_12 = vector.broadcast %broadcast_in_dim3A_11 : i32 to vector<16xi32>
    %broadcast_in_dim3A_13 = arith.constant -3.000000e+38 : f32
    %broadcast_in_dim3A_14 = vector.broadcast %broadcast_in_dim3A_13 : f32 to vector<16xf32>
    %broadcast_in_dim3A_15 = arith.constant 3.000000e+38 : f32
    %broadcast_in_dim3A_16 = vector.broadcast %broadcast_in_dim3A_15 : f32 to vector<16xf32>
    %scan3A = arith.constant 0 : i32
    %scan3A_17 = arith.constant 0 : i32
    %scan3A_18 = arith.constant 272 : i32
    %scan3A_19 = arith.addi %scan3A_17, %scan3A_18 : i32
    %scan3A_20 = arith.constant 1 : i32
    %scan3A_21 = scf.for %scan3A_30 = %scan3A_17 to %scan3A_19 step %scan3A_20 iter_args(%scan3A_31 = %scan3A) -> (i32)  : i32 {
      %mul3A_32 = arith.constant 16 : i32
      %mul3A_33 = arith.muli %scan3A_30, %mul3A_32 : i32
      %swap3A = arith.index_cast %mul3A_33 : i32 to index
      %swap3A_34 = tpu.vector_load %arg14[%swap3A] {strides = array<i32>} : memref<4352xi32, #tpu.memory_space<vmem>>, vector<16xi32>,
      tpu.vector_store %arg14[%swap3A], %broadcast_in_dim3A_12 {strides = array<i32>} : memref<4352xi32, #tpu.memory_space<vmem>>, vector<16xi32>,
      %scan3A_35 = arith.constant 0 : i32
      scf.yield %scan3A_35 : i32
    }
    %scan3A_22 = arith.constant 272 : i32
    %scan3A_23 = arith.constant 0 : i32
    %scan3A_24 = arith.constant 0 : i32
    %scan3A_25 = arith.constant 2 : i32
    %scan3A_26 = arith.addi %scan3A_24, %scan3A_25 : i32
    %scan3A_27 = arith.constant 1 : i32
    %scan3A_28 = scf.for %scan3A_30 = %scan3A_24 to %scan3A_26 step %scan3A_27 iter_args(%scan3A_31 = %scan3A_23) -> (i32)  : i32 {
      %mul3A_32 = arith.constant 25088 : i32
      %mul3A_33 = arith.muli %scan3A_30, %mul3A_32 : i32
      %mul3A_34 = arith.constant 784 : i32
      %mul3A_35 = arith.muli %add3A, %mul3A_34 : i32
      %add3A_36 = arith.addi %mul3A_33, %mul3A_35 : i32
      %multiple_of3A = tpu.assume_multiple %add3A_36, 16 : i32
      %add3A_37 = arith.constant 784 : i32
      %add3A_38 = arith.addi %add3A_37, %mul3A_2 : i32
      %scan3A_39 = arith.constant 0 : i32
      %scan3A_40 = arith.constant 0 : i32
      %scan3A_41 = arith.constant 784 : i32
      %scan3A_42 = arith.addi %scan3A_40, %scan3A_41 : i32
      %scan3A_43 = arith.constant 1 : i32
      %scan3A_44 = scf.for %scan3A_94 = %scan3A_40 to %scan3A_42 step %scan3A_43 iter_args(%scan3A_95 = %scan3A_39) -> (i32)  : i32 {
        %swap3A = arith.index_cast %scan3A_94 : i32 to index
        %swap3A_96 = arith.constant 0 : index
        %swap3A_97 = tpu.vector_load %arg19[%swap3A, %swap3A_96] {strides = array<i32>} : memref<792x32xf32, #tpu.memory_space<vmem>>, vector<16xf32>,
        tpu.vector_store %arg19[%swap3A, %swap3A_96], %broadcast_in_dim3A_14 {strides = array<i32>} : memref<792x32xf32, #tpu.memory_space<vmem>>, vector<16xf32>,
        %swap3A_98 = arith.index_cast %scan3A_94 : i32 to index
        %swap3A_99 = arith.constant 16 : index
        %swap3A_100 = tpu.vector_load %arg19[%swap3A_98, %swap3A_99] {strides = array<i32>} : memref<792x32xf32, #tpu.memory_space<vmem>>, vector<16xf32>,
        tpu.vector_store %arg19[%swap3A_98, %swap3A_99], %broadcast_in_dim3A_14 {strides = array<i32>} : memref<792x32xf32, #tpu.memory_space<vmem>>, vector<16xf32>,
        %swap3A_101 = arith.index_cast %scan3A_94 : i32 to index
        %swap3A_102 = arith.constant 0 : index
        %swap3A_103 = tpu.vector_load %arg20[%swap3A_101, %swap3A_102] {strides = array<i32>} : memref<792x32xf32, #tpu.memory_space<vmem>>, vector<16xf32>,
        tpu.vector_store %arg20[%swap3A_101, %swap3A_102], %broadcast_in_dim3A_16 {strides = array<i32>} : memref<792x32xf32, #tpu.memory_space<vmem>>, vector<16xf32>,
        %swap3A_104 = arith.index_cast %scan3A_94 : i32 to index
        %swap3A_105 = arith.constant 16 : index
        %swap3A_106 = tpu.vector_load %arg20[%swap3A_104, %swap3A_105] {strides = array<i32>} : memref<792x32xf32, #tpu.memory_space<vmem>>, vector<16xf32>,
        tpu.vector_store %arg20[%swap3A_104, %swap3A_105], %broadcast_in_dim3A_16 {strides = array<i32>} : memref<792x32xf32, #tpu.memory_space<vmem>>, vector<16xf32>,
        %scan3A_107 = arith.constant 0 : i32
        scf.yield %scan3A_107 : i32
      }
      %scan3A_45 = arith.constant 784 : i32
      %scan3A_46 = arith.constant 0 : i32
      %scan3A_47 = arith.constant 0 : i32
      %scan3A_48 = arith.constant 50 : i32
      %scan3A_49 = arith.addi %scan3A_47, %scan3A_48 : i32
      %scan3A_50 = arith.constant 1 : i32
      %scan3A_51 = scf.for %scan3A_94 = %scan3A_47 to %scan3A_49 step %scan3A_50 iter_args(%scan3A_95 = %scan3A_46) -> (i32)  : i32 {
        %mul3A_96 = arith.constant 16 : i32
        %mul3A_97 = arith.muli %scan3A_94, %mul3A_96 : i32
        %swap3A = arith.index_cast %mul3A_97 : i32 to index
        %swap3A_98 = tpu.vector_load %arg21[%swap3A] {strides = array<i32>} : memref<800xf32, #tpu.memory_space<vmem>>, vector<16xf32>,
        tpu.vector_store %arg21[%swap3A], %broadcast_in_dim3A_10 {strides = array<i32>} : memref<800xf32, #tpu.memory_space<vmem>>, vector<16xf32>,
        %scan3A_99 = arith.constant 0 : i32
        scf.yield %scan3A_99 : i32
      }
      %scan3A_52 = arith.constant 50 : i32
      %scan3A_53 = arith.constant 0 : i32
      %scan3A_54 = arith.constant 0 : i32
      %scan3A_55 = arith.constant 256 : i32
      %scan3A_56 = arith.addi %scan3A_54, %scan3A_55 : i32
      %scan3A_57 = arith.constant 1 : i32
      %scan3A_58 = scf.for %scan3A_94 = %scan3A_54 to %scan3A_56 step %scan3A_57 iter_args(%scan3A_95 = %scan3A_53) -> (i32)  : i32 {
        %swap3A = arith.index_cast %scan3A_94 : i32 to index
        %swap3A_96 = arith.constant 0 : index
        %swap3A_97 = tpu.vector_load %arg18[%swap3A, %swap3A_96] {strides = array<i32>} : memref<256x32xf32, #tpu.memory_space<vmem>>, vector<16xf32>,
        tpu.vector_store %arg18[%swap3A, %swap3A_96], %broadcast_in_dim3A_10 {strides = array<i32>} : memref<256x32xf32, #tpu.memory_space<vmem>>, vector<16xf32>,
        %swap3A_98 = arith.index_cast %scan3A_94 : i32 to index
        %swap3A_99 = arith.constant 16 : index
        %swap3A_100 = tpu.vector_load %arg18[%swap3A_98, %swap3A_99] {strides = array<i32>} : memref<256x32xf32, #tpu.memory_space<vmem>>, vector<16xf32>,
        tpu.vector_store %arg18[%swap3A_98, %swap3A_99], %broadcast_in_dim3A_10 {strides = array<i32>} : memref<256x32xf32, #tpu.memory_space<vmem>>, vector<16xf32>,
        %scan3A_101 = arith.constant 0 : i32
        scf.yield %scan3A_101 : i32
      }
      %scan3A_59 = arith.constant 256 : i32
      %add3A_60 = arith.constant 0 : i32
      %add3A_61 = arith.addi %mul3A_2, %add3A_60 : i32
      "tpu.region"() ({
        %run_scoped3A = tpu.sem_alloc : memref<!tpu.dma_semaphore, #tpu.memory_space<semaphore_mem>>
        %dma_start3A_94 = arith.constant 0 : i32
        %dma_start3A_95 = tpu.memref_slice %arg22[%add3A_61, %dma_start3A_94] : memref<12672x32xf32, #tpu.memory_space<vmem_shared>> -> memref<256x32xf32, #tpu.memory_space<vmem_shared>>
        %dma_start3A_96 = arith.constant 0 : i32
        %dma_start3A_97 = tpu.memref_slice %arg22[%add3A_61, %dma_start3A_96] : memref<12672x32xf32, #tpu.memory_space<vmem_shared>> -> memref<256x32xf32, #tpu.memory_space<vmem_shared>>
        tpu.enqueue_dma source(%arg18 : memref<256x32xf32, #tpu.memory_space<vmem>>) target(%dma_start3A_97 : memref<256x32xf32, #tpu.memory_space<vmem_shared>>) target_semaphore(%run_scoped3A : memref<!tpu.dma_semaphore, #tpu.memory_space<semaphore_mem>>)
        %dma_wait3A = arith.constant 0 : i32
        %dma_wait3A_98 = tpu.memref_slice %arg22[%add3A_61, %dma_wait3A] : memref<12672x32xf32, #tpu.memory_space<vmem_shared>> -> memref<256x32xf32, #tpu.memory_space<vmem_shared>>
        %dma_wait3A_99 = arith.constant 0 : i32
        %dma_wait3A_100 = tpu.memref_slice %arg22[%add3A_61, %dma_wait3A_99] : memref<12672x32xf32, #tpu.memory_space<vmem_shared>> -> memref<256x32xf32, #tpu.memory_space<vmem_shared>>
        tpu.wait_dma2 semaphore(%run_scoped3A : memref<!tpu.dma_semaphore, #tpu.memory_space<semaphore_mem>>) src(%arg18 : memref<256x32xf32, #tpu.memory_space<vmem>>) dst(%dma_wait3A_100 : memref<256x32xf32, #tpu.memory_space<vmem_shared>>)
        tpu.yield
      }) : () -> ()
      %add3A_62 = arith.constant 0 : i32
      %add3A_63 = arith.addi %mul3A_2, %add3A_62 : i32
      "tpu.region"() ({
        %run_scoped3A = tpu.sem_alloc : memref<!tpu.dma_semaphore, #tpu.memory_space<semaphore_mem>>
        %dma_start3A_94 = arith.constant 0 : i32
        %dma_start3A_95 = tpu.memref_slice %arg23[%add3A_63, %dma_start3A_94] : memref<12672x32xf32, #tpu.memory_space<vmem_shared>> -> memref<256x32xf32, #tpu.memory_space<vmem_shared>>
        %dma_start3A_96 = arith.constant 0 : i32
        %dma_start3A_97 = tpu.memref_slice %arg23[%add3A_63, %dma_start3A_96] : memref<12672x32xf32, #tpu.memory_space<vmem_shared>> -> memref<256x32xf32, #tpu.memory_space<vmem_shared>>
        tpu.enqueue_dma source(%arg18 : memref<256x32xf32, #tpu.memory_space<vmem>>) target(%dma_start3A_97 : memref<256x32xf32, #tpu.memory_space<vmem_shared>>) target_semaphore(%run_scoped3A : memref<!tpu.dma_semaphore, #tpu.memory_space<semaphore_mem>>)
        %dma_wait3A = arith.constant 0 : i32
        %dma_wait3A_98 = tpu.memref_slice %arg23[%add3A_63, %dma_wait3A] : memref<12672x32xf32, #tpu.memory_space<vmem_shared>> -> memref<256x32xf32, #tpu.memory_space<vmem_shared>>
        %dma_wait3A_99 = arith.constant 0 : i32
        %dma_wait3A_100 = tpu.memref_slice %arg23[%add3A_63, %dma_wait3A_99] : memref<12672x32xf32, #tpu.memory_space<vmem_shared>> -> memref<256x32xf32, #tpu.memory_space<vmem_shared>>
        tpu.wait_dma2 semaphore(%run_scoped3A : memref<!tpu.dma_semaphore, #tpu.memory_space<semaphore_mem>>) src(%arg18 : memref<256x32xf32, #tpu.memory_space<vmem>>) dst(%dma_wait3A_100 : memref<256x32xf32, #tpu.memory_space<vmem_shared>>)
        tpu.yield
      }) : () -> ()
      %add3A_64 = arith.constant 256 : i32
      %add3A_65 = arith.addi %mul3A_2, %add3A_64 : i32
      "tpu.region"() ({
        %run_scoped3A = tpu.sem_alloc : memref<!tpu.dma_semaphore, #tpu.memory_space<semaphore_mem>>
        %dma_start3A_94 = arith.constant 0 : i32
        %dma_start3A_95 = tpu.memref_slice %arg22[%add3A_65, %dma_start3A_94] : memref<12672x32xf32, #tpu.memory_space<vmem_shared>> -> memref<256x32xf32, #tpu.memory_space<vmem_shared>>
        %dma_start3A_96 = arith.constant 0 : i32
        %dma_start3A_97 = tpu.memref_slice %arg22[%add3A_65, %dma_start3A_96] : memref<12672x32xf32, #tpu.memory_space<vmem_shared>> -> memref<256x32xf32, #tpu.memory_space<vmem_shared>>
        tpu.enqueue_dma source(%arg18 : memref<256x32xf32, #tpu.memory_space<vmem>>) target(%dma_start3A_97 : memref<256x32xf32, #tpu.memory_space<vmem_shared>>) target_semaphore(%run_scoped3A : memref<!tpu.dma_semaphore, #tpu.memory_space<semaphore_mem>>)
        %dma_wait3A = arith.constant 0 : i32
        %dma_wait3A_98 = tpu.memref_slice %arg22[%add3A_65, %dma_wait3A] : memref<12672x32xf32, #tpu.memory_space<vmem_shared>> -> memref<256x32xf32, #tpu.memory_space<vmem_shared>>
        %dma_wait3A_99 = arith.constant 0 : i32
        %dma_wait3A_100 = tpu.memref_slice %arg22[%add3A_65, %dma_wait3A_99] : memref<12672x32xf32, #tpu.memory_space<vmem_shared>> -> memref<256x32xf32, #tpu.memory_space<vmem_shared>>
        tpu.wait_dma2 semaphore(%run_scoped3A : memref<!tpu.dma_semaphore, #tpu.memory_space<semaphore_mem>>) src(%arg18 : memref<256x32xf32, #tpu.memory_space<vmem>>) dst(%dma_wait3A_100 : memref<256x32xf32, #tpu.memory_space<vmem_shared>>)
        tpu.yield
      }) : () -> ()
      %add3A_66 = arith.constant 256 : i32
      %add3A_67 = arith.addi %mul3A_2, %add3A_66 : i32
      "tpu.region"() ({
        %run_scoped3A = tpu.sem_alloc : memref<!tpu.dma_semaphore, #tpu.memory_space<semaphore_mem>>
        %dma_start3A_94 = arith.constant 0 : i32
        %dma_start3A_95 = tpu.memref_slice %arg23[%add3A_67, %dma_start3A_94] : memref<12672x32xf32, #tpu.memory_space<vmem_shared>> -> memref<256x32xf32, #tpu.memory_space<vmem_shared>>
        %dma_start3A_96 = arith.constant 0 : i32
        %dma_start3A_97 = tpu.memref_slice %arg23[%add3A_67, %dma_start3A_96] : memref<12672x32xf32, #tpu.memory_space<vmem_shared>> -> memref<256x32xf32, #tpu.memory_space<vmem_shared>>
        tpu.enqueue_dma source(%arg18 : memref<256x32xf32, #tpu.memory_space<vmem>>) target(%dma_start3A_97 : memref<256x32xf32, #tpu.memory_space<vmem_shared>>) target_semaphore(%run_scoped3A : memref<!tpu.dma_semaphore, #tpu.memory_space<semaphore_mem>>)
        %dma_wait3A = arith.constant 0 : i32
        %dma_wait3A_98 = tpu.memref_slice %arg23[%add3A_67, %dma_wait3A] : memref<12672x32xf32, #tpu.memory_space<vmem_shared>> -> memref<256x32xf32, #tpu.memory_space<vmem_shared>>
        %dma_wait3A_99 = arith.constant 0 : i32
        %dma_wait3A_100 = tpu.memref_slice %arg23[%add3A_67, %dma_wait3A_99] : memref<12672x32xf32, #tpu.memory_space<vmem_shared>> -> memref<256x32xf32, #tpu.memory_space<vmem_shared>>
        tpu.wait_dma2 semaphore(%run_scoped3A : memref<!tpu.dma_semaphore, #tpu.memory_space<semaphore_mem>>) src(%arg18 : memref<256x32xf32, #tpu.memory_space<vmem>>) dst(%dma_wait3A_100 : memref<256x32xf32, #tpu.memory_space<vmem_shared>>)
        tpu.yield
      }) : () -> ()
      %add3A_68 = arith.constant 512 : i32
      %add3A_69 = arith.addi %mul3A_2, %add3A_68 : i32
      "tpu.region"() ({
        %run_scoped3A = tpu.sem_alloc : memref<!tpu.dma_semaphore, #tpu.memory_space<semaphore_mem>>
        %dma_start3A_94 = arith.constant 0 : i32
        %dma_start3A_95 = tpu.memref_slice %arg22[%add3A_69, %dma_start3A_94] : memref<12672x32xf32, #tpu.memory_space<vmem_shared>> -> memref<256x32xf32, #tpu.memory_space<vmem_shared>>
        %dma_start3A_96 = arith.constant 0 : i32
        %dma_start3A_97 = tpu.memref_slice %arg22[%add3A_69, %dma_start3A_96] : memref<12672x32xf32, #tpu.memory_space<vmem_shared>> -> memref<256x32xf32, #tpu.memory_space<vmem_shared>>
        tpu.enqueue_dma source(%arg18 : memref<256x32xf32, #tpu.memory_space<vmem>>) target(%dma_start3A_97 : memref<256x32xf32, #tpu.memory_space<vmem_shared>>) target_semaphore(%run_scoped3A : memref<!tpu.dma_semaphore, #tpu.memory_space<semaphore_mem>>)
        %dma_wait3A = arith.constant 0 : i32
        %dma_wait3A_98 = tpu.memref_slice %arg22[%add3A_69, %dma_wait3A] : memref<12672x32xf32, #tpu.memory_space<vmem_shared>> -> memref<256x32xf32, #tpu.memory_space<vmem_shared>>
        %dma_wait3A_99 = arith.constant 0 : i32
        %dma_wait3A_100 = tpu.memref_slice %arg22[%add3A_69, %dma_wait3A_99] : memref<12672x32xf32, #tpu.memory_space<vmem_shared>> -> memref<256x32xf32, #tpu.memory_space<vmem_shared>>
        tpu.wait_dma2 semaphore(%run_scoped3A : memref<!tpu.dma_semaphore, #tpu.memory_space<semaphore_mem>>) src(%arg18 : memref<256x32xf32, #tpu.memory_space<vmem>>) dst(%dma_wait3A_100 : memref<256x32xf32, #tpu.memory_space<vmem_shared>>)
        tpu.yield
      }) : () -> ()
      %add3A_70 = arith.constant 512 : i32
      %add3A_71 = arith.addi %mul3A_2, %add3A_70 : i32
      "tpu.region"() ({
        %run_scoped3A = tpu.sem_alloc : memref<!tpu.dma_semaphore, #tpu.memory_space<semaphore_mem>>
        %dma_start3A_94 = arith.constant 0 : i32
        %dma_start3A_95 = tpu.memref_slice %arg23[%add3A_71, %dma_start3A_94] : memref<12672x32xf32, #tpu.memory_space<vmem_shared>> -> memref<256x32xf32, #tpu.memory_space<vmem_shared>>
        %dma_start3A_96 = arith.constant 0 : i32
        %dma_start3A_97 = tpu.memref_slice %arg23[%add3A_71, %dma_start3A_96] : memref<12672x32xf32, #tpu.memory_space<vmem_shared>> -> memref<256x32xf32, #tpu.memory_space<vmem_shared>>
        tpu.enqueue_dma source(%arg18 : memref<256x32xf32, #tpu.memory_space<vmem>>) target(%dma_start3A_97 : memref<256x32xf32, #tpu.memory_space<vmem_shared>>) target_semaphore(%run_scoped3A : memref<!tpu.dma_semaphore, #tpu.memory_space<semaphore_mem>>)
        %dma_wait3A = arith.constant 0 : i32
        %dma_wait3A_98 = tpu.memref_slice %arg23[%add3A_71, %dma_wait3A] : memref<12672x32xf32, #tpu.memory_space<vmem_shared>> -> memref<256x32xf32, #tpu.memory_space<vmem_shared>>
        %dma_wait3A_99 = arith.constant 0 : i32
        %dma_wait3A_100 = tpu.memref_slice %arg23[%add3A_71, %dma_wait3A_99] : memref<12672x32xf32, #tpu.memory_space<vmem_shared>> -> memref<256x32xf32, #tpu.memory_space<vmem_shared>>
        tpu.wait_dma2 semaphore(%run_scoped3A : memref<!tpu.dma_semaphore, #tpu.memory_space<semaphore_mem>>) src(%arg18 : memref<256x32xf32, #tpu.memory_space<vmem>>) dst(%dma_wait3A_100 : memref<256x32xf32, #tpu.memory_space<vmem_shared>>)
        tpu.yield
      }) : () -> ()
      %add3A_72 = arith.constant 768 : i32
      %add3A_73 = arith.addi %mul3A_2, %add3A_72 : i32
      "tpu.region"() ({
        %run_scoped3A = tpu.sem_alloc : memref<!tpu.dma_semaphore, #tpu.memory_space<semaphore_mem>>
        %dma_start3A_94 = arith.constant 0 : i32
        %dma_start3A_95 = arith.constant 0 : i32
        %dma_start3A_96 = tpu.memref_slice %arg18[%dma_start3A_94, %dma_start3A_95] : memref<256x32xf32, #tpu.memory_space<vmem>> -> memref<24x32xf32, #tpu.memory_space<vmem>>
        %dma_start3A_97 = arith.constant 0 : i32
        %dma_start3A_98 = tpu.memref_slice %arg22[%add3A_73, %dma_start3A_97] : memref<12672x32xf32, #tpu.memory_space<vmem_shared>> -> memref<24x32xf32, #tpu.memory_space<vmem_shared>>
        %dma_start3A_99 = arith.constant 0 : i32
        %dma_start3A_100 = tpu.memref_slice %arg22[%add3A_73, %dma_start3A_99] : memref<12672x32xf32, #tpu.memory_space<vmem_shared>> -> memref<24x32xf32, #tpu.memory_space<vmem_shared>>
        %dma_start3A_101 = arith.constant 0 : i32
        %dma_start3A_102 = arith.constant 0 : i32
        %dma_start3A_103 = tpu.memref_slice %arg18[%dma_start3A_101, %dma_start3A_102] : memref<256x32xf32, #tpu.memory_space<vmem>> -> memref<24x32xf32, #tpu.memory_space<vmem>>
        tpu.enqueue_dma source(%dma_start3A_103 : memref<24x32xf32, #tpu.memory_space<vmem>>) target(%dma_start3A_100 : memref<24x32xf32, #tpu.memory_space<vmem_shared>>) target_semaphore(%run_scoped3A : memref<!tpu.dma_semaphore, #tpu.memory_space<semaphore_mem>>)
        %dma_wait3A = arith.constant 0 : i32
        %dma_wait3A_104 = arith.constant 0 : i32
        %dma_wait3A_105 = tpu.memref_slice %arg18[%dma_wait3A, %dma_wait3A_104] : memref<256x32xf32, #tpu.memory_space<vmem>> -> memref<24x32xf32, #tpu.memory_space<vmem>>
        %dma_wait3A_106 = arith.constant 0 : i32
        %dma_wait3A_107 = tpu.memref_slice %arg22[%add3A_73, %dma_wait3A_106] : memref<12672x32xf32, #tpu.memory_space<vmem_shared>> -> memref<24x32xf32, #tpu.memory_space<vmem_shared>>
        %dma_wait3A_108 = arith.constant 0 : i32
        %dma_wait3A_109 = tpu.memref_slice %arg22[%add3A_73, %dma_wait3A_108] : memref<12672x32xf32, #tpu.memory_space<vmem_shared>> -> memref<24x32xf32, #tpu.memory_space<vmem_shared>>
        %dma_wait3A_110 = arith.constant 0 : i32
        %dma_wait3A_111 = arith.constant 0 : i32
        %dma_wait3A_112 = tpu.memref_slice %arg18[%dma_wait3A_110, %dma_wait3A_111] : memref<256x32xf32, #tpu.memory_space<vmem>> -> memref<24x32xf32, #tpu.memory_space<vmem>>
        tpu.wait_dma2 semaphore(%run_scoped3A : memref<!tpu.dma_semaphore, #tpu.memory_space<semaphore_mem>>) src(%dma_wait3A_112 : memref<24x32xf32, #tpu.memory_space<vmem>>) dst(%dma_wait3A_109 : memref<24x32xf32, #tpu.memory_space<vmem_shared>>)
        tpu.yield
      }) : () -> ()
      %add3A_74 = arith.constant 768 : i32
      %add3A_75 = arith.addi %mul3A_2, %add3A_74 : i32
      "tpu.region"() ({
        %run_scoped3A = tpu.sem_alloc : memref<!tpu.dma_semaphore, #tpu.memory_space<semaphore_mem>>
        %dma_start3A_94 = arith.constant 0 : i32
        %dma_start3A_95 = arith.constant 0 : i32
        %dma_start3A_96 = tpu.memref_slice %arg18[%dma_start3A_94, %dma_start3A_95] : memref<256x32xf32, #tpu.memory_space<vmem>> -> memref<24x32xf32, #tpu.memory_space<vmem>>
        %dma_start3A_97 = arith.constant 0 : i32
        %dma_start3A_98 = tpu.memref_slice %arg23[%add3A_75, %dma_start3A_97] : memref<12672x32xf32, #tpu.memory_space<vmem_shared>> -> memref<24x32xf32, #tpu.memory_space<vmem_shared>>
        %dma_start3A_99 = arith.constant 0 : i32
        %dma_start3A_100 = tpu.memref_slice %arg23[%add3A_75, %dma_start3A_99] : memref<12672x32xf32, #tpu.memory_space<vmem_shared>> -> memref<24x32xf32, #tpu.memory_space<vmem_shared>>
        %dma_start3A_101 = arith.constant 0 : i32
        %dma_start3A_102 = arith.constant 0 : i32
        %dma_start3A_103 = tpu.memref_slice %arg18[%dma_start3A_101, %dma_start3A_102] : memref<256x32xf32, #tpu.memory_space<vmem>> -> memref<24x32xf32, #tpu.memory_space<vmem>>
        tpu.enqueue_dma source(%dma_start3A_103 : memref<24x32xf32, #tpu.memory_space<vmem>>) target(%dma_start3A_100 : memref<24x32xf32, #tpu.memory_space<vmem_shared>>) target_semaphore(%run_scoped3A : memref<!tpu.dma_semaphore, #tpu.memory_space<semaphore_mem>>)
        %dma_wait3A = arith.constant 0 : i32
        %dma_wait3A_104 = arith.constant 0 : i32
        %dma_wait3A_105 = tpu.memref_slice %arg18[%dma_wait3A, %dma_wait3A_104] : memref<256x32xf32, #tpu.memory_space<vmem>> -> memref<24x32xf32, #tpu.memory_space<vmem>>
        %dma_wait3A_106 = arith.constant 0 : i32
        %dma_wait3A_107 = tpu.memref_slice %arg23[%add3A_75, %dma_wait3A_106] : memref<12672x32xf32, #tpu.memory_space<vmem_shared>> -> memref<24x32xf32, #tpu.memory_space<vmem_shared>>
        %dma_wait3A_108 = arith.constant 0 : i32
        %dma_wait3A_109 = tpu.memref_slice %arg23[%add3A_75, %dma_wait3A_108] : memref<12672x32xf32, #tpu.memory_space<vmem_shared>> -> memref<24x32xf32, #tpu.memory_space<vmem_shared>>
        %dma_wait3A_110 = arith.constant 0 : i32
        %dma_wait3A_111 = arith.constant 0 : i32
        %dma_wait3A_112 = tpu.memref_slice %arg18[%dma_wait3A_110, %dma_wait3A_111] : memref<256x32xf32, #tpu.memory_space<vmem>> -> memref<24x32xf32, #tpu.memory_space<vmem>>
        tpu.wait_dma2 semaphore(%run_scoped3A : memref<!tpu.dma_semaphore, #tpu.memory_space<semaphore_mem>>) src(%dma_wait3A_112 : memref<24x32xf32, #tpu.memory_space<vmem>>) dst(%dma_wait3A_109 : memref<24x32xf32, #tpu.memory_space<vmem_shared>>)
        tpu.yield
      }) : () -> ()
      %dma_start3A = arith.constant 0 : i32
      %dma_start3A_76 = tpu.memref_slice %arg10[%dma_start3A] : memref<8192xi32, #tpu.memory_space<vmem>> -> memref<4096xi32, #tpu.memory_space<vmem>>
      %dma_start3A_77 = arith.constant 0 : i32
      %dma_start3A_78 = tpu.memref_slice %arg4[%dma_start3A_77] : memref<1605632xi32, #tpu.memory_space<hbm>> -> memref<4096xi32, #tpu.memory_space<hbm>>
      %dma_start3A_79 = arith.constant 0 : i32
      %dma_start3A_80 = tpu.memref_slice %arg10[%dma_start3A_79] : memref<8192xi32, #tpu.memory_space<vmem>> -> memref<4096xi32, #tpu.memory_space<vmem>>
      %dma_start3A_81 = arith.constant 0 : i32
      %dma_start3A_82 = tpu.memref_slice %arg4[%dma_start3A_81] : memref<1605632xi32, #tpu.memory_space<hbm>> -> memref<4096xi32, #tpu.memory_space<hbm>>
      tpu.enqueue_dma source(%dma_start3A_82 : memref<4096xi32, #tpu.memory_space<hbm>>) target(%dma_start3A_80 : memref<4096xi32, #tpu.memory_space<vmem>>) target_semaphore(%arg11 : memref<!tpu.dma_semaphore, #tpu.memory_space<semaphore_mem>>)
      %scan3A_83 = arith.constant 0 : i32
      %scan3A_84 = arith.constant 0 : i32
      %scan3A_85 = arith.constant 392 : i32
      %scan3A_86 = arith.addi %scan3A_84, %scan3A_85 : i32
      %scan3A_87 = arith.constant 1 : i32
      %scan3A_88 = scf.for %scan3A_94 = %scan3A_84 to %scan3A_86 step %scan3A_87 iter_args(%scan3A_95 = %scan3A_83) -> (i32)  : i32 {
        %and3A = arith.constant 1 : i32
        %and3A_96 = arith.andi %scan3A_94, %and3A : i32
        %mul3A_97 = arith.constant 4096 : i32
        %mul3A_98 = arith.muli %and3A_96, %mul3A_97 : i32
        %multiple_of3A_99 = tpu.assume_multiple %mul3A_98, 4096 : i32
        %mul3A_100 = arith.constant 4096 : i32
        %mul3A_101 = arith.muli %scan3A_94, %mul3A_100 : i32
        %multiple_of3A_102 = tpu.assume_multiple %mul3A_101, 4096 : i32
        %dma_wait3A = tpu.memref_slice %arg10[%multiple_of3A_99] : memref<8192xi32, #tpu.memory_space<vmem>> -> memref<4096xi32, #tpu.memory_space<vmem>>
        %dma_wait3A_103 = tpu.memref_slice %arg4[%multiple_of3A_102] : memref<1605632xi32, #tpu.memory_space<hbm>> -> memref<4096xi32, #tpu.memory_space<hbm>>
        %dma_wait3A_104 = tpu.memref_slice %arg10[%multiple_of3A_99] : memref<8192xi32, #tpu.memory_space<vmem>> -> memref<4096xi32, #tpu.memory_space<vmem>>
        %dma_wait3A_105 = tpu.memref_slice %arg4[%multiple_of3A_102] : memref<1605632xi32, #tpu.memory_space<hbm>> -> memref<4096xi32, #tpu.memory_space<hbm>>
        tpu.wait_dma2 semaphore(%arg11 : memref<!tpu.dma_semaphore, #tpu.memory_space<semaphore_mem>>) src(%dma_wait3A_105 : memref<4096xi32, #tpu.memory_space<hbm>>) dst(%dma_wait3A_104 : memref<4096xi32, #tpu.memory_space<vmem>>)
        %add3A_106 = arith.constant 1 : i32
        %add3A_107 = arith.addi %scan3A_94, %add3A_106 : i32
        %lt3A = arith.constant 392 : i32
        %lt3A_108 = arith.cmpi slt, %add3A_107, %lt3A : i32
        %convert_element_type3A_109 = arith.extui %lt3A_108 : i1 to i32
        %cond3A_110 = arith.constant 0 : i32
        %cond3A_111 = arith.cmpi ne, %convert_element_type3A_109, %cond3A_110 : i32
        scf.if %cond3A_111 {
          %add3A_160 = arith.constant 1 : i32
          %add3A_161 = arith.addi %scan3A_94, %add3A_160 : i32
          %mul3A_162 = arith.constant 4096 : i32
          %mul3A_163 = arith.muli %add3A_161, %mul3A_162 : i32
          %multiple_of3A_164 = tpu.assume_multiple %mul3A_163, 4096 : i32
          %add3A_165 = arith.constant 1 : i32
          %add3A_166 = arith.addi %scan3A_94, %add3A_165 : i32
          %and3A_167 = arith.constant 1 : i32
          %and3A_168 = arith.andi %add3A_166, %and3A_167 : i32
          %mul3A_169 = arith.constant 4096 : i32
          %mul3A_170 = arith.muli %and3A_168, %mul3A_169 : i32
          %multiple_of3A_171 = tpu.assume_multiple %mul3A_170, 4096 : i32
          %dma_start3A_172 = tpu.memref_slice %arg10[%multiple_of3A_171] : memref<8192xi32, #tpu.memory_space<vmem>> -> memref<4096xi32, #tpu.memory_space<vmem>>
          %dma_start3A_173 = tpu.memref_slice %arg4[%multiple_of3A_164] : memref<1605632xi32, #tpu.memory_space<hbm>> -> memref<4096xi32, #tpu.memory_space<hbm>>
          %dma_start3A_174 = tpu.memref_slice %arg10[%multiple_of3A_171] : memref<8192xi32, #tpu.memory_space<vmem>> -> memref<4096xi32, #tpu.memory_space<vmem>>
          %dma_start3A_175 = tpu.memref_slice %arg4[%multiple_of3A_164] : memref<1605632xi32, #tpu.memory_space<hbm>> -> memref<4096xi32, #tpu.memory_space<hbm>>
          tpu.enqueue_dma source(%dma_start3A_175 : memref<4096xi32, #tpu.memory_space<hbm>>) target(%dma_start3A_174 : memref<4096xi32, #tpu.memory_space<vmem>>) target_semaphore(%arg11 : memref<!tpu.dma_semaphore, #tpu.memory_space<semaphore_mem>>)
        } else {
        }
        %parallel_loop3A = arith.constant 0 : i32
        %parallel_loop3A_112 = arith.constant 16 : i32
        %parallel_loop3A_113 = arith.constant 1 : i32
        scf.for %parallel_loop3A_160 = %parallel_loop3A to %parallel_loop3A_112 step %parallel_loop3A_113  : i32 {
          %parallel_loop3A_161 = arith.constant 256 : i32
          %parallel_loop3A_162 = arith.muli %parallel_loop3A_160, %parallel_loop3A_161 : i32
          %parallel_loop3A_163 = arith.addi %multiple_of3A_99, %parallel_loop3A_162 : i32
          %parallel_loop3A_164 = tpu.assume_multiple %parallel_loop3A_163, 256 : i32
          %parallel_loop3A_165 = arith.constant 0 : i32
          %parallel_loop3A_166 = arith.addi %parallel_loop3A_164, %parallel_loop3A_165 : i32
          %parallel_loop3A_167 = arith.index_cast %parallel_loop3A_166 : i32 to index
          %parallel_loop3A_168 = tpu.vector_load %arg10[%parallel_loop3A_167] {strides = array<i32>} : memref<8192xi32, #tpu.memory_space<vmem>>, vector<16xi32>,
          %parallel_loop3A_169 = vector.broadcast %multiple_of3A : i32 to vector<16xi32>
          %parallel_loop3A_170 = arith.subi %parallel_loop3A_168, %parallel_loop3A_169 : vector<16xi32>
          %parallel_loop3A_171 = arith.constant 0 : i32
          %parallel_loop3A_172 = vector.broadcast %parallel_loop3A_171 : i32 to vector<16xi32>
          %parallel_loop3A_173 = arith.cmpi sge, %parallel_loop3A_170, %parallel_loop3A_172 : vector<16xi32>
          %parallel_loop3A_174 = arith.constant 784 : i32
          %parallel_loop3A_175 = vector.broadcast %parallel_loop3A_174 : i32 to vector<16xi32>
          %parallel_loop3A_176 = arith.cmpi slt, %parallel_loop3A_170, %parallel_loop3A_175 : vector<16xi32>
          %parallel_loop3A_177 = arith.andi %parallel_loop3A_173, %parallel_loop3A_176 : vector<16xi1>
          %parallel_loop3A_178 = tpu.all_reduce %parallel_loop3A_177 {dim = 0 : i64, kind = #tpu.reduction_kind<sum>} : vector<16xi1> -> vector<16xi32>
          %parallel_loop3A_179 = arith.constant 0 : i32
          %parallel_loop3A_180 = vector.broadcast %parallel_loop3A_179 : i32 to vector<16xi32>
          %parallel_loop3A_181 = arith.cmpi eq, %iota3A, %parallel_loop3A_180 : vector<16xi32>
          %parallel_loop3A_182 = arith.select %parallel_loop3A_181, %parallel_loop3A_178, %broadcast_in_dim3A_12 : vector<16xi1>, vector<16xi32>
          %parallel_loop3A_183 = arith.constant 16 : i32
          %parallel_loop3A_184 = arith.addi %parallel_loop3A_164, %parallel_loop3A_183 : i32
          %parallel_loop3A_185 = arith.index_cast %parallel_loop3A_184 : i32 to index
          %parallel_loop3A_186 = tpu.vector_load %arg10[%parallel_loop3A_185] {strides = array<i32>} : memref<8192xi32, #tpu.memory_space<vmem>>, vector<16xi32>,
          %parallel_loop3A_187 = vector.broadcast %multiple_of3A : i32 to vector<16xi32>
          %parallel_loop3A_188 = arith.subi %parallel_loop3A_186, %parallel_loop3A_187 : vector<16xi32>
          %parallel_loop3A_189 = arith.constant 0 : i32
          %parallel_loop3A_190 = vector.broadcast %parallel_loop3A_189 : i32 to vector<16xi32>
          %parallel_loop3A_191 = arith.cmpi sge, %parallel_loop3A_188, %parallel_loop3A_190 : vector<16xi32>
          %parallel_loop3A_192 = arith.constant 784 : i32
          %parallel_loop3A_193 = vector.broadcast %parallel_loop3A_192 : i32 to vector<16xi32>
          %parallel_loop3A_194 = arith.cmpi slt, %parallel_loop3A_188, %parallel_loop3A_193 : vector<16xi32>
          %parallel_loop3A_195 = arith.andi %parallel_loop3A_191, %parallel_loop3A_194 : vector<16xi1>
          %parallel_loop3A_196 = tpu.all_reduce %parallel_loop3A_195 {dim = 0 : i64, kind = #tpu.reduction_kind<sum>} : vector<16xi1> -> vector<16xi32>
          %parallel_loop3A_197 = arith.constant 1 : i32
          %parallel_loop3A_198 = vector.broadcast %parallel_loop3A_197 : i32 to vector<16xi32>
          %parallel_loop3A_199 = arith.cmpi eq, %iota3A, %parallel_loop3A_198 : vector<16xi32>
          %parallel_loop3A_200 = arith.select %parallel_loop3A_199, %parallel_loop3A_196, %parallel_loop3A_182 : vector<16xi1>, vector<16xi32>
          %parallel_loop3A_201 = arith.constant 32 : i32
          %parallel_loop3A_202 = arith.addi %parallel_loop3A_164, %parallel_loop3A_201 : i32
          %parallel_loop3A_203 = arith.index_cast %parallel_loop3A_202 : i32 to index
          %parallel_loop3A_204 = tpu.vector_load %arg10[%parallel_loop3A_203] {strides = array<i32>} : memref<8192xi32, #tpu.memory_space<vmem>>, vector<16xi32>,
          %parallel_loop3A_205 = vector.broadcast %multiple_of3A : i32 to vector<16xi32>
          %parallel_loop3A_206 = arith.subi %parallel_loop3A_204, %parallel_loop3A_205 : vector<16xi32>
          %parallel_loop3A_207 = arith.constant 0 : i32
          %parallel_loop3A_208 = vector.broadcast %parallel_loop3A_207 : i32 to vector<16xi32>
          %parallel_loop3A_209 = arith.cmpi sge, %parallel_loop3A_206, %parallel_loop3A_208 : vector<16xi32>
          %parallel_loop3A_210 = arith.constant 784 : i32
          %parallel_loop3A_211 = vector.broadcast %parallel_loop3A_210 : i32 to vector<16xi32>
          %parallel_loop3A_212 = arith.cmpi slt, %parallel_loop3A_206, %parallel_loop3A_211 : vector<16xi32>
          %parallel_loop3A_213 = arith.andi %parallel_loop3A_209, %parallel_loop3A_212 : vector<16xi1>
          %parallel_loop3A_214 = tpu.all_reduce %parallel_loop3A_213 {dim = 0 : i64, kind = #tpu.reduction_kind<sum>} : vector<16xi1> -> vector<16xi32>
          %parallel_loop3A_215 = arith.constant 2 : i32
          %parallel_loop3A_216 = vector.broadcast %parallel_loop3A_215 : i32 to vector<16xi32>
          %parallel_loop3A_217 = arith.cmpi eq, %iota3A, %parallel_loop3A_216 : vector<16xi32>
          %parallel_loop3A_218 = arith.select %parallel_loop3A_217, %parallel_loop3A_214, %parallel_loop3A_200 : vector<16xi1>, vector<16xi32>
          %parallel_loop3A_219 = arith.constant 48 : i32
          %parallel_loop3A_220 = arith.addi %parallel_loop3A_164, %parallel_loop3A_219 : i32
          %parallel_loop3A_221 = arith.index_cast %parallel_loop3A_220 : i32 to index
          %parallel_loop3A_222 = tpu.vector_load %arg10[%parallel_loop3A_221] {strides = array<i32>} : memref<8192xi32, #tpu.memory_space<vmem>>, vector<16xi32>,
          %parallel_loop3A_223 = vector.broadcast %multiple_of3A : i32 to vector<16xi32>
          %parallel_loop3A_224 = arith.subi %parallel_loop3A_222, %parallel_loop3A_223 : vector<16xi32>
          %parallel_loop3A_225 = arith.constant 0 : i32
          %parallel_loop3A_226 = vector.broadcast %parallel_loop3A_225 : i32 to vector<16xi32>
          %parallel_loop3A_227 = arith.cmpi sge, %parallel_loop3A_224, %parallel_loop3A_226 : vector<16xi32>
          %parallel_loop3A_228 = arith.constant 784 : i32
          %parallel_loop3A_229 = vector.broadcast %parallel_loop3A_228 : i32 to vector<16xi32>
          %parallel_loop3A_230 = arith.cmpi slt, %parallel_loop3A_224, %parallel_loop3A_229 : vector<16xi32>
          %parallel_loop3A_231 = arith.andi %parallel_loop3A_227, %parallel_loop3A_230 : vector<16xi1>
          %parallel_loop3A_232 = tpu.all_reduce %parallel_loop3A_231 {dim = 0 : i64, kind = #tpu.reduction_kind<sum>} : vector<16xi1> -> vector<16xi32>
          %parallel_loop3A_233 = arith.constant 3 : i32
          %parallel_loop3A_234 = vector.broadcast %parallel_loop3A_233 : i32 to vector<16xi32>
          %parallel_loop3A_235 = arith.cmpi eq, %iota3A, %parallel_loop3A_234 : vector<16xi32>
          %parallel_loop3A_236 = arith.select %parallel_loop3A_235, %parallel_loop3A_232, %parallel_loop3A_218 : vector<16xi1>, vector<16xi32>
          %parallel_loop3A_237 = arith.constant 64 : i32
          %parallel_loop3A_238 = arith.addi %parallel_loop3A_164, %parallel_loop3A_237 : i32
          %parallel_loop3A_239 = arith.index_cast %parallel_loop3A_238 : i32 to index
          %parallel_loop3A_240 = tpu.vector_load %arg10[%parallel_loop3A_239] {strides = array<i32>} : memref<8192xi32, #tpu.memory_space<vmem>>, vector<16xi32>,
          %parallel_loop3A_241 = vector.broadcast %multiple_of3A : i32 to vector<16xi32>
          %parallel_loop3A_242 = arith.subi %parallel_loop3A_240, %parallel_loop3A_241 : vector<16xi32>
          %parallel_loop3A_243 = arith.constant 0 : i32
          %parallel_loop3A_244 = vector.broadcast %parallel_loop3A_243 : i32 to vector<16xi32>
          %parallel_loop3A_245 = arith.cmpi sge, %parallel_loop3A_242, %parallel_loop3A_244 : vector<16xi32>
          %parallel_loop3A_246 = arith.constant 784 : i32
          %parallel_loop3A_247 = vector.broadcast %parallel_loop3A_246 : i32 to vector<16xi32>
          %parallel_loop3A_248 = arith.cmpi slt, %parallel_loop3A_242, %parallel_loop3A_247 : vector<16xi32>
          %parallel_loop3A_249 = arith.andi %parallel_loop3A_245, %parallel_loop3A_248 : vector<16xi1>
          %parallel_loop3A_250 = tpu.all_reduce %parallel_loop3A_249 {dim = 0 : i64, kind = #tpu.reduction_kind<sum>} : vector<16xi1> -> vector<16xi32>
          %parallel_loop3A_251 = arith.constant 4 : i32
          %parallel_loop3A_252 = vector.broadcast %parallel_loop3A_251 : i32 to vector<16xi32>
          %parallel_loop3A_253 = arith.cmpi eq, %iota3A, %parallel_loop3A_252 : vector<16xi32>
          %parallel_loop3A_254 = arith.select %parallel_loop3A_253, %parallel_loop3A_250, %parallel_loop3A_236 : vector<16xi1>, vector<16xi32>
          %parallel_loop3A_255 = arith.constant 80 : i32
          %parallel_loop3A_256 = arith.addi %parallel_loop3A_164, %parallel_loop3A_255 : i32
          %parallel_loop3A_257 = arith.index_cast %parallel_loop3A_256 : i32 to index
          %parallel_loop3A_258 = tpu.vector_load %arg10[%parallel_loop3A_257] {strides = array<i32>} : memref<8192xi32, #tpu.memory_space<vmem>>, vector<16xi32>,
          %parallel_loop3A_259 = vector.broadcast %multiple_of3A : i32 to vector<16xi32>
          %parallel_loop3A_260 = arith.subi %parallel_loop3A_258, %parallel_loop3A_259 : vector<16xi32>
          %parallel_loop3A_261 = arith.constant 0 : i32
          %parallel_loop3A_262 = vector.broadcast %parallel_loop3A_261 : i32 to vector<16xi32>
          %parallel_loop3A_263 = arith.cmpi sge, %parallel_loop3A_260, %parallel_loop3A_262 : vector<16xi32>
          %parallel_loop3A_264 = arith.constant 784 : i32
          %parallel_loop3A_265 = vector.broadcast %parallel_loop3A_264 : i32 to vector<16xi32>
          %parallel_loop3A_266 = arith.cmpi slt, %parallel_loop3A_260, %parallel_loop3A_265 : vector<16xi32>
          %parallel_loop3A_267 = arith.andi %parallel_loop3A_263, %parallel_loop3A_266 : vector<16xi1>
          %parallel_loop3A_268 = tpu.all_reduce %parallel_loop3A_267 {dim = 0 : i64, kind = #tpu.reduction_kind<sum>} : vector<16xi1> -> vector<16xi32>
          %parallel_loop3A_269 = arith.constant 5 : i32
          %parallel_loop3A_270 = vector.broadcast %parallel_loop3A_269 : i32 to vector<16xi32>
          %parallel_loop3A_271 = arith.cmpi eq, %iota3A, %parallel_loop3A_270 : vector<16xi32>
          %parallel_loop3A_272 = arith.select %parallel_loop3A_271, %parallel_loop3A_268, %parallel_loop3A_254 : vector<16xi1>, vector<16xi32>
          %parallel_loop3A_273 = arith.constant 96 : i32
          %parallel_loop3A_274 = arith.addi %parallel_loop3A_164, %parallel_loop3A_273 : i32
          %parallel_loop3A_275 = arith.index_cast %parallel_loop3A_274 : i32 to index
          %parallel_loop3A_276 = tpu.vector_load %arg10[%parallel_loop3A_275] {strides = array<i32>} : memref<8192xi32, #tpu.memory_space<vmem>>, vector<16xi32>,
          %parallel_loop3A_277 = vector.broadcast %multiple_of3A : i32 to vector<16xi32>
          %parallel_loop3A_278 = arith.subi %parallel_loop3A_276, %parallel_loop3A_277 : vector<16xi32>
          %parallel_loop3A_279 = arith.constant 0 : i32
          %parallel_loop3A_280 = vector.broadcast %parallel_loop3A_279 : i32 to vector<16xi32>
          %parallel_loop3A_281 = arith.cmpi sge, %parallel_loop3A_278, %parallel_loop3A_280 : vector<16xi32>
          %parallel_loop3A_282 = arith.constant 784 : i32
          %parallel_loop3A_283 = vector.broadcast %parallel_loop3A_282 : i32 to vector<16xi32>
          %parallel_loop3A_284 = arith.cmpi slt, %parallel_loop3A_278, %parallel_loop3A_283 : vector<16xi32>
          %parallel_loop3A_285 = arith.andi %parallel_loop3A_281, %parallel_loop3A_284 : vector<16xi1>
          %parallel_loop3A_286 = tpu.all_reduce %parallel_loop3A_285 {dim = 0 : i64, kind = #tpu.reduction_kind<sum>} : vector<16xi1> -> vector<16xi32>
          %parallel_loop3A_287 = arith.constant 6 : i32
          %parallel_loop3A_288 = vector.broadcast %parallel_loop3A_287 : i32 to vector<16xi32>
          %parallel_loop3A_289 = arith.cmpi eq, %iota3A, %parallel_loop3A_288 : vector<16xi32>
          %parallel_loop3A_290 = arith.select %parallel_loop3A_289, %parallel_loop3A_286, %parallel_loop3A_272 : vector<16xi1>, vector<16xi32>
          %parallel_loop3A_291 = arith.constant 112 : i32
          %parallel_loop3A_292 = arith.addi %parallel_loop3A_164, %parallel_loop3A_291 : i32
          %parallel_loop3A_293 = arith.index_cast %parallel_loop3A_292 : i32 to index
          %parallel_loop3A_294 = tpu.vector_load %arg10[%parallel_loop3A_293] {strides = array<i32>} : memref<8192xi32, #tpu.memory_space<vmem>>, vector<16xi32>,
          %parallel_loop3A_295 = vector.broadcast %multiple_of3A : i32 to vector<16xi32>
          %parallel_loop3A_296 = arith.subi %parallel_loop3A_294, %parallel_loop3A_295 : vector<16xi32>
          %parallel_loop3A_297 = arith.constant 0 : i32
          %parallel_loop3A_298 = vector.broadcast %parallel_loop3A_297 : i32 to vector<16xi32>
          %parallel_loop3A_299 = arith.cmpi sge, %parallel_loop3A_296, %parallel_loop3A_298 : vector<16xi32>
          %parallel_loop3A_300 = arith.constant 784 : i32
          %parallel_loop3A_301 = vector.broadcast %parallel_loop3A_300 : i32 to vector<16xi32>
          %parallel_loop3A_302 = arith.cmpi slt, %parallel_loop3A_296, %parallel_loop3A_301 : vector<16xi32>
          %parallel_loop3A_303 = arith.andi %parallel_loop3A_299, %parallel_loop3A_302 : vector<16xi1>
          %parallel_loop3A_304 = tpu.all_reduce %parallel_loop3A_303 {dim = 0 : i64, kind = #tpu.reduction_kind<sum>} : vector<16xi1> -> vector<16xi32>
          %parallel_loop3A_305 = arith.constant 7 : i32
          %parallel_loop3A_306 = vector.broadcast %parallel_loop3A_305 : i32 to vector<16xi32>
          %parallel_loop3A_307 = arith.cmpi eq, %iota3A, %parallel_loop3A_306 : vector<16xi32>
          %parallel_loop3A_308 = arith.select %parallel_loop3A_307, %parallel_loop3A_304, %parallel_loop3A_290 : vector<16xi1>, vector<16xi32>
          %parallel_loop3A_309 = arith.constant 128 : i32
          %parallel_loop3A_310 = arith.addi %parallel_loop3A_164, %parallel_loop3A_309 : i32
          %parallel_loop3A_311 = arith.index_cast %parallel_loop3A_310 : i32 to index
          %parallel_loop3A_312 = tpu.vector_load %arg10[%parallel_loop3A_311] {strides = array<i32>} : memref<8192xi32, #tpu.memory_space<vmem>>, vector<16xi32>,
          %parallel_loop3A_313 = vector.broadcast %multiple_of3A : i32 to vector<16xi32>
          %parallel_loop3A_314 = arith.subi %parallel_loop3A_312, %parallel_loop3A_313 : vector<16xi32>
          %parallel_loop3A_315 = arith.constant 0 : i32
          %parallel_loop3A_316 = vector.broadcast %parallel_loop3A_315 : i32 to vector<16xi32>
          %parallel_loop3A_317 = arith.cmpi sge, %parallel_loop3A_314, %parallel_loop3A_316 : vector<16xi32>
          %parallel_loop3A_318 = arith.constant 784 : i32
          %parallel_loop3A_319 = vector.broadcast %parallel_loop3A_318 : i32 to vector<16xi32>
          %parallel_loop3A_320 = arith.cmpi slt, %parallel_loop3A_314, %parallel_loop3A_319 : vector<16xi32>
          %parallel_loop3A_321 = arith.andi %parallel_loop3A_317, %parallel_loop3A_320 : vector<16xi1>
          %parallel_loop3A_322 = tpu.all_reduce %parallel_loop3A_321 {dim = 0 : i64, kind = #tpu.reduction_kind<sum>} : vector<16xi1> -> vector<16xi32>
          %parallel_loop3A_323 = arith.constant 8 : i32
          %parallel_loop3A_324 = vector.broadcast %parallel_loop3A_323 : i32 to vector<16xi32>
          %parallel_loop3A_325 = arith.cmpi eq, %iota3A, %parallel_loop3A_324 : vector<16xi32>
          %parallel_loop3A_326 = arith.select %parallel_loop3A_325, %parallel_loop3A_322, %parallel_loop3A_308 : vector<16xi1>, vector<16xi32>
          %parallel_loop3A_327 = arith.constant 144 : i32
          %parallel_loop3A_328 = arith.addi %parallel_loop3A_164, %parallel_loop3A_327 : i32
          %parallel_loop3A_329 = arith.index_cast %parallel_loop3A_328 : i32 to index
          %parallel_loop3A_330 = tpu.vector_load %arg10[%parallel_loop3A_329] {strides = array<i32>} : memref<8192xi32, #tpu.memory_space<vmem>>, vector<16xi32>,
          %parallel_loop3A_331 = vector.broadcast %multiple_of3A : i32 to vector<16xi32>
          %parallel_loop3A_332 = arith.subi %parallel_loop3A_330, %parallel_loop3A_331 : vector<16xi32>
          %parallel_loop3A_333 = arith.constant 0 : i32
          %parallel_loop3A_334 = vector.broadcast %parallel_loop3A_333 : i32 to vector<16xi32>
          %parallel_loop3A_335 = arith.cmpi sge, %parallel_loop3A_332, %parallel_loop3A_334 : vector<16xi32>
          %parallel_loop3A_336 = arith.constant 784 : i32
          %parallel_loop3A_337 = vector.broadcast %parallel_loop3A_336 : i32 to vector<16xi32>
          %parallel_loop3A_338 = arith.cmpi slt, %parallel_loop3A_332, %parallel_loop3A_337 : vector<16xi32>
          %parallel_loop3A_339 = arith.andi %parallel_loop3A_335, %parallel_loop3A_338 : vector<16xi1>
          %parallel_loop3A_340 = tpu.all_reduce %parallel_loop3A_339 {dim = 0 : i64, kind = #tpu.reduction_kind<sum>} : vector<16xi1> -> vector<16xi32>
          %parallel_loop3A_341 = arith.constant 9 : i32
          %parallel_loop3A_342 = vector.broadcast %parallel_loop3A_341 : i32 to vector<16xi32>
          %parallel_loop3A_343 = arith.cmpi eq, %iota3A, %parallel_loop3A_342 : vector<16xi32>
          %parallel_loop3A_344 = arith.select %parallel_loop3A_343, %parallel_loop3A_340, %parallel_loop3A_326 : vector<16xi1>, vector<16xi32>
          %parallel_loop3A_345 = arith.constant 160 : i32
          %parallel_loop3A_346 = arith.addi %parallel_loop3A_164, %parallel_loop3A_345 : i32
          %parallel_loop3A_347 = arith.index_cast %parallel_loop3A_346 : i32 to index
          %parallel_loop3A_348 = tpu.vector_load %arg10[%parallel_loop3A_347] {strides = array<i32>} : memref<8192xi32, #tpu.memory_space<vmem>>, vector<16xi32>,
          %parallel_loop3A_349 = vector.broadcast %multiple_of3A : i32 to vector<16xi32>
          %parallel_loop3A_350 = arith.subi %parallel_loop3A_348, %parallel_loop3A_349 : vector<16xi32>
          %parallel_loop3A_351 = arith.constant 0 : i32
          %parallel_loop3A_352 = vector.broadcast %parallel_loop3A_351 : i32 to vector<16xi32>
          %parallel_loop3A_353 = arith.cmpi sge, %parallel_loop3A_350, %parallel_loop3A_352 : vector<16xi32>
          %parallel_loop3A_354 = arith.constant 784 : i32
          %parallel_loop3A_355 = vector.broadcast %parallel_loop3A_354 : i32 to vector<16xi32>
          %parallel_loop3A_356 = arith.cmpi slt, %parallel_loop3A_350, %parallel_loop3A_355 : vector<16xi32>
          %parallel_loop3A_357 = arith.andi %parallel_loop3A_353, %parallel_loop3A_356 : vector<16xi1>
          %parallel_loop3A_358 = tpu.all_reduce %parallel_loop3A_357 {dim = 0 : i64, kind = #tpu.reduction_kind<sum>} : vector<16xi1> -> vector<16xi32>
          %parallel_loop3A_359 = arith.constant 10 : i32
          %parallel_loop3A_360 = vector.broadcast %parallel_loop3A_359 : i32 to vector<16xi32>
          %parallel_loop3A_361 = arith.cmpi eq, %iota3A, %parallel_loop3A_360 : vector<16xi32>
          %parallel_loop3A_362 = arith.select %parallel_loop3A_361, %parallel_loop3A_358, %parallel_loop3A_344 : vector<16xi1>, vector<16xi32>
          %parallel_loop3A_363 = arith.constant 176 : i32
          %parallel_loop3A_364 = arith.addi %parallel_loop3A_164, %parallel_loop3A_363 : i32
          %parallel_loop3A_365 = arith.index_cast %parallel_loop3A_364 : i32 to index
          %parallel_loop3A_366 = tpu.vector_load %arg10[%parallel_loop3A_365] {strides = array<i32>} : memref<8192xi32, #tpu.memory_space<vmem>>, vector<16xi32>,
          %parallel_loop3A_367 = vector.broadcast %multiple_of3A : i32 to vector<16xi32>
          %parallel_loop3A_368 = arith.subi %parallel_loop3A_366, %parallel_loop3A_367 : vector<16xi32>
          %parallel_loop3A_369 = arith.constant 0 : i32
          %parallel_loop3A_370 = vector.broadcast %parallel_loop3A_369 : i32 to vector<16xi32>
          %parallel_loop3A_371 = arith.cmpi sge, %parallel_loop3A_368, %parallel_loop3A_370 : vector<16xi32>
          %parallel_loop3A_372 = arith.constant 784 : i32
          %parallel_loop3A_373 = vector.broadcast %parallel_loop3A_372 : i32 to vector<16xi32>
          %parallel_loop3A_374 = arith.cmpi slt, %parallel_loop3A_368, %parallel_loop3A_373 : vector<16xi32>
          %parallel_loop3A_375 = arith.andi %parallel_loop3A_371, %parallel_loop3A_374 : vector<16xi1>
          %parallel_loop3A_376 = tpu.all_reduce %parallel_loop3A_375 {dim = 0 : i64, kind = #tpu.reduction_kind<sum>} : vector<16xi1> -> vector<16xi32>
          %parallel_loop3A_377 = arith.constant 11 : i32
          %parallel_loop3A_378 = vector.broadcast %parallel_loop3A_377 : i32 to vector<16xi32>
          %parallel_loop3A_379 = arith.cmpi eq, %iota3A, %parallel_loop3A_378 : vector<16xi32>
          %parallel_loop3A_380 = arith.select %parallel_loop3A_379, %parallel_loop3A_376, %parallel_loop3A_362 : vector<16xi1>, vector<16xi32>
          %parallel_loop3A_381 = arith.constant 192 : i32
          %parallel_loop3A_382 = arith.addi %parallel_loop3A_164, %parallel_loop3A_381 : i32
          %parallel_loop3A_383 = arith.index_cast %parallel_loop3A_382 : i32 to index
          %parallel_loop3A_384 = tpu.vector_load %arg10[%parallel_loop3A_383] {strides = array<i32>} : memref<8192xi32, #tpu.memory_space<vmem>>, vector<16xi32>,
          %parallel_loop3A_385 = vector.broadcast %multiple_of3A : i32 to vector<16xi32>
          %parallel_loop3A_386 = arith.subi %parallel_loop3A_384, %parallel_loop3A_385 : vector<16xi32>
          %parallel_loop3A_387 = arith.constant 0 : i32
          %parallel_loop3A_388 = vector.broadcast %parallel_loop3A_387 : i32 to vector<16xi32>
          %parallel_loop3A_389 = arith.cmpi sge, %parallel_loop3A_386, %parallel_loop3A_388 : vector<16xi32>
          %parallel_loop3A_390 = arith.constant 784 : i32
          %parallel_loop3A_391 = vector.broadcast %parallel_loop3A_390 : i32 to vector<16xi32>
          %parallel_loop3A_392 = arith.cmpi slt, %parallel_loop3A_386, %parallel_loop3A_391 : vector<16xi32>
          %parallel_loop3A_393 = arith.andi %parallel_loop3A_389, %parallel_loop3A_392 : vector<16xi1>
          %parallel_loop3A_394 = tpu.all_reduce %parallel_loop3A_393 {dim = 0 : i64, kind = #tpu.reduction_kind<sum>} : vector<16xi1> -> vector<16xi32>
          %parallel_loop3A_395 = arith.constant 12 : i32
          %parallel_loop3A_396 = vector.broadcast %parallel_loop3A_395 : i32 to vector<16xi32>
          %parallel_loop3A_397 = arith.cmpi eq, %iota3A, %parallel_loop3A_396 : vector<16xi32>
          %parallel_loop3A_398 = arith.select %parallel_loop3A_397, %parallel_loop3A_394, %parallel_loop3A_380 : vector<16xi1>, vector<16xi32>
          %parallel_loop3A_399 = arith.constant 208 : i32
          %parallel_loop3A_400 = arith.addi %parallel_loop3A_164, %parallel_loop3A_399 : i32
          %parallel_loop3A_401 = arith.index_cast %parallel_loop3A_400 : i32 to index
          %parallel_loop3A_402 = tpu.vector_load %arg10[%parallel_loop3A_401] {strides = array<i32>} : memref<8192xi32, #tpu.memory_space<vmem>>, vector<16xi32>,
          %parallel_loop3A_403 = vector.broadcast %multiple_of3A : i32 to vector<16xi32>
          %parallel_loop3A_404 = arith.subi %parallel_loop3A_402, %parallel_loop3A_403 : vector<16xi32>
          %parallel_loop3A_405 = arith.constant 0 : i32
          %parallel_loop3A_406 = vector.broadcast %parallel_loop3A_405 : i32 to vector<16xi32>
          %parallel_loop3A_407 = arith.cmpi sge, %parallel_loop3A_404, %parallel_loop3A_406 : vector<16xi32>
          %parallel_loop3A_408 = arith.constant 784 : i32
          %parallel_loop3A_409 = vector.broadcast %parallel_loop3A_408 : i32 to vector<16xi32>
          %parallel_loop3A_410 = arith.cmpi slt, %parallel_loop3A_404, %parallel_loop3A_409 : vector<16xi32>
          %parallel_loop3A_411 = arith.andi %parallel_loop3A_407, %parallel_loop3A_410 : vector<16xi1>
          %parallel_loop3A_412 = tpu.all_reduce %parallel_loop3A_411 {dim = 0 : i64, kind = #tpu.reduction_kind<sum>} : vector<16xi1> -> vector<16xi32>
          %parallel_loop3A_413 = arith.constant 13 : i32
          %parallel_loop3A_414 = vector.broadcast %parallel_loop3A_413 : i32 to vector<16xi32>
          %parallel_loop3A_415 = arith.cmpi eq, %iota3A, %parallel_loop3A_414 : vector<16xi32>
          %parallel_loop3A_416 = arith.select %parallel_loop3A_415, %parallel_loop3A_412, %parallel_loop3A_398 : vector<16xi1>, vector<16xi32>
          %parallel_loop3A_417 = arith.constant 224 : i32
          %parallel_loop3A_418 = arith.addi %parallel_loop3A_164, %parallel_loop3A_417 : i32
          %parallel_loop3A_419 = arith.index_cast %parallel_loop3A_418 : i32 to index
          %parallel_loop3A_420 = tpu.vector_load %arg10[%parallel_loop3A_419] {strides = array<i32>} : memref<8192xi32, #tpu.memory_space<vmem>>, vector<16xi32>,
          %parallel_loop3A_421 = vector.broadcast %multiple_of3A : i32 to vector<16xi32>
          %parallel_loop3A_422 = arith.subi %parallel_loop3A_420, %parallel_loop3A_421 : vector<16xi32>
          %parallel_loop3A_423 = arith.constant 0 : i32
          %parallel_loop3A_424 = vector.broadcast %parallel_loop3A_423 : i32 to vector<16xi32>
          %parallel_loop3A_425 = arith.cmpi sge, %parallel_loop3A_422, %parallel_loop3A_424 : vector<16xi32>
          %parallel_loop3A_426 = arith.constant 784 : i32
          %parallel_loop3A_427 = vector.broadcast %parallel_loop3A_426 : i32 to vector<16xi32>
          %parallel_loop3A_428 = arith.cmpi slt, %parallel_loop3A_422, %parallel_loop3A_427 : vector<16xi32>
          %parallel_loop3A_429 = arith.andi %parallel_loop3A_425, %parallel_loop3A_428 : vector<16xi1>
          %parallel_loop3A_430 = tpu.all_reduce %parallel_loop3A_429 {dim = 0 : i64, kind = #tpu.reduction_kind<sum>} : vector<16xi1> -> vector<16xi32>
          %parallel_loop3A_431 = arith.constant 14 : i32
          %parallel_loop3A_432 = vector.broadcast %parallel_loop3A_431 : i32 to vector<16xi32>
          %parallel_loop3A_433 = arith.cmpi eq, %iota3A, %parallel_loop3A_432 : vector<16xi32>
          %parallel_loop3A_434 = arith.select %parallel_loop3A_433, %parallel_loop3A_430, %parallel_loop3A_416 : vector<16xi1>, vector<16xi32>
          %parallel_loop3A_435 = arith.constant 240 : i32
          %parallel_loop3A_436 = arith.addi %parallel_loop3A_164, %parallel_loop3A_435 : i32
          %parallel_loop3A_437 = arith.index_cast %parallel_loop3A_436 : i32 to index
          %parallel_loop3A_438 = tpu.vector_load %arg10[%parallel_loop3A_437] {strides = array<i32>} : memref<8192xi32, #tpu.memory_space<vmem>>, vector<16xi32>,
          %parallel_loop3A_439 = vector.broadcast %multiple_of3A : i32 to vector<16xi32>
          %parallel_loop3A_440 = arith.subi %parallel_loop3A_438, %parallel_loop3A_439 : vector<16xi32>
          %parallel_loop3A_441 = arith.constant 0 : i32
          %parallel_loop3A_442 = vector.broadcast %parallel_loop3A_441 : i32 to vector<16xi32>
          %parallel_loop3A_443 = arith.cmpi sge, %parallel_loop3A_440, %parallel_loop3A_442 : vector<16xi32>
          %parallel_loop3A_444 = arith.constant 784 : i32
          %parallel_loop3A_445 = vector.broadcast %parallel_loop3A_444 : i32 to vector<16xi32>
          %parallel_loop3A_446 = arith.cmpi slt, %parallel_loop3A_440, %parallel_loop3A_445 : vector<16xi32>
          %parallel_loop3A_447 = arith.andi %parallel_loop3A_443, %parallel_loop3A_446 : vector<16xi1>
          %parallel_loop3A_448 = tpu.all_reduce %parallel_loop3A_447 {dim = 0 : i64, kind = #tpu.reduction_kind<sum>} : vector<16xi1> -> vector<16xi32>
          %parallel_loop3A_449 = arith.constant 15 : i32
          %parallel_loop3A_450 = vector.broadcast %parallel_loop3A_449 : i32 to vector<16xi32>
          %parallel_loop3A_451 = arith.cmpi eq, %iota3A, %parallel_loop3A_450 : vector<16xi32>
          %parallel_loop3A_452 = arith.select %parallel_loop3A_451, %parallel_loop3A_448, %parallel_loop3A_434 : vector<16xi1>, vector<16xi32>
          %parallel_loop3A_453 = arith.constant 16 : i32
          %parallel_loop3A_454 = arith.muli %parallel_loop3A_160, %parallel_loop3A_453 : i32
          %parallel_loop3A_455 = arith.index_cast %parallel_loop3A_454 : i32 to index
          %parallel_loop3A_456 = tpu.vector_load %arg12[%parallel_loop3A_455] {strides = array<i32>} : memref<256xi32, #tpu.memory_space<vmem>>, vector<16xi32>,
          tpu.vector_store %arg12[%parallel_loop3A_455], %parallel_loop3A_452 {strides = array<i32>} : memref<256xi32, #tpu.memory_space<vmem>>, vector<16xi32>,
        } {sc.loop_unroll_factor = 2 : i64, sc.parallel_access}
        %broadcast_in_dim3A_114 = vector.broadcast %scan3A_95 : i32 to vector<16xi32>
        %scan3A_115 = arith.constant 0 : i32
        %scan3A_116 = arith.constant 16 : i32
        %scan3A_117 = arith.addi %scan3A_115, %scan3A_116 : i32
        %scan3A_118 = arith.constant 1 : i32
        %scan3A_119 = scf.for %scan3A_160 = %scan3A_115 to %scan3A_117 step %scan3A_118 iter_args(%scan3A_161 = %broadcast_in_dim3A_114) -> (vector<16xi32>)  : i32 {
          %mul3A_162 = arith.constant 16 : i32
          %mul3A_163 = arith.muli %scan3A_160, %mul3A_162 : i32
          %get3A = arith.index_cast %mul3A_163 : i32 to index
          %get3A_164 = tpu.vector_load %arg12[%get3A] {strides = array<i32>} : memref<256xi32, #tpu.memory_space<vmem>>, vector<16xi32>,
          %broadcast_in_dim3A_165 = arith.constant true
          %broadcast_in_dim3A_166 = vector.broadcast %broadcast_in_dim3A_165 : i1 to vector<16xi1>
          %masked_cumsum3A = tpu.scan <sum>, %get3A_164 masked %broadcast_in_dim3A_166 : vector<16xi32>, vector<16xi1> -> vector<16xi32>
          %sub3A_167 = arith.subi %masked_cumsum3A, %get3A_164 : vector<16xi32>
          %add3A_168 = arith.addi %sub3A_167, %scan3A_161 : vector<16xi32>
          %mul3A_169 = arith.constant 16 : i32
          %mul3A_170 = arith.muli %scan3A_160, %mul3A_169 : i32
          %swap3A = arith.index_cast %mul3A_170 : i32 to index
          %swap3A_171 = tpu.vector_load %arg13[%swap3A] {strides = array<i32>} : memref<256xi32, #tpu.memory_space<vmem>>, vector<16xi32>,
          tpu.vector_store %arg13[%swap3A], %add3A_168 {strides = array<i32>} : memref<256xi32, #tpu.memory_space<vmem>>, vector<16xi32>,
          %broadcast_in_dim3A_172 = arith.constant 15 : i32
          %broadcast_in_dim3A_173 = vector.broadcast %broadcast_in_dim3A_172 : i32 to vector<16x1xi32>
          %gather3A = vector.shape_cast %broadcast_in_dim3A_173 : vector<16x1xi32> to vector<16xi32>
          %gather3A_174 = tpu.dynamic_gather %masked_cumsum3A[%gather3A] in [0] : vector<16xi32>, vector<16xi32> -> vector<16xi32>
          %add3A_175 = arith.addi %scan3A_161, %gather3A_174 : vector<16xi32>
          scf.yield %add3A_175 : vector<16xi32>
        }
        %scan3A_120 = arith.constant 16 : i32
        %parallel_loop3A_121 = arith.constant 0 : i32
        %parallel_loop3A_122 = arith.constant 16 : i32
        %parallel_loop3A_123 = arith.constant 1 : i32
        scf.for %parallel_loop3A_160 = %parallel_loop3A_121 to %parallel_loop3A_122 step %parallel_loop3A_123  : i32 {
          %parallel_loop3A_161 = arith.constant 256 : i32
          %parallel_loop3A_162 = arith.muli %parallel_loop3A_160, %parallel_loop3A_161 : i32
          %parallel_loop3A_163 = arith.addi %multiple_of3A_99, %parallel_loop3A_162 : i32
          %parallel_loop3A_164 = tpu.assume_multiple %parallel_loop3A_163, 256 : i32
          %parallel_loop3A_165 = arith.constant 16 : i32
          %parallel_loop3A_166 = arith.muli %parallel_loop3A_160, %parallel_loop3A_165 : i32
          %parallel_loop3A_167 = arith.index_cast %parallel_loop3A_166 : i32 to index
          %parallel_loop3A_168 = tpu.vector_load %arg13[%parallel_loop3A_167] {strides = array<i32>} : memref<256xi32, #tpu.memory_space<vmem>>, vector<16xi32>,
          %parallel_loop3A_169 = arith.constant 0 : i32
          %parallel_loop3A_170 = arith.addi %parallel_loop3A_164, %parallel_loop3A_169 : i32
          %parallel_loop3A_171 = arith.index_cast %parallel_loop3A_170 : i32 to index
          %parallel_loop3A_172 = tpu.vector_load %arg10[%parallel_loop3A_171] {strides = array<i32>} : memref<8192xi32, #tpu.memory_space<vmem>>, vector<16xi32>,
          %parallel_loop3A_173 = vector.broadcast %multiple_of3A : i32 to vector<16xi32>
          %parallel_loop3A_174 = arith.subi %parallel_loop3A_172, %parallel_loop3A_173 : vector<16xi32>
          %parallel_loop3A_175 = arith.constant 0 : i32
          %parallel_loop3A_176 = vector.broadcast %parallel_loop3A_175 : i32 to vector<16xi32>
          %parallel_loop3A_177 = arith.cmpi sge, %parallel_loop3A_174, %parallel_loop3A_176 : vector<16xi32>
          %parallel_loop3A_178 = arith.constant 784 : i32
          %parallel_loop3A_179 = vector.broadcast %parallel_loop3A_178 : i32 to vector<16xi32>
          %parallel_loop3A_180 = arith.cmpi slt, %parallel_loop3A_174, %parallel_loop3A_179 : vector<16xi32>
          %parallel_loop3A_181 = arith.andi %parallel_loop3A_177, %parallel_loop3A_180 : vector<16xi1>
          %parallel_loop3A_182 = arith.constant 1 : i32
          %parallel_loop3A_183 = arith.constant 0 : i32
          %parallel_loop3A_184 = vector.broadcast %parallel_loop3A_182 : i32 to vector<16xi32>
          %parallel_loop3A_185 = vector.broadcast %parallel_loop3A_183 : i32 to vector<16xi32>
          %parallel_loop3A_186 = arith.select %parallel_loop3A_181, %parallel_loop3A_184, %parallel_loop3A_185 : vector<16xi1>, vector<16xi32>
          %parallel_loop3A_187 = arith.constant true
          %parallel_loop3A_188 = vector.broadcast %parallel_loop3A_187 : i1 to vector<16xi1>
          %parallel_loop3A_189 = tpu.scan <sum>, %parallel_loop3A_186 masked %parallel_loop3A_188 : vector<16xi32>, vector<16xi1> -> vector<16xi32>
          %parallel_loop3A_190 = arith.constant 0 : i32
          %parallel_loop3A_191 = vector.broadcast %parallel_loop3A_190 : i32 to vector<16x1xi32>
          %parallel_loop3A_192 = vector.shape_cast %parallel_loop3A_191 : vector<16x1xi32> to vector<16xi32>
          %parallel_loop3A_193 = tpu.dynamic_gather %parallel_loop3A_168[%parallel_loop3A_192] in [0] : vector<16xi32>, vector<16xi32> -> vector<16xi32>
          %parallel_loop3A_194 = arith.addi %parallel_loop3A_193, %parallel_loop3A_189 : vector<16xi32>
          %parallel_loop3A_195 = arith.constant 1 : i32
          %parallel_loop3A_196 = vector.broadcast %parallel_loop3A_195 : i32 to vector<16xi32>
          %parallel_loop3A_197 = arith.subi %parallel_loop3A_194, %parallel_loop3A_196 : vector<16xi32>
          %parallel_loop3A_198 = arith.constant 256 : i32
          %parallel_loop3A_199 = arith.muli %parallel_loop3A_160, %parallel_loop3A_198 : i32
          %parallel_loop3A_200 = arith.addi %multiple_of3A_102, %parallel_loop3A_199 : i32
          %parallel_loop3A_201 = arith.constant 0 : i32
          %parallel_loop3A_202 = arith.addi %parallel_loop3A_200, %parallel_loop3A_201 : i32
          %parallel_loop3A_203 = vector.broadcast %parallel_loop3A_202 : i32 to vector<16xi32>
          %parallel_loop3A_204 = arith.addi %parallel_loop3A_203, %iota3A : vector<16xi32>
          tpu.vector_store_idx %arg14[%parallel_loop3A_197], %parallel_loop3A_204 masked %parallel_loop3A_181 : memref<4352xi32, #tpu.memory_space<vmem>>[vector<16xi32>], vector<16xi32>, vector<16xi1>
          %parallel_loop3A_205 = vector.broadcast %mul3A_2 : i32 to vector<16xi32>
          %parallel_loop3A_206 = arith.addi %parallel_loop3A_174, %parallel_loop3A_205 : vector<16xi32>
          tpu.vector_store_idx %arg15[%parallel_loop3A_197], %parallel_loop3A_206 masked %parallel_loop3A_181 : memref<4352xi32, #tpu.memory_space<vmem>>[vector<16xi32>], vector<16xi32>, vector<16xi1>
          %parallel_loop3A_207 = arith.constant 16 : i32
          %parallel_loop3A_208 = arith.addi %parallel_loop3A_164, %parallel_loop3A_207 : i32
          %parallel_loop3A_209 = arith.index_cast %parallel_loop3A_208 : i32 to index
          %parallel_loop3A_210 = tpu.vector_load %arg10[%parallel_loop3A_209] {strides = array<i32>} : memref<8192xi32, #tpu.memory_space<vmem>>, vector<16xi32>,
          %parallel_loop3A_211 = vector.broadcast %multiple_of3A : i32 to vector<16xi32>
          %parallel_loop3A_212 = arith.subi %parallel_loop3A_210, %parallel_loop3A_211 : vector<16xi32>
          %parallel_loop3A_213 = arith.constant 0 : i32
          %parallel_loop3A_214 = vector.broadcast %parallel_loop3A_213 : i32 to vector<16xi32>
          %parallel_loop3A_215 = arith.cmpi sge, %parallel_loop3A_212, %parallel_loop3A_214 : vector<16xi32>
          %parallel_loop3A_216 = arith.constant 784 : i32
          %parallel_loop3A_217 = vector.broadcast %parallel_loop3A_216 : i32 to vector<16xi32>
          %parallel_loop3A_218 = arith.cmpi slt, %parallel_loop3A_212, %parallel_loop3A_217 : vector<16xi32>
          %parallel_loop3A_219 = arith.andi %parallel_loop3A_215, %parallel_loop3A_218 : vector<16xi1>
          %parallel_loop3A_220 = arith.constant 1 : i32
          %parallel_loop3A_221 = arith.constant 0 : i32
          %parallel_loop3A_222 = vector.broadcast %parallel_loop3A_220 : i32 to vector<16xi32>
          %parallel_loop3A_223 = vector.broadcast %parallel_loop3A_221 : i32 to vector<16xi32>
          %parallel_loop3A_224 = arith.select %parallel_loop3A_219, %parallel_loop3A_222, %parallel_loop3A_223 : vector<16xi1>, vector<16xi32>
          %parallel_loop3A_225 = arith.constant true
          %parallel_loop3A_226 = vector.broadcast %parallel_loop3A_225 : i1 to vector<16xi1>
          %parallel_loop3A_227 = tpu.scan <sum>, %parallel_loop3A_224 masked %parallel_loop3A_226 : vector<16xi32>, vector<16xi1> -> vector<16xi32>
          %parallel_loop3A_228 = arith.constant 1 : i32
          %parallel_loop3A_229 = vector.broadcast %parallel_loop3A_228 : i32 to vector<16x1xi32>
          %parallel_loop3A_230 = vector.shape_cast %parallel_loop3A_229 : vector<16x1xi32> to vector<16xi32>
          %parallel_loop3A_231 = tpu.dynamic_gather %parallel_loop3A_168[%parallel_loop3A_230] in [0] : vector<16xi32>, vector<16xi32> -> vector<16xi32>
          %parallel_loop3A_232 = arith.addi %parallel_loop3A_231, %parallel_loop3A_227 : vector<16xi32>
          %parallel_loop3A_233 = arith.constant 1 : i32
          %parallel_loop3A_234 = vector.broadcast %parallel_loop3A_233 : i32 to vector<16xi32>
          %parallel_loop3A_235 = arith.subi %parallel_loop3A_232, %parallel_loop3A_234 : vector<16xi32>
          %parallel_loop3A_236 = arith.constant 256 : i32
          %parallel_loop3A_237 = arith.muli %parallel_loop3A_160, %parallel_loop3A_236 : i32
          %parallel_loop3A_238 = arith.addi %multiple_of3A_102, %parallel_loop3A_237 : i32
          %parallel_loop3A_239 = arith.constant 16 : i32
          %parallel_loop3A_240 = arith.addi %parallel_loop3A_238, %parallel_loop3A_239 : i32
          %parallel_loop3A_241 = vector.broadcast %parallel_loop3A_240 : i32 to vector<16xi32>
          %parallel_loop3A_242 = arith.addi %parallel_loop3A_241, %iota3A : vector<16xi32>
          tpu.vector_store_idx %arg14[%parallel_loop3A_235], %parallel_loop3A_242 masked %parallel_loop3A_219 : memref<4352xi32, #tpu.memory_space<vmem>>[vector<16xi32>], vector<16xi32>, vector<16xi1>
          %parallel_loop3A_243 = vector.broadcast %mul3A_2 : i32 to vector<16xi32>
          %parallel_loop3A_244 = arith.addi %parallel_loop3A_212, %parallel_loop3A_243 : vector<16xi32>
          tpu.vector_store_idx %arg15[%parallel_loop3A_235], %parallel_loop3A_244 masked %parallel_loop3A_219 : memref<4352xi32, #tpu.memory_space<vmem>>[vector<16xi32>], vector<16xi32>, vector<16xi1>
          %parallel_loop3A_245 = arith.constant 32 : i32
          %parallel_loop3A_246 = arith.addi %parallel_loop3A_164, %parallel_loop3A_245 : i32
          %parallel_loop3A_247 = arith.index_cast %parallel_loop3A_246 : i32 to index
          %parallel_loop3A_248 = tpu.vector_load %arg10[%parallel_loop3A_247] {strides = array<i32>} : memref<8192xi32, #tpu.memory_space<vmem>>, vector<16xi32>,
          %parallel_loop3A_249 = vector.broadcast %multiple_of3A : i32 to vector<16xi32>
          %parallel_loop3A_250 = arith.subi %parallel_loop3A_248, %parallel_loop3A_249 : vector<16xi32>
          %parallel_loop3A_251 = arith.constant 0 : i32
          %parallel_loop3A_252 = vector.broadcast %parallel_loop3A_251 : i32 to vector<16xi32>
          %parallel_loop3A_253 = arith.cmpi sge, %parallel_loop3A_250, %parallel_loop3A_252 : vector<16xi32>
          %parallel_loop3A_254 = arith.constant 784 : i32
          %parallel_loop3A_255 = vector.broadcast %parallel_loop3A_254 : i32 to vector<16xi32>
          %parallel_loop3A_256 = arith.cmpi slt, %parallel_loop3A_250, %parallel_loop3A_255 : vector<16xi32>
          %parallel_loop3A_257 = arith.andi %parallel_loop3A_253, %parallel_loop3A_256 : vector<16xi1>
          %parallel_loop3A_258 = arith.constant 1 : i32
          %parallel_loop3A_259 = arith.constant 0 : i32
          %parallel_loop3A_260 = vector.broadcast %parallel_loop3A_258 : i32 to vector<16xi32>
          %parallel_loop3A_261 = vector.broadcast %parallel_loop3A_259 : i32 to vector<16xi32>
          %parallel_loop3A_262 = arith.select %parallel_loop3A_257, %parallel_loop3A_260, %parallel_loop3A_261 : vector<16xi1>, vector<16xi32>
          %parallel_loop3A_263 = arith.constant true
          %parallel_loop3A_264 = vector.broadcast %parallel_loop3A_263 : i1 to vector<16xi1>
          %parallel_loop3A_265 = tpu.scan <sum>, %parallel_loop3A_262 masked %parallel_loop3A_264 : vector<16xi32>, vector<16xi1> -> vector<16xi32>
          %parallel_loop3A_266 = arith.constant 2 : i32
          %parallel_loop3A_267 = vector.broadcast %parallel_loop3A_266 : i32 to vector<16x1xi32>
          %parallel_loop3A_268 = vector.shape_cast %parallel_loop3A_267 : vector<16x1xi32> to vector<16xi32>
          %parallel_loop3A_269 = tpu.dynamic_gather %parallel_loop3A_168[%parallel_loop3A_268] in [0] : vector<16xi32>, vector<16xi32> -> vector<16xi32>
          %parallel_loop3A_270 = arith.addi %parallel_loop3A_269, %parallel_loop3A_265 : vector<16xi32>
          %parallel_loop3A_271 = arith.constant 1 : i32
          %parallel_loop3A_272 = vector.broadcast %parallel_loop3A_271 : i32 to vector<16xi32>
          %parallel_loop3A_273 = arith.subi %parallel_loop3A_270, %parallel_loop3A_272 : vector<16xi32>
          %parallel_loop3A_274 = arith.constant 256 : i32
          %parallel_loop3A_275 = arith.muli %parallel_loop3A_160, %parallel_loop3A_274 : i32
          %parallel_loop3A_276 = arith.addi %multiple_of3A_102, %parallel_loop3A_275 : i32
          %parallel_loop3A_277 = arith.constant 32 : i32
          %parallel_loop3A_278 = arith.addi %parallel_loop3A_276, %parallel_loop3A_277 : i32
          %parallel_loop3A_279 = vector.broadcast %parallel_loop3A_278 : i32 to vector<16xi32>
          %parallel_loop3A_280 = arith.addi %parallel_loop3A_279, %iota3A : vector<16xi32>
          tpu.vector_store_idx %arg14[%parallel_loop3A_273], %parallel_loop3A_280 masked %parallel_loop3A_257 : memref<4352xi32, #tpu.memory_space<vmem>>[vector<16xi32>], vector<16xi32>, vector<16xi1>
          %parallel_loop3A_281 = vector.broadcast %mul3A_2 : i32 to vector<16xi32>
          %parallel_loop3A_282 = arith.addi %parallel_loop3A_250, %parallel_loop3A_281 : vector<16xi32>
          tpu.vector_store_idx %arg15[%parallel_loop3A_273], %parallel_loop3A_282 masked %parallel_loop3A_257 : memref<4352xi32, #tpu.memory_space<vmem>>[vector<16xi32>], vector<16xi32>, vector<16xi1>
          %parallel_loop3A_283 = arith.constant 48 : i32
          %parallel_loop3A_284 = arith.addi %parallel_loop3A_164, %parallel_loop3A_283 : i32
          %parallel_loop3A_285 = arith.index_cast %parallel_loop3A_284 : i32 to index
          %parallel_loop3A_286 = tpu.vector_load %arg10[%parallel_loop3A_285] {strides = array<i32>} : memref<8192xi32, #tpu.memory_space<vmem>>, vector<16xi32>,
          %parallel_loop3A_287 = vector.broadcast %multiple_of3A : i32 to vector<16xi32>
          %parallel_loop3A_288 = arith.subi %parallel_loop3A_286, %parallel_loop3A_287 : vector<16xi32>
          %parallel_loop3A_289 = arith.constant 0 : i32
          %parallel_loop3A_290 = vector.broadcast %parallel_loop3A_289 : i32 to vector<16xi32>
          %parallel_loop3A_291 = arith.cmpi sge, %parallel_loop3A_288, %parallel_loop3A_290 : vector<16xi32>
          %parallel_loop3A_292 = arith.constant 784 : i32
          %parallel_loop3A_293 = vector.broadcast %parallel_loop3A_292 : i32 to vector<16xi32>
          %parallel_loop3A_294 = arith.cmpi slt, %parallel_loop3A_288, %parallel_loop3A_293 : vector<16xi32>
          %parallel_loop3A_295 = arith.andi %parallel_loop3A_291, %parallel_loop3A_294 : vector<16xi1>
          %parallel_loop3A_296 = arith.constant 1 : i32
          %parallel_loop3A_297 = arith.constant 0 : i32
          %parallel_loop3A_298 = vector.broadcast %parallel_loop3A_296 : i32 to vector<16xi32>
          %parallel_loop3A_299 = vector.broadcast %parallel_loop3A_297 : i32 to vector<16xi32>
          %parallel_loop3A_300 = arith.select %parallel_loop3A_295, %parallel_loop3A_298, %parallel_loop3A_299 : vector<16xi1>, vector<16xi32>
          %parallel_loop3A_301 = arith.constant true
          %parallel_loop3A_302 = vector.broadcast %parallel_loop3A_301 : i1 to vector<16xi1>
          %parallel_loop3A_303 = tpu.scan <sum>, %parallel_loop3A_300 masked %parallel_loop3A_302 : vector<16xi32>, vector<16xi1> -> vector<16xi32>
          %parallel_loop3A_304 = arith.constant 3 : i32
          %parallel_loop3A_305 = vector.broadcast %parallel_loop3A_304 : i32 to vector<16x1xi32>
          %parallel_loop3A_306 = vector.shape_cast %parallel_loop3A_305 : vector<16x1xi32> to vector<16xi32>
          %parallel_loop3A_307 = tpu.dynamic_gather %parallel_loop3A_168[%parallel_loop3A_306] in [0] : vector<16xi32>, vector<16xi32> -> vector<16xi32>
          %parallel_loop3A_308 = arith.addi %parallel_loop3A_307, %parallel_loop3A_303 : vector<16xi32>
          %parallel_loop3A_309 = arith.constant 1 : i32
          %parallel_loop3A_310 = vector.broadcast %parallel_loop3A_309 : i32 to vector<16xi32>
          %parallel_loop3A_311 = arith.subi %parallel_loop3A_308, %parallel_loop3A_310 : vector<16xi32>
          %parallel_loop3A_312 = arith.constant 256 : i32
          %parallel_loop3A_313 = arith.muli %parallel_loop3A_160, %parallel_loop3A_312 : i32
          %parallel_loop3A_314 = arith.addi %multiple_of3A_102, %parallel_loop3A_313 : i32
          %parallel_loop3A_315 = arith.constant 48 : i32
          %parallel_loop3A_316 = arith.addi %parallel_loop3A_314, %parallel_loop3A_315 : i32
          %parallel_loop3A_317 = vector.broadcast %parallel_loop3A_316 : i32 to vector<16xi32>
          %parallel_loop3A_318 = arith.addi %parallel_loop3A_317, %iota3A : vector<16xi32>
          tpu.vector_store_idx %arg14[%parallel_loop3A_311], %parallel_loop3A_318 masked %parallel_loop3A_295 : memref<4352xi32, #tpu.memory_space<vmem>>[vector<16xi32>], vector<16xi32>, vector<16xi1>
          %parallel_loop3A_319 = vector.broadcast %mul3A_2 : i32 to vector<16xi32>
          %parallel_loop3A_320 = arith.addi %parallel_loop3A_288, %parallel_loop3A_319 : vector<16xi32>
          tpu.vector_store_idx %arg15[%parallel_loop3A_311], %parallel_loop3A_320 masked %parallel_loop3A_295 : memref<4352xi32, #tpu.memory_space<vmem>>[vector<16xi32>], vector<16xi32>, vector<16xi1>
          %parallel_loop3A_321 = arith.constant 64 : i32
          %parallel_loop3A_322 = arith.addi %parallel_loop3A_164, %parallel_loop3A_321 : i32
          %parallel_loop3A_323 = arith.index_cast %parallel_loop3A_322 : i32 to index
          %parallel_loop3A_324 = tpu.vector_load %arg10[%parallel_loop3A_323] {strides = array<i32>} : memref<8192xi32, #tpu.memory_space<vmem>>, vector<16xi32>,
          %parallel_loop3A_325 = vector.broadcast %multiple_of3A : i32 to vector<16xi32>
          %parallel_loop3A_326 = arith.subi %parallel_loop3A_324, %parallel_loop3A_325 : vector<16xi32>
          %parallel_loop3A_327 = arith.constant 0 : i32
          %parallel_loop3A_328 = vector.broadcast %parallel_loop3A_327 : i32 to vector<16xi32>
          %parallel_loop3A_329 = arith.cmpi sge, %parallel_loop3A_326, %parallel_loop3A_328 : vector<16xi32>
          %parallel_loop3A_330 = arith.constant 784 : i32
          %parallel_loop3A_331 = vector.broadcast %parallel_loop3A_330 : i32 to vector<16xi32>
          %parallel_loop3A_332 = arith.cmpi slt, %parallel_loop3A_326, %parallel_loop3A_331 : vector<16xi32>
          %parallel_loop3A_333 = arith.andi %parallel_loop3A_329, %parallel_loop3A_332 : vector<16xi1>
          %parallel_loop3A_334 = arith.constant 1 : i32
          %parallel_loop3A_335 = arith.constant 0 : i32
          %parallel_loop3A_336 = vector.broadcast %parallel_loop3A_334 : i32 to vector<16xi32>
          %parallel_loop3A_337 = vector.broadcast %parallel_loop3A_335 : i32 to vector<16xi32>
          %parallel_loop3A_338 = arith.select %parallel_loop3A_333, %parallel_loop3A_336, %parallel_loop3A_337 : vector<16xi1>, vector<16xi32>
          %parallel_loop3A_339 = arith.constant true
          %parallel_loop3A_340 = vector.broadcast %parallel_loop3A_339 : i1 to vector<16xi1>
          %parallel_loop3A_341 = tpu.scan <sum>, %parallel_loop3A_338 masked %parallel_loop3A_340 : vector<16xi32>, vector<16xi1> -> vector<16xi32>
          %parallel_loop3A_342 = arith.constant 4 : i32
          %parallel_loop3A_343 = vector.broadcast %parallel_loop3A_342 : i32 to vector<16x1xi32>
          %parallel_loop3A_344 = vector.shape_cast %parallel_loop3A_343 : vector<16x1xi32> to vector<16xi32>
          %parallel_loop3A_345 = tpu.dynamic_gather %parallel_loop3A_168[%parallel_loop3A_344] in [0] : vector<16xi32>, vector<16xi32> -> vector<16xi32>
          %parallel_loop3A_346 = arith.addi %parallel_loop3A_345, %parallel_loop3A_341 : vector<16xi32>
          %parallel_loop3A_347 = arith.constant 1 : i32
          %parallel_loop3A_348 = vector.broadcast %parallel_loop3A_347 : i32 to vector<16xi32>
          %parallel_loop3A_349 = arith.subi %parallel_loop3A_346, %parallel_loop3A_348 : vector<16xi32>
          %parallel_loop3A_350 = arith.constant 256 : i32
          %parallel_loop3A_351 = arith.muli %parallel_loop3A_160, %parallel_loop3A_350 : i32
          %parallel_loop3A_352 = arith.addi %multiple_of3A_102, %parallel_loop3A_351 : i32
          %parallel_loop3A_353 = arith.constant 64 : i32
          %parallel_loop3A_354 = arith.addi %parallel_loop3A_352, %parallel_loop3A_353 : i32
          %parallel_loop3A_355 = vector.broadcast %parallel_loop3A_354 : i32 to vector<16xi32>
          %parallel_loop3A_356 = arith.addi %parallel_loop3A_355, %iota3A : vector<16xi32>
          tpu.vector_store_idx %arg14[%parallel_loop3A_349], %parallel_loop3A_356 masked %parallel_loop3A_333 : memref<4352xi32, #tpu.memory_space<vmem>>[vector<16xi32>], vector<16xi32>, vector<16xi1>
          %parallel_loop3A_357 = vector.broadcast %mul3A_2 : i32 to vector<16xi32>
          %parallel_loop3A_358 = arith.addi %parallel_loop3A_326, %parallel_loop3A_357 : vector<16xi32>
          tpu.vector_store_idx %arg15[%parallel_loop3A_349], %parallel_loop3A_358 masked %parallel_loop3A_333 : memref<4352xi32, #tpu.memory_space<vmem>>[vector<16xi32>], vector<16xi32>, vector<16xi1>
          %parallel_loop3A_359 = arith.constant 80 : i32
          %parallel_loop3A_360 = arith.addi %parallel_loop3A_164, %parallel_loop3A_359 : i32
          %parallel_loop3A_361 = arith.index_cast %parallel_loop3A_360 : i32 to index
          %parallel_loop3A_362 = tpu.vector_load %arg10[%parallel_loop3A_361] {strides = array<i32>} : memref<8192xi32, #tpu.memory_space<vmem>>, vector<16xi32>,
          %parallel_loop3A_363 = vector.broadcast %multiple_of3A : i32 to vector<16xi32>
          %parallel_loop3A_364 = arith.subi %parallel_loop3A_362, %parallel_loop3A_363 : vector<16xi32>
          %parallel_loop3A_365 = arith.constant 0 : i32
          %parallel_loop3A_366 = vector.broadcast %parallel_loop3A_365 : i32 to vector<16xi32>
          %parallel_loop3A_367 = arith.cmpi sge, %parallel_loop3A_364, %parallel_loop3A_366 : vector<16xi32>
          %parallel_loop3A_368 = arith.constant 784 : i32
          %parallel_loop3A_369 = vector.broadcast %parallel_loop3A_368 : i32 to vector<16xi32>
          %parallel_loop3A_370 = arith.cmpi slt, %parallel_loop3A_364, %parallel_loop3A_369 : vector<16xi32>
          %parallel_loop3A_371 = arith.andi %parallel_loop3A_367, %parallel_loop3A_370 : vector<16xi1>
          %parallel_loop3A_372 = arith.constant 1 : i32
          %parallel_loop3A_373 = arith.constant 0 : i32
          %parallel_loop3A_374 = vector.broadcast %parallel_loop3A_372 : i32 to vector<16xi32>
          %parallel_loop3A_375 = vector.broadcast %parallel_loop3A_373 : i32 to vector<16xi32>
          %parallel_loop3A_376 = arith.select %parallel_loop3A_371, %parallel_loop3A_374, %parallel_loop3A_375 : vector<16xi1>, vector<16xi32>
          %parallel_loop3A_377 = arith.constant true
          %parallel_loop3A_378 = vector.broadcast %parallel_loop3A_377 : i1 to vector<16xi1>
          %parallel_loop3A_379 = tpu.scan <sum>, %parallel_loop3A_376 masked %parallel_loop3A_378 : vector<16xi32>, vector<16xi1> -> vector<16xi32>
          %parallel_loop3A_380 = arith.constant 5 : i32
          %parallel_loop3A_381 = vector.broadcast %parallel_loop3A_380 : i32 to vector<16x1xi32>
          %parallel_loop3A_382 = vector.shape_cast %parallel_loop3A_381 : vector<16x1xi32> to vector<16xi32>
          %parallel_loop3A_383 = tpu.dynamic_gather %parallel_loop3A_168[%parallel_loop3A_382] in [0] : vector<16xi32>, vector<16xi32> -> vector<16xi32>
          %parallel_loop3A_384 = arith.addi %parallel_loop3A_383, %parallel_loop3A_379 : vector<16xi32>
          %parallel_loop3A_385 = arith.constant 1 : i32
          %parallel_loop3A_386 = vector.broadcast %parallel_loop3A_385 : i32 to vector<16xi32>
          %parallel_loop3A_387 = arith.subi %parallel_loop3A_384, %parallel_loop3A_386 : vector<16xi32>
          %parallel_loop3A_388 = arith.constant 256 : i32
          %parallel_loop3A_389 = arith.muli %parallel_loop3A_160, %parallel_loop3A_388 : i32
          %parallel_loop3A_390 = arith.addi %multiple_of3A_102, %parallel_loop3A_389 : i32
          %parallel_loop3A_391 = arith.constant 80 : i32
          %parallel_loop3A_392 = arith.addi %parallel_loop3A_390, %parallel_loop3A_391 : i32
          %parallel_loop3A_393 = vector.broadcast %parallel_loop3A_392 : i32 to vector<16xi32>
          %parallel_loop3A_394 = arith.addi %parallel_loop3A_393, %iota3A : vector<16xi32>
          tpu.vector_store_idx %arg14[%parallel_loop3A_387], %parallel_loop3A_394 masked %parallel_loop3A_371 : memref<4352xi32, #tpu.memory_space<vmem>>[vector<16xi32>], vector<16xi32>, vector<16xi1>
          %parallel_loop3A_395 = vector.broadcast %mul3A_2 : i32 to vector<16xi32>
          %parallel_loop3A_396 = arith.addi %parallel_loop3A_364, %parallel_loop3A_395 : vector<16xi32>
          tpu.vector_store_idx %arg15[%parallel_loop3A_387], %parallel_loop3A_396 masked %parallel_loop3A_371 : memref<4352xi32, #tpu.memory_space<vmem>>[vector<16xi32>], vector<16xi32>, vector<16xi1>
          %parallel_loop3A_397 = arith.constant 96 : i32
          %parallel_loop3A_398 = arith.addi %parallel_loop3A_164, %parallel_loop3A_397 : i32
          %parallel_loop3A_399 = arith.index_cast %parallel_loop3A_398 : i32 to index
          %parallel_loop3A_400 = tpu.vector_load %arg10[%parallel_loop3A_399] {strides = array<i32>} : memref<8192xi32, #tpu.memory_space<vmem>>, vector<16xi32>,
          %parallel_loop3A_401 = vector.broadcast %multiple_of3A : i32 to vector<16xi32>
          %parallel_loop3A_402 = arith.subi %parallel_loop3A_400, %parallel_loop3A_401 : vector<16xi32>
          %parallel_loop3A_403 = arith.constant 0 : i32
          %parallel_loop3A_404 = vector.broadcast %parallel_loop3A_403 : i32 to vector<16xi32>
          %parallel_loop3A_405 = arith.cmpi sge, %parallel_loop3A_402, %parallel_loop3A_404 : vector<16xi32>
          %parallel_loop3A_406 = arith.constant 784 : i32
          %parallel_loop3A_407 = vector.broadcast %parallel_loop3A_406 : i32 to vector<16xi32>
          %parallel_loop3A_408 = arith.cmpi slt, %parallel_loop3A_402, %parallel_loop3A_407 : vector<16xi32>
          %parallel_loop3A_409 = arith.andi %parallel_loop3A_405, %parallel_loop3A_408 : vector<16xi1>
          %parallel_loop3A_410 = arith.constant 1 : i32
          %parallel_loop3A_411 = arith.constant 0 : i32
          %parallel_loop3A_412 = vector.broadcast %parallel_loop3A_410 : i32 to vector<16xi32>
          %parallel_loop3A_413 = vector.broadcast %parallel_loop3A_411 : i32 to vector<16xi32>
          %parallel_loop3A_414 = arith.select %parallel_loop3A_409, %parallel_loop3A_412, %parallel_loop3A_413 : vector<16xi1>, vector<16xi32>
          %parallel_loop3A_415 = arith.constant true
          %parallel_loop3A_416 = vector.broadcast %parallel_loop3A_415 : i1 to vector<16xi1>
          %parallel_loop3A_417 = tpu.scan <sum>, %parallel_loop3A_414 masked %parallel_loop3A_416 : vector<16xi32>, vector<16xi1> -> vector<16xi32>
          %parallel_loop3A_418 = arith.constant 6 : i32
          %parallel_loop3A_419 = vector.broadcast %parallel_loop3A_418 : i32 to vector<16x1xi32>
          %parallel_loop3A_420 = vector.shape_cast %parallel_loop3A_419 : vector<16x1xi32> to vector<16xi32>
          %parallel_loop3A_421 = tpu.dynamic_gather %parallel_loop3A_168[%parallel_loop3A_420] in [0] : vector<16xi32>, vector<16xi32> -> vector<16xi32>
          %parallel_loop3A_422 = arith.addi %parallel_loop3A_421, %parallel_loop3A_417 : vector<16xi32>
          %parallel_loop3A_423 = arith.constant 1 : i32
          %parallel_loop3A_424 = vector.broadcast %parallel_loop3A_423 : i32 to vector<16xi32>
          %parallel_loop3A_425 = arith.subi %parallel_loop3A_422, %parallel_loop3A_424 : vector<16xi32>
          %parallel_loop3A_426 = arith.constant 256 : i32
          %parallel_loop3A_427 = arith.muli %parallel_loop3A_160, %parallel_loop3A_426 : i32
          %parallel_loop3A_428 = arith.addi %multiple_of3A_102, %parallel_loop3A_427 : i32
          %parallel_loop3A_429 = arith.constant 96 : i32
          %parallel_loop3A_430 = arith.addi %parallel_loop3A_428, %parallel_loop3A_429 : i32
          %parallel_loop3A_431 = vector.broadcast %parallel_loop3A_430 : i32 to vector<16xi32>
          %parallel_loop3A_432 = arith.addi %parallel_loop3A_431, %iota3A : vector<16xi32>
          tpu.vector_store_idx %arg14[%parallel_loop3A_425], %parallel_loop3A_432 masked %parallel_loop3A_409 : memref<4352xi32, #tpu.memory_space<vmem>>[vector<16xi32>], vector<16xi32>, vector<16xi1>
          %parallel_loop3A_433 = vector.broadcast %mul3A_2 : i32 to vector<16xi32>
          %parallel_loop3A_434 = arith.addi %parallel_loop3A_402, %parallel_loop3A_433 : vector<16xi32>
          tpu.vector_store_idx %arg15[%parallel_loop3A_425], %parallel_loop3A_434 masked %parallel_loop3A_409 : memref<4352xi32, #tpu.memory_space<vmem>>[vector<16xi32>], vector<16xi32>, vector<16xi1>
          %parallel_loop3A_435 = arith.constant 112 : i32
          %parallel_loop3A_436 = arith.addi %parallel_loop3A_164, %parallel_loop3A_435 : i32
          %parallel_loop3A_437 = arith.index_cast %parallel_loop3A_436 : i32 to index
          %parallel_loop3A_438 = tpu.vector_load %arg10[%parallel_loop3A_437] {strides = array<i32>} : memref<8192xi32, #tpu.memory_space<vmem>>, vector<16xi32>,
          %parallel_loop3A_439 = vector.broadcast %multiple_of3A : i32 to vector<16xi32>
          %parallel_loop3A_440 = arith.subi %parallel_loop3A_438, %parallel_loop3A_439 : vector<16xi32>
          %parallel_loop3A_441 = arith.constant 0 : i32
          %parallel_loop3A_442 = vector.broadcast %parallel_loop3A_441 : i32 to vector<16xi32>
          %parallel_loop3A_443 = arith.cmpi sge, %parallel_loop3A_440, %parallel_loop3A_442 : vector<16xi32>
          %parallel_loop3A_444 = arith.constant 784 : i32
          %parallel_loop3A_445 = vector.broadcast %parallel_loop3A_444 : i32 to vector<16xi32>
          %parallel_loop3A_446 = arith.cmpi slt, %parallel_loop3A_440, %parallel_loop3A_445 : vector<16xi32>
          %parallel_loop3A_447 = arith.andi %parallel_loop3A_443, %parallel_loop3A_446 : vector<16xi1>
          %parallel_loop3A_448 = arith.constant 1 : i32
          %parallel_loop3A_449 = arith.constant 0 : i32
          %parallel_loop3A_450 = vector.broadcast %parallel_loop3A_448 : i32 to vector<16xi32>
          %parallel_loop3A_451 = vector.broadcast %parallel_loop3A_449 : i32 to vector<16xi32>
          %parallel_loop3A_452 = arith.select %parallel_loop3A_447, %parallel_loop3A_450, %parallel_loop3A_451 : vector<16xi1>, vector<16xi32>
          %parallel_loop3A_453 = arith.constant true
          %parallel_loop3A_454 = vector.broadcast %parallel_loop3A_453 : i1 to vector<16xi1>
          %parallel_loop3A_455 = tpu.scan <sum>, %parallel_loop3A_452 masked %parallel_loop3A_454 : vector<16xi32>, vector<16xi1> -> vector<16xi32>
          %parallel_loop3A_456 = arith.constant 7 : i32
          %parallel_loop3A_457 = vector.broadcast %parallel_loop3A_456 : i32 to vector<16x1xi32>
          %parallel_loop3A_458 = vector.shape_cast %parallel_loop3A_457 : vector<16x1xi32> to vector<16xi32>
          %parallel_loop3A_459 = tpu.dynamic_gather %parallel_loop3A_168[%parallel_loop3A_458] in [0] : vector<16xi32>, vector<16xi32> -> vector<16xi32>
          %parallel_loop3A_460 = arith.addi %parallel_loop3A_459, %parallel_loop3A_455 : vector<16xi32>
          %parallel_loop3A_461 = arith.constant 1 : i32
          %parallel_loop3A_462 = vector.broadcast %parallel_loop3A_461 : i32 to vector<16xi32>
          %parallel_loop3A_463 = arith.subi %parallel_loop3A_460, %parallel_loop3A_462 : vector<16xi32>
          %parallel_loop3A_464 = arith.constant 256 : i32
          %parallel_loop3A_465 = arith.muli %parallel_loop3A_160, %parallel_loop3A_464 : i32
          %parallel_loop3A_466 = arith.addi %multiple_of3A_102, %parallel_loop3A_465 : i32
          %parallel_loop3A_467 = arith.constant 112 : i32
          %parallel_loop3A_468 = arith.addi %parallel_loop3A_466, %parallel_loop3A_467 : i32
          %parallel_loop3A_469 = vector.broadcast %parallel_loop3A_468 : i32 to vector<16xi32>
          %parallel_loop3A_470 = arith.addi %parallel_loop3A_469, %iota3A : vector<16xi32>
          tpu.vector_store_idx %arg14[%parallel_loop3A_463], %parallel_loop3A_470 masked %parallel_loop3A_447 : memref<4352xi32, #tpu.memory_space<vmem>>[vector<16xi32>], vector<16xi32>, vector<16xi1>
          %parallel_loop3A_471 = vector.broadcast %mul3A_2 : i32 to vector<16xi32>
          %parallel_loop3A_472 = arith.addi %parallel_loop3A_440, %parallel_loop3A_471 : vector<16xi32>
          tpu.vector_store_idx %arg15[%parallel_loop3A_463], %parallel_loop3A_472 masked %parallel_loop3A_447 : memref<4352xi32, #tpu.memory_space<vmem>>[vector<16xi32>], vector<16xi32>, vector<16xi1>
          %parallel_loop3A_473 = arith.constant 128 : i32
          %parallel_loop3A_474 = arith.addi %parallel_loop3A_164, %parallel_loop3A_473 : i32
          %parallel_loop3A_475 = arith.index_cast %parallel_loop3A_474 : i32 to index
          %parallel_loop3A_476 = tpu.vector_load %arg10[%parallel_loop3A_475] {strides = array<i32>} : memref<8192xi32, #tpu.memory_space<vmem>>, vector<16xi32>,
          %parallel_loop3A_477 = vector.broadcast %multiple_of3A : i32 to vector<16xi32>
          %parallel_loop3A_478 = arith.subi %parallel_loop3A_476, %parallel_loop3A_477 : vector<16xi32>
          %parallel_loop3A_479 = arith.constant 0 : i32
          %parallel_loop3A_480 = vector.broadcast %parallel_loop3A_479 : i32 to vector<16xi32>
          %parallel_loop3A_481 = arith.cmpi sge, %parallel_loop3A_478, %parallel_loop3A_480 : vector<16xi32>
          %parallel_loop3A_482 = arith.constant 784 : i32
          %parallel_loop3A_483 = vector.broadcast %parallel_loop3A_482 : i32 to vector<16xi32>
          %parallel_loop3A_484 = arith.cmpi slt, %parallel_loop3A_478, %parallel_loop3A_483 : vector<16xi32>
          %parallel_loop3A_485 = arith.andi %parallel_loop3A_481, %parallel_loop3A_484 : vector<16xi1>
          %parallel_loop3A_486 = arith.constant 1 : i32
          %parallel_loop3A_487 = arith.constant 0 : i32
          %parallel_loop3A_488 = vector.broadcast %parallel_loop3A_486 : i32 to vector<16xi32>
          %parallel_loop3A_489 = vector.broadcast %parallel_loop3A_487 : i32 to vector<16xi32>
          %parallel_loop3A_490 = arith.select %parallel_loop3A_485, %parallel_loop3A_488, %parallel_loop3A_489 : vector<16xi1>, vector<16xi32>
          %parallel_loop3A_491 = arith.constant true
          %parallel_loop3A_492 = vector.broadcast %parallel_loop3A_491 : i1 to vector<16xi1>
          %parallel_loop3A_493 = tpu.scan <sum>, %parallel_loop3A_490 masked %parallel_loop3A_492 : vector<16xi32>, vector<16xi1> -> vector<16xi32>
          %parallel_loop3A_494 = arith.constant 8 : i32
          %parallel_loop3A_495 = vector.broadcast %parallel_loop3A_494 : i32 to vector<16x1xi32>
          %parallel_loop3A_496 = vector.shape_cast %parallel_loop3A_495 : vector<16x1xi32> to vector<16xi32>
          %parallel_loop3A_497 = tpu.dynamic_gather %parallel_loop3A_168[%parallel_loop3A_496] in [0] : vector<16xi32>, vector<16xi32> -> vector<16xi32>
          %parallel_loop3A_498 = arith.addi %parallel_loop3A_497, %parallel_loop3A_493 : vector<16xi32>
          %parallel_loop3A_499 = arith.constant 1 : i32
          %parallel_loop3A_500 = vector.broadcast %parallel_loop3A_499 : i32 to vector<16xi32>
          %parallel_loop3A_501 = arith.subi %parallel_loop3A_498, %parallel_loop3A_500 : vector<16xi32>
          %parallel_loop3A_502 = arith.constant 256 : i32
          %parallel_loop3A_503 = arith.muli %parallel_loop3A_160, %parallel_loop3A_502 : i32
          %parallel_loop3A_504 = arith.addi %multiple_of3A_102, %parallel_loop3A_503 : i32
          %parallel_loop3A_505 = arith.constant 128 : i32
          %parallel_loop3A_506 = arith.addi %parallel_loop3A_504, %parallel_loop3A_505 : i32
          %parallel_loop3A_507 = vector.broadcast %parallel_loop3A_506 : i32 to vector<16xi32>
          %parallel_loop3A_508 = arith.addi %parallel_loop3A_507, %iota3A : vector<16xi32>
          tpu.vector_store_idx %arg14[%parallel_loop3A_501], %parallel_loop3A_508 masked %parallel_loop3A_485 : memref<4352xi32, #tpu.memory_space<vmem>>[vector<16xi32>], vector<16xi32>, vector<16xi1>
          %parallel_loop3A_509 = vector.broadcast %mul3A_2 : i32 to vector<16xi32>
          %parallel_loop3A_510 = arith.addi %parallel_loop3A_478, %parallel_loop3A_509 : vector<16xi32>
          tpu.vector_store_idx %arg15[%parallel_loop3A_501], %parallel_loop3A_510 masked %parallel_loop3A_485 : memref<4352xi32, #tpu.memory_space<vmem>>[vector<16xi32>], vector<16xi32>, vector<16xi1>
          %parallel_loop3A_511 = arith.constant 144 : i32
          %parallel_loop3A_512 = arith.addi %parallel_loop3A_164, %parallel_loop3A_511 : i32
          %parallel_loop3A_513 = arith.index_cast %parallel_loop3A_512 : i32 to index
          %parallel_loop3A_514 = tpu.vector_load %arg10[%parallel_loop3A_513] {strides = array<i32>} : memref<8192xi32, #tpu.memory_space<vmem>>, vector<16xi32>,
          %parallel_loop3A_515 = vector.broadcast %multiple_of3A : i32 to vector<16xi32>
          %parallel_loop3A_516 = arith.subi %parallel_loop3A_514, %parallel_loop3A_515 : vector<16xi32>
          %parallel_loop3A_517 = arith.constant 0 : i32
          %parallel_loop3A_518 = vector.broadcast %parallel_loop3A_517 : i32 to vector<16xi32>
          %parallel_loop3A_519 = arith.cmpi sge, %parallel_loop3A_516, %parallel_loop3A_518 : vector<16xi32>
          %parallel_loop3A_520 = arith.constant 784 : i32
          %parallel_loop3A_521 = vector.broadcast %parallel_loop3A_520 : i32 to vector<16xi32>
          %parallel_loop3A_522 = arith.cmpi slt, %parallel_loop3A_516, %parallel_loop3A_521 : vector<16xi32>
          %parallel_loop3A_523 = arith.andi %parallel_loop3A_519, %parallel_loop3A_522 : vector<16xi1>
          %parallel_loop3A_524 = arith.constant 1 : i32
          %parallel_loop3A_525 = arith.constant 0 : i32
          %parallel_loop3A_526 = vector.broadcast %parallel_loop3A_524 : i32 to vector<16xi32>
          %parallel_loop3A_527 = vector.broadcast %parallel_loop3A_525 : i32 to vector<16xi32>
          %parallel_loop3A_528 = arith.select %parallel_loop3A_523, %parallel_loop3A_526, %parallel_loop3A_527 : vector<16xi1>, vector<16xi32>
          %parallel_loop3A_529 = arith.constant true
          %parallel_loop3A_530 = vector.broadcast %parallel_loop3A_529 : i1 to vector<16xi1>
          %parallel_loop3A_531 = tpu.scan <sum>, %parallel_loop3A_528 masked %parallel_loop3A_530 : vector<16xi32>, vector<16xi1> -> vector<16xi32>
          %parallel_loop3A_532 = arith.constant 9 : i32
          %parallel_loop3A_533 = vector.broadcast %parallel_loop3A_532 : i32 to vector<16x1xi32>
          %parallel_loop3A_534 = vector.shape_cast %parallel_loop3A_533 : vector<16x1xi32> to vector<16xi32>
          %parallel_loop3A_535 = tpu.dynamic_gather %parallel_loop3A_168[%parallel_loop3A_534] in [0] : vector<16xi32>, vector<16xi32> -> vector<16xi32>
          %parallel_loop3A_536 = arith.addi %parallel_loop3A_535, %parallel_loop3A_531 : vector<16xi32>
          %parallel_loop3A_537 = arith.constant 1 : i32
          %parallel_loop3A_538 = vector.broadcast %parallel_loop3A_537 : i32 to vector<16xi32>
          %parallel_loop3A_539 = arith.subi %parallel_loop3A_536, %parallel_loop3A_538 : vector<16xi32>
          %parallel_loop3A_540 = arith.constant 256 : i32
          %parallel_loop3A_541 = arith.muli %parallel_loop3A_160, %parallel_loop3A_540 : i32
          %parallel_loop3A_542 = arith.addi %multiple_of3A_102, %parallel_loop3A_541 : i32
          %parallel_loop3A_543 = arith.constant 144 : i32
          %parallel_loop3A_544 = arith.addi %parallel_loop3A_542, %parallel_loop3A_543 : i32
          %parallel_loop3A_545 = vector.broadcast %parallel_loop3A_544 : i32 to vector<16xi32>
          %parallel_loop3A_546 = arith.addi %parallel_loop3A_545, %iota3A : vector<16xi32>
          tpu.vector_store_idx %arg14[%parallel_loop3A_539], %parallel_loop3A_546 masked %parallel_loop3A_523 : memref<4352xi32, #tpu.memory_space<vmem>>[vector<16xi32>], vector<16xi32>, vector<16xi1>
          %parallel_loop3A_547 = vector.broadcast %mul3A_2 : i32 to vector<16xi32>
          %parallel_loop3A_548 = arith.addi %parallel_loop3A_516, %parallel_loop3A_547 : vector<16xi32>
          tpu.vector_store_idx %arg15[%parallel_loop3A_539], %parallel_loop3A_548 masked %parallel_loop3A_523 : memref<4352xi32, #tpu.memory_space<vmem>>[vector<16xi32>], vector<16xi32>, vector<16xi1>
          %parallel_loop3A_549 = arith.constant 160 : i32
          %parallel_loop3A_550 = arith.addi %parallel_loop3A_164, %parallel_loop3A_549 : i32
          %parallel_loop3A_551 = arith.index_cast %parallel_loop3A_550 : i32 to index
          %parallel_loop3A_552 = tpu.vector_load %arg10[%parallel_loop3A_551] {strides = array<i32>} : memref<8192xi32, #tpu.memory_space<vmem>>, vector<16xi32>,
          %parallel_loop3A_553 = vector.broadcast %multiple_of3A : i32 to vector<16xi32>
          %parallel_loop3A_554 = arith.subi %parallel_loop3A_552, %parallel_loop3A_553 : vector<16xi32>
          %parallel_loop3A_555 = arith.constant 0 : i32
          %parallel_loop3A_556 = vector.broadcast %parallel_loop3A_555 : i32 to vector<16xi32>
          %parallel_loop3A_557 = arith.cmpi sge, %parallel_loop3A_554, %parallel_loop3A_556 : vector<16xi32>
          %parallel_loop3A_558 = arith.constant 784 : i32
          %parallel_loop3A_559 = vector.broadcast %parallel_loop3A_558 : i32 to vector<16xi32>
          %parallel_loop3A_560 = arith.cmpi slt, %parallel_loop3A_554, %parallel_loop3A_559 : vector<16xi32>
          %parallel_loop3A_561 = arith.andi %parallel_loop3A_557, %parallel_loop3A_560 : vector<16xi1>
          %parallel_loop3A_562 = arith.constant 1 : i32
          %parallel_loop3A_563 = arith.constant 0 : i32
          %parallel_loop3A_564 = vector.broadcast %parallel_loop3A_562 : i32 to vector<16xi32>
          %parallel_loop3A_565 = vector.broadcast %parallel_loop3A_563 : i32 to vector<16xi32>
          %parallel_loop3A_566 = arith.select %parallel_loop3A_561, %parallel_loop3A_564, %parallel_loop3A_565 : vector<16xi1>, vector<16xi32>
          %parallel_loop3A_567 = arith.constant true
          %parallel_loop3A_568 = vector.broadcast %parallel_loop3A_567 : i1 to vector<16xi1>
          %parallel_loop3A_569 = tpu.scan <sum>, %parallel_loop3A_566 masked %parallel_loop3A_568 : vector<16xi32>, vector<16xi1> -> vector<16xi32>
          %parallel_loop3A_570 = arith.constant 10 : i32
          %parallel_loop3A_571 = vector.broadcast %parallel_loop3A_570 : i32 to vector<16x1xi32>
          %parallel_loop3A_572 = vector.shape_cast %parallel_loop3A_571 : vector<16x1xi32> to vector<16xi32>
          %parallel_loop3A_573 = tpu.dynamic_gather %parallel_loop3A_168[%parallel_loop3A_572] in [0] : vector<16xi32>, vector<16xi32> -> vector<16xi32>
          %parallel_loop3A_574 = arith.addi %parallel_loop3A_573, %parallel_loop3A_569 : vector<16xi32>
          %parallel_loop3A_575 = arith.constant 1 : i32
          %parallel_loop3A_576 = vector.broadcast %parallel_loop3A_575 : i32 to vector<16xi32>
          %parallel_loop3A_577 = arith.subi %parallel_loop3A_574, %parallel_loop3A_576 : vector<16xi32>
          %parallel_loop3A_578 = arith.constant 256 : i32
          %parallel_loop3A_579 = arith.muli %parallel_loop3A_160, %parallel_loop3A_578 : i32
          %parallel_loop3A_580 = arith.addi %multiple_of3A_102, %parallel_loop3A_579 : i32
          %parallel_loop3A_581 = arith.constant 160 : i32
          %parallel_loop3A_582 = arith.addi %parallel_loop3A_580, %parallel_loop3A_581 : i32
          %parallel_loop3A_583 = vector.broadcast %parallel_loop3A_582 : i32 to vector<16xi32>
          %parallel_loop3A_584 = arith.addi %parallel_loop3A_583, %iota3A : vector<16xi32>
          tpu.vector_store_idx %arg14[%parallel_loop3A_577], %parallel_loop3A_584 masked %parallel_loop3A_561 : memref<4352xi32, #tpu.memory_space<vmem>>[vector<16xi32>], vector<16xi32>, vector<16xi1>
          %parallel_loop3A_585 = vector.broadcast %mul3A_2 : i32 to vector<16xi32>
          %parallel_loop3A_586 = arith.addi %parallel_loop3A_554, %parallel_loop3A_585 : vector<16xi32>
          tpu.vector_store_idx %arg15[%parallel_loop3A_577], %parallel_loop3A_586 masked %parallel_loop3A_561 : memref<4352xi32, #tpu.memory_space<vmem>>[vector<16xi32>], vector<16xi32>, vector<16xi1>
          %parallel_loop3A_587 = arith.constant 176 : i32
          %parallel_loop3A_588 = arith.addi %parallel_loop3A_164, %parallel_loop3A_587 : i32
          %parallel_loop3A_589 = arith.index_cast %parallel_loop3A_588 : i32 to index
          %parallel_loop3A_590 = tpu.vector_load %arg10[%parallel_loop3A_589] {strides = array<i32>} : memref<8192xi32, #tpu.memory_space<vmem>>, vector<16xi32>,
          %parallel_loop3A_591 = vector.broadcast %multiple_of3A : i32 to vector<16xi32>
          %parallel_loop3A_592 = arith.subi %parallel_loop3A_590, %parallel_loop3A_591 : vector<16xi32>
          %parallel_loop3A_593 = arith.constant 0 : i32
          %parallel_loop3A_594 = vector.broadcast %parallel_loop3A_593 : i32 to vector<16xi32>
          %parallel_loop3A_595 = arith.cmpi sge, %parallel_loop3A_592, %parallel_loop3A_594 : vector<16xi32>
          %parallel_loop3A_596 = arith.constant 784 : i32
          %parallel_loop3A_597 = vector.broadcast %parallel_loop3A_596 : i32 to vector<16xi32>
          %parallel_loop3A_598 = arith.cmpi slt, %parallel_loop3A_592, %parallel_loop3A_597 : vector<16xi32>
          %parallel_loop3A_599 = arith.andi %parallel_loop3A_595, %parallel_loop3A_598 : vector<16xi1>
          %parallel_loop3A_600 = arith.constant 1 : i32
          %parallel_loop3A_601 = arith.constant 0 : i32
          %parallel_loop3A_602 = vector.broadcast %parallel_loop3A_600 : i32 to vector<16xi32>
          %parallel_loop3A_603 = vector.broadcast %parallel_loop3A_601 : i32 to vector<16xi32>
          %parallel_loop3A_604 = arith.select %parallel_loop3A_599, %parallel_loop3A_602, %parallel_loop3A_603 : vector<16xi1>, vector<16xi32>
          %parallel_loop3A_605 = arith.constant true
          %parallel_loop3A_606 = vector.broadcast %parallel_loop3A_605 : i1 to vector<16xi1>
          %parallel_loop3A_607 = tpu.scan <sum>, %parallel_loop3A_604 masked %parallel_loop3A_606 : vector<16xi32>, vector<16xi1> -> vector<16xi32>
          %parallel_loop3A_608 = arith.constant 11 : i32
          %parallel_loop3A_609 = vector.broadcast %parallel_loop3A_608 : i32 to vector<16x1xi32>
          %parallel_loop3A_610 = vector.shape_cast %parallel_loop3A_609 : vector<16x1xi32> to vector<16xi32>
          %parallel_loop3A_611 = tpu.dynamic_gather %parallel_loop3A_168[%parallel_loop3A_610] in [0] : vector<16xi32>, vector<16xi32> -> vector<16xi32>
          %parallel_loop3A_612 = arith.addi %parallel_loop3A_611, %parallel_loop3A_607 : vector<16xi32>
          %parallel_loop3A_613 = arith.constant 1 : i32
          %parallel_loop3A_614 = vector.broadcast %parallel_loop3A_613 : i32 to vector<16xi32>
          %parallel_loop3A_615 = arith.subi %parallel_loop3A_612, %parallel_loop3A_614 : vector<16xi32>
          %parallel_loop3A_616 = arith.constant 256 : i32
          %parallel_loop3A_617 = arith.muli %parallel_loop3A_160, %parallel_loop3A_616 : i32
          %parallel_loop3A_618 = arith.addi %multiple_of3A_102, %parallel_loop3A_617 : i32
          %parallel_loop3A_619 = arith.constant 176 : i32
          %parallel_loop3A_620 = arith.addi %parallel_loop3A_618, %parallel_loop3A_619 : i32
          %parallel_loop3A_621 = vector.broadcast %parallel_loop3A_620 : i32 to vector<16xi32>
          %parallel_loop3A_622 = arith.addi %parallel_loop3A_621, %iota3A : vector<16xi32>
          tpu.vector_store_idx %arg14[%parallel_loop3A_615], %parallel_loop3A_622 masked %parallel_loop3A_599 : memref<4352xi32, #tpu.memory_space<vmem>>[vector<16xi32>], vector<16xi32>, vector<16xi1>
          %parallel_loop3A_623 = vector.broadcast %mul3A_2 : i32 to vector<16xi32>
          %parallel_loop3A_624 = arith.addi %parallel_loop3A_592, %parallel_loop3A_623 : vector<16xi32>
          tpu.vector_store_idx %arg15[%parallel_loop3A_615], %parallel_loop3A_624 masked %parallel_loop3A_599 : memref<4352xi32, #tpu.memory_space<vmem>>[vector<16xi32>], vector<16xi32>, vector<16xi1>
          %parallel_loop3A_625 = arith.constant 192 : i32
          %parallel_loop3A_626 = arith.addi %parallel_loop3A_164, %parallel_loop3A_625 : i32
          %parallel_loop3A_627 = arith.index_cast %parallel_loop3A_626 : i32 to index
          %parallel_loop3A_628 = tpu.vector_load %arg10[%parallel_loop3A_627] {strides = array<i32>} : memref<8192xi32, #tpu.memory_space<vmem>>, vector<16xi32>,
          %parallel_loop3A_629 = vector.broadcast %multiple_of3A : i32 to vector<16xi32>
          %parallel_loop3A_630 = arith.subi %parallel_loop3A_628, %parallel_loop3A_629 : vector<16xi32>
          %parallel_loop3A_631 = arith.constant 0 : i32
          %parallel_loop3A_632 = vector.broadcast %parallel_loop3A_631 : i32 to vector<16xi32>
          %parallel_loop3A_633 = arith.cmpi sge, %parallel_loop3A_630, %parallel_loop3A_632 : vector<16xi32>
          %parallel_loop3A_634 = arith.constant 784 : i32
          %parallel_loop3A_635 = vector.broadcast %parallel_loop3A_634 : i32 to vector<16xi32>
          %parallel_loop3A_636 = arith.cmpi slt, %parallel_loop3A_630, %parallel_loop3A_635 : vector<16xi32>
          %parallel_loop3A_637 = arith.andi %parallel_loop3A_633, %parallel_loop3A_636 : vector<16xi1>
          %parallel_loop3A_638 = arith.constant 1 : i32
          %parallel_loop3A_639 = arith.constant 0 : i32
          %parallel_loop3A_640 = vector.broadcast %parallel_loop3A_638 : i32 to vector<16xi32>
          %parallel_loop3A_641 = vector.broadcast %parallel_loop3A_639 : i32 to vector<16xi32>
          %parallel_loop3A_642 = arith.select %parallel_loop3A_637, %parallel_loop3A_640, %parallel_loop3A_641 : vector<16xi1>, vector<16xi32>
          %parallel_loop3A_643 = arith.constant true
          %parallel_loop3A_644 = vector.broadcast %parallel_loop3A_643 : i1 to vector<16xi1>
          %parallel_loop3A_645 = tpu.scan <sum>, %parallel_loop3A_642 masked %parallel_loop3A_644 : vector<16xi32>, vector<16xi1> -> vector<16xi32>
          %parallel_loop3A_646 = arith.constant 12 : i32
          %parallel_loop3A_647 = vector.broadcast %parallel_loop3A_646 : i32 to vector<16x1xi32>
          %parallel_loop3A_648 = vector.shape_cast %parallel_loop3A_647 : vector<16x1xi32> to vector<16xi32>
          %parallel_loop3A_649 = tpu.dynamic_gather %parallel_loop3A_168[%parallel_loop3A_648] in [0] : vector<16xi32>, vector<16xi32> -> vector<16xi32>
          %parallel_loop3A_650 = arith.addi %parallel_loop3A_649, %parallel_loop3A_645 : vector<16xi32>
          %parallel_loop3A_651 = arith.constant 1 : i32
          %parallel_loop3A_652 = vector.broadcast %parallel_loop3A_651 : i32 to vector<16xi32>
          %parallel_loop3A_653 = arith.subi %parallel_loop3A_650, %parallel_loop3A_652 : vector<16xi32>
          %parallel_loop3A_654 = arith.constant 256 : i32
          %parallel_loop3A_655 = arith.muli %parallel_loop3A_160, %parallel_loop3A_654 : i32
          %parallel_loop3A_656 = arith.addi %multiple_of3A_102, %parallel_loop3A_655 : i32
          %parallel_loop3A_657 = arith.constant 192 : i32
          %parallel_loop3A_658 = arith.addi %parallel_loop3A_656, %parallel_loop3A_657 : i32
          %parallel_loop3A_659 = vector.broadcast %parallel_loop3A_658 : i32 to vector<16xi32>
          %parallel_loop3A_660 = arith.addi %parallel_loop3A_659, %iota3A : vector<16xi32>
          tpu.vector_store_idx %arg14[%parallel_loop3A_653], %parallel_loop3A_660 masked %parallel_loop3A_637 : memref<4352xi32, #tpu.memory_space<vmem>>[vector<16xi32>], vector<16xi32>, vector<16xi1>
          %parallel_loop3A_661 = vector.broadcast %mul3A_2 : i32 to vector<16xi32>
          %parallel_loop3A_662 = arith.addi %parallel_loop3A_630, %parallel_loop3A_661 : vector<16xi32>
          tpu.vector_store_idx %arg15[%parallel_loop3A_653], %parallel_loop3A_662 masked %parallel_loop3A_637 : memref<4352xi32, #tpu.memory_space<vmem>>[vector<16xi32>], vector<16xi32>, vector<16xi1>
          %parallel_loop3A_663 = arith.constant 208 : i32
          %parallel_loop3A_664 = arith.addi %parallel_loop3A_164, %parallel_loop3A_663 : i32
          %parallel_loop3A_665 = arith.index_cast %parallel_loop3A_664 : i32 to index
          %parallel_loop3A_666 = tpu.vector_load %arg10[%parallel_loop3A_665] {strides = array<i32>} : memref<8192xi32, #tpu.memory_space<vmem>>, vector<16xi32>,
          %parallel_loop3A_667 = vector.broadcast %multiple_of3A : i32 to vector<16xi32>
          %parallel_loop3A_668 = arith.subi %parallel_loop3A_666, %parallel_loop3A_667 : vector<16xi32>
          %parallel_loop3A_669 = arith.constant 0 : i32
          %parallel_loop3A_670 = vector.broadcast %parallel_loop3A_669 : i32 to vector<16xi32>
          %parallel_loop3A_671 = arith.cmpi sge, %parallel_loop3A_668, %parallel_loop3A_670 : vector<16xi32>
          %parallel_loop3A_672 = arith.constant 784 : i32
          %parallel_loop3A_673 = vector.broadcast %parallel_loop3A_672 : i32 to vector<16xi32>
          %parallel_loop3A_674 = arith.cmpi slt, %parallel_loop3A_668, %parallel_loop3A_673 : vector<16xi32>
          %parallel_loop3A_675 = arith.andi %parallel_loop3A_671, %parallel_loop3A_674 : vector<16xi1>
          %parallel_loop3A_676 = arith.constant 1 : i32
          %parallel_loop3A_677 = arith.constant 0 : i32
          %parallel_loop3A_678 = vector.broadcast %parallel_loop3A_676 : i32 to vector<16xi32>
          %parallel_loop3A_679 = vector.broadcast %parallel_loop3A_677 : i32 to vector<16xi32>
          %parallel_loop3A_680 = arith.select %parallel_loop3A_675, %parallel_loop3A_678, %parallel_loop3A_679 : vector<16xi1>, vector<16xi32>
          %parallel_loop3A_681 = arith.constant true
          %parallel_loop3A_682 = vector.broadcast %parallel_loop3A_681 : i1 to vector<16xi1>
          %parallel_loop3A_683 = tpu.scan <sum>, %parallel_loop3A_680 masked %parallel_loop3A_682 : vector<16xi32>, vector<16xi1> -> vector<16xi32>
          %parallel_loop3A_684 = arith.constant 13 : i32
          %parallel_loop3A_685 = vector.broadcast %parallel_loop3A_684 : i32 to vector<16x1xi32>
          %parallel_loop3A_686 = vector.shape_cast %parallel_loop3A_685 : vector<16x1xi32> to vector<16xi32>
          %parallel_loop3A_687 = tpu.dynamic_gather %parallel_loop3A_168[%parallel_loop3A_686] in [0] : vector<16xi32>, vector<16xi32> -> vector<16xi32>
          %parallel_loop3A_688 = arith.addi %parallel_loop3A_687, %parallel_loop3A_683 : vector<16xi32>
          %parallel_loop3A_689 = arith.constant 1 : i32
          %parallel_loop3A_690 = vector.broadcast %parallel_loop3A_689 : i32 to vector<16xi32>
          %parallel_loop3A_691 = arith.subi %parallel_loop3A_688, %parallel_loop3A_690 : vector<16xi32>
          %parallel_loop3A_692 = arith.constant 256 : i32
          %parallel_loop3A_693 = arith.muli %parallel_loop3A_160, %parallel_loop3A_692 : i32
          %parallel_loop3A_694 = arith.addi %multiple_of3A_102, %parallel_loop3A_693 : i32
          %parallel_loop3A_695 = arith.constant 208 : i32
          %parallel_loop3A_696 = arith.addi %parallel_loop3A_694, %parallel_loop3A_695 : i32
          %parallel_loop3A_697 = vector.broadcast %parallel_loop3A_696 : i32 to vector<16xi32>
          %parallel_loop3A_698 = arith.addi %parallel_loop3A_697, %iota3A : vector<16xi32>
          tpu.vector_store_idx %arg14[%parallel_loop3A_691], %parallel_loop3A_698 masked %parallel_loop3A_675 : memref<4352xi32, #tpu.memory_space<vmem>>[vector<16xi32>], vector<16xi32>, vector<16xi1>
          %parallel_loop3A_699 = vector.broadcast %mul3A_2 : i32 to vector<16xi32>
          %parallel_loop3A_700 = arith.addi %parallel_loop3A_668, %parallel_loop3A_699 : vector<16xi32>
          tpu.vector_store_idx %arg15[%parallel_loop3A_691], %parallel_loop3A_700 masked %parallel_loop3A_675 : memref<4352xi32, #tpu.memory_space<vmem>>[vector<16xi32>], vector<16xi32>, vector<16xi1>
          %parallel_loop3A_701 = arith.constant 224 : i32
          %parallel_loop3A_702 = arith.addi %parallel_loop3A_164, %parallel_loop3A_701 : i32
          %parallel_loop3A_703 = arith.index_cast %parallel_loop3A_702 : i32 to index
          %parallel_loop3A_704 = tpu.vector_load %arg10[%parallel_loop3A_703] {strides = array<i32>} : memref<8192xi32, #tpu.memory_space<vmem>>, vector<16xi32>,
          %parallel_loop3A_705 = vector.broadcast %multiple_of3A : i32 to vector<16xi32>
          %parallel_loop3A_706 = arith.subi %parallel_loop3A_704, %parallel_loop3A_705 : vector<16xi32>
          %parallel_loop3A_707 = arith.constant 0 : i32
          %parallel_loop3A_708 = vector.broadcast %parallel_loop3A_707 : i32 to vector<16xi32>
          %parallel_loop3A_709 = arith.cmpi sge, %parallel_loop3A_706, %parallel_loop3A_708 : vector<16xi32>
          %parallel_loop3A_710 = arith.constant 784 : i32
          %parallel_loop3A_711 = vector.broadcast %parallel_loop3A_710 : i32 to vector<16xi32>
          %parallel_loop3A_712 = arith.cmpi slt, %parallel_loop3A_706, %parallel_loop3A_711 : vector<16xi32>
          %parallel_loop3A_713 = arith.andi %parallel_loop3A_709, %parallel_loop3A_712 : vector<16xi1>
          %parallel_loop3A_714 = arith.constant 1 : i32
          %parallel_loop3A_715 = arith.constant 0 : i32
          %parallel_loop3A_716 = vector.broadcast %parallel_loop3A_714 : i32 to vector<16xi32>
          %parallel_loop3A_717 = vector.broadcast %parallel_loop3A_715 : i32 to vector<16xi32>
          %parallel_loop3A_718 = arith.select %parallel_loop3A_713, %parallel_loop3A_716, %parallel_loop3A_717 : vector<16xi1>, vector<16xi32>
          %parallel_loop3A_719 = arith.constant true
          %parallel_loop3A_720 = vector.broadcast %parallel_loop3A_719 : i1 to vector<16xi1>
          %parallel_loop3A_721 = tpu.scan <sum>, %parallel_loop3A_718 masked %parallel_loop3A_720 : vector<16xi32>, vector<16xi1> -> vector<16xi32>
          %parallel_loop3A_722 = arith.constant 14 : i32
          %parallel_loop3A_723 = vector.broadcast %parallel_loop3A_722 : i32 to vector<16x1xi32>
          %parallel_loop3A_724 = vector.shape_cast %parallel_loop3A_723 : vector<16x1xi32> to vector<16xi32>
          %parallel_loop3A_725 = tpu.dynamic_gather %parallel_loop3A_168[%parallel_loop3A_724] in [0] : vector<16xi32>, vector<16xi32> -> vector<16xi32>
          %parallel_loop3A_726 = arith.addi %parallel_loop3A_725, %parallel_loop3A_721 : vector<16xi32>
          %parallel_loop3A_727 = arith.constant 1 : i32
          %parallel_loop3A_728 = vector.broadcast %parallel_loop3A_727 : i32 to vector<16xi32>
          %parallel_loop3A_729 = arith.subi %parallel_loop3A_726, %parallel_loop3A_728 : vector<16xi32>
          %parallel_loop3A_730 = arith.constant 256 : i32
          %parallel_loop3A_731 = arith.muli %parallel_loop3A_160, %parallel_loop3A_730 : i32
          %parallel_loop3A_732 = arith.addi %multiple_of3A_102, %parallel_loop3A_731 : i32
          %parallel_loop3A_733 = arith.constant 224 : i32
          %parallel_loop3A_734 = arith.addi %parallel_loop3A_732, %parallel_loop3A_733 : i32
          %parallel_loop3A_735 = vector.broadcast %parallel_loop3A_734 : i32 to vector<16xi32>
          %parallel_loop3A_736 = arith.addi %parallel_loop3A_735, %iota3A : vector<16xi32>
          tpu.vector_store_idx %arg14[%parallel_loop3A_729], %parallel_loop3A_736 masked %parallel_loop3A_713 : memref<4352xi32, #tpu.memory_space<vmem>>[vector<16xi32>], vector<16xi32>, vector<16xi1>
          %parallel_loop3A_737 = vector.broadcast %mul3A_2 : i32 to vector<16xi32>
          %parallel_loop3A_738 = arith.addi %parallel_loop3A_706, %parallel_loop3A_737 : vector<16xi32>
          tpu.vector_store_idx %arg15[%parallel_loop3A_729], %parallel_loop3A_738 masked %parallel_loop3A_713 : memref<4352xi32, #tpu.memory_space<vmem>>[vector<16xi32>], vector<16xi32>, vector<16xi1>
          %parallel_loop3A_739 = arith.constant 240 : i32
          %parallel_loop3A_740 = arith.addi %parallel_loop3A_164, %parallel_loop3A_739 : i32
          %parallel_loop3A_741 = arith.index_cast %parallel_loop3A_740 : i32 to index
          %parallel_loop3A_742 = tpu.vector_load %arg10[%parallel_loop3A_741] {strides = array<i32>} : memref<8192xi32, #tpu.memory_space<vmem>>, vector<16xi32>,
          %parallel_loop3A_743 = vector.broadcast %multiple_of3A : i32 to vector<16xi32>
          %parallel_loop3A_744 = arith.subi %parallel_loop3A_742, %parallel_loop3A_743 : vector<16xi32>
          %parallel_loop3A_745 = arith.constant 0 : i32
          %parallel_loop3A_746 = vector.broadcast %parallel_loop3A_745 : i32 to vector<16xi32>
          %parallel_loop3A_747 = arith.cmpi sge, %parallel_loop3A_744, %parallel_loop3A_746 : vector<16xi32>
          %parallel_loop3A_748 = arith.constant 784 : i32
          %parallel_loop3A_749 = vector.broadcast %parallel_loop3A_748 : i32 to vector<16xi32>
          %parallel_loop3A_750 = arith.cmpi slt, %parallel_loop3A_744, %parallel_loop3A_749 : vector<16xi32>
          %parallel_loop3A_751 = arith.andi %parallel_loop3A_747, %parallel_loop3A_750 : vector<16xi1>
          %parallel_loop3A_752 = arith.constant 1 : i32
          %parallel_loop3A_753 = arith.constant 0 : i32
          %parallel_loop3A_754 = vector.broadcast %parallel_loop3A_752 : i32 to vector<16xi32>
          %parallel_loop3A_755 = vector.broadcast %parallel_loop3A_753 : i32 to vector<16xi32>
          %parallel_loop3A_756 = arith.select %parallel_loop3A_751, %parallel_loop3A_754, %parallel_loop3A_755 : vector<16xi1>, vector<16xi32>
          %parallel_loop3A_757 = arith.constant true
          %parallel_loop3A_758 = vector.broadcast %parallel_loop3A_757 : i1 to vector<16xi1>
          %parallel_loop3A_759 = tpu.scan <sum>, %parallel_loop3A_756 masked %parallel_loop3A_758 : vector<16xi32>, vector<16xi1> -> vector<16xi32>
          %parallel_loop3A_760 = arith.constant 15 : i32
          %parallel_loop3A_761 = vector.broadcast %parallel_loop3A_760 : i32 to vector<16x1xi32>
          %parallel_loop3A_762 = vector.shape_cast %parallel_loop3A_761 : vector<16x1xi32> to vector<16xi32>
          %parallel_loop3A_763 = tpu.dynamic_gather %parallel_loop3A_168[%parallel_loop3A_762] in [0] : vector<16xi32>, vector<16xi32> -> vector<16xi32>
          %parallel_loop3A_764 = arith.addi %parallel_loop3A_763, %parallel_loop3A_759 : vector<16xi32>
          %parallel_loop3A_765 = arith.constant 1 : i32
          %parallel_loop3A_766 = vector.broadcast %parallel_loop3A_765 : i32 to vector<16xi32>
          %parallel_loop3A_767 = arith.subi %parallel_loop3A_764, %parallel_loop3A_766 : vector<16xi32>
          %parallel_loop3A_768 = arith.constant 256 : i32
          %parallel_loop3A_769 = arith.muli %parallel_loop3A_160, %parallel_loop3A_768 : i32
          %parallel_loop3A_770 = arith.addi %multiple_of3A_102, %parallel_loop3A_769 : i32
          %parallel_loop3A_771 = arith.constant 240 : i32
          %parallel_loop3A_772 = arith.addi %parallel_loop3A_770, %parallel_loop3A_771 : i32
          %parallel_loop3A_773 = vector.broadcast %parallel_loop3A_772 : i32 to vector<16xi32>
          %parallel_loop3A_774 = arith.addi %parallel_loop3A_773, %iota3A : vector<16xi32>
          tpu.vector_store_idx %arg14[%parallel_loop3A_767], %parallel_loop3A_774 masked %parallel_loop3A_751 : memref<4352xi32, #tpu.memory_space<vmem>>[vector<16xi32>], vector<16xi32>, vector<16xi1>
          %parallel_loop3A_775 = vector.broadcast %mul3A_2 : i32 to vector<16xi32>
          %parallel_loop3A_776 = arith.addi %parallel_loop3A_744, %parallel_loop3A_775 : vector<16xi32>
          tpu.vector_store_idx %arg15[%parallel_loop3A_767], %parallel_loop3A_776 masked %parallel_loop3A_751 : memref<4352xi32, #tpu.memory_space<vmem>>[vector<16xi32>], vector<16xi32>, vector<16xi1>
        } {sc.loop_unroll_factor = 2 : i64, sc.parallel_access}
        %eq3A_124 = arith.constant 15 : i32
        %eq3A_125 = vector.broadcast %eq3A_124 : i32 to vector<16xi32>
        %eq3A_126 = arith.cmpi eq, %iota3A, %eq3A_125 : vector<16xi32>
        %jit3A = arith.constant 0 : i32
        %broadcast_in_dim3A_127 = vector.broadcast %jit3A : i32 to vector<16xi32>
        %select_n3A = arith.select %eq3A_126, %scan3A_119, %broadcast_in_dim3A_127 : vector<16xi1>, vector<16xi32>
        %reduce_sum3A = arith.constant true
        %reduce_sum3A_128 = vector.broadcast %reduce_sum3A : i1 to vector<16xi1>
        %reduce_sum3A_129 = tpu.scan <sum>, %select_n3A masked %reduce_sum3A_128 : vector<16xi32>, vector<16xi1> -> vector<16xi32>
        %reduce_sum3A_130 = vector.extract %reduce_sum3A_129[15] : i32 from vector<16xi32>
        %while3A = arith.constant 0 : i32
        %while3A_131:2 = scf.while (%while3A_160 = %while3A, %while3A_161 = %reduce_sum3A_130) : (i32, i32) -> (i32, i32) {
          %add3A_162 = arith.constant 256 : i32
          %add3A_163 = arith.addi %while3A_160, %add3A_162 : i32
          %le3A = arith.cmpi sle, %add3A_163, %while3A_161 : i32
          scf.condition(%le3A) %while3A_160, %while3A_161 : i32, i32
        } do {
        ^bb0(%while3A_160: i32, %while3A_161: i32):
          %multiple_of3A_162 = tpu.assume_multiple %while3A_160, 256 : i32
          %scan3A_163 = arith.constant 0 : i32
          %scan3A_164 = arith.constant 0 : i32
          %scan3A_165 = arith.constant 16 : i32
          %scan3A_166 = arith.addi %scan3A_164, %scan3A_165 : i32
          %scan3A_167 = arith.constant 1 : i32
          %scan3A_168 = scf.for %scan3A_200 = %scan3A_164 to %scan3A_166 step %scan3A_167 iter_args(%scan3A_201 = %scan3A_163) -> (i32)  : i32 {
            %mul3A_202 = arith.constant 16 : i32
            %mul3A_203 = arith.muli %scan3A_200, %mul3A_202 : i32
            %add3A_204 = arith.addi %multiple_of3A_162, %mul3A_203 : i32
            %get3A = arith.index_cast %add3A_204 : i32 to index
            %get3A_205 = tpu.vector_load %arg15[%get3A] {strides = array<i32>} : memref<4352xi32, #tpu.memory_space<vmem>>, vector<16xi32>,
            %mul3A_206 = arith.constant 16 : i32
            %mul3A_207 = arith.muli %scan3A_200, %mul3A_206 : i32
            %swap3A = arith.index_cast %mul3A_207 : i32 to index
            %swap3A_208 = tpu.vector_load %arg16[%swap3A] {strides = array<i32>} : memref<256xi32, #tpu.memory_space<vmem>>, vector<16xi32>,
            tpu.vector_store %arg16[%swap3A], %get3A_205 {strides = array<i32>} : memref<256xi32, #tpu.memory_space<vmem>>, vector<16xi32>,
            %scan3A_209 = arith.constant 0 : i32
            scf.yield %scan3A_209 : i32
          }
          %scan3A_169 = arith.constant 16 : i32
          %dma_start3A_170 = tpu.memref_slice %arg14[%multiple_of3A_162] : memref<4352xi32, #tpu.memory_space<vmem>> -> memref<256xi32, #tpu.memory_space<vmem>>
          %dma_start3A_171 = arith.constant 0 : i32
          %dma_start3A_172 = tpu.memref_slice %arg3[%dma_start3A_171] : memref<1605632xi32, #tpu.memory_space<hbm>> -> memref<1605632xi32, #tpu.memory_space<hbm>>
          tpu.enqueue_indirect_dma source(%dma_start3A_172 : memref<1605632xi32, #tpu.memory_space<hbm>>) target(%arg17 : memref<256xi32, #tpu.memory_space<vmem>>) offsets(%dma_start3A_170 : memref<256xi32, #tpu.memory_space<vmem>>) semaphore(%arg24 : memref<!tpu.dma_semaphore, #tpu.memory_space<semaphore_mem>>)
          %dma_wait3A_173 = tpu.memref_slice %arg14[%multiple_of3A_162] : memref<4352xi32, #tpu.memory_space<vmem>> -> memref<256xi32, #tpu.memory_space<vmem>>
          %dma_wait3A_174 = arith.constant 0 : i32
          %dma_wait3A_175 = tpu.memref_slice %arg3[%dma_wait3A_174] : memref<1605632xi32, #tpu.memory_space<hbm>> -> memref<1605632xi32, #tpu.memory_space<hbm>>
          tpu.wait_indirect_dma semaphore(%arg24 : memref<!tpu.dma_semaphore, #tpu.memory_space<semaphore_mem>>) src(%dma_wait3A_175 : memref<1605632xi32, #tpu.memory_space<hbm>>) dst(%arg17 : memref<256xi32, #tpu.memory_space<vmem>>)
          %dma_start3A_176 = arith.constant 0 : i32
          %dma_start3A_177 = arith.constant 0 : i32
          %dma_start3A_178 = tpu.memref_slice %arg2[%dma_start3A_176, %dma_start3A_177] : memref<50000x32xf32, #tpu.memory_space<hbm>> -> memref<50000x32xf32, #tpu.memory_space<hbm>>
          tpu.enqueue_indirect_dma source(%dma_start3A_178 : memref<50000x32xf32, #tpu.memory_space<hbm>>) target(%arg18 : memref<256x32xf32, #tpu.memory_space<vmem>>) offsets(%arg17 : memref<256xi32, #tpu.memory_space<vmem>>) semaphore(%arg24 : memref<!tpu.dma_semaphore, #tpu.memory_space<semaphore_mem>>)
          %dma_wait3A_179 = arith.constant 0 : i32
          %dma_wait3A_180 = arith.constant 0 : i32
          %dma_wait3A_181 = tpu.memref_slice %arg2[%dma_wait3A_179, %dma_wait3A_180] : memref<50000x32xf32, #tpu.memory_space<hbm>> -> memref<50000x32xf32, #tpu.memory_space<hbm>>
          tpu.wait_indirect_dma semaphore(%arg24 : memref<!tpu.dma_semaphore, #tpu.memory_space<semaphore_mem>>) src(%dma_wait3A_181 : memref<50000x32xf32, #tpu.memory_space<hbm>>) dst(%arg18 : memref<256x32xf32, #tpu.memory_space<vmem>>)
          %dma_start3A_182 = arith.constant 0 : i32
          %dma_start3A_183 = arith.constant 0 : i32
          %dma_start3A_184 = tpu.memref_slice %arg22[%dma_start3A_182, %dma_start3A_183] : memref<12672x32xf32, #tpu.memory_space<vmem_shared>> -> memref<12672x32xf32, #tpu.memory_space<vmem_shared>>
          tpu.enqueue_indirect_dma source(%arg18 : memref<256x32xf32, #tpu.memory_space<vmem>>) target(%dma_start3A_184 : memref<12672x32xf32, #tpu.memory_space<vmem_shared>>) offsets(%arg16 : memref<256xi32, #tpu.memory_space<vmem>>) semaphore(%arg24 : memref<!tpu.dma_semaphore, #tpu.memory_space<semaphore_mem>>) {add = true}
          %scan3A_185 = arith.constant 0 : i32
          %scan3A_186 = arith.constant 0 : i32
          %scan3A_187 = arith.constant 16 : i32
          %scan3A_188 = arith.addi %scan3A_186, %scan3A_187 : i32
          %scan3A_189 = arith.constant 1 : i32
          %scan3A_190 = scf.for %scan3A_200 = %scan3A_186 to %scan3A_188 step %scan3A_189 iter_args(%scan3A_201 = %scan3A_185) -> (i32)  : i32 {
            %mul3A_202 = arith.constant 16 : i32
            %mul3A_203 = arith.muli %scan3A_200, %mul3A_202 : i32
            %add3A_204 = arith.addi %multiple_of3A_162, %mul3A_203 : i32
            %get3A = arith.index_cast %add3A_204 : i32 to index
            %get3A_205 = tpu.vector_load %arg15[%get3A] {strides = array<i32>} : memref<4352xi32, #tpu.memory_space<vmem>>, vector<16xi32>,
            %sub3A_206 = vector.broadcast %mul3A_2 : i32 to vector<16xi32>
            %sub3A_207 = arith.subi %get3A_205, %sub3A_206 : vector<16xi32>
            %broadcast_in_dim3A_208 = arith.constant 0 : i32
            %broadcast_in_dim3A_209 = vector.broadcast %broadcast_in_dim3A_208 : i32 to vector<16x1xi32>
            %gather3A = vector.shape_cast %broadcast_in_dim3A_209 : vector<16x1xi32> to vector<16xi32>
            %gather3A_210 = tpu.dynamic_gather %sub3A_207[%gather3A] in [0] : vector<16xi32>, vector<16xi32> -> vector<16xi32>
            %mul3A_211 = arith.constant 16 : i32
            %mul3A_212 = arith.muli %scan3A_200, %mul3A_211 : i32
            %add3A_213 = arith.constant 0 : i32
            %add3A_214 = arith.addi %mul3A_212, %add3A_213 : i32
            %get3A_215 = arith.index_cast %add3A_214 : i32 to index
            %get3A_216 = arith.constant 0 : index
            %get3A_217 = tpu.vector_load %arg18[%get3A_215, %get3A_216] {strides = array<i32>} : memref<256x32xf32, #tpu.memory_space<vmem>>, vector<16xf32>,
            %get3A_218 = arith.index_cast %add3A_214 : i32 to index
            %get3A_219 = arith.constant 16 : index
            %get3A_220 = tpu.vector_load %arg18[%get3A_218, %get3A_219] {strides = array<i32>} : memref<256x32xf32, #tpu.memory_space<vmem>>, vector<16xf32>,
            %gather3A_221 = tpu.vector_load_idx %arg19[%gather3A_210, %iota3A] : memref<792x32xf32, #tpu.memory_space<vmem>>[vector<16xi32>, vector<16xi32>], vector<16xf32>,
            %max3A = arith.maximumf %gather3A_221, %get3A_217 : vector<16xf32>
            tpu.vector_store_idx %arg19[%gather3A_210, %iota3A], %max3A : memref<792x32xf32, #tpu.memory_space<vmem>>[vector<16xi32>, vector<16xi32>], vector<16xf32>,
            %gather3A_222 = tpu.vector_load_idx %arg19[%gather3A_210, %add3A_5] : memref<792x32xf32, #tpu.memory_space<vmem>>[vector<16xi32>, vector<16xi32>], vector<16xf32>,
            %max3A_223 = arith.maximumf %gather3A_222, %get3A_220 : vector<16xf32>
            tpu.vector_store_idx %arg19[%gather3A_210, %add3A_5], %max3A_223 : memref<792x32xf32, #tpu.memory_space<vmem>>[vector<16xi32>, vector<16xi32>], vector<16xf32>,
            %gather3A_224 = tpu.vector_load_idx %arg20[%gather3A_210, %iota3A] : memref<792x32xf32, #tpu.memory_space<vmem>>[vector<16xi32>, vector<16xi32>], vector<16xf32>,
            %min3A = arith.minimumf %gather3A_224, %get3A_217 : vector<16xf32>
            tpu.vector_store_idx %arg20[%gather3A_210, %iota3A], %min3A : memref<792x32xf32, #tpu.memory_space<vmem>>[vector<16xi32>, vector<16xi32>], vector<16xf32>,
            %gather3A_225 = tpu.vector_load_idx %arg20[%gather3A_210, %add3A_5] : memref<792x32xf32, #tpu.memory_space<vmem>>[vector<16xi32>, vector<16xi32>], vector<16xf32>,
            %min3A_226 = arith.minimumf %gather3A_225, %get3A_220 : vector<16xf32>
            tpu.vector_store_idx %arg20[%gather3A_210, %add3A_5], %min3A_226 : memref<792x32xf32, #tpu.memory_space<vmem>>[vector<16xi32>, vector<16xi32>], vector<16xf32>,
            tpu.vector_store_idx %arg21[%gather3A_210], %broadcast_in_dim3A_8 masked %eq3A_7 {add = true} : memref<800xf32, #tpu.memory_space<vmem>>[vector<16xi32>], vector<16xf32>, vector<16xi1>
            %broadcast_in_dim3A_227 = arith.constant 1 : i32
            %broadcast_in_dim3A_228 = vector.broadcast %broadcast_in_dim3A_227 : i32 to vector<16x1xi32>
            %gather3A_229 = vector.shape_cast %broadcast_in_dim3A_228 : vector<16x1xi32> to vector<16xi32>
            %gather3A_230 = tpu.dynamic_gather %sub3A_207[%gather3A_229] in [0] : vector<16xi32>, vector<16xi32> -> vector<16xi32>
            %mul3A_231 = arith.constant 16 : i32
            %mul3A_232 = arith.muli %scan3A_200, %mul3A_231 : i32
            %add3A_233 = arith.constant 1 : i32
            %add3A_234 = arith.addi %mul3A_232, %add3A_233 : i32
            %get3A_235 = arith.index_cast %add3A_234 : i32 to index
            %get3A_236 = arith.constant 0 : index
            %get3A_237 = tpu.vector_load %arg18[%get3A_235, %get3A_236] {strides = array<i32>} : memref<256x32xf32, #tpu.memory_space<vmem>>, vector<16xf32>,
            %get3A_238 = arith.index_cast %add3A_234 : i32 to index
            %get3A_239 = arith.constant 16 : index
            %get3A_240 = tpu.vector_load %arg18[%get3A_238, %get3A_239] {strides = array<i32>} : memref<256x32xf32, #tpu.memory_space<vmem>>, vector<16xf32>,
            %gather3A_241 = tpu.vector_load_idx %arg19[%gather3A_230, %iota3A] : memref<792x32xf32, #tpu.memory_space<vmem>>[vector<16xi32>, vector<16xi32>], vector<16xf32>,
            %max3A_242 = arith.maximumf %gather3A_241, %get3A_237 : vector<16xf32>
            tpu.vector_store_idx %arg19[%gather3A_230, %iota3A], %max3A_242 : memref<792x32xf32, #tpu.memory_space<vmem>>[vector<16xi32>, vector<16xi32>], vector<16xf32>,
            %gather3A_243 = tpu.vector_load_idx %arg19[%gather3A_230, %add3A_5] : memref<792x32xf32, #tpu.memory_space<vmem>>[vector<16xi32>, vector<16xi32>], vector<16xf32>,
            %max3A_244 = arith.maximumf %gather3A_243, %get3A_240 : vector<16xf32>
            tpu.vector_store_idx %arg19[%gather3A_230, %add3A_5], %max3A_244 : memref<792x32xf32, #tpu.memory_space<vmem>>[vector<16xi32>, vector<16xi32>], vector<16xf32>,
            %gather3A_245 = tpu.vector_load_idx %arg20[%gather3A_230, %iota3A] : memref<792x32xf32, #tpu.memory_space<vmem>>[vector<16xi32>, vector<16xi32>], vector<16xf32>,
            %min3A_246 = arith.minimumf %gather3A_245, %get3A_237 : vector<16xf32>
            tpu.vector_store_idx %arg20[%gather3A_230, %iota3A], %min3A_246 : memref<792x32xf32, #tpu.memory_space<vmem>>[vector<16xi32>, vector<16xi32>], vector<16xf32>,
            %gather3A_247 = tpu.vector_load_idx %arg20[%gather3A_230, %add3A_5] : memref<792x32xf32, #tpu.memory_space<vmem>>[vector<16xi32>, vector<16xi32>], vector<16xf32>,
            %min3A_248 = arith.minimumf %gather3A_247, %get3A_240 : vector<16xf32>
            tpu.vector_store_idx %arg20[%gather3A_230, %add3A_5], %min3A_248 : memref<792x32xf32, #tpu.memory_space<vmem>>[vector<16xi32>, vector<16xi32>], vector<16xf32>,
            tpu.vector_store_idx %arg21[%gather3A_230], %broadcast_in_dim3A_8 masked %eq3A_7 {add = true} : memref<800xf32, #tpu.memory_space<vmem>>[vector<16xi32>], vector<16xf32>, vector<16xi1>
            %broadcast_in_dim3A_249 = arith.constant 2 : i32
            %broadcast_in_dim3A_250 = vector.broadcast %broadcast_in_dim3A_249 : i32 to vector<16x1xi32>
            %gather3A_251 = vector.shape_cast %broadcast_in_dim3A_250 : vector<16x1xi32> to vector<16xi32>
            %gather3A_252 = tpu.dynamic_gather %sub3A_207[%gather3A_251] in [0] : vector<16xi32>, vector<16xi32> -> vector<16xi32>
            %mul3A_253 = arith.constant 16 : i32
            %mul3A_254 = arith.muli %scan3A_200, %mul3A_253 : i32
            %add3A_255 = arith.constant 2 : i32
            %add3A_256 = arith.addi %mul3A_254, %add3A_255 : i32
            %get3A_257 = arith.index_cast %add3A_256 : i32 to index
            %get3A_258 = arith.constant 0 : index
            %get3A_259 = tpu.vector_load %arg18[%get3A_257, %get3A_258] {strides = array<i32>} : memref<256x32xf32, #tpu.memory_space<vmem>>, vector<16xf32>,
            %get3A_260 = arith.index_cast %add3A_256 : i32 to index
            %get3A_261 = arith.constant 16 : index
            %get3A_262 = tpu.vector_load %arg18[%get3A_260, %get3A_261] {strides = array<i32>} : memref<256x32xf32, #tpu.memory_space<vmem>>, vector<16xf32>,
            %gather3A_263 = tpu.vector_load_idx %arg19[%gather3A_252, %iota3A] : memref<792x32xf32, #tpu.memory_space<vmem>>[vector<16xi32>, vector<16xi32>], vector<16xf32>,
            %max3A_264 = arith.maximumf %gather3A_263, %get3A_259 : vector<16xf32>
            tpu.vector_store_idx %arg19[%gather3A_252, %iota3A], %max3A_264 : memref<792x32xf32, #tpu.memory_space<vmem>>[vector<16xi32>, vector<16xi32>], vector<16xf32>,
            %gather3A_265 = tpu.vector_load_idx %arg19[%gather3A_252, %add3A_5] : memref<792x32xf32, #tpu.memory_space<vmem>>[vector<16xi32>, vector<16xi32>], vector<16xf32>,
            %max3A_266 = arith.maximumf %gather3A_265, %get3A_262 : vector<16xf32>
            tpu.vector_store_idx %arg19[%gather3A_252, %add3A_5], %max3A_266 : memref<792x32xf32, #tpu.memory_space<vmem>>[vector<16xi32>, vector<16xi32>], vector<16xf32>,
            %gather3A_267 = tpu.vector_load_idx %arg20[%gather3A_252, %iota3A] : memref<792x32xf32, #tpu.memory_space<vmem>>[vector<16xi32>, vector<16xi32>], vector<16xf32>,
            %min3A_268 = arith.minimumf %gather3A_267, %get3A_259 : vector<16xf32>
            tpu.vector_store_idx %arg20[%gather3A_252, %iota3A], %min3A_268 : memref<792x32xf32, #tpu.memory_space<vmem>>[vector<16xi32>, vector<16xi32>], vector<16xf32>,
            %gather3A_269 = tpu.vector_load_idx %arg20[%gather3A_252, %add3A_5] : memref<792x32xf32, #tpu.memory_space<vmem>>[vector<16xi32>, vector<16xi32>], vector<16xf32>,
            %min3A_270 = arith.minimumf %gather3A_269, %get3A_262 : vector<16xf32>
            tpu.vector_store_idx %arg20[%gather3A_252, %add3A_5], %min3A_270 : memref<792x32xf32, #tpu.memory_space<vmem>>[vector<16xi32>, vector<16xi32>], vector<16xf32>,
            tpu.vector_store_idx %arg21[%gather3A_252], %broadcast_in_dim3A_8 masked %eq3A_7 {add = true} : memref<800xf32, #tpu.memory_space<vmem>>[vector<16xi32>], vector<16xf32>, vector<16xi1>
            %broadcast_in_dim3A_271 = arith.constant 3 : i32
            %broadcast_in_dim3A_272 = vector.broadcast %broadcast_in_dim3A_271 : i32 to vector<16x1xi32>
            %gather3A_273 = vector.shape_cast %broadcast_in_dim3A_272 : vector<16x1xi32> to vector<16xi32>
            %gather3A_274 = tpu.dynamic_gather %sub3A_207[%gather3A_273] in [0] : vector<16xi32>, vector<16xi32> -> vector<16xi32>
            %mul3A_275 = arith.constant 16 : i32
            %mul3A_276 = arith.muli %scan3A_200, %mul3A_275 : i32
            %add3A_277 = arith.constant 3 : i32
            %add3A_278 = arith.addi %mul3A_276, %add3A_277 : i32
            %get3A_279 = arith.index_cast %add3A_278 : i32 to index
            %get3A_280 = arith.constant 0 : index
            %get3A_281 = tpu.vector_load %arg18[%get3A_279, %get3A_280] {strides = array<i32>} : memref<256x32xf32, #tpu.memory_space<vmem>>, vector<16xf32>,
            %get3A_282 = arith.index_cast %add3A_278 : i32 to index
            %get3A_283 = arith.constant 16 : index
            %get3A_284 = tpu.vector_load %arg18[%get3A_282, %get3A_283] {strides = array<i32>} : memref<256x32xf32, #tpu.memory_space<vmem>>, vector<16xf32>,
            %gather3A_285 = tpu.vector_load_idx %arg19[%gather3A_274, %iota3A] : memref<792x32xf32, #tpu.memory_space<vmem>>[vector<16xi32>, vector<16xi32>], vector<16xf32>,
            %max3A_286 = arith.maximumf %gather3A_285, %get3A_281 : vector<16xf32>
            tpu.vector_store_idx %arg19[%gather3A_274, %iota3A], %max3A_286 : memref<792x32xf32, #tpu.memory_space<vmem>>[vector<16xi32>, vector<16xi32>], vector<16xf32>,
            %gather3A_287 = tpu.vector_load_idx %arg19[%gather3A_274, %add3A_5] : memref<792x32xf32, #tpu.memory_space<vmem>>[vector<16xi32>, vector<16xi32>], vector<16xf32>,
            %max3A_288 = arith.maximumf %gather3A_287, %get3A_284 : vector<16xf32>
            tpu.vector_store_idx %arg19[%gather3A_274, %add3A_5], %max3A_288 : memref<792x32xf32, #tpu.memory_space<vmem>>[vector<16xi32>, vector<16xi32>], vector<16xf32>,
            %gather3A_289 = tpu.vector_load_idx %arg20[%gather3A_274, %iota3A] : memref<792x32xf32, #tpu.memory_space<vmem>>[vector<16xi32>, vector<16xi32>], vector<16xf32>,
            %min3A_290 = arith.minimumf %gather3A_289, %get3A_281 : vector<16xf32>
            tpu.vector_store_idx %arg20[%gather3A_274, %iota3A], %min3A_290 : memref<792x32xf32, #tpu.memory_space<vmem>>[vector<16xi32>, vector<16xi32>], vector<16xf32>,
            %gather3A_291 = tpu.vector_load_idx %arg20[%gather3A_274, %add3A_5] : memref<792x32xf32, #tpu.memory_space<vmem>>[vector<16xi32>, vector<16xi32>], vector<16xf32>,
            %min3A_292 = arith.minimumf %gather3A_291, %get3A_284 : vector<16xf32>
            tpu.vector_store_idx %arg20[%gather3A_274, %add3A_5], %min3A_292 : memref<792x32xf32, #tpu.memory_space<vmem>>[vector<16xi32>, vector<16xi32>], vector<16xf32>,
            tpu.vector_store_idx %arg21[%gather3A_274], %broadcast_in_dim3A_8 masked %eq3A_7 {add = true} : memref<800xf32, #tpu.memory_space<vmem>>[vector<16xi32>], vector<16xf32>, vector<16xi1>
            %broadcast_in_dim3A_293 = arith.constant 4 : i32
            %broadcast_in_dim3A_294 = vector.broadcast %broadcast_in_dim3A_293 : i32 to vector<16x1xi32>
            %gather3A_295 = vector.shape_cast %broadcast_in_dim3A_294 : vector<16x1xi32> to vector<16xi32>
            %gather3A_296 = tpu.dynamic_gather %sub3A_207[%gather3A_295] in [0] : vector<16xi32>, vector<16xi32> -> vector<16xi32>
            %mul3A_297 = arith.constant 16 : i32
            %mul3A_298 = arith.muli %scan3A_200, %mul3A_297 : i32
            %add3A_299 = arith.constant 4 : i32
            %add3A_300 = arith.addi %mul3A_298, %add3A_299 : i32
            %get3A_301 = arith.index_cast %add3A_300 : i32 to index
            %get3A_302 = arith.constant 0 : index
            %get3A_303 = tpu.vector_load %arg18[%get3A_301, %get3A_302] {strides = array<i32>} : memref<256x32xf32, #tpu.memory_space<vmem>>, vector<16xf32>,
            %get3A_304 = arith.index_cast %add3A_300 : i32 to index
            %get3A_305 = arith.constant 16 : index
            %get3A_306 = tpu.vector_load %arg18[%get3A_304, %get3A_305] {strides = array<i32>} : memref<256x32xf32, #tpu.memory_space<vmem>>, vector<16xf32>,
            %gather3A_307 = tpu.vector_load_idx %arg19[%gather3A_296, %iota3A] : memref<792x32xf32, #tpu.memory_space<vmem>>[vector<16xi32>, vector<16xi32>], vector<16xf32>,
            %max3A_308 = arith.maximumf %gather3A_307, %get3A_303 : vector<16xf32>
            tpu.vector_store_idx %arg19[%gather3A_296, %iota3A], %max3A_308 : memref<792x32xf32, #tpu.memory_space<vmem>>[vector<16xi32>, vector<16xi32>], vector<16xf32>,
            %gather3A_309 = tpu.vector_load_idx %arg19[%gather3A_296, %add3A_5] : memref<792x32xf32, #tpu.memory_space<vmem>>[vector<16xi32>, vector<16xi32>], vector<16xf32>,
            %max3A_310 = arith.maximumf %gather3A_309, %get3A_306 : vector<16xf32>
            tpu.vector_store_idx %arg19[%gather3A_296, %add3A_5], %max3A_310 : memref<792x32xf32, #tpu.memory_space<vmem>>[vector<16xi32>, vector<16xi32>], vector<16xf32>,
            %gather3A_311 = tpu.vector_load_idx %arg20[%gather3A_296, %iota3A] : memref<792x32xf32, #tpu.memory_space<vmem>>[vector<16xi32>, vector<16xi32>], vector<16xf32>,
            %min3A_312 = arith.minimumf %gather3A_311, %get3A_303 : vector<16xf32>
            tpu.vector_store_idx %arg20[%gather3A_296, %iota3A], %min3A_312 : memref<792x32xf32, #tpu.memory_space<vmem>>[vector<16xi32>, vector<16xi32>], vector<16xf32>,
            %gather3A_313 = tpu.vector_load_idx %arg20[%gather3A_296, %add3A_5] : memref<792x32xf32, #tpu.memory_space<vmem>>[vector<16xi32>, vector<16xi32>], vector<16xf32>,
            %min3A_314 = arith.minimumf %gather3A_313, %get3A_306 : vector<16xf32>
            tpu.vector_store_idx %arg20[%gather3A_296, %add3A_5], %min3A_314 : memref<792x32xf32, #tpu.memory_space<vmem>>[vector<16xi32>, vector<16xi32>], vector<16xf32>,
            tpu.vector_store_idx %arg21[%gather3A_296], %broadcast_in_dim3A_8 masked %eq3A_7 {add = true} : memref<800xf32, #tpu.memory_space<vmem>>[vector<16xi32>], vector<16xf32>, vector<16xi1>
            %broadcast_in_dim3A_315 = arith.constant 5 : i32
            %broadcast_in_dim3A_316 = vector.broadcast %broadcast_in_dim3A_315 : i32 to vector<16x1xi32>
            %gather3A_317 = vector.shape_cast %broadcast_in_dim3A_316 : vector<16x1xi32> to vector<16xi32>
            %gather3A_318 = tpu.dynamic_gather %sub3A_207[%gather3A_317] in [0] : vector<16xi32>, vector<16xi32> -> vector<16xi32>
            %mul3A_319 = arith.constant 16 : i32
            %mul3A_320 = arith.muli %scan3A_200, %mul3A_319 : i32
            %add3A_321 = arith.constant 5 : i32
            %add3A_322 = arith.addi %mul3A_320, %add3A_321 : i32
            %get3A_323 = arith.index_cast %add3A_322 : i32 to index
            %get3A_324 = arith.constant 0 : index
            %get3A_325 = tpu.vector_load %arg18[%get3A_323, %get3A_324] {strides = array<i32>} : memref<256x32xf32, #tpu.memory_space<vmem>>, vector<16xf32>,
            %get3A_326 = arith.index_cast %add3A_322 : i32 to index
            %get3A_327 = arith.constant 16 : index
            %get3A_328 = tpu.vector_load %arg18[%get3A_326, %get3A_327] {strides = array<i32>} : memref<256x32xf32, #tpu.memory_space<vmem>>, vector<16xf32>,
            %gather3A_329 = tpu.vector_load_idx %arg19[%gather3A_318, %iota3A] : memref<792x32xf32, #tpu.memory_space<vmem>>[vector<16xi32>, vector<16xi32>], vector<16xf32>,
            %max3A_330 = arith.maximumf %gather3A_329, %get3A_325 : vector<16xf32>
            tpu.vector_store_idx %arg19[%gather3A_318, %iota3A], %max3A_330 : memref<792x32xf32, #tpu.memory_space<vmem>>[vector<16xi32>, vector<16xi32>], vector<16xf32>,
            %gather3A_331 = tpu.vector_load_idx %arg19[%gather3A_318, %add3A_5] : memref<792x32xf32, #tpu.memory_space<vmem>>[vector<16xi32>, vector<16xi32>], vector<16xf32>,
            %max3A_332 = arith.maximumf %gather3A_331, %get3A_328 : vector<16xf32>
            tpu.vector_store_idx %arg19[%gather3A_318, %add3A_5], %max3A_332 : memref<792x32xf32, #tpu.memory_space<vmem>>[vector<16xi32>, vector<16xi32>], vector<16xf32>,
            %gather3A_333 = tpu.vector_load_idx %arg20[%gather3A_318, %iota3A] : memref<792x32xf32, #tpu.memory_space<vmem>>[vector<16xi32>, vector<16xi32>], vector<16xf32>,
            %min3A_334 = arith.minimumf %gather3A_333, %get3A_325 : vector<16xf32>
            tpu.vector_store_idx %arg20[%gather3A_318, %iota3A], %min3A_334 : memref<792x32xf32, #tpu.memory_space<vmem>>[vector<16xi32>, vector<16xi32>], vector<16xf32>,
            %gather3A_335 = tpu.vector_load_idx %arg20[%gather3A_318, %add3A_5] : memref<792x32xf32, #tpu.memory_space<vmem>>[vector<16xi32>, vector<16xi32>], vector<16xf32>,
            %min3A_336 = arith.minimumf %gather3A_335, %get3A_328 : vector<16xf32>
            tpu.vector_store_idx %arg20[%gather3A_318, %add3A_5], %min3A_336 : memref<792x32xf32, #tpu.memory_space<vmem>>[vector<16xi32>, vector<16xi32>], vector<16xf32>,
            tpu.vector_store_idx %arg21[%gather3A_318], %broadcast_in_dim3A_8 masked %eq3A_7 {add = true} : memref<800xf32, #tpu.memory_space<vmem>>[vector<16xi32>], vector<16xf32>, vector<16xi1>
            %broadcast_in_dim3A_337 = arith.constant 6 : i32
            %broadcast_in_dim3A_338 = vector.broadcast %broadcast_in_dim3A_337 : i32 to vector<16x1xi32>
            %gather3A_339 = vector.shape_cast %broadcast_in_dim3A_338 : vector<16x1xi32> to vector<16xi32>
            %gather3A_340 = tpu.dynamic_gather %sub3A_207[%gather3A_339] in [0] : vector<16xi32>, vector<16xi32> -> vector<16xi32>
            %mul3A_341 = arith.constant 16 : i32
            %mul3A_342 = arith.muli %scan3A_200, %mul3A_341 : i32
            %add3A_343 = arith.constant 6 : i32
            %add3A_344 = arith.addi %mul3A_342, %add3A_343 : i32
            %get3A_345 = arith.index_cast %add3A_344 : i32 to index
            %get3A_346 = arith.constant 0 : index
            %get3A_347 = tpu.vector_load %arg18[%get3A_345, %get3A_346] {strides = array<i32>} : memref<256x32xf32, #tpu.memory_space<vmem>>, vector<16xf32>,
            %get3A_348 = arith.index_cast %add3A_344 : i32 to index
            %get3A_349 = arith.constant 16 : index
            %get3A_350 = tpu.vector_load %arg18[%get3A_348, %get3A_349] {strides = array<i32>} : memref<256x32xf32, #tpu.memory_space<vmem>>, vector<16xf32>,
            %gather3A_351 = tpu.vector_load_idx %arg19[%gather3A_340, %iota3A] : memref<792x32xf32, #tpu.memory_space<vmem>>[vector<16xi32>, vector<16xi32>], vector<16xf32>,
            %max3A_352 = arith.maximumf %gather3A_351, %get3A_347 : vector<16xf32>
            tpu.vector_store_idx %arg19[%gather3A_340, %iota3A], %max3A_352 : memref<792x32xf32, #tpu.memory_space<vmem>>[vector<16xi32>, vector<16xi32>], vector<16xf32>,
            %gather3A_353 = tpu.vector_load_idx %arg19[%gather3A_340, %add3A_5] : memref<792x32xf32, #tpu.memory_space<vmem>>[vector<16xi32>, vector<16xi32>], vector<16xf32>,
            %max3A_354 = arith.maximumf %gather3A_353, %get3A_350 : vector<16xf32>
            tpu.vector_store_idx %arg19[%gather3A_340, %add3A_5], %max3A_354 : memref<792x32xf32, #tpu.memory_space<vmem>>[vector<16xi32>, vector<16xi32>], vector<16xf32>,
            %gather3A_355 = tpu.vector_load_idx %arg20[%gather3A_340, %iota3A] : memref<792x32xf32, #tpu.memory_space<vmem>>[vector<16xi32>, vector<16xi32>], vector<16xf32>,
            %min3A_356 = arith.minimumf %gather3A_355, %get3A_347 : vector<16xf32>
            tpu.vector_store_idx %arg20[%gather3A_340, %iota3A], %min3A_356 : memref<792x32xf32, #tpu.memory_space<vmem>>[vector<16xi32>, vector<16xi32>], vector<16xf32>,
            %gather3A_357 = tpu.vector_load_idx %arg20[%gather3A_340, %add3A_5] : memref<792x32xf32, #tpu.memory_space<vmem>>[vector<16xi32>, vector<16xi32>], vector<16xf32>,
            %min3A_358 = arith.minimumf %gather3A_357, %get3A_350 : vector<16xf32>
            tpu.vector_store_idx %arg20[%gather3A_340, %add3A_5], %min3A_358 : memref<792x32xf32, #tpu.memory_space<vmem>>[vector<16xi32>, vector<16xi32>], vector<16xf32>,
            tpu.vector_store_idx %arg21[%gather3A_340], %broadcast_in_dim3A_8 masked %eq3A_7 {add = true} : memref<800xf32, #tpu.memory_space<vmem>>[vector<16xi32>], vector<16xf32>, vector<16xi1>
            %broadcast_in_dim3A_359 = arith.constant 7 : i32
            %broadcast_in_dim3A_360 = vector.broadcast %broadcast_in_dim3A_359 : i32 to vector<16x1xi32>
            %gather3A_361 = vector.shape_cast %broadcast_in_dim3A_360 : vector<16x1xi32> to vector<16xi32>
            %gather3A_362 = tpu.dynamic_gather %sub3A_207[%gather3A_361] in [0] : vector<16xi32>, vector<16xi32> -> vector<16xi32>
            %mul3A_363 = arith.constant 16 : i32
            %mul3A_364 = arith.muli %scan3A_200, %mul3A_363 : i32
            %add3A_365 = arith.constant 7 : i32
            %add3A_366 = arith.addi %mul3A_364, %add3A_365 : i32
            %get3A_367 = arith.index_cast %add3A_366 : i32 to index
            %get3A_368 = arith.constant 0 : index
            %get3A_369 = tpu.vector_load %arg18[%get3A_367, %get3A_368] {strides = array<i32>} : memref<256x32xf32, #tpu.memory_space<vmem>>, vector<16xf32>,
            %get3A_370 = arith.index_cast %add3A_366 : i32 to index
            %get3A_371 = arith.constant 16 : index
            %get3A_372 = tpu.vector_load %arg18[%get3A_370, %get3A_371] {strides = array<i32>} : memref<256x32xf32, #tpu.memory_space<vmem>>, vector<16xf32>,
            %gather3A_373 = tpu.vector_load_idx %arg19[%gather3A_362, %iota3A] : memref<792x32xf32, #tpu.memory_space<vmem>>[vector<16xi32>, vector<16xi32>], vector<16xf32>,
            %max3A_374 = arith.maximumf %gather3A_373, %get3A_369 : vector<16xf32>
            tpu.vector_store_idx %arg19[%gather3A_362, %iota3A], %max3A_374 : memref<792x32xf32, #tpu.memory_space<vmem>>[vector<16xi32>, vector<16xi32>], vector<16xf32>,
            %gather3A_375 = tpu.vector_load_idx %arg19[%gather3A_362, %add3A_5] : memref<792x32xf32, #tpu.memory_space<vmem>>[vector<16xi32>, vector<16xi32>], vector<16xf32>,
            %max3A_376 = arith.maximumf %gather3A_375, %get3A_372 : vector<16xf32>
            tpu.vector_store_idx %arg19[%gather3A_362, %add3A_5], %max3A_376 : memref<792x32xf32, #tpu.memory_space<vmem>>[vector<16xi32>, vector<16xi32>], vector<16xf32>,
            %gather3A_377 = tpu.vector_load_idx %arg20[%gather3A_362, %iota3A] : memref<792x32xf32, #tpu.memory_space<vmem>>[vector<16xi32>, vector<16xi32>], vector<16xf32>,
            %min3A_378 = arith.minimumf %gather3A_377, %get3A_369 : vector<16xf32>
            tpu.vector_store_idx %arg20[%gather3A_362, %iota3A], %min3A_378 : memref<792x32xf32, #tpu.memory_space<vmem>>[vector<16xi32>, vector<16xi32>], vector<16xf32>,
            %gather3A_379 = tpu.vector_load_idx %arg20[%gather3A_362, %add3A_5] : memref<792x32xf32, #tpu.memory_space<vmem>>[vector<16xi32>, vector<16xi32>], vector<16xf32>,
            %min3A_380 = arith.minimumf %gather3A_379, %get3A_372 : vector<16xf32>
            tpu.vector_store_idx %arg20[%gather3A_362, %add3A_5], %min3A_380 : memref<792x32xf32, #tpu.memory_space<vmem>>[vector<16xi32>, vector<16xi32>], vector<16xf32>,
            tpu.vector_store_idx %arg21[%gather3A_362], %broadcast_in_dim3A_8 masked %eq3A_7 {add = true} : memref<800xf32, #tpu.memory_space<vmem>>[vector<16xi32>], vector<16xf32>, vector<16xi1>
            %broadcast_in_dim3A_381 = arith.constant 8 : i32
            %broadcast_in_dim3A_382 = vector.broadcast %broadcast_in_dim3A_381 : i32 to vector<16x1xi32>
            %gather3A_383 = vector.shape_cast %broadcast_in_dim3A_382 : vector<16x1xi32> to vector<16xi32>
            %gather3A_384 = tpu.dynamic_gather %sub3A_207[%gather3A_383] in [0] : vector<16xi32>, vector<16xi32> -> vector<16xi32>
            %mul3A_385 = arith.constant 16 : i32
            %mul3A_386 = arith.muli %scan3A_200, %mul3A_385 : i32
            %add3A_387 = arith.constant 8 : i32
            %add3A_388 = arith.addi %mul3A_386, %add3A_387 : i32
            %get3A_389 = arith.index_cast %add3A_388 : i32 to index
            %get3A_390 = arith.constant 0 : index
            %get3A_391 = tpu.vector_load %arg18[%get3A_389, %get3A_390] {strides = array<i32>} : memref<256x32xf32, #tpu.memory_space<vmem>>, vector<16xf32>,
            %get3A_392 = arith.index_cast %add3A_388 : i32 to index
            %get3A_393 = arith.constant 16 : index
            %get3A_394 = tpu.vector_load %arg18[%get3A_392, %get3A_393] {strides = array<i32>} : memref<256x32xf32, #tpu.memory_space<vmem>>, vector<16xf32>,
            %gather3A_395 = tpu.vector_load_idx %arg19[%gather3A_384, %iota3A] : memref<792x32xf32, #tpu.memory_space<vmem>>[vector<16xi32>, vector<16xi32>], vector<16xf32>,
            %max3A_396 = arith.maximumf %gather3A_395, %get3A_391 : vector<16xf32>
            tpu.vector_store_idx %arg19[%gather3A_384, %iota3A], %max3A_396 : memref<792x32xf32, #tpu.memory_space<vmem>>[vector<16xi32>, vector<16xi32>], vector<16xf32>,
            %gather3A_397 = tpu.vector_load_idx %arg19[%gather3A_384, %add3A_5] : memref<792x32xf32, #tpu.memory_space<vmem>>[vector<16xi32>, vector<16xi32>], vector<16xf32>,
            %max3A_398 = arith.maximumf %gather3A_397, %get3A_394 : vector<16xf32>
            tpu.vector_store_idx %arg19[%gather3A_384, %add3A_5], %max3A_398 : memref<792x32xf32, #tpu.memory_space<vmem>>[vector<16xi32>, vector<16xi32>], vector<16xf32>,
            %gather3A_399 = tpu.vector_load_idx %arg20[%gather3A_384, %iota3A] : memref<792x32xf32, #tpu.memory_space<vmem>>[vector<16xi32>, vector<16xi32>], vector<16xf32>,
            %min3A_400 = arith.minimumf %gather3A_399, %get3A_391 : vector<16xf32>
            tpu.vector_store_idx %arg20[%gather3A_384, %iota3A], %min3A_400 : memref<792x32xf32, #tpu.memory_space<vmem>>[vector<16xi32>, vector<16xi32>], vector<16xf32>,
            %gather3A_401 = tpu.vector_load_idx %arg20[%gather3A_384, %add3A_5] : memref<792x32xf32, #tpu.memory_space<vmem>>[vector<16xi32>, vector<16xi32>], vector<16xf32>,
            %min3A_402 = arith.minimumf %gather3A_401, %get3A_394 : vector<16xf32>
            tpu.vector_store_idx %arg20[%gather3A_384, %add3A_5], %min3A_402 : memref<792x32xf32, #tpu.memory_space<vmem>>[vector<16xi32>, vector<16xi32>], vector<16xf32>,
            tpu.vector_store_idx %arg21[%gather3A_384], %broadcast_in_dim3A_8 masked %eq3A_7 {add = true} : memref<800xf32, #tpu.memory_space<vmem>>[vector<16xi32>], vector<16xf32>, vector<16xi1>
            %broadcast_in_dim3A_403 = arith.constant 9 : i32
            %broadcast_in_dim3A_404 = vector.broadcast %broadcast_in_dim3A_403 : i32 to vector<16x1xi32>
            %gather3A_405 = vector.shape_cast %broadcast_in_dim3A_404 : vector<16x1xi32> to vector<16xi32>
            %gather3A_406 = tpu.dynamic_gather %sub3A_207[%gather3A_405] in [0] : vector<16xi32>, vector<16xi32> -> vector<16xi32>
            %mul3A_407 = arith.constant 16 : i32
            %mul3A_408 = arith.muli %scan3A_200, %mul3A_407 : i32
            %add3A_409 = arith.constant 9 : i32
            %add3A_410 = arith.addi %mul3A_408, %add3A_409 : i32
            %get3A_411 = arith.index_cast %add3A_410 : i32 to index
            %get3A_412 = arith.constant 0 : index
            %get3A_413 = tpu.vector_load %arg18[%get3A_411, %get3A_412] {strides = array<i32>} : memref<256x32xf32, #tpu.memory_space<vmem>>, vector<16xf32>,
            %get3A_414 = arith.index_cast %add3A_410 : i32 to index
            %get3A_415 = arith.constant 16 : index
            %get3A_416 = tpu.vector_load %arg18[%get3A_414, %get3A_415] {strides = array<i32>} : memref<256x32xf32, #tpu.memory_space<vmem>>, vector<16xf32>,
            %gather3A_417 = tpu.vector_load_idx %arg19[%gather3A_406, %iota3A] : memref<792x32xf32, #tpu.memory_space<vmem>>[vector<16xi32>, vector<16xi32>], vector<16xf32>,
            %max3A_418 = arith.maximumf %gather3A_417, %get3A_413 : vector<16xf32>
            tpu.vector_store_idx %arg19[%gather3A_406, %iota3A], %max3A_418 : memref<792x32xf32, #tpu.memory_space<vmem>>[vector<16xi32>, vector<16xi32>], vector<16xf32>,
            %gather3A_419 = tpu.vector_load_idx %arg19[%gather3A_406, %add3A_5] : memref<792x32xf32, #tpu.memory_space<vmem>>[vector<16xi32>, vector<16xi32>], vector<16xf32>,
            %max3A_420 = arith.maximumf %gather3A_419, %get3A_416 : vector<16xf32>
            tpu.vector_store_idx %arg19[%gather3A_406, %add3A_5], %max3A_420 : memref<792x32xf32, #tpu.memory_space<vmem>>[vector<16xi32>, vector<16xi32>], vector<16xf32>,
            %gather3A_421 = tpu.vector_load_idx %arg20[%gather3A_406, %iota3A] : memref<792x32xf32, #tpu.memory_space<vmem>>[vector<16xi32>, vector<16xi32>], vector<16xf32>,
            %min3A_422 = arith.minimumf %gather3A_421, %get3A_413 : vector<16xf32>
            tpu.vector_store_idx %arg20[%gather3A_406, %iota3A], %min3A_422 : memref<792x32xf32, #tpu.memory_space<vmem>>[vector<16xi32>, vector<16xi32>], vector<16xf32>,
            %gather3A_423 = tpu.vector_load_idx %arg20[%gather3A_406, %add3A_5] : memref<792x32xf32, #tpu.memory_space<vmem>>[vector<16xi32>, vector<16xi32>], vector<16xf32>,
            %min3A_424 = arith.minimumf %gather3A_423, %get3A_416 : vector<16xf32>
            tpu.vector_store_idx %arg20[%gather3A_406, %add3A_5], %min3A_424 : memref<792x32xf32, #tpu.memory_space<vmem>>[vector<16xi32>, vector<16xi32>], vector<16xf32>,
            tpu.vector_store_idx %arg21[%gather3A_406], %broadcast_in_dim3A_8 masked %eq3A_7 {add = true} : memref<800xf32, #tpu.memory_space<vmem>>[vector<16xi32>], vector<16xf32>, vector<16xi1>
            %broadcast_in_dim3A_425 = arith.constant 10 : i32
            %broadcast_in_dim3A_426 = vector.broadcast %broadcast_in_dim3A_425 : i32 to vector<16x1xi32>
            %gather3A_427 = vector.shape_cast %broadcast_in_dim3A_426 : vector<16x1xi32> to vector<16xi32>
            %gather3A_428 = tpu.dynamic_gather %sub3A_207[%gather3A_427] in [0] : vector<16xi32>, vector<16xi32> -> vector<16xi32>
            %mul3A_429 = arith.constant 16 : i32
            %mul3A_430 = arith.muli %scan3A_200, %mul3A_429 : i32
            %add3A_431 = arith.constant 10 : i32
            %add3A_432 = arith.addi %mul3A_430, %add3A_431 : i32
            %get3A_433 = arith.index_cast %add3A_432 : i32 to index
            %get3A_434 = arith.constant 0 : index
            %get3A_435 = tpu.vector_load %arg18[%get3A_433, %get3A_434] {strides = array<i32>} : memref<256x32xf32, #tpu.memory_space<vmem>>, vector<16xf32>,
            %get3A_436 = arith.index_cast %add3A_432 : i32 to index
            %get3A_437 = arith.constant 16 : index
            %get3A_438 = tpu.vector_load %arg18[%get3A_436, %get3A_437] {strides = array<i32>} : memref<256x32xf32, #tpu.memory_space<vmem>>, vector<16xf32>,
            %gather3A_439 = tpu.vector_load_idx %arg19[%gather3A_428, %iota3A] : memref<792x32xf32, #tpu.memory_space<vmem>>[vector<16xi32>, vector<16xi32>], vector<16xf32>,
            %max3A_440 = arith.maximumf %gather3A_439, %get3A_435 : vector<16xf32>
            tpu.vector_store_idx %arg19[%gather3A_428, %iota3A], %max3A_440 : memref<792x32xf32, #tpu.memory_space<vmem>>[vector<16xi32>, vector<16xi32>], vector<16xf32>,
            %gather3A_441 = tpu.vector_load_idx %arg19[%gather3A_428, %add3A_5] : memref<792x32xf32, #tpu.memory_space<vmem>>[vector<16xi32>, vector<16xi32>], vector<16xf32>,
            %max3A_442 = arith.maximumf %gather3A_441, %get3A_438 : vector<16xf32>
            tpu.vector_store_idx %arg19[%gather3A_428, %add3A_5], %max3A_442 : memref<792x32xf32, #tpu.memory_space<vmem>>[vector<16xi32>, vector<16xi32>], vector<16xf32>,
            %gather3A_443 = tpu.vector_load_idx %arg20[%gather3A_428, %iota3A] : memref<792x32xf32, #tpu.memory_space<vmem>>[vector<16xi32>, vector<16xi32>], vector<16xf32>,
            %min3A_444 = arith.minimumf %gather3A_443, %get3A_435 : vector<16xf32>
            tpu.vector_store_idx %arg20[%gather3A_428, %iota3A], %min3A_444 : memref<792x32xf32, #tpu.memory_space<vmem>>[vector<16xi32>, vector<16xi32>], vector<16xf32>,
            %gather3A_445 = tpu.vector_load_idx %arg20[%gather3A_428, %add3A_5] : memref<792x32xf32, #tpu.memory_space<vmem>>[vector<16xi32>, vector<16xi32>], vector<16xf32>,
            %min3A_446 = arith.minimumf %gather3A_445, %get3A_438 : vector<16xf32>
            tpu.vector_store_idx %arg20[%gather3A_428, %add3A_5], %min3A_446 : memref<792x32xf32, #tpu.memory_space<vmem>>[vector<16xi32>, vector<16xi32>], vector<16xf32>,
            tpu.vector_store_idx %arg21[%gather3A_428], %broadcast_in_dim3A_8 masked %eq3A_7 {add = true} : memref<800xf32, #tpu.memory_space<vmem>>[vector<16xi32>], vector<16xf32>, vector<16xi1>
            %broadcast_in_dim3A_447 = arith.constant 11 : i32
            %broadcast_in_dim3A_448 = vector.broadcast %broadcast_in_dim3A_447 : i32 to vector<16x1xi32>
            %gather3A_449 = vector.shape_cast %broadcast_in_dim3A_448 : vector<16x1xi32> to vector<16xi32>
            %gather3A_450 = tpu.dynamic_gather %sub3A_207[%gather3A_449] in [0] : vector<16xi32>, vector<16xi32> -> vector<16xi32>
            %mul3A_451 = arith.constant 16 : i32
            %mul3A_452 = arith.muli %scan3A_200, %mul3A_451 : i32
            %add3A_453 = arith.constant 11 : i32
            %add3A_454 = arith.addi %mul3A_452, %add3A_453 : i32
            %get3A_455 = arith.index_cast %add3A_454 : i32 to index
            %get3A_456 = arith.constant 0 : index
            %get3A_457 = tpu.vector_load %arg18[%get3A_455, %get3A_456] {strides = array<i32>} : memref<256x32xf32, #tpu.memory_space<vmem>>, vector<16xf32>,
            %get3A_458 = arith.index_cast %add3A_454 : i32 to index
            %get3A_459 = arith.constant 16 : index
            %get3A_460 = tpu.vector_load %arg18[%get3A_458, %get3A_459] {strides = array<i32>} : memref<256x32xf32, #tpu.memory_space<vmem>>, vector<16xf32>,
            %gather3A_461 = tpu.vector_load_idx %arg19[%gather3A_450, %iota3A] : memref<792x32xf32, #tpu.memory_space<vmem>>[vector<16xi32>, vector<16xi32>], vector<16xf32>,
            %max3A_462 = arith.maximumf %gather3A_461, %get3A_457 : vector<16xf32>
            tpu.vector_store_idx %arg19[%gather3A_450, %iota3A], %max3A_462 : memref<792x32xf32, #tpu.memory_space<vmem>>[vector<16xi32>, vector<16xi32>], vector<16xf32>,
            %gather3A_463 = tpu.vector_load_idx %arg19[%gather3A_450, %add3A_5] : memref<792x32xf32, #tpu.memory_space<vmem>>[vector<16xi32>, vector<16xi32>], vector<16xf32>,
            %max3A_464 = arith.maximumf %gather3A_463, %get3A_460 : vector<16xf32>
            tpu.vector_store_idx %arg19[%gather3A_450, %add3A_5], %max3A_464 : memref<792x32xf32, #tpu.memory_space<vmem>>[vector<16xi32>, vector<16xi32>], vector<16xf32>,
            %gather3A_465 = tpu.vector_load_idx %arg20[%gather3A_450, %iota3A] : memref<792x32xf32, #tpu.memory_space<vmem>>[vector<16xi32>, vector<16xi32>], vector<16xf32>,
            %min3A_466 = arith.minimumf %gather3A_465, %get3A_457 : vector<16xf32>
            tpu.vector_store_idx %arg20[%gather3A_450, %iota3A], %min3A_466 : memref<792x32xf32, #tpu.memory_space<vmem>>[vector<16xi32>, vector<16xi32>], vector<16xf32>,
            %gather3A_467 = tpu.vector_load_idx %arg20[%gather3A_450, %add3A_5] : memref<792x32xf32, #tpu.memory_space<vmem>>[vector<16xi32>, vector<16xi32>], vector<16xf32>,
            %min3A_468 = arith.minimumf %gather3A_467, %get3A_460 : vector<16xf32>
            tpu.vector_store_idx %arg20[%gather3A_450, %add3A_5], %min3A_468 : memref<792x32xf32, #tpu.memory_space<vmem>>[vector<16xi32>, vector<16xi32>], vector<16xf32>,
            tpu.vector_store_idx %arg21[%gather3A_450], %broadcast_in_dim3A_8 masked %eq3A_7 {add = true} : memref<800xf32, #tpu.memory_space<vmem>>[vector<16xi32>], vector<16xf32>, vector<16xi1>
            %broadcast_in_dim3A_469 = arith.constant 12 : i32
            %broadcast_in_dim3A_470 = vector.broadcast %broadcast_in_dim3A_469 : i32 to vector<16x1xi32>
            %gather3A_471 = vector.shape_cast %broadcast_in_dim3A_470 : vector<16x1xi32> to vector<16xi32>
            %gather3A_472 = tpu.dynamic_gather %sub3A_207[%gather3A_471] in [0] : vector<16xi32>, vector<16xi32> -> vector<16xi32>
            %mul3A_473 = arith.constant 16 : i32
            %mul3A_474 = arith.muli %scan3A_200, %mul3A_473 : i32
            %add3A_475 = arith.constant 12 : i32
            %add3A_476 = arith.addi %mul3A_474, %add3A_475 : i32
            %get3A_477 = arith.index_cast %add3A_476 : i32 to index
            %get3A_478 = arith.constant 0 : index
            %get3A_479 = tpu.vector_load %arg18[%get3A_477, %get3A_478] {strides = array<i32>} : memref<256x32xf32, #tpu.memory_space<vmem>>, vector<16xf32>,
            %get3A_480 = arith.index_cast %add3A_476 : i32 to index
            %get3A_481 = arith.constant 16 : index
            %get3A_482 = tpu.vector_load %arg18[%get3A_480, %get3A_481] {strides = array<i32>} : memref<256x32xf32, #tpu.memory_space<vmem>>, vector<16xf32>,
            %gather3A_483 = tpu.vector_load_idx %arg19[%gather3A_472, %iota3A] : memref<792x32xf32, #tpu.memory_space<vmem>>[vector<16xi32>, vector<16xi32>], vector<16xf32>,
            %max3A_484 = arith.maximumf %gather3A_483, %get3A_479 : vector<16xf32>
            tpu.vector_store_idx %arg19[%gather3A_472, %iota3A], %max3A_484 : memref<792x32xf32, #tpu.memory_space<vmem>>[vector<16xi32>, vector<16xi32>], vector<16xf32>,
            %gather3A_485 = tpu.vector_load_idx %arg19[%gather3A_472, %add3A_5] : memref<792x32xf32, #tpu.memory_space<vmem>>[vector<16xi32>, vector<16xi32>], vector<16xf32>,
            %max3A_486 = arith.maximumf %gather3A_485, %get3A_482 : vector<16xf32>
            tpu.vector_store_idx %arg19[%gather3A_472, %add3A_5], %max3A_486 : memref<792x32xf32, #tpu.memory_space<vmem>>[vector<16xi32>, vector<16xi32>], vector<16xf32>,
            %gather3A_487 = tpu.vector_load_idx %arg20[%gather3A_472, %iota3A] : memref<792x32xf32, #tpu.memory_space<vmem>>[vector<16xi32>, vector<16xi32>], vector<16xf32>,
            %min3A_488 = arith.minimumf %gather3A_487, %get3A_479 : vector<16xf32>
            tpu.vector_store_idx %arg20[%gather3A_472, %iota3A], %min3A_488 : memref<792x32xf32, #tpu.memory_space<vmem>>[vector<16xi32>, vector<16xi32>], vector<16xf32>,
            %gather3A_489 = tpu.vector_load_idx %arg20[%gather3A_472, %add3A_5] : memref<792x32xf32, #tpu.memory_space<vmem>>[vector<16xi32>, vector<16xi32>], vector<16xf32>,
            %min3A_490 = arith.minimumf %gather3A_489, %get3A_482 : vector<16xf32>
            tpu.vector_store_idx %arg20[%gather3A_472, %add3A_5], %min3A_490 : memref<792x32xf32, #tpu.memory_space<vmem>>[vector<16xi32>, vector<16xi32>], vector<16xf32>,
            tpu.vector_store_idx %arg21[%gather3A_472], %broadcast_in_dim3A_8 masked %eq3A_7 {add = true} : memref<800xf32, #tpu.memory_space<vmem>>[vector<16xi32>], vector<16xf32>, vector<16xi1>
            %broadcast_in_dim3A_491 = arith.constant 13 : i32
            %broadcast_in_dim3A_492 = vector.broadcast %broadcast_in_dim3A_491 : i32 to vector<16x1xi32>
            %gather3A_493 = vector.shape_cast %broadcast_in_dim3A_492 : vector<16x1xi32> to vector<16xi32>
            %gather3A_494 = tpu.dynamic_gather %sub3A_207[%gather3A_493] in [0] : vector<16xi32>, vector<16xi32> -> vector<16xi32>
            %mul3A_495 = arith.constant 16 : i32
            %mul3A_496 = arith.muli %scan3A_200, %mul3A_495 : i32
            %add3A_497 = arith.constant 13 : i32
            %add3A_498 = arith.addi %mul3A_496, %add3A_497 : i32
            %get3A_499 = arith.index_cast %add3A_498 : i32 to index
            %get3A_500 = arith.constant 0 : index
            %get3A_501 = tpu.vector_load %arg18[%get3A_499, %get3A_500] {strides = array<i32>} : memref<256x32xf32, #tpu.memory_space<vmem>>, vector<16xf32>,
            %get3A_502 = arith.index_cast %add3A_498 : i32 to index
            %get3A_503 = arith.constant 16 : index
            %get3A_504 = tpu.vector_load %arg18[%get3A_502, %get3A_503] {strides = array<i32>} : memref<256x32xf32, #tpu.memory_space<vmem>>, vector<16xf32>,
            %gather3A_505 = tpu.vector_load_idx %arg19[%gather3A_494, %iota3A] : memref<792x32xf32, #tpu.memory_space<vmem>>[vector<16xi32>, vector<16xi32>], vector<16xf32>,
            %max3A_506 = arith.maximumf %gather3A_505, %get3A_501 : vector<16xf32>
            tpu.vector_store_idx %arg19[%gather3A_494, %iota3A], %max3A_506 : memref<792x32xf32, #tpu.memory_space<vmem>>[vector<16xi32>, vector<16xi32>], vector<16xf32>,
            %gather3A_507 = tpu.vector_load_idx %arg19[%gather3A_494, %add3A_5] : memref<792x32xf32, #tpu.memory_space<vmem>>[vector<16xi32>, vector<16xi32>], vector<16xf32>,
            %max3A_508 = arith.maximumf %gather3A_507, %get3A_504 : vector<16xf32>
            tpu.vector_store_idx %arg19[%gather3A_494, %add3A_5], %max3A_508 : memref<792x32xf32, #tpu.memory_space<vmem>>[vector<16xi32>, vector<16xi32>], vector<16xf32>,
            %gather3A_509 = tpu.vector_load_idx %arg20[%gather3A_494, %iota3A] : memref<792x32xf32, #tpu.memory_space<vmem>>[vector<16xi32>, vector<16xi32>], vector<16xf32>,
            %min3A_510 = arith.minimumf %gather3A_509, %get3A_501 : vector<16xf32>
            tpu.vector_store_idx %arg20[%gather3A_494, %iota3A], %min3A_510 : memref<792x32xf32, #tpu.memory_space<vmem>>[vector<16xi32>, vector<16xi32>], vector<16xf32>,
            %gather3A_511 = tpu.vector_load_idx %arg20[%gather3A_494, %add3A_5] : memref<792x32xf32, #tpu.memory_space<vmem>>[vector<16xi32>, vector<16xi32>], vector<16xf32>,
            %min3A_512 = arith.minimumf %gather3A_511, %get3A_504 : vector<16xf32>
            tpu.vector_store_idx %arg20[%gather3A_494, %add3A_5], %min3A_512 : memref<792x32xf32, #tpu.memory_space<vmem>>[vector<16xi32>, vector<16xi32>], vector<16xf32>,
            tpu.vector_store_idx %arg21[%gather3A_494], %broadcast_in_dim3A_8 masked %eq3A_7 {add = true} : memref<800xf32, #tpu.memory_space<vmem>>[vector<16xi32>], vector<16xf32>, vector<16xi1>
            %broadcast_in_dim3A_513 = arith.constant 14 : i32
            %broadcast_in_dim3A_514 = vector.broadcast %broadcast_in_dim3A_513 : i32 to vector<16x1xi32>
            %gather3A_515 = vector.shape_cast %broadcast_in_dim3A_514 : vector<16x1xi32> to vector<16xi32>
            %gather3A_516 = tpu.dynamic_gather %sub3A_207[%gather3A_515] in [0] : vector<16xi32>, vector<16xi32> -> vector<16xi32>
            %mul3A_517 = arith.constant 16 : i32
            %mul3A_518 = arith.muli %scan3A_200, %mul3A_517 : i32
            %add3A_519 = arith.constant 14 : i32
            %add3A_520 = arith.addi %mul3A_518, %add3A_519 : i32
            %get3A_521 = arith.index_cast %add3A_520 : i32 to index
            %get3A_522 = arith.constant 0 : index
            %get3A_523 = tpu.vector_load %arg18[%get3A_521, %get3A_522] {strides = array<i32>} : memref<256x32xf32, #tpu.memory_space<vmem>>, vector<16xf32>,
            %get3A_524 = arith.index_cast %add3A_520 : i32 to index
            %get3A_525 = arith.constant 16 : index
            %get3A_526 = tpu.vector_load %arg18[%get3A_524, %get3A_525] {strides = array<i32>} : memref<256x32xf32, #tpu.memory_space<vmem>>, vector<16xf32>,
            %gather3A_527 = tpu.vector_load_idx %arg19[%gather3A_516, %iota3A] : memref<792x32xf32, #tpu.memory_space<vmem>>[vector<16xi32>, vector<16xi32>], vector<16xf32>,
            %max3A_528 = arith.maximumf %gather3A_527, %get3A_523 : vector<16xf32>
            tpu.vector_store_idx %arg19[%gather3A_516, %iota3A], %max3A_528 : memref<792x32xf32, #tpu.memory_space<vmem>>[vector<16xi32>, vector<16xi32>], vector<16xf32>,
            %gather3A_529 = tpu.vector_load_idx %arg19[%gather3A_516, %add3A_5] : memref<792x32xf32, #tpu.memory_space<vmem>>[vector<16xi32>, vector<16xi32>], vector<16xf32>,
            %max3A_530 = arith.maximumf %gather3A_529, %get3A_526 : vector<16xf32>
            tpu.vector_store_idx %arg19[%gather3A_516, %add3A_5], %max3A_530 : memref<792x32xf32, #tpu.memory_space<vmem>>[vector<16xi32>, vector<16xi32>], vector<16xf32>,
            %gather3A_531 = tpu.vector_load_idx %arg20[%gather3A_516, %iota3A] : memref<792x32xf32, #tpu.memory_space<vmem>>[vector<16xi32>, vector<16xi32>], vector<16xf32>,
            %min3A_532 = arith.minimumf %gather3A_531, %get3A_523 : vector<16xf32>
            tpu.vector_store_idx %arg20[%gather3A_516, %iota3A], %min3A_532 : memref<792x32xf32, #tpu.memory_space<vmem>>[vector<16xi32>, vector<16xi32>], vector<16xf32>,
            %gather3A_533 = tpu.vector_load_idx %arg20[%gather3A_516, %add3A_5] : memref<792x32xf32, #tpu.memory_space<vmem>>[vector<16xi32>, vector<16xi32>], vector<16xf32>,
            %min3A_534 = arith.minimumf %gather3A_533, %get3A_526 : vector<16xf32>
            tpu.vector_store_idx %arg20[%gather3A_516, %add3A_5], %min3A_534 : memref<792x32xf32, #tpu.memory_space<vmem>>[vector<16xi32>, vector<16xi32>], vector<16xf32>,
            tpu.vector_store_idx %arg21[%gather3A_516], %broadcast_in_dim3A_8 masked %eq3A_7 {add = true} : memref<800xf32, #tpu.memory_space<vmem>>[vector<16xi32>], vector<16xf32>, vector<16xi1>
            %broadcast_in_dim3A_535 = arith.constant 15 : i32
            %broadcast_in_dim3A_536 = vector.broadcast %broadcast_in_dim3A_535 : i32 to vector<16x1xi32>
            %gather3A_537 = vector.shape_cast %broadcast_in_dim3A_536 : vector<16x1xi32> to vector<16xi32>
            %gather3A_538 = tpu.dynamic_gather %sub3A_207[%gather3A_537] in [0] : vector<16xi32>, vector<16xi32> -> vector<16xi32>
            %mul3A_539 = arith.constant 16 : i32
            %mul3A_540 = arith.muli %scan3A_200, %mul3A_539 : i32
            %add3A_541 = arith.constant 15 : i32
            %add3A_542 = arith.addi %mul3A_540, %add3A_541 : i32
            %get3A_543 = arith.index_cast %add3A_542 : i32 to index
            %get3A_544 = arith.constant 0 : index
            %get3A_545 = tpu.vector_load %arg18[%get3A_543, %get3A_544] {strides = array<i32>} : memref<256x32xf32, #tpu.memory_space<vmem>>, vector<16xf32>,
            %get3A_546 = arith.index_cast %add3A_542 : i32 to index
            %get3A_547 = arith.constant 16 : index
            %get3A_548 = tpu.vector_load %arg18[%get3A_546, %get3A_547] {strides = array<i32>} : memref<256x32xf32, #tpu.memory_space<vmem>>, vector<16xf32>,
            %gather3A_549 = tpu.vector_load_idx %arg19[%gather3A_538, %iota3A] : memref<792x32xf32, #tpu.memory_space<vmem>>[vector<16xi32>, vector<16xi32>], vector<16xf32>,
            %max3A_550 = arith.maximumf %gather3A_549, %get3A_545 : vector<16xf32>
            tpu.vector_store_idx %arg19[%gather3A_538, %iota3A], %max3A_550 : memref<792x32xf32, #tpu.memory_space<vmem>>[vector<16xi32>, vector<16xi32>], vector<16xf32>,
            %gather3A_551 = tpu.vector_load_idx %arg19[%gather3A_538, %add3A_5] : memref<792x32xf32, #tpu.memory_space<vmem>>[vector<16xi32>, vector<16xi32>], vector<16xf32>,
            %max3A_552 = arith.maximumf %gather3A_551, %get3A_548 : vector<16xf32>
            tpu.vector_store_idx %arg19[%gather3A_538, %add3A_5], %max3A_552 : memref<792x32xf32, #tpu.memory_space<vmem>>[vector<16xi32>, vector<16xi32>], vector<16xf32>,
            %gather3A_553 = tpu.vector_load_idx %arg20[%gather3A_538, %iota3A] : memref<792x32xf32, #tpu.memory_space<vmem>>[vector<16xi32>, vector<16xi32>], vector<16xf32>,
            %min3A_554 = arith.minimumf %gather3A_553, %get3A_545 : vector<16xf32>
            tpu.vector_store_idx %arg20[%gather3A_538, %iota3A], %min3A_554 : memref<792x32xf32, #tpu.memory_space<vmem>>[vector<16xi32>, vector<16xi32>], vector<16xf32>,
            %gather3A_555 = tpu.vector_load_idx %arg20[%gather3A_538, %add3A_5] : memref<792x32xf32, #tpu.memory_space<vmem>>[vector<16xi32>, vector<16xi32>], vector<16xf32>,
            %min3A_556 = arith.minimumf %gather3A_555, %get3A_548 : vector<16xf32>
            tpu.vector_store_idx %arg20[%gather3A_538, %add3A_5], %min3A_556 : memref<792x32xf32, #tpu.memory_space<vmem>>[vector<16xi32>, vector<16xi32>], vector<16xf32>,
            tpu.vector_store_idx %arg21[%gather3A_538], %broadcast_in_dim3A_8 masked %eq3A_7 {add = true} : memref<800xf32, #tpu.memory_space<vmem>>[vector<16xi32>], vector<16xf32>, vector<16xi1>
            %scan3A_557 = arith.constant 0 : i32
            scf.yield %scan3A_557 : i32
          }
          %scan3A_191 = arith.constant 16 : i32
          %dma_wait3A_192 = arith.constant 0 : i32
          %dma_wait3A_193 = arith.constant 0 : i32
          %dma_wait3A_194 = tpu.memref_slice %arg22[%dma_wait3A_192, %dma_wait3A_193] : memref<12672x32xf32, #tpu.memory_space<vmem_shared>> -> memref<12672x32xf32, #tpu.memory_space<vmem_shared>>
          tpu.wait_indirect_dma semaphore(%arg24 : memref<!tpu.dma_semaphore, #tpu.memory_space<semaphore_mem>>) src(%arg18 : memref<256x32xf32, #tpu.memory_space<vmem>>) dst(%dma_wait3A_194 : memref<12672x32xf32, #tpu.memory_space<vmem_shared>>)
          %parallel_loop3A_195 = arith.constant 0 : i32
          %parallel_loop3A_196 = arith.constant 256 : i32
          %parallel_loop3A_197 = arith.constant 1 : i32
          scf.for %parallel_loop3A_200 = %parallel_loop3A_195 to %parallel_loop3A_196 step %parallel_loop3A_197  : i32 {
            %parallel_loop3A_201 = arith.index_cast %parallel_loop3A_200 : i32 to index
            %parallel_loop3A_202 = arith.constant 0 : index
            %parallel_loop3A_203 = tpu.vector_load %arg18[%parallel_loop3A_201, %parallel_loop3A_202] {strides = array<i32>} : memref<256x32xf32, #tpu.memory_space<vmem>>, vector<16xf32>,
            %parallel_loop3A_204 = arith.index_cast %parallel_loop3A_200 : i32 to index
            %parallel_loop3A_205 = arith.constant 16 : index
            %parallel_loop3A_206 = tpu.vector_load %arg18[%parallel_loop3A_204, %parallel_loop3A_205] {strides = array<i32>} : memref<256x32xf32, #tpu.memory_space<vmem>>, vector<16xf32>,
            %parallel_loop3A_207 = arith.mulf %parallel_loop3A_203, %parallel_loop3A_203 : vector<16xf32>
            %parallel_loop3A_208 = arith.index_cast %parallel_loop3A_200 : i32 to index
            %parallel_loop3A_209 = arith.constant 0 : index
            %parallel_loop3A_210 = tpu.vector_load %arg18[%parallel_loop3A_208, %parallel_loop3A_209] {strides = array<i32>} : memref<256x32xf32, #tpu.memory_space<vmem>>, vector<16xf32>,
            tpu.vector_store %arg18[%parallel_loop3A_208, %parallel_loop3A_209], %parallel_loop3A_207 {strides = array<i32>} : memref<256x32xf32, #tpu.memory_space<vmem>>, vector<16xf32>,
            %parallel_loop3A_211 = arith.mulf %parallel_loop3A_206, %parallel_loop3A_206 : vector<16xf32>
            %parallel_loop3A_212 = arith.index_cast %parallel_loop3A_200 : i32 to index
            %parallel_loop3A_213 = arith.constant 16 : index
            %parallel_loop3A_214 = tpu.vector_load %arg18[%parallel_loop3A_212, %parallel_loop3A_213] {strides = array<i32>} : memref<256x32xf32, #tpu.memory_space<vmem>>, vector<16xf32>,
            tpu.vector_store %arg18[%parallel_loop3A_212, %parallel_loop3A_213], %parallel_loop3A_211 {strides = array<i32>} : memref<256x32xf32, #tpu.memory_space<vmem>>, vector<16xf32>,
          } {sc.loop_unroll_factor = 4 : i64, sc.parallel_access}
          "tpu.region"() ({
            %run_scoped3A = tpu.sem_alloc : memref<!tpu.dma_semaphore, #tpu.memory_space<semaphore_mem>>
            %dma_start3A_200 = arith.constant 0 : i32
            %dma_start3A_201 = arith.constant 0 : i32
            %dma_start3A_202 = tpu.memref_slice %arg23[%dma_start3A_200, %dma_start3A_201] : memref<12672x32xf32, #tpu.memory_space<vmem_shared>> -> memref<12672x32xf32, #tpu.memory_space<vmem_shared>>
            tpu.enqueue_indirect_dma source(%arg18 : memref<256x32xf32, #tpu.memory_space<vmem>>) target(%dma_start3A_202 : memref<12672x32xf32, #tpu.memory_space<vmem_shared>>) offsets(%arg16 : memref<256xi32, #tpu.memory_space<vmem>>) semaphore(%run_scoped3A : memref<!tpu.dma_semaphore, #tpu.memory_space<semaphore_mem>>) {add = true}
            %dma_wait3A_203 = arith.constant 0 : i32
            %dma_wait3A_204 = arith.constant 0 : i32
            %dma_wait3A_205 = tpu.memref_slice %arg23[%dma_wait3A_203, %dma_wait3A_204] : memref<12672x32xf32, #tpu.memory_space<vmem_shared>> -> memref<12672x32xf32, #tpu.memory_space<vmem_shared>>
            tpu.wait_indirect_dma semaphore(%run_scoped3A : memref<!tpu.dma_semaphore, #tpu.memory_space<semaphore_mem>>) src(%arg18 : memref<256x32xf32, #tpu.memory_space<vmem>>) dst(%dma_wait3A_205 : memref<12672x32xf32, #tpu.memory_space<vmem_shared>>)
            tpu.yield
          }) : () -> ()
          %add3A_198 = arith.constant 256 : i32
          %add3A_199 = arith.addi %while3A_160, %add3A_198 : i32
          scf.yield %add3A_199, %while3A_161 : i32, i32
        }
        %gt3A_132 = arith.constant 0 : i32
        %gt3A_133 = arith.cmpi sgt, %while3A_131#0, %gt3A_132 : i32
        %convert_element_type3A_134 = arith.extui %gt3A_133 : i1 to i32
        %cond3A_135 = arith.constant 0 : i32
        %cond3A_136 = arith.cmpi ne, %convert_element_type3A_134, %cond3A_135 : i32
        %cond3A_137 = scf.if %cond3A_136 -> (i32) {
          %multiple_of3A_160 = tpu.assume_multiple %while3A_131#0, 256 : i32
          %scan3A_161 = arith.constant 0 : i32
          %scan3A_162 = arith.constant 0 : i32
          %scan3A_163 = arith.constant 16 : i32
          %scan3A_164 = arith.addi %scan3A_162, %scan3A_163 : i32
          %scan3A_165 = arith.constant 1 : i32
          %scan3A_166 = scf.for %scan3A_169 = %scan3A_162 to %scan3A_164 step %scan3A_165 iter_args(%scan3A_170 = %scan3A_161) -> (i32)  : i32 {
            %mul3A_171 = arith.constant 16 : i32
            %mul3A_172 = arith.muli %scan3A_169, %mul3A_171 : i32
            %add3A_173 = arith.addi %multiple_of3A_160, %mul3A_172 : i32
            %get3A = arith.index_cast %add3A_173 : i32 to index
            %get3A_174 = tpu.vector_load %arg14[%get3A] {strides = array<i32>} : memref<4352xi32, #tpu.memory_space<vmem>>, vector<16xi32>,
            %mul3A_175 = arith.constant 16 : i32
            %mul3A_176 = arith.muli %scan3A_169, %mul3A_175 : i32
            %swap3A = arith.index_cast %mul3A_176 : i32 to index
            %swap3A_177 = tpu.vector_load %arg14[%swap3A] {strides = array<i32>} : memref<4352xi32, #tpu.memory_space<vmem>>, vector<16xi32>,
            tpu.vector_store %arg14[%swap3A], %get3A_174 {strides = array<i32>} : memref<4352xi32, #tpu.memory_space<vmem>>, vector<16xi32>,
            %mul3A_178 = arith.constant 16 : i32
            %mul3A_179 = arith.muli %scan3A_169, %mul3A_178 : i32
            %add3A_180 = arith.addi %multiple_of3A_160, %mul3A_179 : i32
            %get3A_181 = arith.index_cast %add3A_180 : i32 to index
            %get3A_182 = tpu.vector_load %arg15[%get3A_181] {strides = array<i32>} : memref<4352xi32, #tpu.memory_space<vmem>>, vector<16xi32>,
            %mul3A_183 = arith.constant 16 : i32
            %mul3A_184 = arith.muli %scan3A_169, %mul3A_183 : i32
            %swap3A_185 = arith.index_cast %mul3A_184 : i32 to index
            %swap3A_186 = tpu.vector_load %arg15[%swap3A_185] {strides = array<i32>} : memref<4352xi32, #tpu.memory_space<vmem>>, vector<16xi32>,
            tpu.vector_store %arg15[%swap3A_185], %get3A_182 {strides = array<i32>} : memref<4352xi32, #tpu.memory_space<vmem>>, vector<16xi32>,
            %scan3A_187 = arith.constant 0 : i32
            scf.yield %scan3A_187 : i32
          }
          %scan3A_167 = arith.constant 16 : i32
          %cond3A_168 = arith.constant 0 : i32
          scf.yield %cond3A_168 : i32
        } else {
          scf.yield %while3A_131#0 : i32
        }
        %jit3A_138 = arith.constant 256 : i32
        %div3A = arith.divsi %reduce_sum3A_130, %jit3A_138 : i32
        %sign3A = arith.constant 0 : i32
        %sign3A_139 = arith.cmpi sgt, %reduce_sum3A_130, %sign3A : i32
        %sign3A_140 = arith.extui %sign3A_139 : i1 to i32
        %sign3A_141 = arith.constant 0 : i32
        %sign3A_142 = arith.cmpi slt, %reduce_sum3A_130, %sign3A_141 : i32
        %sign3A_143 = arith.extui %sign3A_142 : i1 to i32
        %sign3A_144 = arith.subi %sign3A_140, %sign3A_143 : i32
        %sign3A_145 = arith.constant 0 : i32
        %sign3A_146 = arith.cmpi sgt, %jit3A_138, %sign3A_145 : i32
        %sign3A_147 = arith.extui %sign3A_146 : i1 to i32
        %sign3A_148 = arith.constant 0 : i32
        %sign3A_149 = arith.cmpi slt, %jit3A_138, %sign3A_148 : i32
        %sign3A_150 = arith.extui %sign3A_149 : i1 to i32
        %sign3A_151 = arith.subi %sign3A_147, %sign3A_150 : i32
        %ne3A = arith.cmpi ne, %sign3A_144, %sign3A_151 : i32
        %rem3A = arith.remsi %reduce_sum3A_130, %jit3A_138 : i32
        %ne3A_152 = arith.constant 0 : i32
        %ne3A_153 = arith.cmpi ne, %rem3A, %ne3A_152 : i32
        %and3A_154 = arith.andi %ne3A, %ne3A_153 : i1
        %sub3A = arith.constant 1 : i32
        %sub3A_155 = arith.subi %div3A, %sub3A : i32
        %select_n3A_156 = arith.select %and3A_154, %sub3A_155, %div3A : i32
        %mul3A_157 = arith.constant 256 : i32
        %mul3A_158 = arith.muli %select_n3A_156, %mul3A_157 : i32
        %sub3A_159 = arith.subi %reduce_sum3A_130, %mul3A_158 : i32
        scf.yield %sub3A_159 : i32
      }
      %scan3A_89 = arith.constant 392 : i32
      %gt3A = arith.constant 0 : i32
      %gt3A_90 = arith.cmpi sgt, %scan3A_88, %gt3A : i32
      %convert_element_type3A = arith.extui %gt3A_90 : i1 to i32
      %cond3A = arith.constant 0 : i32
      %cond3A_91 = arith.cmpi ne, %convert_element_type3A, %cond3A : i32
      %cond3A_92 = scf.if %cond3A_91 -> (i32) {
        %scan3A_94 = arith.constant 0 : i32
        %scan3A_95 = arith.constant 0 : i32
        %scan3A_96 = arith.constant 16 : i32
        %scan3A_97 = arith.addi %scan3A_95, %scan3A_96 : i32
        %scan3A_98 = arith.constant 1 : i32
        %scan3A_99 = scf.for %scan3A_137 = %scan3A_95 to %scan3A_97 step %scan3A_98 iter_args(%scan3A_138 = %scan3A_94) -> (i32)  : i32 {
          %mul3A_139 = arith.constant 16 : i32
          %mul3A_140 = arith.muli %scan3A_137, %mul3A_139 : i32
          %add3A_141 = vector.broadcast %mul3A_140 : i32 to vector<16xi32>
          %add3A_142 = arith.addi %iota3A, %add3A_141 : vector<16xi32>
          %ge3A = vector.broadcast %scan3A_88 : i32 to vector<16xi32>
          %ge3A_143 = arith.cmpi sge, %add3A_142, %ge3A : vector<16xi32>
          %mul3A_144 = arith.constant 16 : i32
          %mul3A_145 = arith.muli %scan3A_137, %mul3A_144 : i32
          %get3A = arith.index_cast %mul3A_145 : i32 to index
          %get3A_146 = tpu.vector_load %arg15[%get3A] {strides = array<i32>} : memref<4352xi32, #tpu.memory_space<vmem>>, vector<16xi32>,
          %broadcast_in_dim3A_147 = vector.broadcast %add3A_38 : i32 to vector<16xi32>
          %select_n3A = arith.select %ge3A_143, %broadcast_in_dim3A_147, %get3A_146 : vector<16xi1>, vector<16xi32>
          %mul3A_148 = arith.constant 16 : i32
          %mul3A_149 = arith.muli %scan3A_137, %mul3A_148 : i32
          %swap3A = arith.index_cast %mul3A_149 : i32 to index
          %swap3A_150 = tpu.vector_load %arg15[%swap3A] {strides = array<i32>} : memref<4352xi32, #tpu.memory_space<vmem>>, vector<16xi32>,
          tpu.vector_store %arg15[%swap3A], %select_n3A {strides = array<i32>} : memref<4352xi32, #tpu.memory_space<vmem>>, vector<16xi32>,
          %scan3A_151 = arith.constant 0 : i32
          scf.yield %scan3A_151 : i32
        }
        %scan3A_100 = arith.constant 16 : i32
        %multiple_of3A_101 = arith.constant 0 : i32
        %multiple_of3A_102 = tpu.assume_multiple %multiple_of3A_101, 256 : i32
        %scan3A_103 = arith.constant 0 : i32
        %scan3A_104 = arith.constant 0 : i32
        %scan3A_105 = arith.constant 16 : i32
        %scan3A_106 = arith.addi %scan3A_104, %scan3A_105 : i32
        %scan3A_107 = arith.constant 1 : i32
        %scan3A_108 = scf.for %scan3A_137 = %scan3A_104 to %scan3A_106 step %scan3A_107 iter_args(%scan3A_138 = %scan3A_103) -> (i32)  : i32 {
          %mul3A_139 = arith.constant 16 : i32
          %mul3A_140 = arith.muli %scan3A_137, %mul3A_139 : i32
          %add3A_141 = arith.addi %multiple_of3A_102, %mul3A_140 : i32
          %get3A = arith.index_cast %add3A_141 : i32 to index
          %get3A_142 = tpu.vector_load %arg15[%get3A] {strides = array<i32>} : memref<4352xi32, #tpu.memory_space<vmem>>, vector<16xi32>,
          %mul3A_143 = arith.constant 16 : i32
          %mul3A_144 = arith.muli %scan3A_137, %mul3A_143 : i32
          %swap3A = arith.index_cast %mul3A_144 : i32 to index
          %swap3A_145 = tpu.vector_load %arg16[%swap3A] {strides = array<i32>} : memref<256xi32, #tpu.memory_space<vmem>>, vector<16xi32>,
          tpu.vector_store %arg16[%swap3A], %get3A_142 {strides = array<i32>} : memref<256xi32, #tpu.memory_space<vmem>>, vector<16xi32>,
          %scan3A_146 = arith.constant 0 : i32
          scf.yield %scan3A_146 : i32
        }
        %scan3A_109 = arith.constant 16 : i32
        %dma_start3A_110 = tpu.memref_slice %arg14[%multiple_of3A_102] : memref<4352xi32, #tpu.memory_space<vmem>> -> memref<256xi32, #tpu.memory_space<vmem>>
        %dma_start3A_111 = arith.constant 0 : i32
        %dma_start3A_112 = tpu.memref_slice %arg3[%dma_start3A_111] : memref<1605632xi32, #tpu.memory_space<hbm>> -> memref<1605632xi32, #tpu.memory_space<hbm>>
        tpu.enqueue_indirect_dma source(%dma_start3A_112 : memref<1605632xi32, #tpu.memory_space<hbm>>) target(%arg17 : memref<256xi32, #tpu.memory_space<vmem>>) offsets(%dma_start3A_110 : memref<256xi32, #tpu.memory_space<vmem>>) semaphore(%arg24 : memref<!tpu.dma_semaphore, #tpu.memory_space<semaphore_mem>>)
        %dma_wait3A = tpu.memref_slice %arg14[%multiple_of3A_102] : memref<4352xi32, #tpu.memory_space<vmem>> -> memref<256xi32, #tpu.memory_space<vmem>>
        %dma_wait3A_113 = arith.constant 0 : i32
        %dma_wait3A_114 = tpu.memref_slice %arg3[%dma_wait3A_113] : memref<1605632xi32, #tpu.memory_space<hbm>> -> memref<1605632xi32, #tpu.memory_space<hbm>>
        tpu.wait_indirect_dma semaphore(%arg24 : memref<!tpu.dma_semaphore, #tpu.memory_space<semaphore_mem>>) src(%dma_wait3A_114 : memref<1605632xi32, #tpu.memory_space<hbm>>) dst(%arg17 : memref<256xi32, #tpu.memory_space<vmem>>)
        %dma_start3A_115 = arith.constant 0 : i32
        %dma_start3A_116 = arith.constant 0 : i32
        %dma_start3A_117 = tpu.memref_slice %arg2[%dma_start3A_115, %dma_start3A_116] : memref<50000x32xf32, #tpu.memory_space<hbm>> -> memref<50000x32xf32, #tpu.memory_space<hbm>>
        tpu.enqueue_indirect_dma source(%dma_start3A_117 : memref<50000x32xf32, #tpu.memory_space<hbm>>) target(%arg18 : memref<256x32xf32, #tpu.memory_space<vmem>>) offsets(%arg17 : memref<256xi32, #tpu.memory_space<vmem>>) semaphore(%arg24 : memref<!tpu.dma_semaphore, #tpu.memory_space<semaphore_mem>>)
        %dma_wait3A_118 = arith.constant 0 : i32
        %dma_wait3A_119 = arith.constant 0 : i32
        %dma_wait3A_120 = tpu.memref_slice %arg2[%dma_wait3A_118, %dma_wait3A_119] : memref<50000x32xf32, #tpu.memory_space<hbm>> -> memref<50000x32xf32, #tpu.memory_space<hbm>>
        tpu.wait_indirect_dma semaphore(%arg24 : memref<!tpu.dma_semaphore, #tpu.memory_space<semaphore_mem>>) src(%dma_wait3A_120 : memref<50000x32xf32, #tpu.memory_space<hbm>>) dst(%arg18 : memref<256x32xf32, #tpu.memory_space<vmem>>)
        %dma_start3A_121 = arith.constant 0 : i32
        %dma_start3A_122 = arith.constant 0 : i32
        %dma_start3A_123 = tpu.memref_slice %arg22[%dma_start3A_121, %dma_start3A_122] : memref<12672x32xf32, #tpu.memory_space<vmem_shared>> -> memref<12672x32xf32, #tpu.memory_space<vmem_shared>>
        tpu.enqueue_indirect_dma source(%arg18 : memref<256x32xf32, #tpu.memory_space<vmem>>) target(%dma_start3A_123 : memref<12672x32xf32, #tpu.memory_space<vmem_shared>>) offsets(%arg16 : memref<256xi32, #tpu.memory_space<vmem>>) semaphore(%arg24 : memref<!tpu.dma_semaphore, #tpu.memory_space<semaphore_mem>>) {add = true}
        %scan3A_124 = arith.constant 0 : i32
        %scan3A_125 = arith.constant 0 : i32
        %scan3A_126 = arith.constant 16 : i32
        %scan3A_127 = arith.addi %scan3A_125, %scan3A_126 : i32
        %scan3A_128 = arith.constant 1 : i32
        %scan3A_129 = scf.for %scan3A_137 = %scan3A_125 to %scan3A_127 step %scan3A_128 iter_args(%scan3A_138 = %scan3A_124) -> (i32)  : i32 {
          %mul3A_139 = arith.constant 16 : i32
          %mul3A_140 = arith.muli %scan3A_137, %mul3A_139 : i32
          %add3A_141 = arith.addi %multiple_of3A_102, %mul3A_140 : i32
          %get3A = arith.index_cast %add3A_141 : i32 to index
          %get3A_142 = tpu.vector_load %arg15[%get3A] {strides = array<i32>} : memref<4352xi32, #tpu.memory_space<vmem>>, vector<16xi32>,
          %sub3A = vector.broadcast %mul3A_2 : i32 to vector<16xi32>
          %sub3A_143 = arith.subi %get3A_142, %sub3A : vector<16xi32>
          %broadcast_in_dim3A_144 = arith.constant 0 : i32
          %broadcast_in_dim3A_145 = vector.broadcast %broadcast_in_dim3A_144 : i32 to vector<16x1xi32>
          %gather3A = vector.shape_cast %broadcast_in_dim3A_145 : vector<16x1xi32> to vector<16xi32>
          %gather3A_146 = tpu.dynamic_gather %sub3A_143[%gather3A] in [0] : vector<16xi32>, vector<16xi32> -> vector<16xi32>
          %mul3A_147 = arith.constant 16 : i32
          %mul3A_148 = arith.muli %scan3A_137, %mul3A_147 : i32
          %add3A_149 = arith.constant 0 : i32
          %add3A_150 = arith.addi %mul3A_148, %add3A_149 : i32
          %get3A_151 = arith.index_cast %add3A_150 : i32 to index
          %get3A_152 = arith.constant 0 : index
          %get3A_153 = tpu.vector_load %arg18[%get3A_151, %get3A_152] {strides = array<i32>} : memref<256x32xf32, #tpu.memory_space<vmem>>, vector<16xf32>,
          %get3A_154 = arith.index_cast %add3A_150 : i32 to index
          %get3A_155 = arith.constant 16 : index
          %get3A_156 = tpu.vector_load %arg18[%get3A_154, %get3A_155] {strides = array<i32>} : memref<256x32xf32, #tpu.memory_space<vmem>>, vector<16xf32>,
          %gather3A_157 = tpu.vector_load_idx %arg19[%gather3A_146, %iota3A] : memref<792x32xf32, #tpu.memory_space<vmem>>[vector<16xi32>, vector<16xi32>], vector<16xf32>,
          %max3A = arith.maximumf %gather3A_157, %get3A_153 : vector<16xf32>
          tpu.vector_store_idx %arg19[%gather3A_146, %iota3A], %max3A : memref<792x32xf32, #tpu.memory_space<vmem>>[vector<16xi32>, vector<16xi32>], vector<16xf32>,
          %gather3A_158 = tpu.vector_load_idx %arg19[%gather3A_146, %add3A_5] : memref<792x32xf32, #tpu.memory_space<vmem>>[vector<16xi32>, vector<16xi32>], vector<16xf32>,
          %max3A_159 = arith.maximumf %gather3A_158, %get3A_156 : vector<16xf32>
          tpu.vector_store_idx %arg19[%gather3A_146, %add3A_5], %max3A_159 : memref<792x32xf32, #tpu.memory_space<vmem>>[vector<16xi32>, vector<16xi32>], vector<16xf32>,
          %gather3A_160 = tpu.vector_load_idx %arg20[%gather3A_146, %iota3A] : memref<792x32xf32, #tpu.memory_space<vmem>>[vector<16xi32>, vector<16xi32>], vector<16xf32>,
          %min3A = arith.minimumf %gather3A_160, %get3A_153 : vector<16xf32>
          tpu.vector_store_idx %arg20[%gather3A_146, %iota3A], %min3A : memref<792x32xf32, #tpu.memory_space<vmem>>[vector<16xi32>, vector<16xi32>], vector<16xf32>,
          %gather3A_161 = tpu.vector_load_idx %arg20[%gather3A_146, %add3A_5] : memref<792x32xf32, #tpu.memory_space<vmem>>[vector<16xi32>, vector<16xi32>], vector<16xf32>,
          %min3A_162 = arith.minimumf %gather3A_161, %get3A_156 : vector<16xf32>
          tpu.vector_store_idx %arg20[%gather3A_146, %add3A_5], %min3A_162 : memref<792x32xf32, #tpu.memory_space<vmem>>[vector<16xi32>, vector<16xi32>], vector<16xf32>,
          tpu.vector_store_idx %arg21[%gather3A_146], %broadcast_in_dim3A_8 masked %eq3A_7 {add = true} : memref<800xf32, #tpu.memory_space<vmem>>[vector<16xi32>], vector<16xf32>, vector<16xi1>
          %broadcast_in_dim3A_163 = arith.constant 1 : i32
          %broadcast_in_dim3A_164 = vector.broadcast %broadcast_in_dim3A_163 : i32 to vector<16x1xi32>
          %gather3A_165 = vector.shape_cast %broadcast_in_dim3A_164 : vector<16x1xi32> to vector<16xi32>
          %gather3A_166 = tpu.dynamic_gather %sub3A_143[%gather3A_165] in [0] : vector<16xi32>, vector<16xi32> -> vector<16xi32>
          %mul3A_167 = arith.constant 16 : i32
          %mul3A_168 = arith.muli %scan3A_137, %mul3A_167 : i32
          %add3A_169 = arith.constant 1 : i32
          %add3A_170 = arith.addi %mul3A_168, %add3A_169 : i32
          %get3A_171 = arith.index_cast %add3A_170 : i32 to index
          %get3A_172 = arith.constant 0 : index
          %get3A_173 = tpu.vector_load %arg18[%get3A_171, %get3A_172] {strides = array<i32>} : memref<256x32xf32, #tpu.memory_space<vmem>>, vector<16xf32>,
          %get3A_174 = arith.index_cast %add3A_170 : i32 to index
          %get3A_175 = arith.constant 16 : index
          %get3A_176 = tpu.vector_load %arg18[%get3A_174, %get3A_175] {strides = array<i32>} : memref<256x32xf32, #tpu.memory_space<vmem>>, vector<16xf32>,
          %gather3A_177 = tpu.vector_load_idx %arg19[%gather3A_166, %iota3A] : memref<792x32xf32, #tpu.memory_space<vmem>>[vector<16xi32>, vector<16xi32>], vector<16xf32>,
          %max3A_178 = arith.maximumf %gather3A_177, %get3A_173 : vector<16xf32>
          tpu.vector_store_idx %arg19[%gather3A_166, %iota3A], %max3A_178 : memref<792x32xf32, #tpu.memory_space<vmem>>[vector<16xi32>, vector<16xi32>], vector<16xf32>,
          %gather3A_179 = tpu.vector_load_idx %arg19[%gather3A_166, %add3A_5] : memref<792x32xf32, #tpu.memory_space<vmem>>[vector<16xi32>, vector<16xi32>], vector<16xf32>,
          %max3A_180 = arith.maximumf %gather3A_179, %get3A_176 : vector<16xf32>
          tpu.vector_store_idx %arg19[%gather3A_166, %add3A_5], %max3A_180 : memref<792x32xf32, #tpu.memory_space<vmem>>[vector<16xi32>, vector<16xi32>], vector<16xf32>,
          %gather3A_181 = tpu.vector_load_idx %arg20[%gather3A_166, %iota3A] : memref<792x32xf32, #tpu.memory_space<vmem>>[vector<16xi32>, vector<16xi32>], vector<16xf32>,
          %min3A_182 = arith.minimumf %gather3A_181, %get3A_173 : vector<16xf32>
          tpu.vector_store_idx %arg20[%gather3A_166, %iota3A], %min3A_182 : memref<792x32xf32, #tpu.memory_space<vmem>>[vector<16xi32>, vector<16xi32>], vector<16xf32>,
          %gather3A_183 = tpu.vector_load_idx %arg20[%gather3A_166, %add3A_5] : memref<792x32xf32, #tpu.memory_space<vmem>>[vector<16xi32>, vector<16xi32>], vector<16xf32>,
          %min3A_184 = arith.minimumf %gather3A_183, %get3A_176 : vector<16xf32>
          tpu.vector_store_idx %arg20[%gather3A_166, %add3A_5], %min3A_184 : memref<792x32xf32, #tpu.memory_space<vmem>>[vector<16xi32>, vector<16xi32>], vector<16xf32>,
          tpu.vector_store_idx %arg21[%gather3A_166], %broadcast_in_dim3A_8 masked %eq3A_7 {add = true} : memref<800xf32, #tpu.memory_space<vmem>>[vector<16xi32>], vector<16xf32>, vector<16xi1>
          %broadcast_in_dim3A_185 = arith.constant 2 : i32
          %broadcast_in_dim3A_186 = vector.broadcast %broadcast_in_dim3A_185 : i32 to vector<16x1xi32>
          %gather3A_187 = vector.shape_cast %broadcast_in_dim3A_186 : vector<16x1xi32> to vector<16xi32>
          %gather3A_188 = tpu.dynamic_gather %sub3A_143[%gather3A_187] in [0] : vector<16xi32>, vector<16xi32> -> vector<16xi32>
          %mul3A_189 = arith.constant 16 : i32
          %mul3A_190 = arith.muli %scan3A_137, %mul3A_189 : i32
          %add3A_191 = arith.constant 2 : i32
          %add3A_192 = arith.addi %mul3A_190, %add3A_191 : i32
          %get3A_193 = arith.index_cast %add3A_192 : i32 to index
          %get3A_194 = arith.constant 0 : index
          %get3A_195 = tpu.vector_load %arg18[%get3A_193, %get3A_194] {strides = array<i32>} : memref<256x32xf32, #tpu.memory_space<vmem>>, vector<16xf32>,
          %get3A_196 = arith.index_cast %add3A_192 : i32 to index
          %get3A_197 = arith.constant 16 : index
          %get3A_198 = tpu.vector_load %arg18[%get3A_196, %get3A_197] {strides = array<i32>} : memref<256x32xf32, #tpu.memory_space<vmem>>, vector<16xf32>,
          %gather3A_199 = tpu.vector_load_idx %arg19[%gather3A_188, %iota3A] : memref<792x32xf32, #tpu.memory_space<vmem>>[vector<16xi32>, vector<16xi32>], vector<16xf32>,
          %max3A_200 = arith.maximumf %gather3A_199, %get3A_195 : vector<16xf32>
          tpu.vector_store_idx %arg19[%gather3A_188, %iota3A], %max3A_200 : memref<792x32xf32, #tpu.memory_space<vmem>>[vector<16xi32>, vector<16xi32>], vector<16xf32>,
          %gather3A_201 = tpu.vector_load_idx %arg19[%gather3A_188, %add3A_5] : memref<792x32xf32, #tpu.memory_space<vmem>>[vector<16xi32>, vector<16xi32>], vector<16xf32>,
          %max3A_202 = arith.maximumf %gather3A_201, %get3A_198 : vector<16xf32>
          tpu.vector_store_idx %arg19[%gather3A_188, %add3A_5], %max3A_202 : memref<792x32xf32, #tpu.memory_space<vmem>>[vector<16xi32>, vector<16xi32>], vector<16xf32>,
          %gather3A_203 = tpu.vector_load_idx %arg20[%gather3A_188, %iota3A] : memref<792x32xf32, #tpu.memory_space<vmem>>[vector<16xi32>, vector<16xi32>], vector<16xf32>,
          %min3A_204 = arith.minimumf %gather3A_203, %get3A_195 : vector<16xf32>
          tpu.vector_store_idx %arg20[%gather3A_188, %iota3A], %min3A_204 : memref<792x32xf32, #tpu.memory_space<vmem>>[vector<16xi32>, vector<16xi32>], vector<16xf32>,
          %gather3A_205 = tpu.vector_load_idx %arg20[%gather3A_188, %add3A_5] : memref<792x32xf32, #tpu.memory_space<vmem>>[vector<16xi32>, vector<16xi32>], vector<16xf32>,
          %min3A_206 = arith.minimumf %gather3A_205, %get3A_198 : vector<16xf32>
          tpu.vector_store_idx %arg20[%gather3A_188, %add3A_5], %min3A_206 : memref<792x32xf32, #tpu.memory_space<vmem>>[vector<16xi32>, vector<16xi32>], vector<16xf32>,
          tpu.vector_store_idx %arg21[%gather3A_188], %broadcast_in_dim3A_8 masked %eq3A_7 {add = true} : memref<800xf32, #tpu.memory_space<vmem>>[vector<16xi32>], vector<16xf32>, vector<16xi1>
          %broadcast_in_dim3A_207 = arith.constant 3 : i32
          %broadcast_in_dim3A_208 = vector.broadcast %broadcast_in_dim3A_207 : i32 to vector<16x1xi32>
          %gather3A_209 = vector.shape_cast %broadcast_in_dim3A_208 : vector<16x1xi32> to vector<16xi32>
          %gather3A_210 = tpu.dynamic_gather %sub3A_143[%gather3A_209] in [0] : vector<16xi32>, vector<16xi32> -> vector<16xi32>
          %mul3A_211 = arith.constant 16 : i32
          %mul3A_212 = arith.muli %scan3A_137, %mul3A_211 : i32
          %add3A_213 = arith.constant 3 : i32
          %add3A_214 = arith.addi %mul3A_212, %add3A_213 : i32
          %get3A_215 = arith.index_cast %add3A_214 : i32 to index
          %get3A_216 = arith.constant 0 : index
          %get3A_217 = tpu.vector_load %arg18[%get3A_215, %get3A_216] {strides = array<i32>} : memref<256x32xf32, #tpu.memory_space<vmem>>, vector<16xf32>,
          %get3A_218 = arith.index_cast %add3A_214 : i32 to index
          %get3A_219 = arith.constant 16 : index
          %get3A_220 = tpu.vector_load %arg18[%get3A_218, %get3A_219] {strides = array<i32>} : memref<256x32xf32, #tpu.memory_space<vmem>>, vector<16xf32>,
          %gather3A_221 = tpu.vector_load_idx %arg19[%gather3A_210, %iota3A] : memref<792x32xf32, #tpu.memory_space<vmem>>[vector<16xi32>, vector<16xi32>], vector<16xf32>,
          %max3A_222 = arith.maximumf %gather3A_221, %get3A_217 : vector<16xf32>
          tpu.vector_store_idx %arg19[%gather3A_210, %iota3A], %max3A_222 : memref<792x32xf32, #tpu.memory_space<vmem>>[vector<16xi32>, vector<16xi32>], vector<16xf32>,
          %gather3A_223 = tpu.vector_load_idx %arg19[%gather3A_210, %add3A_5] : memref<792x32xf32, #tpu.memory_space<vmem>>[vector<16xi32>, vector<16xi32>], vector<16xf32>,
          %max3A_224 = arith.maximumf %gather3A_223, %get3A_220 : vector<16xf32>
          tpu.vector_store_idx %arg19[%gather3A_210, %add3A_5], %max3A_224 : memref<792x32xf32, #tpu.memory_space<vmem>>[vector<16xi32>, vector<16xi32>], vector<16xf32>,
          %gather3A_225 = tpu.vector_load_idx %arg20[%gather3A_210, %iota3A] : memref<792x32xf32, #tpu.memory_space<vmem>>[vector<16xi32>, vector<16xi32>], vector<16xf32>,
          %min3A_226 = arith.minimumf %gather3A_225, %get3A_217 : vector<16xf32>
          tpu.vector_store_idx %arg20[%gather3A_210, %iota3A], %min3A_226 : memref<792x32xf32, #tpu.memory_space<vmem>>[vector<16xi32>, vector<16xi32>], vector<16xf32>,
          %gather3A_227 = tpu.vector_load_idx %arg20[%gather3A_210, %add3A_5] : memref<792x32xf32, #tpu.memory_space<vmem>>[vector<16xi32>, vector<16xi32>], vector<16xf32>,
          %min3A_228 = arith.minimumf %gather3A_227, %get3A_220 : vector<16xf32>
          tpu.vector_store_idx %arg20[%gather3A_210, %add3A_5], %min3A_228 : memref<792x32xf32, #tpu.memory_space<vmem>>[vector<16xi32>, vector<16xi32>], vector<16xf32>,
          tpu.vector_store_idx %arg21[%gather3A_210], %broadcast_in_dim3A_8 masked %eq3A_7 {add = true} : memref<800xf32, #tpu.memory_space<vmem>>[vector<16xi32>], vector<16xf32>, vector<16xi1>
          %broadcast_in_dim3A_229 = arith.constant 4 : i32
          %broadcast_in_dim3A_230 = vector.broadcast %broadcast_in_dim3A_229 : i32 to vector<16x1xi32>
          %gather3A_231 = vector.shape_cast %broadcast_in_dim3A_230 : vector<16x1xi32> to vector<16xi32>
          %gather3A_232 = tpu.dynamic_gather %sub3A_143[%gather3A_231] in [0] : vector<16xi32>, vector<16xi32> -> vector<16xi32>
          %mul3A_233 = arith.constant 16 : i32
          %mul3A_234 = arith.muli %scan3A_137, %mul3A_233 : i32
          %add3A_235 = arith.constant 4 : i32
          %add3A_236 = arith.addi %mul3A_234, %add3A_235 : i32
          %get3A_237 = arith.index_cast %add3A_236 : i32 to index
          %get3A_238 = arith.constant 0 : index
          %get3A_239 = tpu.vector_load %arg18[%get3A_237, %get3A_238] {strides = array<i32>} : memref<256x32xf32, #tpu.memory_space<vmem>>, vector<16xf32>,
          %get3A_240 = arith.index_cast %add3A_236 : i32 to index
          %get3A_241 = arith.constant 16 : index
          %get3A_242 = tpu.vector_load %arg18[%get3A_240, %get3A_241] {strides = array<i32>} : memref<256x32xf32, #tpu.memory_space<vmem>>, vector<16xf32>,
          %gather3A_243 = tpu.vector_load_idx %arg19[%gather3A_232, %iota3A] : memref<792x32xf32, #tpu.memory_space<vmem>>[vector<16xi32>, vector<16xi32>], vector<16xf32>,
          %max3A_244 = arith.maximumf %gather3A_243, %get3A_239 : vector<16xf32>
          tpu.vector_store_idx %arg19[%gather3A_232, %iota3A], %max3A_244 : memref<792x32xf32, #tpu.memory_space<vmem>>[vector<16xi32>, vector<16xi32>], vector<16xf32>,
          %gather3A_245 = tpu.vector_load_idx %arg19[%gather3A_232, %add3A_5] : memref<792x32xf32, #tpu.memory_space<vmem>>[vector<16xi32>, vector<16xi32>], vector<16xf32>,
          %max3A_246 = arith.maximumf %gather3A_245, %get3A_242 : vector<16xf32>
          tpu.vector_store_idx %arg19[%gather3A_232, %add3A_5], %max3A_246 : memref<792x32xf32, #tpu.memory_space<vmem>>[vector<16xi32>, vector<16xi32>], vector<16xf32>,
          %gather3A_247 = tpu.vector_load_idx %arg20[%gather3A_232, %iota3A] : memref<792x32xf32, #tpu.memory_space<vmem>>[vector<16xi32>, vector<16xi32>], vector<16xf32>,
          %min3A_248 = arith.minimumf %gather3A_247, %get3A_239 : vector<16xf32>
          tpu.vector_store_idx %arg20[%gather3A_232, %iota3A], %min3A_248 : memref<792x32xf32, #tpu.memory_space<vmem>>[vector<16xi32>, vector<16xi32>], vector<16xf32>,
          %gather3A_249 = tpu.vector_load_idx %arg20[%gather3A_232, %add3A_5] : memref<792x32xf32, #tpu.memory_space<vmem>>[vector<16xi32>, vector<16xi32>], vector<16xf32>,
          %min3A_250 = arith.minimumf %gather3A_249, %get3A_242 : vector<16xf32>
          tpu.vector_store_idx %arg20[%gather3A_232, %add3A_5], %min3A_250 : memref<792x32xf32, #tpu.memory_space<vmem>>[vector<16xi32>, vector<16xi32>], vector<16xf32>,
          tpu.vector_store_idx %arg21[%gather3A_232], %broadcast_in_dim3A_8 masked %eq3A_7 {add = true} : memref<800xf32, #tpu.memory_space<vmem>>[vector<16xi32>], vector<16xf32>, vector<16xi1>
          %broadcast_in_dim3A_251 = arith.constant 5 : i32
          %broadcast_in_dim3A_252 = vector.broadcast %broadcast_in_dim3A_251 : i32 to vector<16x1xi32>
          %gather3A_253 = vector.shape_cast %broadcast_in_dim3A_252 : vector<16x1xi32> to vector<16xi32>
          %gather3A_254 = tpu.dynamic_gather %sub3A_143[%gather3A_253] in [0] : vector<16xi32>, vector<16xi32> -> vector<16xi32>
          %mul3A_255 = arith.constant 16 : i32
          %mul3A_256 = arith.muli %scan3A_137, %mul3A_255 : i32
          %add3A_257 = arith.constant 5 : i32
          %add3A_258 = arith.addi %mul3A_256, %add3A_257 : i32
          %get3A_259 = arith.index_cast %add3A_258 : i32 to index
          %get3A_260 = arith.constant 0 : index
          %get3A_261 = tpu.vector_load %arg18[%get3A_259, %get3A_260] {strides = array<i32>} : memref<256x32xf32, #tpu.memory_space<vmem>>, vector<16xf32>,
          %get3A_262 = arith.index_cast %add3A_258 : i32 to index
          %get3A_263 = arith.constant 16 : index
          %get3A_264 = tpu.vector_load %arg18[%get3A_262, %get3A_263] {strides = array<i32>} : memref<256x32xf32, #tpu.memory_space<vmem>>, vector<16xf32>,
          %gather3A_265 = tpu.vector_load_idx %arg19[%gather3A_254, %iota3A] : memref<792x32xf32, #tpu.memory_space<vmem>>[vector<16xi32>, vector<16xi32>], vector<16xf32>,
          %max3A_266 = arith.maximumf %gather3A_265, %get3A_261 : vector<16xf32>
          tpu.vector_store_idx %arg19[%gather3A_254, %iota3A], %max3A_266 : memref<792x32xf32, #tpu.memory_space<vmem>>[vector<16xi32>, vector<16xi32>], vector<16xf32>,
          %gather3A_267 = tpu.vector_load_idx %arg19[%gather3A_254, %add3A_5] : memref<792x32xf32, #tpu.memory_space<vmem>>[vector<16xi32>, vector<16xi32>], vector<16xf32>,
          %max3A_268 = arith.maximumf %gather3A_267, %get3A_264 : vector<16xf32>
          tpu.vector_store_idx %arg19[%gather3A_254, %add3A_5], %max3A_268 : memref<792x32xf32, #tpu.memory_space<vmem>>[vector<16xi32>, vector<16xi32>], vector<16xf32>,
          %gather3A_269 = tpu.vector_load_idx %arg20[%gather3A_254, %iota3A] : memref<792x32xf32, #tpu.memory_space<vmem>>[vector<16xi32>, vector<16xi32>], vector<16xf32>,
          %min3A_270 = arith.minimumf %gather3A_269, %get3A_261 : vector<16xf32>
          tpu.vector_store_idx %arg20[%gather3A_254, %iota3A], %min3A_270 : memref<792x32xf32, #tpu.memory_space<vmem>>[vector<16xi32>, vector<16xi32>], vector<16xf32>,
          %gather3A_271 = tpu.vector_load_idx %arg20[%gather3A_254, %add3A_5] : memref<792x32xf32, #tpu.memory_space<vmem>>[vector<16xi32>, vector<16xi32>], vector<16xf32>,
          %min3A_272 = arith.minimumf %gather3A_271, %get3A_264 : vector<16xf32>
          tpu.vector_store_idx %arg20[%gather3A_254, %add3A_5], %min3A_272 : memref<792x32xf32, #tpu.memory_space<vmem>>[vector<16xi32>, vector<16xi32>], vector<16xf32>,
          tpu.vector_store_idx %arg21[%gather3A_254], %broadcast_in_dim3A_8 masked %eq3A_7 {add = true} : memref<800xf32, #tpu.memory_space<vmem>>[vector<16xi32>], vector<16xf32>, vector<16xi1>
          %broadcast_in_dim3A_273 = arith.constant 6 : i32
          %broadcast_in_dim3A_274 = vector.broadcast %broadcast_in_dim3A_273 : i32 to vector<16x1xi32>
          %gather3A_275 = vector.shape_cast %broadcast_in_dim3A_274 : vector<16x1xi32> to vector<16xi32>
          %gather3A_276 = tpu.dynamic_gather %sub3A_143[%gather3A_275] in [0] : vector<16xi32>, vector<16xi32> -> vector<16xi32>
          %mul3A_277 = arith.constant 16 : i32
          %mul3A_278 = arith.muli %scan3A_137, %mul3A_277 : i32
          %add3A_279 = arith.constant 6 : i32
          %add3A_280 = arith.addi %mul3A_278, %add3A_279 : i32
          %get3A_281 = arith.index_cast %add3A_280 : i32 to index
          %get3A_282 = arith.constant 0 : index
          %get3A_283 = tpu.vector_load %arg18[%get3A_281, %get3A_282] {strides = array<i32>} : memref<256x32xf32, #tpu.memory_space<vmem>>, vector<16xf32>,
          %get3A_284 = arith.index_cast %add3A_280 : i32 to index
          %get3A_285 = arith.constant 16 : index
          %get3A_286 = tpu.vector_load %arg18[%get3A_284, %get3A_285] {strides = array<i32>} : memref<256x32xf32, #tpu.memory_space<vmem>>, vector<16xf32>,
          %gather3A_287 = tpu.vector_load_idx %arg19[%gather3A_276, %iota3A] : memref<792x32xf32, #tpu.memory_space<vmem>>[vector<16xi32>, vector<16xi32>], vector<16xf32>,
          %max3A_288 = arith.maximumf %gather3A_287, %get3A_283 : vector<16xf32>
          tpu.vector_store_idx %arg19[%gather3A_276, %iota3A], %max3A_288 : memref<792x32xf32, #tpu.memory_space<vmem>>[vector<16xi32>, vector<16xi32>], vector<16xf32>,
          %gather3A_289 = tpu.vector_load_idx %arg19[%gather3A_276, %add3A_5] : memref<792x32xf32, #tpu.memory_space<vmem>>[vector<16xi32>, vector<16xi32>], vector<16xf32>,
          %max3A_290 = arith.maximumf %gather3A_289, %get3A_286 : vector<16xf32>
          tpu.vector_store_idx %arg19[%gather3A_276, %add3A_5], %max3A_290 : memref<792x32xf32, #tpu.memory_space<vmem>>[vector<16xi32>, vector<16xi32>], vector<16xf32>,
          %gather3A_291 = tpu.vector_load_idx %arg20[%gather3A_276, %iota3A] : memref<792x32xf32, #tpu.memory_space<vmem>>[vector<16xi32>, vector<16xi32>], vector<16xf32>,
          %min3A_292 = arith.minimumf %gather3A_291, %get3A_283 : vector<16xf32>
          tpu.vector_store_idx %arg20[%gather3A_276, %iota3A], %min3A_292 : memref<792x32xf32, #tpu.memory_space<vmem>>[vector<16xi32>, vector<16xi32>], vector<16xf32>,
          %gather3A_293 = tpu.vector_load_idx %arg20[%gather3A_276, %add3A_5] : memref<792x32xf32, #tpu.memory_space<vmem>>[vector<16xi32>, vector<16xi32>], vector<16xf32>,
          %min3A_294 = arith.minimumf %gather3A_293, %get3A_286 : vector<16xf32>
          tpu.vector_store_idx %arg20[%gather3A_276, %add3A_5], %min3A_294 : memref<792x32xf32, #tpu.memory_space<vmem>>[vector<16xi32>, vector<16xi32>], vector<16xf32>,
          tpu.vector_store_idx %arg21[%gather3A_276], %broadcast_in_dim3A_8 masked %eq3A_7 {add = true} : memref<800xf32, #tpu.memory_space<vmem>>[vector<16xi32>], vector<16xf32>, vector<16xi1>
          %broadcast_in_dim3A_295 = arith.constant 7 : i32
          %broadcast_in_dim3A_296 = vector.broadcast %broadcast_in_dim3A_295 : i32 to vector<16x1xi32>
          %gather3A_297 = vector.shape_cast %broadcast_in_dim3A_296 : vector<16x1xi32> to vector<16xi32>
          %gather3A_298 = tpu.dynamic_gather %sub3A_143[%gather3A_297] in [0] : vector<16xi32>, vector<16xi32> -> vector<16xi32>
          %mul3A_299 = arith.constant 16 : i32
          %mul3A_300 = arith.muli %scan3A_137, %mul3A_299 : i32
          %add3A_301 = arith.constant 7 : i32
          %add3A_302 = arith.addi %mul3A_300, %add3A_301 : i32
          %get3A_303 = arith.index_cast %add3A_302 : i32 to index
          %get3A_304 = arith.constant 0 : index
          %get3A_305 = tpu.vector_load %arg18[%get3A_303, %get3A_304] {strides = array<i32>} : memref<256x32xf32, #tpu.memory_space<vmem>>, vector<16xf32>,
          %get3A_306 = arith.index_cast %add3A_302 : i32 to index
          %get3A_307 = arith.constant 16 : index
          %get3A_308 = tpu.vector_load %arg18[%get3A_306, %get3A_307] {strides = array<i32>} : memref<256x32xf32, #tpu.memory_space<vmem>>, vector<16xf32>,
          %gather3A_309 = tpu.vector_load_idx %arg19[%gather3A_298, %iota3A] : memref<792x32xf32, #tpu.memory_space<vmem>>[vector<16xi32>, vector<16xi32>], vector<16xf32>,
          %max3A_310 = arith.maximumf %gather3A_309, %get3A_305 : vector<16xf32>
          tpu.vector_store_idx %arg19[%gather3A_298, %iota3A], %max3A_310 : memref<792x32xf32, #tpu.memory_space<vmem>>[vector<16xi32>, vector<16xi32>], vector<16xf32>,
          %gather3A_311 = tpu.vector_load_idx %arg19[%gather3A_298, %add3A_5] : memref<792x32xf32, #tpu.memory_space<vmem>>[vector<16xi32>, vector<16xi32>], vector<16xf32>,
          %max3A_312 = arith.maximumf %gather3A_311, %get3A_308 : vector<16xf32>
          tpu.vector_store_idx %arg19[%gather3A_298, %add3A_5], %max3A_312 : memref<792x32xf32, #tpu.memory_space<vmem>>[vector<16xi32>, vector<16xi32>], vector<16xf32>,
          %gather3A_313 = tpu.vector_load_idx %arg20[%gather3A_298, %iota3A] : memref<792x32xf32, #tpu.memory_space<vmem>>[vector<16xi32>, vector<16xi32>], vector<16xf32>,
          %min3A_314 = arith.minimumf %gather3A_313, %get3A_305 : vector<16xf32>
          tpu.vector_store_idx %arg20[%gather3A_298, %iota3A], %min3A_314 : memref<792x32xf32, #tpu.memory_space<vmem>>[vector<16xi32>, vector<16xi32>], vector<16xf32>,
          %gather3A_315 = tpu.vector_load_idx %arg20[%gather3A_298, %add3A_5] : memref<792x32xf32, #tpu.memory_space<vmem>>[vector<16xi32>, vector<16xi32>], vector<16xf32>,
          %min3A_316 = arith.minimumf %gather3A_315, %get3A_308 : vector<16xf32>
          tpu.vector_store_idx %arg20[%gather3A_298, %add3A_5], %min3A_316 : memref<792x32xf32, #tpu.memory_space<vmem>>[vector<16xi32>, vector<16xi32>], vector<16xf32>,
          tpu.vector_store_idx %arg21[%gather3A_298], %broadcast_in_dim3A_8 masked %eq3A_7 {add = true} : memref<800xf32, #tpu.memory_space<vmem>>[vector<16xi32>], vector<16xf32>, vector<16xi1>
          %broadcast_in_dim3A_317 = arith.constant 8 : i32
          %broadcast_in_dim3A_318 = vector.broadcast %broadcast_in_dim3A_317 : i32 to vector<16x1xi32>
          %gather3A_319 = vector.shape_cast %broadcast_in_dim3A_318 : vector<16x1xi32> to vector<16xi32>
          %gather3A_320 = tpu.dynamic_gather %sub3A_143[%gather3A_319] in [0] : vector<16xi32>, vector<16xi32> -> vector<16xi32>
          %mul3A_321 = arith.constant 16 : i32
          %mul3A_322 = arith.muli %scan3A_137, %mul3A_321 : i32
          %add3A_323 = arith.constant 8 : i32
          %add3A_324 = arith.addi %mul3A_322, %add3A_323 : i32
          %get3A_325 = arith.index_cast %add3A_324 : i32 to index
          %get3A_326 = arith.constant 0 : index
          %get3A_327 = tpu.vector_load %arg18[%get3A_325, %get3A_326] {strides = array<i32>} : memref<256x32xf32, #tpu.memory_space<vmem>>, vector<16xf32>,
          %get3A_328 = arith.index_cast %add3A_324 : i32 to index
          %get3A_329 = arith.constant 16 : index
          %get3A_330 = tpu.vector_load %arg18[%get3A_328, %get3A_329] {strides = array<i32>} : memref<256x32xf32, #tpu.memory_space<vmem>>, vector<16xf32>,
          %gather3A_331 = tpu.vector_load_idx %arg19[%gather3A_320, %iota3A] : memref<792x32xf32, #tpu.memory_space<vmem>>[vector<16xi32>, vector<16xi32>], vector<16xf32>,
          %max3A_332 = arith.maximumf %gather3A_331, %get3A_327 : vector<16xf32>
          tpu.vector_store_idx %arg19[%gather3A_320, %iota3A], %max3A_332 : memref<792x32xf32, #tpu.memory_space<vmem>>[vector<16xi32>, vector<16xi32>], vector<16xf32>,
          %gather3A_333 = tpu.vector_load_idx %arg19[%gather3A_320, %add3A_5] : memref<792x32xf32, #tpu.memory_space<vmem>>[vector<16xi32>, vector<16xi32>], vector<16xf32>,
          %max3A_334 = arith.maximumf %gather3A_333, %get3A_330 : vector<16xf32>
          tpu.vector_store_idx %arg19[%gather3A_320, %add3A_5], %max3A_334 : memref<792x32xf32, #tpu.memory_space<vmem>>[vector<16xi32>, vector<16xi32>], vector<16xf32>,
          %gather3A_335 = tpu.vector_load_idx %arg20[%gather3A_320, %iota3A] : memref<792x32xf32, #tpu.memory_space<vmem>>[vector<16xi32>, vector<16xi32>], vector<16xf32>,
          %min3A_336 = arith.minimumf %gather3A_335, %get3A_327 : vector<16xf32>
          tpu.vector_store_idx %arg20[%gather3A_320, %iota3A], %min3A_336 : memref<792x32xf32, #tpu.memory_space<vmem>>[vector<16xi32>, vector<16xi32>], vector<16xf32>,
          %gather3A_337 = tpu.vector_load_idx %arg20[%gather3A_320, %add3A_5] : memref<792x32xf32, #tpu.memory_space<vmem>>[vector<16xi32>, vector<16xi32>], vector<16xf32>,
          %min3A_338 = arith.minimumf %gather3A_337, %get3A_330 : vector<16xf32>
          tpu.vector_store_idx %arg20[%gather3A_320, %add3A_5], %min3A_338 : memref<792x32xf32, #tpu.memory_space<vmem>>[vector<16xi32>, vector<16xi32>], vector<16xf32>,
          tpu.vector_store_idx %arg21[%gather3A_320], %broadcast_in_dim3A_8 masked %eq3A_7 {add = true} : memref<800xf32, #tpu.memory_space<vmem>>[vector<16xi32>], vector<16xf32>, vector<16xi1>
          %broadcast_in_dim3A_339 = arith.constant 9 : i32
          %broadcast_in_dim3A_340 = vector.broadcast %broadcast_in_dim3A_339 : i32 to vector<16x1xi32>
          %gather3A_341 = vector.shape_cast %broadcast_in_dim3A_340 : vector<16x1xi32> to vector<16xi32>
          %gather3A_342 = tpu.dynamic_gather %sub3A_143[%gather3A_341] in [0] : vector<16xi32>, vector<16xi32> -> vector<16xi32>
          %mul3A_343 = arith.constant 16 : i32
          %mul3A_344 = arith.muli %scan3A_137, %mul3A_343 : i32
          %add3A_345 = arith.constant 9 : i32
          %add3A_346 = arith.addi %mul3A_344, %add3A_345 : i32
          %get3A_347 = arith.index_cast %add3A_346 : i32 to index
          %get3A_348 = arith.constant 0 : index
          %get3A_349 = tpu.vector_load %arg18[%get3A_347, %get3A_348] {strides = array<i32>} : memref<256x32xf32, #tpu.memory_space<vmem>>, vector<16xf32>,
          %get3A_350 = arith.index_cast %add3A_346 : i32 to index
          %get3A_351 = arith.constant 16 : index
          %get3A_352 = tpu.vector_load %arg18[%get3A_350, %get3A_351] {strides = array<i32>} : memref<256x32xf32, #tpu.memory_space<vmem>>, vector<16xf32>,
          %gather3A_353 = tpu.vector_load_idx %arg19[%gather3A_342, %iota3A] : memref<792x32xf32, #tpu.memory_space<vmem>>[vector<16xi32>, vector<16xi32>], vector<16xf32>,
          %max3A_354 = arith.maximumf %gather3A_353, %get3A_349 : vector<16xf32>
          tpu.vector_store_idx %arg19[%gather3A_342, %iota3A], %max3A_354 : memref<792x32xf32, #tpu.memory_space<vmem>>[vector<16xi32>, vector<16xi32>], vector<16xf32>,
          %gather3A_355 = tpu.vector_load_idx %arg19[%gather3A_342, %add3A_5] : memref<792x32xf32, #tpu.memory_space<vmem>>[vector<16xi32>, vector<16xi32>], vector<16xf32>,
          %max3A_356 = arith.maximumf %gather3A_355, %get3A_352 : vector<16xf32>
          tpu.vector_store_idx %arg19[%gather3A_342, %add3A_5], %max3A_356 : memref<792x32xf32, #tpu.memory_space<vmem>>[vector<16xi32>, vector<16xi32>], vector<16xf32>,
          %gather3A_357 = tpu.vector_load_idx %arg20[%gather3A_342, %iota3A] : memref<792x32xf32, #tpu.memory_space<vmem>>[vector<16xi32>, vector<16xi32>], vector<16xf32>,
          %min3A_358 = arith.minimumf %gather3A_357, %get3A_349 : vector<16xf32>
          tpu.vector_store_idx %arg20[%gather3A_342, %iota3A], %min3A_358 : memref<792x32xf32, #tpu.memory_space<vmem>>[vector<16xi32>, vector<16xi32>], vector<16xf32>,
          %gather3A_359 = tpu.vector_load_idx %arg20[%gather3A_342, %add3A_5] : memref<792x32xf32, #tpu.memory_space<vmem>>[vector<16xi32>, vector<16xi32>], vector<16xf32>,
          %min3A_360 = arith.minimumf %gather3A_359, %get3A_352 : vector<16xf32>
          tpu.vector_store_idx %arg20[%gather3A_342, %add3A_5], %min3A_360 : memref<792x32xf32, #tpu.memory_space<vmem>>[vector<16xi32>, vector<16xi32>], vector<16xf32>,
          tpu.vector_store_idx %arg21[%gather3A_342], %broadcast_in_dim3A_8 masked %eq3A_7 {add = true} : memref<800xf32, #tpu.memory_space<vmem>>[vector<16xi32>], vector<16xf32>, vector<16xi1>
          %broadcast_in_dim3A_361 = arith.constant 10 : i32
          %broadcast_in_dim3A_362 = vector.broadcast %broadcast_in_dim3A_361 : i32 to vector<16x1xi32>
          %gather3A_363 = vector.shape_cast %broadcast_in_dim3A_362 : vector<16x1xi32> to vector<16xi32>
          %gather3A_364 = tpu.dynamic_gather %sub3A_143[%gather3A_363] in [0] : vector<16xi32>, vector<16xi32> -> vector<16xi32>
          %mul3A_365 = arith.constant 16 : i32
          %mul3A_366 = arith.muli %scan3A_137, %mul3A_365 : i32
          %add3A_367 = arith.constant 10 : i32
          %add3A_368 = arith.addi %mul3A_366, %add3A_367 : i32
          %get3A_369 = arith.index_cast %add3A_368 : i32 to index
          %get3A_370 = arith.constant 0 : index
          %get3A_371 = tpu.vector_load %arg18[%get3A_369, %get3A_370] {strides = array<i32>} : memref<256x32xf32, #tpu.memory_space<vmem>>, vector<16xf32>,
          %get3A_372 = arith.index_cast %add3A_368 : i32 to index
          %get3A_373 = arith.constant 16 : index
          %get3A_374 = tpu.vector_load %arg18[%get3A_372, %get3A_373] {strides = array<i32>} : memref<256x32xf32, #tpu.memory_space<vmem>>, vector<16xf32>,
          %gather3A_375 = tpu.vector_load_idx %arg19[%gather3A_364, %iota3A] : memref<792x32xf32, #tpu.memory_space<vmem>>[vector<16xi32>, vector<16xi32>], vector<16xf32>,
          %max3A_376 = arith.maximumf %gather3A_375, %get3A_371 : vector<16xf32>
          tpu.vector_store_idx %arg19[%gather3A_364, %iota3A], %max3A_376 : memref<792x32xf32, #tpu.memory_space<vmem>>[vector<16xi32>, vector<16xi32>], vector<16xf32>,
          %gather3A_377 = tpu.vector_load_idx %arg19[%gather3A_364, %add3A_5] : memref<792x32xf32, #tpu.memory_space<vmem>>[vector<16xi32>, vector<16xi32>], vector<16xf32>,
          %max3A_378 = arith.maximumf %gather3A_377, %get3A_374 : vector<16xf32>
          tpu.vector_store_idx %arg19[%gather3A_364, %add3A_5], %max3A_378 : memref<792x32xf32, #tpu.memory_space<vmem>>[vector<16xi32>, vector<16xi32>], vector<16xf32>,
          %gather3A_379 = tpu.vector_load_idx %arg20[%gather3A_364, %iota3A] : memref<792x32xf32, #tpu.memory_space<vmem>>[vector<16xi32>, vector<16xi32>], vector<16xf32>,
          %min3A_380 = arith.minimumf %gather3A_379, %get3A_371 : vector<16xf32>
          tpu.vector_store_idx %arg20[%gather3A_364, %iota3A], %min3A_380 : memref<792x32xf32, #tpu.memory_space<vmem>>[vector<16xi32>, vector<16xi32>], vector<16xf32>,
          %gather3A_381 = tpu.vector_load_idx %arg20[%gather3A_364, %add3A_5] : memref<792x32xf32, #tpu.memory_space<vmem>>[vector<16xi32>, vector<16xi32>], vector<16xf32>,
          %min3A_382 = arith.minimumf %gather3A_381, %get3A_374 : vector<16xf32>
          tpu.vector_store_idx %arg20[%gather3A_364, %add3A_5], %min3A_382 : memref<792x32xf32, #tpu.memory_space<vmem>>[vector<16xi32>, vector<16xi32>], vector<16xf32>,
          tpu.vector_store_idx %arg21[%gather3A_364], %broadcast_in_dim3A_8 masked %eq3A_7 {add = true} : memref<800xf32, #tpu.memory_space<vmem>>[vector<16xi32>], vector<16xf32>, vector<16xi1>
          %broadcast_in_dim3A_383 = arith.constant 11 : i32
          %broadcast_in_dim3A_384 = vector.broadcast %broadcast_in_dim3A_383 : i32 to vector<16x1xi32>
          %gather3A_385 = vector.shape_cast %broadcast_in_dim3A_384 : vector<16x1xi32> to vector<16xi32>
          %gather3A_386 = tpu.dynamic_gather %sub3A_143[%gather3A_385] in [0] : vector<16xi32>, vector<16xi32> -> vector<16xi32>
          %mul3A_387 = arith.constant 16 : i32
          %mul3A_388 = arith.muli %scan3A_137, %mul3A_387 : i32
          %add3A_389 = arith.constant 11 : i32
          %add3A_390 = arith.addi %mul3A_388, %add3A_389 : i32
          %get3A_391 = arith.index_cast %add3A_390 : i32 to index
          %get3A_392 = arith.constant 0 : index
          %get3A_393 = tpu.vector_load %arg18[%get3A_391, %get3A_392] {strides = array<i32>} : memref<256x32xf32, #tpu.memory_space<vmem>>, vector<16xf32>,
          %get3A_394 = arith.index_cast %add3A_390 : i32 to index
          %get3A_395 = arith.constant 16 : index
          %get3A_396 = tpu.vector_load %arg18[%get3A_394, %get3A_395] {strides = array<i32>} : memref<256x32xf32, #tpu.memory_space<vmem>>, vector<16xf32>,
          %gather3A_397 = tpu.vector_load_idx %arg19[%gather3A_386, %iota3A] : memref<792x32xf32, #tpu.memory_space<vmem>>[vector<16xi32>, vector<16xi32>], vector<16xf32>,
          %max3A_398 = arith.maximumf %gather3A_397, %get3A_393 : vector<16xf32>
          tpu.vector_store_idx %arg19[%gather3A_386, %iota3A], %max3A_398 : memref<792x32xf32, #tpu.memory_space<vmem>>[vector<16xi32>, vector<16xi32>], vector<16xf32>,
          %gather3A_399 = tpu.vector_load_idx %arg19[%gather3A_386, %add3A_5] : memref<792x32xf32, #tpu.memory_space<vmem>>[vector<16xi32>, vector<16xi32>], vector<16xf32>,
          %max3A_400 = arith.maximumf %gather3A_399, %get3A_396 : vector<16xf32>
          tpu.vector_store_idx %arg19[%gather3A_386, %add3A_5], %max3A_400 : memref<792x32xf32, #tpu.memory_space<vmem>>[vector<16xi32>, vector<16xi32>], vector<16xf32>,
          %gather3A_401 = tpu.vector_load_idx %arg20[%gather3A_386, %iota3A] : memref<792x32xf32, #tpu.memory_space<vmem>>[vector<16xi32>, vector<16xi32>], vector<16xf32>,
          %min3A_402 = arith.minimumf %gather3A_401, %get3A_393 : vector<16xf32>
          tpu.vector_store_idx %arg20[%gather3A_386, %iota3A], %min3A_402 : memref<792x32xf32, #tpu.memory_space<vmem>>[vector<16xi32>, vector<16xi32>], vector<16xf32>,
          %gather3A_403 = tpu.vector_load_idx %arg20[%gather3A_386, %add3A_5] : memref<792x32xf32, #tpu.memory_space<vmem>>[vector<16xi32>, vector<16xi32>], vector<16xf32>,
          %min3A_404 = arith.minimumf %gather3A_403, %get3A_396 : vector<16xf32>
          tpu.vector_store_idx %arg20[%gather3A_386, %add3A_5], %min3A_404 : memref<792x32xf32, #tpu.memory_space<vmem>>[vector<16xi32>, vector<16xi32>], vector<16xf32>,
          tpu.vector_store_idx %arg21[%gather3A_386], %broadcast_in_dim3A_8 masked %eq3A_7 {add = true} : memref<800xf32, #tpu.memory_space<vmem>>[vector<16xi32>], vector<16xf32>, vector<16xi1>
          %broadcast_in_dim3A_405 = arith.constant 12 : i32
          %broadcast_in_dim3A_406 = vector.broadcast %broadcast_in_dim3A_405 : i32 to vector<16x1xi32>
          %gather3A_407 = vector.shape_cast %broadcast_in_dim3A_406 : vector<16x1xi32> to vector<16xi32>
          %gather3A_408 = tpu.dynamic_gather %sub3A_143[%gather3A_407] in [0] : vector<16xi32>, vector<16xi32> -> vector<16xi32>
          %mul3A_409 = arith.constant 16 : i32
          %mul3A_410 = arith.muli %scan3A_137, %mul3A_409 : i32
          %add3A_411 = arith.constant 12 : i32
          %add3A_412 = arith.addi %mul3A_410, %add3A_411 : i32
          %get3A_413 = arith.index_cast %add3A_412 : i32 to index
          %get3A_414 = arith.constant 0 : index
          %get3A_415 = tpu.vector_load %arg18[%get3A_413, %get3A_414] {strides = array<i32>} : memref<256x32xf32, #tpu.memory_space<vmem>>, vector<16xf32>,
          %get3A_416 = arith.index_cast %add3A_412 : i32 to index
          %get3A_417 = arith.constant 16 : index
          %get3A_418 = tpu.vector_load %arg18[%get3A_416, %get3A_417] {strides = array<i32>} : memref<256x32xf32, #tpu.memory_space<vmem>>, vector<16xf32>,
          %gather3A_419 = tpu.vector_load_idx %arg19[%gather3A_408, %iota3A] : memref<792x32xf32, #tpu.memory_space<vmem>>[vector<16xi32>, vector<16xi32>], vector<16xf32>,
          %max3A_420 = arith.maximumf %gather3A_419, %get3A_415 : vector<16xf32>
          tpu.vector_store_idx %arg19[%gather3A_408, %iota3A], %max3A_420 : memref<792x32xf32, #tpu.memory_space<vmem>>[vector<16xi32>, vector<16xi32>], vector<16xf32>,
          %gather3A_421 = tpu.vector_load_idx %arg19[%gather3A_408, %add3A_5] : memref<792x32xf32, #tpu.memory_space<vmem>>[vector<16xi32>, vector<16xi32>], vector<16xf32>,
          %max3A_422 = arith.maximumf %gather3A_421, %get3A_418 : vector<16xf32>
          tpu.vector_store_idx %arg19[%gather3A_408, %add3A_5], %max3A_422 : memref<792x32xf32, #tpu.memory_space<vmem>>[vector<16xi32>, vector<16xi32>], vector<16xf32>,
          %gather3A_423 = tpu.vector_load_idx %arg20[%gather3A_408, %iota3A] : memref<792x32xf32, #tpu.memory_space<vmem>>[vector<16xi32>, vector<16xi32>], vector<16xf32>,
          %min3A_424 = arith.minimumf %gather3A_423, %get3A_415 : vector<16xf32>
          tpu.vector_store_idx %arg20[%gather3A_408, %iota3A], %min3A_424 : memref<792x32xf32, #tpu.memory_space<vmem>>[vector<16xi32>, vector<16xi32>], vector<16xf32>,
          %gather3A_425 = tpu.vector_load_idx %arg20[%gather3A_408, %add3A_5] : memref<792x32xf32, #tpu.memory_space<vmem>>[vector<16xi32>, vector<16xi32>], vector<16xf32>,
          %min3A_426 = arith.minimumf %gather3A_425, %get3A_418 : vector<16xf32>
          tpu.vector_store_idx %arg20[%gather3A_408, %add3A_5], %min3A_426 : memref<792x32xf32, #tpu.memory_space<vmem>>[vector<16xi32>, vector<16xi32>], vector<16xf32>,
          tpu.vector_store_idx %arg21[%gather3A_408], %broadcast_in_dim3A_8 masked %eq3A_7 {add = true} : memref<800xf32, #tpu.memory_space<vmem>>[vector<16xi32>], vector<16xf32>, vector<16xi1>
          %broadcast_in_dim3A_427 = arith.constant 13 : i32
          %broadcast_in_dim3A_428 = vector.broadcast %broadcast_in_dim3A_427 : i32 to vector<16x1xi32>
          %gather3A_429 = vector.shape_cast %broadcast_in_dim3A_428 : vector<16x1xi32> to vector<16xi32>
          %gather3A_430 = tpu.dynamic_gather %sub3A_143[%gather3A_429] in [0] : vector<16xi32>, vector<16xi32> -> vector<16xi32>
          %mul3A_431 = arith.constant 16 : i32
          %mul3A_432 = arith.muli %scan3A_137, %mul3A_431 : i32
          %add3A_433 = arith.constant 13 : i32
          %add3A_434 = arith.addi %mul3A_432, %add3A_433 : i32
          %get3A_435 = arith.index_cast %add3A_434 : i32 to index
          %get3A_436 = arith.constant 0 : index
          %get3A_437 = tpu.vector_load %arg18[%get3A_435, %get3A_436] {strides = array<i32>} : memref<256x32xf32, #tpu.memory_space<vmem>>, vector<16xf32>,
          %get3A_438 = arith.index_cast %add3A_434 : i32 to index
          %get3A_439 = arith.constant 16 : index
          %get3A_440 = tpu.vector_load %arg18[%get3A_438, %get3A_439] {strides = array<i32>} : memref<256x32xf32, #tpu.memory_space<vmem>>, vector<16xf32>,
          %gather3A_441 = tpu.vector_load_idx %arg19[%gather3A_430, %iota3A] : memref<792x32xf32, #tpu.memory_space<vmem>>[vector<16xi32>, vector<16xi32>], vector<16xf32>,
          %max3A_442 = arith.maximumf %gather3A_441, %get3A_437 : vector<16xf32>
          tpu.vector_store_idx %arg19[%gather3A_430, %iota3A], %max3A_442 : memref<792x32xf32, #tpu.memory_space<vmem>>[vector<16xi32>, vector<16xi32>], vector<16xf32>,
          %gather3A_443 = tpu.vector_load_idx %arg19[%gather3A_430, %add3A_5] : memref<792x32xf32, #tpu.memory_space<vmem>>[vector<16xi32>, vector<16xi32>], vector<16xf32>,
          %max3A_444 = arith.maximumf %gather3A_443, %get3A_440 : vector<16xf32>
          tpu.vector_store_idx %arg19[%gather3A_430, %add3A_5], %max3A_444 : memref<792x32xf32, #tpu.memory_space<vmem>>[vector<16xi32>, vector<16xi32>], vector<16xf32>,
          %gather3A_445 = tpu.vector_load_idx %arg20[%gather3A_430, %iota3A] : memref<792x32xf32, #tpu.memory_space<vmem>>[vector<16xi32>, vector<16xi32>], vector<16xf32>,
          %min3A_446 = arith.minimumf %gather3A_445, %get3A_437 : vector<16xf32>
          tpu.vector_store_idx %arg20[%gather3A_430, %iota3A], %min3A_446 : memref<792x32xf32, #tpu.memory_space<vmem>>[vector<16xi32>, vector<16xi32>], vector<16xf32>,
          %gather3A_447 = tpu.vector_load_idx %arg20[%gather3A_430, %add3A_5] : memref<792x32xf32, #tpu.memory_space<vmem>>[vector<16xi32>, vector<16xi32>], vector<16xf32>,
          %min3A_448 = arith.minimumf %gather3A_447, %get3A_440 : vector<16xf32>
          tpu.vector_store_idx %arg20[%gather3A_430, %add3A_5], %min3A_448 : memref<792x32xf32, #tpu.memory_space<vmem>>[vector<16xi32>, vector<16xi32>], vector<16xf32>,
          tpu.vector_store_idx %arg21[%gather3A_430], %broadcast_in_dim3A_8 masked %eq3A_7 {add = true} : memref<800xf32, #tpu.memory_space<vmem>>[vector<16xi32>], vector<16xf32>, vector<16xi1>
          %broadcast_in_dim3A_449 = arith.constant 14 : i32
          %broadcast_in_dim3A_450 = vector.broadcast %broadcast_in_dim3A_449 : i32 to vector<16x1xi32>
          %gather3A_451 = vector.shape_cast %broadcast_in_dim3A_450 : vector<16x1xi32> to vector<16xi32>
          %gather3A_452 = tpu.dynamic_gather %sub3A_143[%gather3A_451] in [0] : vector<16xi32>, vector<16xi32> -> vector<16xi32>
          %mul3A_453 = arith.constant 16 : i32
          %mul3A_454 = arith.muli %scan3A_137, %mul3A_453 : i32
          %add3A_455 = arith.constant 14 : i32
          %add3A_456 = arith.addi %mul3A_454, %add3A_455 : i32
          %get3A_457 = arith.index_cast %add3A_456 : i32 to index
          %get3A_458 = arith.constant 0 : index
          %get3A_459 = tpu.vector_load %arg18[%get3A_457, %get3A_458] {strides = array<i32>} : memref<256x32xf32, #tpu.memory_space<vmem>>, vector<16xf32>,
          %get3A_460 = arith.index_cast %add3A_456 : i32 to index
          %get3A_461 = arith.constant 16 : index
          %get3A_462 = tpu.vector_load %arg18[%get3A_460, %get3A_461] {strides = array<i32>} : memref<256x32xf32, #tpu.memory_space<vmem>>, vector<16xf32>,
          %gather3A_463 = tpu.vector_load_idx %arg19[%gather3A_452, %iota3A] : memref<792x32xf32, #tpu.memory_space<vmem>>[vector<16xi32>, vector<16xi32>], vector<16xf32>,
          %max3A_464 = arith.maximumf %gather3A_463, %get3A_459 : vector<16xf32>
          tpu.vector_store_idx %arg19[%gather3A_452, %iota3A], %max3A_464 : memref<792x32xf32, #tpu.memory_space<vmem>>[vector<16xi32>, vector<16xi32>], vector<16xf32>,
          %gather3A_465 = tpu.vector_load_idx %arg19[%gather3A_452, %add3A_5] : memref<792x32xf32, #tpu.memory_space<vmem>>[vector<16xi32>, vector<16xi32>], vector<16xf32>,
          %max3A_466 = arith.maximumf %gather3A_465, %get3A_462 : vector<16xf32>
          tpu.vector_store_idx %arg19[%gather3A_452, %add3A_5], %max3A_466 : memref<792x32xf32, #tpu.memory_space<vmem>>[vector<16xi32>, vector<16xi32>], vector<16xf32>,
          %gather3A_467 = tpu.vector_load_idx %arg20[%gather3A_452, %iota3A] : memref<792x32xf32, #tpu.memory_space<vmem>>[vector<16xi32>, vector<16xi32>], vector<16xf32>,
          %min3A_468 = arith.minimumf %gather3A_467, %get3A_459 : vector<16xf32>
          tpu.vector_store_idx %arg20[%gather3A_452, %iota3A], %min3A_468 : memref<792x32xf32, #tpu.memory_space<vmem>>[vector<16xi32>, vector<16xi32>], vector<16xf32>,
          %gather3A_469 = tpu.vector_load_idx %arg20[%gather3A_452, %add3A_5] : memref<792x32xf32, #tpu.memory_space<vmem>>[vector<16xi32>, vector<16xi32>], vector<16xf32>,
          %min3A_470 = arith.minimumf %gather3A_469, %get3A_462 : vector<16xf32>
          tpu.vector_store_idx %arg20[%gather3A_452, %add3A_5], %min3A_470 : memref<792x32xf32, #tpu.memory_space<vmem>>[vector<16xi32>, vector<16xi32>], vector<16xf32>,
          tpu.vector_store_idx %arg21[%gather3A_452], %broadcast_in_dim3A_8 masked %eq3A_7 {add = true} : memref<800xf32, #tpu.memory_space<vmem>>[vector<16xi32>], vector<16xf32>, vector<16xi1>
          %broadcast_in_dim3A_471 = arith.constant 15 : i32
          %broadcast_in_dim3A_472 = vector.broadcast %broadcast_in_dim3A_471 : i32 to vector<16x1xi32>
          %gather3A_473 = vector.shape_cast %broadcast_in_dim3A_472 : vector<16x1xi32> to vector<16xi32>
          %gather3A_474 = tpu.dynamic_gather %sub3A_143[%gather3A_473] in [0] : vector<16xi32>, vector<16xi32> -> vector<16xi32>
          %mul3A_475 = arith.constant 16 : i32
          %mul3A_476 = arith.muli %scan3A_137, %mul3A_475 : i32
          %add3A_477 = arith.constant 15 : i32
          %add3A_478 = arith.addi %mul3A_476, %add3A_477 : i32
          %get3A_479 = arith.index_cast %add3A_478 : i32 to index
          %get3A_480 = arith.constant 0 : index
          %get3A_481 = tpu.vector_load %arg18[%get3A_479, %get3A_480] {strides = array<i32>} : memref<256x32xf32, #tpu.memory_space<vmem>>, vector<16xf32>,
          %get3A_482 = arith.index_cast %add3A_478 : i32 to index
          %get3A_483 = arith.constant 16 : index
          %get3A_484 = tpu.vector_load %arg18[%get3A_482, %get3A_483] {strides = array<i32>} : memref<256x32xf32, #tpu.memory_space<vmem>>, vector<16xf32>,
          %gather3A_485 = tpu.vector_load_idx %arg19[%gather3A_474, %iota3A] : memref<792x32xf32, #tpu.memory_space<vmem>>[vector<16xi32>, vector<16xi32>], vector<16xf32>,
          %max3A_486 = arith.maximumf %gather3A_485, %get3A_481 : vector<16xf32>
          tpu.vector_store_idx %arg19[%gather3A_474, %iota3A], %max3A_486 : memref<792x32xf32, #tpu.memory_space<vmem>>[vector<16xi32>, vector<16xi32>], vector<16xf32>,
          %gather3A_487 = tpu.vector_load_idx %arg19[%gather3A_474, %add3A_5] : memref<792x32xf32, #tpu.memory_space<vmem>>[vector<16xi32>, vector<16xi32>], vector<16xf32>,
          %max3A_488 = arith.maximumf %gather3A_487, %get3A_484 : vector<16xf32>
          tpu.vector_store_idx %arg19[%gather3A_474, %add3A_5], %max3A_488 : memref<792x32xf32, #tpu.memory_space<vmem>>[vector<16xi32>, vector<16xi32>], vector<16xf32>,
          %gather3A_489 = tpu.vector_load_idx %arg20[%gather3A_474, %iota3A] : memref<792x32xf32, #tpu.memory_space<vmem>>[vector<16xi32>, vector<16xi32>], vector<16xf32>,
          %min3A_490 = arith.minimumf %gather3A_489, %get3A_481 : vector<16xf32>
          tpu.vector_store_idx %arg20[%gather3A_474, %iota3A], %min3A_490 : memref<792x32xf32, #tpu.memory_space<vmem>>[vector<16xi32>, vector<16xi32>], vector<16xf32>,
          %gather3A_491 = tpu.vector_load_idx %arg20[%gather3A_474, %add3A_5] : memref<792x32xf32, #tpu.memory_space<vmem>>[vector<16xi32>, vector<16xi32>], vector<16xf32>,
          %min3A_492 = arith.minimumf %gather3A_491, %get3A_484 : vector<16xf32>
          tpu.vector_store_idx %arg20[%gather3A_474, %add3A_5], %min3A_492 : memref<792x32xf32, #tpu.memory_space<vmem>>[vector<16xi32>, vector<16xi32>], vector<16xf32>,
          tpu.vector_store_idx %arg21[%gather3A_474], %broadcast_in_dim3A_8 masked %eq3A_7 {add = true} : memref<800xf32, #tpu.memory_space<vmem>>[vector<16xi32>], vector<16xf32>, vector<16xi1>
          %scan3A_493 = arith.constant 0 : i32
          scf.yield %scan3A_493 : i32
        }
        %scan3A_130 = arith.constant 16 : i32
        %dma_wait3A_131 = arith.constant 0 : i32
        %dma_wait3A_132 = arith.constant 0 : i32
        %dma_wait3A_133 = tpu.memref_slice %arg22[%dma_wait3A_131, %dma_wait3A_132] : memref<12672x32xf32, #tpu.memory_space<vmem_shared>> -> memref<12672x32xf32, #tpu.memory_space<vmem_shared>>
        tpu.wait_indirect_dma semaphore(%arg24 : memref<!tpu.dma_semaphore, #tpu.memory_space<semaphore_mem>>) src(%arg18 : memref<256x32xf32, #tpu.memory_space<vmem>>) dst(%dma_wait3A_133 : memref<12672x32xf32, #tpu.memory_space<vmem_shared>>)
        %parallel_loop3A = arith.constant 0 : i32
        %parallel_loop3A_134 = arith.constant 256 : i32
        %parallel_loop3A_135 = arith.constant 1 : i32
        scf.for %parallel_loop3A_137 = %parallel_loop3A to %parallel_loop3A_134 step %parallel_loop3A_135  : i32 {
          %parallel_loop3A_138 = arith.index_cast %parallel_loop3A_137 : i32 to index
          %parallel_loop3A_139 = arith.constant 0 : index
          %parallel_loop3A_140 = tpu.vector_load %arg18[%parallel_loop3A_138, %parallel_loop3A_139] {strides = array<i32>} : memref<256x32xf32, #tpu.memory_space<vmem>>, vector<16xf32>,
          %parallel_loop3A_141 = arith.index_cast %parallel_loop3A_137 : i32 to index
          %parallel_loop3A_142 = arith.constant 16 : index
          %parallel_loop3A_143 = tpu.vector_load %arg18[%parallel_loop3A_141, %parallel_loop3A_142] {strides = array<i32>} : memref<256x32xf32, #tpu.memory_space<vmem>>, vector<16xf32>,
          %parallel_loop3A_144 = arith.mulf %parallel_loop3A_140, %parallel_loop3A_140 : vector<16xf32>
          %parallel_loop3A_145 = arith.index_cast %parallel_loop3A_137 : i32 to index
          %parallel_loop3A_146 = arith.constant 0 : index
          %parallel_loop3A_147 = tpu.vector_load %arg18[%parallel_loop3A_145, %parallel_loop3A_146] {strides = array<i32>} : memref<256x32xf32, #tpu.memory_space<vmem>>, vector<16xf32>,
          tpu.vector_store %arg18[%parallel_loop3A_145, %parallel_loop3A_146], %parallel_loop3A_144 {strides = array<i32>} : memref<256x32xf32, #tpu.memory_space<vmem>>, vector<16xf32>,
          %parallel_loop3A_148 = arith.mulf %parallel_loop3A_143, %parallel_loop3A_143 : vector<16xf32>
          %parallel_loop3A_149 = arith.index_cast %parallel_loop3A_137 : i32 to index
          %parallel_loop3A_150 = arith.constant 16 : index
          %parallel_loop3A_151 = tpu.vector_load %arg18[%parallel_loop3A_149, %parallel_loop3A_150] {strides = array<i32>} : memref<256x32xf32, #tpu.memory_space<vmem>>, vector<16xf32>,
          tpu.vector_store %arg18[%parallel_loop3A_149, %parallel_loop3A_150], %parallel_loop3A_148 {strides = array<i32>} : memref<256x32xf32, #tpu.memory_space<vmem>>, vector<16xf32>,
        } {sc.loop_unroll_factor = 4 : i64, sc.parallel_access}
        "tpu.region"() ({
          %run_scoped3A = tpu.sem_alloc : memref<!tpu.dma_semaphore, #tpu.memory_space<semaphore_mem>>
          %dma_start3A_137 = arith.constant 0 : i32
          %dma_start3A_138 = arith.constant 0 : i32
          %dma_start3A_139 = tpu.memref_slice %arg23[%dma_start3A_137, %dma_start3A_138] : memref<12672x32xf32, #tpu.memory_space<vmem_shared>> -> memref<12672x32xf32, #tpu.memory_space<vmem_shared>>
          tpu.enqueue_indirect_dma source(%arg18 : memref<256x32xf32, #tpu.memory_space<vmem>>) target(%dma_start3A_139 : memref<12672x32xf32, #tpu.memory_space<vmem_shared>>) offsets(%arg16 : memref<256xi32, #tpu.memory_space<vmem>>) semaphore(%run_scoped3A : memref<!tpu.dma_semaphore, #tpu.memory_space<semaphore_mem>>) {add = true}
          %dma_wait3A_140 = arith.constant 0 : i32
          %dma_wait3A_141 = arith.constant 0 : i32
          %dma_wait3A_142 = tpu.memref_slice %arg23[%dma_wait3A_140, %dma_wait3A_141] : memref<12672x32xf32, #tpu.memory_space<vmem_shared>> -> memref<12672x32xf32, #tpu.memory_space<vmem_shared>>
          tpu.wait_indirect_dma semaphore(%run_scoped3A : memref<!tpu.dma_semaphore, #tpu.memory_space<semaphore_mem>>) src(%arg18 : memref<256x32xf32, #tpu.memory_space<vmem>>) dst(%dma_wait3A_142 : memref<12672x32xf32, #tpu.memory_space<vmem_shared>>)
          tpu.yield
        }) : () -> ()
        %cond3A_136 = arith.constant 0 : i32
        scf.yield %cond3A_136 : i32
      } else {
        scf.yield %scan3A_88 : i32
      }
      "tpu.region"() ({
        %run_scoped3A = tpu.sem_alloc : memref<!tpu.dma_semaphore, #tpu.memory_space<semaphore_mem>>
        %dma_start3A_94 = arith.constant 0 : i32
        %dma_start3A_95 = arith.constant 0 : i32
        %dma_start3A_96 = tpu.memref_slice %arg19[%dma_start3A_94, %dma_start3A_95] : memref<792x32xf32, #tpu.memory_space<vmem>> -> memref<784x32xf32, #tpu.memory_space<vmem>>
        %dma_start3A_97 = arith.constant 0 : i32
        %dma_start3A_98 = tpu.memref_slice %arg7[%multiple_of3A, %dma_start3A_97] : memref<50176x32xf32, #tpu.memory_space<hbm>> -> memref<784x32xf32, #tpu.memory_space<hbm>>
        %dma_start3A_99 = arith.constant 0 : i32
        %dma_start3A_100 = tpu.memref_slice %arg7[%multiple_of3A, %dma_start3A_99] : memref<50176x32xf32, #tpu.memory_space<hbm>> -> memref<784x32xf32, #tpu.memory_space<hbm>>
        %dma_start3A_101 = arith.constant 0 : i32
        %dma_start3A_102 = arith.constant 0 : i32
        %dma_start3A_103 = tpu.memref_slice %arg19[%dma_start3A_101, %dma_start3A_102] : memref<792x32xf32, #tpu.memory_space<vmem>> -> memref<784x32xf32, #tpu.memory_space<vmem>>
        tpu.enqueue_dma source(%dma_start3A_103 : memref<784x32xf32, #tpu.memory_space<vmem>>) target(%dma_start3A_100 : memref<784x32xf32, #tpu.memory_space<hbm>>) target_semaphore(%run_scoped3A : memref<!tpu.dma_semaphore, #tpu.memory_space<semaphore_mem>>)
        %dma_wait3A = arith.constant 0 : i32
        %dma_wait3A_104 = arith.constant 0 : i32
        %dma_wait3A_105 = tpu.memref_slice %arg19[%dma_wait3A, %dma_wait3A_104] : memref<792x32xf32, #tpu.memory_space<vmem>> -> memref<784x32xf32, #tpu.memory_space<vmem>>
        %dma_wait3A_106 = arith.constant 0 : i32
        %dma_wait3A_107 = tpu.memref_slice %arg7[%multiple_of3A, %dma_wait3A_106] : memref<50176x32xf32, #tpu.memory_space<hbm>> -> memref<784x32xf32, #tpu.memory_space<hbm>>
        %dma_wait3A_108 = arith.constant 0 : i32
        %dma_wait3A_109 = tpu.memref_slice %arg7[%multiple_of3A, %dma_wait3A_108] : memref<50176x32xf32, #tpu.memory_space<hbm>> -> memref<784x32xf32, #tpu.memory_space<hbm>>
        %dma_wait3A_110 = arith.constant 0 : i32
        %dma_wait3A_111 = arith.constant 0 : i32
        %dma_wait3A_112 = tpu.memref_slice %arg19[%dma_wait3A_110, %dma_wait3A_111] : memref<792x32xf32, #tpu.memory_space<vmem>> -> memref<784x32xf32, #tpu.memory_space<vmem>>
        tpu.wait_dma2 semaphore(%run_scoped3A : memref<!tpu.dma_semaphore, #tpu.memory_space<semaphore_mem>>) src(%dma_wait3A_112 : memref<784x32xf32, #tpu.memory_space<vmem>>) dst(%dma_wait3A_109 : memref<784x32xf32, #tpu.memory_space<hbm>>)
        tpu.yield
      }) : () -> ()
      "tpu.region"() ({
        %run_scoped3A = tpu.sem_alloc : memref<!tpu.dma_semaphore, #tpu.memory_space<semaphore_mem>>
        %dma_start3A_94 = arith.constant 0 : i32
        %dma_start3A_95 = arith.constant 0 : i32
        %dma_start3A_96 = tpu.memref_slice %arg20[%dma_start3A_94, %dma_start3A_95] : memref<792x32xf32, #tpu.memory_space<vmem>> -> memref<784x32xf32, #tpu.memory_space<vmem>>
        %dma_start3A_97 = arith.constant 0 : i32
        %dma_start3A_98 = tpu.memref_slice %arg8[%multiple_of3A, %dma_start3A_97] : memref<50176x32xf32, #tpu.memory_space<hbm>> -> memref<784x32xf32, #tpu.memory_space<hbm>>
        %dma_start3A_99 = arith.constant 0 : i32
        %dma_start3A_100 = tpu.memref_slice %arg8[%multiple_of3A, %dma_start3A_99] : memref<50176x32xf32, #tpu.memory_space<hbm>> -> memref<784x32xf32, #tpu.memory_space<hbm>>
        %dma_start3A_101 = arith.constant 0 : i32
        %dma_start3A_102 = arith.constant 0 : i32
        %dma_start3A_103 = tpu.memref_slice %arg20[%dma_start3A_101, %dma_start3A_102] : memref<792x32xf32, #tpu.memory_space<vmem>> -> memref<784x32xf32, #tpu.memory_space<vmem>>
        tpu.enqueue_dma source(%dma_start3A_103 : memref<784x32xf32, #tpu.memory_space<vmem>>) target(%dma_start3A_100 : memref<784x32xf32, #tpu.memory_space<hbm>>) target_semaphore(%run_scoped3A : memref<!tpu.dma_semaphore, #tpu.memory_space<semaphore_mem>>)
        %dma_wait3A = arith.constant 0 : i32
        %dma_wait3A_104 = arith.constant 0 : i32
        %dma_wait3A_105 = tpu.memref_slice %arg20[%dma_wait3A, %dma_wait3A_104] : memref<792x32xf32, #tpu.memory_space<vmem>> -> memref<784x32xf32, #tpu.memory_space<vmem>>
        %dma_wait3A_106 = arith.constant 0 : i32
        %dma_wait3A_107 = tpu.memref_slice %arg8[%multiple_of3A, %dma_wait3A_106] : memref<50176x32xf32, #tpu.memory_space<hbm>> -> memref<784x32xf32, #tpu.memory_space<hbm>>
        %dma_wait3A_108 = arith.constant 0 : i32
        %dma_wait3A_109 = tpu.memref_slice %arg8[%multiple_of3A, %dma_wait3A_108] : memref<50176x32xf32, #tpu.memory_space<hbm>> -> memref<784x32xf32, #tpu.memory_space<hbm>>
        %dma_wait3A_110 = arith.constant 0 : i32
        %dma_wait3A_111 = arith.constant 0 : i32
        %dma_wait3A_112 = tpu.memref_slice %arg20[%dma_wait3A_110, %dma_wait3A_111] : memref<792x32xf32, #tpu.memory_space<vmem>> -> memref<784x32xf32, #tpu.memory_space<vmem>>
        tpu.wait_dma2 semaphore(%run_scoped3A : memref<!tpu.dma_semaphore, #tpu.memory_space<semaphore_mem>>) src(%dma_wait3A_112 : memref<784x32xf32, #tpu.memory_space<vmem>>) dst(%dma_wait3A_109 : memref<784x32xf32, #tpu.memory_space<hbm>>)
        tpu.yield
      }) : () -> ()
      "tpu.region"() ({
        %run_scoped3A = tpu.sem_alloc : memref<!tpu.dma_semaphore, #tpu.memory_space<semaphore_mem>>
        %dma_start3A_94 = arith.constant 0 : i32
        %dma_start3A_95 = tpu.memref_slice %arg21[%dma_start3A_94] : memref<800xf32, #tpu.memory_space<vmem>> -> memref<784xf32, #tpu.memory_space<vmem>>
        %dma_start3A_96 = tpu.memref_slice %arg9[%multiple_of3A] : memref<50176xf32, #tpu.memory_space<hbm>> -> memref<784xf32, #tpu.memory_space<hbm>>
        %dma_start3A_97 = tpu.memref_slice %arg9[%multiple_of3A] : memref<50176xf32, #tpu.memory_space<hbm>> -> memref<784xf32, #tpu.memory_space<hbm>>
        %dma_start3A_98 = arith.constant 0 : i32
        %dma_start3A_99 = tpu.memref_slice %arg21[%dma_start3A_98] : memref<800xf32, #tpu.memory_space<vmem>> -> memref<784xf32, #tpu.memory_space<vmem>>
        tpu.enqueue_dma source(%dma_start3A_99 : memref<784xf32, #tpu.memory_space<vmem>>) target(%dma_start3A_97 : memref<784xf32, #tpu.memory_space<hbm>>) target_semaphore(%run_scoped3A : memref<!tpu.dma_semaphore, #tpu.memory_space<semaphore_mem>>)
        %dma_wait3A = arith.constant 0 : i32
        %dma_wait3A_100 = tpu.memref_slice %arg21[%dma_wait3A] : memref<800xf32, #tpu.memory_space<vmem>> -> memref<784xf32, #tpu.memory_space<vmem>>
        %dma_wait3A_101 = tpu.memref_slice %arg9[%multiple_of3A] : memref<50176xf32, #tpu.memory_space<hbm>> -> memref<784xf32, #tpu.memory_space<hbm>>
        %dma_wait3A_102 = tpu.memref_slice %arg9[%multiple_of3A] : memref<50176xf32, #tpu.memory_space<hbm>> -> memref<784xf32, #tpu.memory_space<hbm>>
        %dma_wait3A_103 = arith.constant 0 : i32
        %dma_wait3A_104 = tpu.memref_slice %arg21[%dma_wait3A_103] : memref<800xf32, #tpu.memory_space<vmem>> -> memref<784xf32, #tpu.memory_space<vmem>>
        tpu.wait_dma2 semaphore(%run_scoped3A : memref<!tpu.dma_semaphore, #tpu.memory_space<semaphore_mem>>) src(%dma_wait3A_104 : memref<784xf32, #tpu.memory_space<vmem>>) dst(%dma_wait3A_102 : memref<784xf32, #tpu.memory_space<hbm>>)
        tpu.yield
      }) : () -> ()
      "tpu.region"() ({
        %run_scoped3A = tpu.sem_alloc : memref<!tpu.dma_semaphore, #tpu.memory_space<semaphore_mem>>
        %dma_start3A_94 = arith.constant 0 : i32
        %dma_start3A_95 = tpu.memref_slice %arg5[%multiple_of3A, %dma_start3A_94] : memref<50176x32xf32, #tpu.memory_space<hbm>> -> memref<784x32xf32, #tpu.memory_space<hbm>>
        %dma_start3A_96 = arith.constant 0 : i32
        %dma_start3A_97 = tpu.memref_slice %arg22[%mul3A_2, %dma_start3A_96] : memref<12672x32xf32, #tpu.memory_space<vmem_shared>> -> memref<784x32xf32, #tpu.memory_space<vmem_shared>>
        tpu.enqueue_dma source(%dma_start3A_97 : memref<784x32xf32, #tpu.memory_space<vmem_shared>>) target(%dma_start3A_95 : memref<784x32xf32, #tpu.memory_space<hbm>>) target_semaphore(%run_scoped3A : memref<!tpu.dma_semaphore, #tpu.memory_space<semaphore_mem>>)
        %dma_wait3A = arith.constant 0 : i32
        %dma_wait3A_98 = tpu.memref_slice %arg5[%multiple_of3A, %dma_wait3A] : memref<50176x32xf32, #tpu.memory_space<hbm>> -> memref<784x32xf32, #tpu.memory_space<hbm>>
        %dma_wait3A_99 = arith.constant 0 : i32
        %dma_wait3A_100 = tpu.memref_slice %arg22[%mul3A_2, %dma_wait3A_99] : memref<12672x32xf32, #tpu.memory_space<vmem_shared>> -> memref<784x32xf32, #tpu.memory_space<vmem_shared>>
        tpu.wait_dma2 semaphore(%run_scoped3A : memref<!tpu.dma_semaphore, #tpu.memory_space<semaphore_mem>>) src(%dma_wait3A_100 : memref<784x32xf32, #tpu.memory_space<vmem_shared>>) dst(%dma_wait3A_98 : memref<784x32xf32, #tpu.memory_space<hbm>>)
        tpu.yield
      }) : () -> ()
      "tpu.region"() ({
        %run_scoped3A = tpu.sem_alloc : memref<!tpu.dma_semaphore, #tpu.memory_space<semaphore_mem>>
        %dma_start3A_94 = arith.constant 0 : i32
        %dma_start3A_95 = tpu.memref_slice %arg6[%multiple_of3A, %dma_start3A_94] : memref<50176x32xf32, #tpu.memory_space<hbm>> -> memref<784x32xf32, #tpu.memory_space<hbm>>
        %dma_start3A_96 = arith.constant 0 : i32
        %dma_start3A_97 = tpu.memref_slice %arg23[%mul3A_2, %dma_start3A_96] : memref<12672x32xf32, #tpu.memory_space<vmem_shared>> -> memref<784x32xf32, #tpu.memory_space<vmem_shared>>
        tpu.enqueue_dma source(%dma_start3A_97 : memref<784x32xf32, #tpu.memory_space<vmem_shared>>) target(%dma_start3A_95 : memref<784x32xf32, #tpu.memory_space<hbm>>) target_semaphore(%run_scoped3A : memref<!tpu.dma_semaphore, #tpu.memory_space<semaphore_mem>>)
        %dma_wait3A = arith.constant 0 : i32
        %dma_wait3A_98 = tpu.memref_slice %arg6[%multiple_of3A, %dma_wait3A] : memref<50176x32xf32, #tpu.memory_space<hbm>> -> memref<784x32xf32, #tpu.memory_space<hbm>>
        %dma_wait3A_99 = arith.constant 0 : i32
        %dma_wait3A_100 = tpu.memref_slice %arg23[%mul3A_2, %dma_wait3A_99] : memref<12672x32xf32, #tpu.memory_space<vmem_shared>> -> memref<784x32xf32, #tpu.memory_space<vmem_shared>>
        tpu.wait_dma2 semaphore(%run_scoped3A : memref<!tpu.dma_semaphore, #tpu.memory_space<semaphore_mem>>) src(%dma_wait3A_100 : memref<784x32xf32, #tpu.memory_space<vmem_shared>>) dst(%dma_wait3A_98 : memref<784x32xf32, #tpu.memory_space<hbm>>)
        tpu.yield
      }) : () -> ()
      %scan3A_93 = arith.constant 0 : i32
      scf.yield %scan3A_93 : i32
    }
    %scan3A_29 = arith.constant 2 : i32
    return
  }
}

module attributes {stable_mosaic.version = 14 : i64} {
  func.func @_tc_body(%arg0: i32, %arg1: memref<512x32xf32, #tpu.memory_space<vmem>>, %arg2: memref<512x32xf32, #tpu.memory_space<vmem>>, %arg3: memref<512x32xf32, #tpu.memory_space<vmem>>, %arg4: memref<512x32xf32, #tpu.memory_space<vmem>>, %arg5: memref<512x1xf32, #tpu.memory_space<vmem>>, %arg6: memref<128x32xf32, #tpu.memory_space<vmem>>, %arg7: memref<1x32xf32, #tpu.memory_space<vmem>>, %arg8: memref<512x32xf32, #tpu.memory_space<vmem>>) attributes {dimension_semantics = [#tpu.dimension_semantics<arbitrary>], iteration_bounds = array<i64: 98>, scalar_prefetch = 0 : i64, scratch_operands = 0 : i64, tpu.core_type = #tpu.core_type<tc>, window_params = [{transform_indices = @transform_0, window_bounds = array<i64: 512, 32>}, {transform_indices = @transform_1, window_bounds = array<i64: 512, 32>}, {transform_indices = @transform_2, window_bounds = array<i64: 512, 32>}, {transform_indices = @transform_3, window_bounds = array<i64: 512, 32>}, {transform_indices = @transform_4, window_bounds = array<i64: 512, 1>}, {pipeline_mode = #tpu.pipeline_mode<synchronous>, transform_indices = @transform_5, window_bounds = array<i64: 128, 32>}, {pipeline_mode = #tpu.pipeline_mode<synchronous>, transform_indices = @transform_6, window_bounds = array<i64: 1, 32>}, {transform_indices = @transform_7, window_bounds = array<i64: 512, 32>}]} {
    %get3A = arith.constant 0 : index
    %get3A_0 = arith.constant 0 : index
    %get3A_1 = vector.load %arg5[%get3A, %get3A_0] : memref<512x1xf32, #tpu.memory_space<vmem>>, vector<512x1xf32>
    %max3A = arith.constant 1.000000e+00 : f32
    %max3A_2 = vector.broadcast %max3A : f32 to vector<512x1xf32>
    %max3A_3 = arith.maximumf %get3A_1, %max3A_2 : vector<512x1xf32>
    %gt3A = arith.constant 0.000000e+00 : f32
    %gt3A_4 = vector.broadcast %gt3A : f32 to vector<512x1xf32>
    %gt3A_5 = arith.cmpf ogt, %get3A_1, %gt3A_4 : vector<512x1xf32>
    %get3A_6 = arith.constant 0 : index
    %get3A_7 = arith.constant 0 : index
    %get3A_8 = vector.load %arg1[%get3A_6, %get3A_7] : memref<512x32xf32, #tpu.memory_space<vmem>>, vector<512x32xf32>
    %div3A = vector.broadcast %max3A_3 : vector<512x1xf32> to vector<512x32xf32>
    %div3A_9 = arith.divf %get3A_8, %div3A : vector<512x32xf32>
    %get3A_10 = arith.constant 0 : index
    %get3A_11 = arith.constant 0 : index
    %get3A_12 = vector.load %arg3[%get3A_10, %get3A_11] : memref<512x32xf32, #tpu.memory_space<vmem>>, vector<512x32xf32>
    %jit3A = arith.constant 0.000000e+00 : f32
    %broadcast_in_dim3A = vector.shape_cast %gt3A_5 : vector<512x1xi1> to vector<512x1xi1>
    %broadcast_in_dim3A_13 = vector.broadcast %broadcast_in_dim3A : vector<512x1xi1> to vector<512x32xi1>
    %broadcast_in_dim3A_14 = vector.broadcast %jit3A : f32 to vector<512x32xf32>
    %select_n3A = arith.select %broadcast_in_dim3A_13, %get3A_12, %broadcast_in_dim3A_14 : vector<512x32xi1>, vector<512x32xf32>
    %get3A_15 = arith.constant 0 : index
    %get3A_16 = arith.constant 0 : index
    %get3A_17 = vector.load %arg4[%get3A_15, %get3A_16] : memref<512x32xf32, #tpu.memory_space<vmem>>, vector<512x32xf32>
    %jit3A_18 = arith.constant 0.000000e+00 : f32
    %broadcast_in_dim3A_19 = vector.shape_cast %gt3A_5 : vector<512x1xi1> to vector<512x1xi1>
    %broadcast_in_dim3A_20 = vector.broadcast %broadcast_in_dim3A_19 : vector<512x1xi1> to vector<512x32xi1>
    %broadcast_in_dim3A_21 = vector.broadcast %jit3A_18 : f32 to vector<512x32xf32>
    %select_n3A_22 = arith.select %broadcast_in_dim3A_20, %get3A_17, %broadcast_in_dim3A_21 : vector<512x32xi1>, vector<512x32xf32>
    %get3A_23 = arith.constant 0 : index
    %get3A_24 = arith.constant 0 : index
    %get3A_25 = vector.load %arg2[%get3A_23, %get3A_24] : memref<512x32xf32, #tpu.memory_space<vmem>>, vector<512x32xf32>
    %div3A_26 = vector.broadcast %max3A_3 : vector<512x1xf32> to vector<512x32xf32>
    %div3A_27 = arith.divf %get3A_25, %div3A_26 : vector<512x32xf32>
    %mul3A = arith.mulf %div3A_9, %div3A_9 : vector<512x32xf32>
    %sub3A = arith.subf %div3A_27, %mul3A : vector<512x32xf32>
    %max3A_28 = arith.constant 0.000000e+00 : f32
    %max3A_29 = vector.broadcast %max3A_28 : f32 to vector<512x32xf32>
    %max3A_30 = arith.maximumf %sub3A, %max3A_29 : vector<512x32xf32>
    %add3A = arith.constant 9.99999974E-6 : f32
    %add3A_31 = vector.broadcast %add3A : f32 to vector<512x32xf32>
    %add3A_32 = arith.addf %max3A_30, %add3A_31 : vector<512x32xf32>
    %sqrt3A = math.sqrt %add3A_32 : vector<512x32xf32>
    %concatenate3A = tpu.concatenate %div3A_9, %select_n3A, %select_n3A_22, %sqrt3A in 1 : vector<512x32xf32>, vector<512x32xf32>, vector<512x32xf32>, vector<512x32xf32> -> vector<512x128xf32>
    %get3A_33 = arith.constant 0 : index
    %get3A_34 = arith.constant 0 : index
    %get3A_35 = vector.load %arg6[%get3A_33, %get3A_34] : memref<128x32xf32, #tpu.memory_space<vmem>>, vector<128x32xf32>
    %dot_general3A = arith.constant dense<0.000000e+00> : vector<512x32xf32>
    %dot_general3A_36 = tpu.matmul %concatenate3A, %get3A_35, %dot_general3A {dimension_numbers = #tpu.dot_dimension_numbers<[1], [0], [0], [1], [0, 0, 1, 1], [], []>, transpose_lhs_hint = false} : vector<512x128xf32>, vector<128x32xf32>, vector<512x32xf32> -> vector<512x32xf32>
    %get3A_37 = arith.constant 0 : index
    %get3A_38 = arith.constant 0 : index
    %get3A_39 = vector.load %arg7[%get3A_37, %get3A_38] : memref<1x32xf32, #tpu.memory_space<vmem>>, vector<1x32xf32>
    %add3A_40 = vector.broadcast %get3A_39 : vector<1x32xf32> to vector<512x32xf32>
    %add3A_41 = arith.addf %dot_general3A_36, %add3A_40 : vector<512x32xf32>
    %max3A_42 = arith.constant 0.000000e+00 : f32
    %max3A_43 = vector.broadcast %max3A_42 : f32 to vector<512x32xf32>
    %max3A_44 = arith.maximumf %add3A_41, %max3A_43 : vector<512x32xf32>
    %swap3A = arith.constant 0 : index
    %swap3A_45 = arith.constant 0 : index
    %swap3A_46 = vector.load %arg8[%swap3A, %swap3A_45] : memref<512x32xf32, #tpu.memory_space<vmem>>, vector<512x32xf32>
    tpu.vector_store %arg8[%swap3A, %swap3A_45], %max3A_44 {strides = array<i32>} : memref<512x32xf32, #tpu.memory_space<vmem>>, vector<512x32xf32>,
    return
  }
  func.func @transform_0(%arg0: i32) -> (i32, i32) {
    %c0_i32 = arith.constant 0 : i32
    %c0_i32_0 = arith.constant 0 : i32
    return %arg0, %c0_i32 : i32, i32
  }
  func.func @transform_1(%arg0: i32) -> (i32, i32) {
    %c0_i32 = arith.constant 0 : i32
    %c0_i32_0 = arith.constant 0 : i32
    return %arg0, %c0_i32 : i32, i32
  }
  func.func @transform_2(%arg0: i32) -> (i32, i32) {
    %c0_i32 = arith.constant 0 : i32
    %c0_i32_0 = arith.constant 0 : i32
    return %arg0, %c0_i32 : i32, i32
  }
  func.func @transform_3(%arg0: i32) -> (i32, i32) {
    %c0_i32 = arith.constant 0 : i32
    %c0_i32_0 = arith.constant 0 : i32
    return %arg0, %c0_i32 : i32, i32
  }
  func.func @transform_4(%arg0: i32) -> (i32, i32) {
    %c0_i32 = arith.constant 0 : i32
    %c0_i32_0 = arith.constant 0 : i32
    return %arg0, %c0_i32 : i32, i32
  }
  func.func @transform_5(%arg0: i32) -> (i32, i32) {
    %c0_i32 = arith.constant 0 : i32
    %c0_i32_0 = arith.constant 0 : i32
    %c0_i32_1 = arith.constant 0 : i32
    return %c0_i32, %c0_i32_0 : i32, i32
  }
  func.func @transform_6(%arg0: i32) -> (i32, i32) {
    %c0_i32 = arith.constant 0 : i32
    %c0_i32_0 = arith.constant 0 : i32
    %c0_i32_1 = arith.constant 0 : i32
    return %c0_i32, %c0_i32_0 : i32, i32
  }
  func.func @transform_7(%arg0: i32) -> (i32, i32) {
    %c0_i32 = arith.constant 0 : i32
    %c0_i32_0 = arith.constant 0 : i32
    return %arg0, %c0_i32 : i32, i32
  }
}

</mosaic_0001>

<sc_bundles>
// kernel: kernel.4.cloned.1.call-start
scs
__scs_entry_jumppad:
0x0: {  	(pc) =	sbr.rel $0x88, $3  }
0x1: {  	(tag) =	ssettag $0x0;
	lr =	simm.s32 $0x1  }
0x2: {  	[smem:$0x3F9D] =	sst lr;
	_ =	strace $0xD0000000  }
0x3: {  	_ = 	snop  }
0x4: {  	_ = 	snop  }
0x5: {  	_ = 	snop  }
0x6: {  	_ = 	snop  }
0x7: {  	_ = 	snop  }
__scs_overlays_trampoline_lowered:
0x8: {  	[smem:$0x3FAC] =	sst s0  }
0x9: {  	[smem:$0x3FAD] =	sst s1  }
0xa: {  	[smem:$0x3FAE] =	sst s2  }
0xb: {  	[smem:$0x3FAF] =	sst s3  }
0xc: {  	[smem:$0x3FB0] =	sst s4  }
0xd: {  	[smem:$0x3FB1] =	sst s5  }
0xe: {  	[smem:$0x3FB2] =	sst s6  }
0xf: {  	[smem:$0x3FB3] =	sst s7  }
0x10: {  	[smem:$0x3FB4] =	sst s8  }
0x11: {  	[smem:$0x3FB5] =	sst s9;
	s0 =	simm.s32 @!p0 $0x0  }
0x12: {  	s1 =	sld [smem:$0x3F9B];
	s0 =	simm.s32 @p0 $0x1  }
0x13: {  	[smem:$0x3FB6] =	sst s0;
	s0 =	simm.s32 @!p1 $0x0  }
0x14: {  	s2 =	sld [smem:$0x3F9A];
	s0 =	simm.s32 @p1 $0x1  }
0x15: {  	[smem:$0x3FB7] =	sst s0;
	s0 =	simm.s32 @!p2 $0x0  }
0x16: {  	s3 =	sld [smem:$0x3FDB];
	s0 =	simm.s32 @p2 $0x1  }
0x17: {  	s4 =	simm.s32 $0x1BF5;
	[smem:$0x3FB9] =	sst s0  }
0x18: {  	s0 =	sld [smem:$0x3F9C];
	_ =	swait.ge [sflag:s4], $0x0  }
0x19: {  	s7 =	sld [smem:$0x3F9D]  }
0x1a: {  	s8 =	sadd.s32 $0xFFFFE003, lr  }
0x1b: {  	s9 =	sadd.s32 $0xFFFFFEF7, lr;
	s5 =	simm.s32 $0xFFFFFFFF;
	p2 =	slt.u32 s8, $0xFFFFF086  }
0x1c: {  	p1 =	slt.u32 s9, $0xF7A;
	s5 =	simm.s32 @!p2 $0x0  }
0x1d: {  	s5 =	simm.s32 @p1 $0x1;
	p0 =	seq.s32 s7, s2  }
0x1e: {  	s7 =	smul.u32 @!p0 $0xF7A, s2;
	p2 =	seq.s32 @!p0 s5, $0x0  }
0x1f: {  	s9 =	smul.u32 $0xF7A, s1;
	s8 =	simm.s32 @!p0 $0x1BF5;
	p2 =	por !p2, p0  }
0x20: {  	[sflag:s8] =	ssyncset.s32 @!p0 $0xFFFFF086;
	s6 =	sadd.s32 @!p0 s3, s7;
	s7 =	simm.s32 @!p0 $0x108  }
0x21: {  	s3 =	sadd.s32 s3, s9;
	s6 =	sadd.s32 @!p0 $0x88, s6;
	s7 =	simm.s32 @p2 $0x1082  }
0x22: {  	[simem:s7], [sflag:s8] =	dma.local @!p0 [hbm:s6], $0xF7A  }
0x23: {  	s9 =	sor.u32 $0xD0000000, s2;
	s6 =	simm.s32 $0x108;
	_ =	swait.ge @!p0 [sflag:s8], $0x0  }
0x24: {  	s3 =	sadd.s32 $0x88, s3;
	s6 =	simm.s32 @!p1 $0x1082;
	[sflag:s4] =	ssyncset.s32 $0xFFFFF086  }
0x25: {  	[simem:s6], [sflag:s4] =	dma.local [hbm:s3], $0xF7A  }
0x26: {  	[smem:$0x3F9D] =	sst s1;
	(tag) =	ssettag s2;
	_ =	strace s9  }
0x27: {  	s1 =	sld [smem:$0x3FAD]  }
0x28: {  	s2 =	sld [smem:$0x3FAE]  }
0x29: {  	s4 =	sld [smem:$0x3FB0]  }
0x2a: {  	p0 =	seq.s32 s5, $0x0;
	s5 =	sld [smem:$0x3FB1]  }
0x2b: {  	s6 =	sld [smem:$0x3FB2]  }
0x2c: {  	s7 =	sld [smem:$0x3FB3]  }
0x2d: {  	s3 =	simm.s32 $0x108;
	s8 =	sld [smem:$0x3FB4]  }
0x2e: {  	s3 =	simm.s32 @!p0 $0x1082;
	s9 =	sld [smem:$0x3FB5]  }
0x2f: {  	lr =	sadd.s32 s0, s3;
	s0 =	sld [smem:$0x3FAC]  }
0x30: {  	s3 =	sld [smem:$0x3FAF]  }
0x31: {  	[smem:$0x3FB8] =	sst s10  }
0x32: {  	s10 =	sld [smem:$0x3FB6];
	_ =	sdelay $0x3  }
0x33: {  	p0 =	seq.s32 s10, $0x1;
	s10 =	sld [smem:$0x3FB8];
	_ =	sdelay $0x3  }
0x34: {  	[smem:$0x3FB8] =	sst s10  }
0x35: {  	s10 =	sld [smem:$0x3FB7];
	_ =	sdelay $0x3  }
0x36: {  	p1 =	seq.s32 s10, $0x1;
	s10 =	sld [smem:$0x3FB8];
	_ =	sdelay $0x3  }
0x37: {  	[smem:$0x3FB8] =	sst s10  }
0x38: {  	s10 =	sld [smem:$0x3FB9]  }
0x39: {  	_ = 	snop;
	(pc) =	sbr.ind lr, $3  }
0x3a: {  	_ = 	snop  }
0x3b: {  	_ = 	snop  }
0x3c: {  	p2 =	seq.s32 s10, $0x1;
	s10 =	sld [smem:$0x3FB8]  }
0x3d: {  	_ =	shalt  }
0x3e: {  	_ =	shalt  }
0x3f: {  	_ =	shalt  }
0x40: {  	_ =	shalt  }
0x41: {  	_ =	shalt  }
0x42: {  	_ =	shalt  }
0x43: {  	_ =	shalt  }
0x44: {  	_ =	shalt  }
0x45: {  	_ =	shalt  }
0x46: {  	_ =	shalt  }
0x47: {  	_ =	shalt  }
0x48: {  	_ =	shalt  }
0x49: {  	_ =	shalt  }
0x4a: {  	_ =	shalt  }
0x4b: {  	_ =	shalt  }
0x4c: {  	_ =	shalt  }
0x4d: {  	_ =	shalt  }
0x4e: {  	_ =	shalt  }
0x4f: {  	_ =	shalt  }
0x50: {  	_ =	shalt  }
0x51: {  	_ =	shalt  }
0x52: {  	_ =	shalt  }
0x53: {  	_ =	shalt  }
0x54: {  	_ =	shalt  }
0x55: {  	_ =	shalt  }
0x56: {  	_ =	shalt  }
0x57: {  	_ =	shalt  }
0x58: {  	_ =	shalt  }
0x59: {  	_ =	shalt  }
0x5a: {  	_ =	shalt  }
0x5b: {  	_ =	shalt  }
0x5c: {  	_ =	shalt  }
0x5d: {  	_ =	shalt  }
0x5e: {  	_ =	shalt  }
0x5f: {  	_ =	shalt  }
0x60: {  	_ =	shalt  }
0x61: {  	_ =	shalt  }
0x62: {  	_ =	shalt  }
0x63: {  	_ =	shalt  }
0x64: {  	_ =	shalt  }
0x65: {  	_ =	shalt  }
0x66: {  	_ =	shalt  }
0x67: {  	_ =	shalt  }
0x68: {  	_ =	shalt  }
0x69: {  	_ =	shalt  }
0x6a: {  	_ =	shalt  }
0x6b: {  	_ =	shalt  }
0x6c: {  	_ =	shalt  }
0x6d: {  	_ =	shalt  }
0x6e: {  	_ =	shalt  }
0x6f: {  	_ =	shalt  }
0x70: {  	_ =	shalt  }
0x71: {  	_ =	shalt  }
0x72: {  	_ =	shalt  }
0x73: {  	_ =	shalt  }
0x74: {  	_ =	shalt  }
0x75: {  	_ =	shalt  }
0x76: {  	_ =	shalt  }
0x77: {  	_ =	shalt  }
0x78: {  	_ =	shalt  }
0x79: {  	_ =	shalt  }
0x7a: {  	_ =	shalt  }
0x7b: {  	_ =	shalt  }
0x7c: {  	_ =	shalt  }
0x7d: {  	_ =	shalt  }
0x7e: {  	_ =	shalt  }
0x7f: {  	_ =	shalt  }
0x80: {  	_ =	shalt  }
0x81: {  	_ =	shalt  }
0x82: {  	_ =	shalt  }
0x83: {  	_ =	shalt  }
0x84: {  	_ =	shalt  }
0x85: {  	_ =	shalt  }
0x86: {  	_ =	shalt  }
0x87: {  	_ =	shalt  }
.Lfunc_end0:
.L_simem_size_0:
called_computation_lowered:
.L_overlay_start_0:
0x88: {  	s2 =	sld [smem:$0x3FD9]  }
0x89: {  	s3 =	sld [smem:$0x3FFE];
	_ =	sdelay $0x1  }
0x8a: {  	s1 =	srdreg.scid  }
0x8b: {  	s0 =	sand.u32 $0x1, s1  }
0x8c: {  	s17 =	sshll.u32 s0, $0xA;
	s2 =	sadd.s32 s3, s2  }
0x8d: {  	s2 =	sadd.s32 s2, s17  }
0x8e: {  	[smem:$0x3FC4] =	sst s2  }
0x8f: {  	_ = 	snop  }
0x90: {  	s2 =	sld [smem:$0x3FD0];
	(tm) =	ssettm $0x1  }
0x91: {  	s18 =	sld [smem:$0x3FFB];
	_ =	sdelay $0x3  }
0x92: {  	_ =	strace s18  }
0x93: {  	s3 =	sld [smem:$0x3FFC];
	_ =	sdelay $0x3  }
0x94: {  	_ =	strace s3  }
0x95: {  	s3 =	sld [smem:$0x3FFD];
	_ =	sdelay $0x3  }
0x96: {  	_ =	strace s3  }
0x97: {  	_ =	strace $0x8FFFFFFF  }
0x98: {  	s19 =	sld [smem:$0x3FDB];
	_ =	sdelay $0x1  }
0x99: {  	s4 =	simm.s32 $_scs_section_size  }
0x9a: {  	s5 =	simm.s32 $_size__tile_overlayer_lowered;
	s6 =	simm.s32 $_tile_overlayer_lowered  }
0x9b: {  	s22 =	simm.s32 $0x1BFF;
	s21 =	sshll.u32 s6, $0x1;
	s3 =	sadd.s32 s4, s19  }
0x9c: {  	s7 =	simm.s32 $0x0;
	s20 =	sshll.u32 s5, $0x1;
	s5 =	sadd.s32 s21, s3  }
0x9d: {  	[timem:s7], [sflag:s22] =	dma.local [hbm:s5], s20  }
0x9e: {  	_ =	swait.ge [sflag:s22], s20  }
0x9f: {  	s4 =	ssub.s32 $0x0, s20;
	[sflag:s22] =	ssyncset.done $0x0  }
0xa0: {  	[sflag:s22] =	ssyncadd.s32 s4;
	_ =	sdelay $0x1  }
0xa1: {  	s23 =	simm.s32 $0x1B8B  }
0xa2: {  	_ =	swait.ge [sflag:s23], $0x1  }
0xa3: {  	[sflag:s23] =	ssyncset.done $0x0  }
0xa4: {  	s25 =	simm.s32 $0x1B8E;
	s24 =	sld [smem:$0x3FFE];
	[sflag:s23] =	ssyncadd.s32 $0xFFFFFFFF  }
0xa5: {  	s26 =	simm.s32 $execute0_lowered;
	[smem:$0x3FD2] =	sst s25  }
0xa6: {  	s5 =	sshll.u32 s26, $0x1;
	_ =	strace $0x80000046;
	[dreg:$0x1] =	wrdreg $0xFFFFFFFF  }
0xa7: {  	s28 =	simm.s32 $_size_execute0_lowered;
	s3 =	sadd.s32 s3, s5;
	[dreg:$0x0] =	wrdreg $0x0  }
0xa8: {  	s5 =	sshll.u32 s28, $0x1;
	[dreg:$0x2] =	wrdreg s3  }
0xa9: {  	[dreg:$0x3] =	wrdreg s5  }
0xaa: {  	[dreg:$0x4] =	wrdreg $0xC0  }
0xab: {  	_ =	task [dreg:s7], $0x5FFFF  }
0xac: {  	[dreg:$0x1] =	wrdreg $0xFFFFFFFF  }
0xad: {  	[dreg:$0x0] =	wrdreg $0x60  }
0xae: {  	[dreg:$0x2] =	wrdreg s2  }
0xaf: {  	[dreg:$0x3] =	wrdreg s24  }
0xb0: {  	[dreg:$0x4] =	wrdreg $0x12F200  }
0xb1: {  	[dreg:$0x5] =	wrdreg $0x192200  }
0xb2: {  	[dreg:$0x6] =	wrdreg $0x9  }
0xb3: {  	_ =	task.clear_ibuf [dreg:s7], $0x7FFFF;
	_ =	strace $0x90000046  }
0xb4: {  	s29 =	simm.s32 $0x9;
	_ =	strace $0x80000048  }
0xb5: {  	_ =	swait.ge [sflag:s29], $0x1  }
0xb6: {  	[sflag:s29] =	ssyncadd.s32 $0xFFFFFFFF  }
0xb7: {  	_ =	strace $0x90000048  }
0xb8: {  	_ =	sfence  }
0xb9: {  	s30 =	sld [smem:$0x0];
	_ =	sdelay $0x2  }
0xba: {  	s31 =	sshll.u32 s1, $0xD;
	s1 =	sshrl.u32 s1, $0x2  }
0xbb: {  	s3 =	sand.u32 $0x4000, s31;
	s1 =	sadd.s32 s1, s30  }
0xbc: {  	s0 =	sor.u32 s3, s0;
	s1 =	sshll.u32 s1, $0x11  }
0xbd: {  	s0 =	sor.u32 s1, s0  }
0xbe: {  	s0 =	sadd.s32 $0x8F2B, s0  }
0xbf: {  	[sflag:s0] =	ssyncadd.remote.s32 $0x1  }
0xc0: {  	_ =	sfence.sel $0xFFFF  }
0xc1: {  	[dreg:$0x0] =	wrdreg $0xFFFFFFFF;
	(pc) =	sbr.abs _section_cstart, $3  }
0xc2: {  	[dreg:$0x1] =	wrdreg $0xFFFFFFFF  }
0xc3: {  	_ =	task.clear_ibuf [dreg:s7], $0x2FFFF;
	_ =	strace $0x9FFFFFFF  }
0xc4: {  	(tm) =	ssettm $0x7FFFFFFF  }
0xc5: {  	_ =	shalt  }
tec
execute0_lowered:
.L_overlay_start_1:
0x0: {  	(tag) =	ssettag $0x1  }
0x1: {  	s0 =	rddreg [dreg:$0x1]  }
0x2: {  	s5 =	rddreg [dreg:$0x2];
	s1 =	simm.s32 $0x0;
	vm2 =	vmmov $0x1;
	v2 =	vimm.s32 $0x0  }
0x3: {  	[smem:$0x7FF] =	sst s1;
	v2 =	vsel vm2, $0xFFFFFFFF, v2  }
0x4: {  	s6 =	rddreg [dreg:$0x3];
	vm3 =	vmmov $0x3;
	_ =	strace $0x80000047;
	[tilespmem:$0x1FF10] =	vst v2;
	v2 =	vimm.s32 $0x0  }
0x5: {  	v2 =	vsel vm3, $0xFFFFFFFF, v2  }
0x6: {  	vm4 =	vmmov $0x7;
	[tilespmem:$0x1FF20] =	vst v2;
	v2 =	vimm.s32 $0x0  }
0x7: {  	v2 =	vsel vm4, $0xFFFFFFFF, v2  }
0x8: {  	vm5 =	vmmov $0xf;
	[tilespmem:$0x1FF30] =	vst v2;
	v2 =	vimm.s32 $0x0  }
0x9: {  	v2 =	vsel vm5, $0xFFFFFFFF, v2  }
0xa: {  	vm6 =	vmmov $0x1f;
	[tilespmem:$0x1FF40] =	vst v2;
	v2 =	vimm.s32 $0x0  }
0xb: {  	v2 =	vsel vm6, $0xFFFFFFFF, v2  }
0xc: {  	vm7 =	vmmov $0x3f;
	[tilespmem:$0x1FF50] =	vst v2;
	v2 =	vimm.s32 $0x0  }
0xd: {  	s4 =	stileid.u32;
	s14 =	srdreg.scid;
	v2 =	vsel vm7, $0xFFFFFFFF, v2  }
0xe: {  	vm8 =	vmmov $0x7f;
	s28 =	simm.s32 $0x3300;
	s29 =	simm.s32 $0x100;
	s31 =	simm.s32 $0x2;
	[tilespmem:$0x1FF60] =	vst v2;
	v2 =	vimm.s32 $0x0  }
0xf: {  	s8 =	simm.s32 $0x12C00;
	s10 =	smul.u32 $0x318, s4;
	s2 =	sadd.s32 $0x31E00, s0;
	v2 =	vsel vm8, $0xFFFFFFFF, v2  }
0x10: {  	vm9 =	vmmov $0xff;
	s17 =	sadd.s32 $0x62E00, s0;
	s11 =	sadd.s32 $0xC4E00, s0;
	[dreg:$0x6] =	wrdreg s2;
	[tilespmem:$0x1FF70] =	vst v2;
	v2 =	vimm.s32 $0x0  }
0x11: {  	s3 =	sadd.s32 $0x93E00, s0;
	s13 =	sadd.s32 $0xF5E00, s0;
	[dreg:$0x7] =	wrdreg s11;
	v2 =	vsel vm9, $0xFFFFFFFF, v2  }
0x12: {  	vm13 =	vmmov $0x1ff;
	s15 =	sadd.s32 $0x126E00, s0;
	s16 =	sand.u32 $0x1, s14;
	[dreg:$0x8] =	wrdreg s3;
	[tilespmem:$0x1FF80] =	vst v2;
	v2 =	vimm.s32 $0x0  }
0x13: {  	s19 =	sshll.u32 s4, $0x1;
	s4 =	smul.u32 $0x6300, s4;
	[dreg:$0x9] =	wrdreg s13;
	v2 =	vsel vm13, $0xFFFFFFFF, v2  }
0x14: {  	v58 =	vimm.s32 $0x0;
	vm0 =	vmmov $0x3ff;
	s0 =	sadd.s32 $0x1000, s0;
	[dreg:$0xa] =	wrdreg s15;
	s18 =	ssub.s32 $0x2, s16;
	[tilespmem:$0x1FF90] =	vst v2;
	v2 =	vimm.s32 $0x0  }
0x15: {  	v1 =	vimm.f32 $-3.000000010e+38;
	v3 =	vimm.f32 $3.000000010e+38;
	[dreg:$0xb] =	wrdreg s0;
	s1 =	sor.u32 s16, s19;
	s2 =	simm.s32 $0xC900;
	v2 =	vsel vm0, $0xFFFFFFFF, v2  }
0x16: {  	v4 =	vimm.f32 $0.0e+00;
	vm1 =	vmmov $0xfff;
	[dreg:$0x5] =	wrdreg s17;
	s12 =	sadd.s32 $0x310, s10;
	s7 =	sadd.s32 s4, s5;
	[tilespmem:$0x1FFA0] =	vst v2;
	v2 =	vimm.s32 $0x0  }
0x17: {  	vm10 =	vmmov $0x7ff;
	vm12 =	vmmov $0x1fff;
	s1 =	smul.u32 $0x310, s1;
	s9 =	sadd.s32 s4, s6;
	[dreg:$0xd] =	wrdreg s7;
	v2 =	vsel vm1, $0xFFFFFFFF, v2  }
0x18: {  	vm11 =	vmmov $0x3fff;
	vm14 =	vmmov $0x7fff;
	s20 =	sshrl.u32 s18, $0x1;
	s21 =	sadd.s32 $0x2000, s4;
	[dreg:$0xe] =	wrdreg s9;
	[tilespmem:$0x1FFB0] =	vst v2;
	v2 =	vimm.s32 $0x0  }
0x19: {  	v30 =	vimm.s32 $0xF;
	v7 =	vlaneseq.u32;
	s23 =	sadd.s32 $0x4000, s4;
	s22 =	sadd.s32 s21, s5;
	[dreg:$0xc] =	wrdreg s1;
	v2 =	vsel vm11, $0xFFFFFFFF, v2  }
0x1a: {  	v46 =	vimm.s32 $0x2;
	v52 =	vimm.s32 $0x3;
	s24 =	sadd.s32 $0x6000, s4;
	s25 =	sadd.s32 s23, s5;
	[dreg:$0xf] =	wrdreg s22;
	[tilespmem:$0x1FFC0] =	vst v2;
	v2 =	vimm.s32 $0x0  }
0x1b: {  	v51 =	vimm.s32 $0x4;
	v47 =	vimm.s32 $0x5;
	s0 =	ssub.s32 s18, s20;
	s26 =	sadd.s32 s24, s5;
	[dreg:$0x11] =	wrdreg s25;
	v2 =	vsel vm10, $0xFFFFFFFF, v2  }
.Ltmp0:
0x1c: {  	v48 =	vimm.s32 $0x6;
	v59 =	vimm.s32 $0x7;
	s30 =	sadd.s32 s24, s6;
	[dreg:$0x13] =	wrdreg s26;
	[tilespmem:$0x1FFD0] =	vst v2;
	v2 =	vimm.s32 $0x0;
	(pc) =	sbr.rel .LBB2_1-.Ltmp0, $4  }
0x1d: {  	v60 =	vimm.s32 $0x8;
	v49 =	vimm.s32 $0x9;
	s18 =	simm.s32 $0x4600;
	s1 =	sadd.s32 s21, s6;
	[dreg:$0x14] =	wrdreg s30;
	v2 =	vsel vm12, $0xFFFFFFFF, v2  }
0x1e: {  	v50 =	vimm.s32 $0xA;
	v12 =	vmov s12;
	s24 =	simm.s32 $0x3;
	s0 =	smax.u32 s0, $0x1;
	[dreg:$0x10] =	wrdreg s1;
	[tilespmem:$0x1FFE0] =	vst v2;
	v2 =	vimm.s32 $0x0  }
0x1f: {  	v53 =	vimm.s32 $0xB;
	v40 =	vimm.s32 $0xC;
	s26 =	simm.s32 $0x2200;
	[tilespmem:$0x1FF00] =	vst v12;
	s1 =	sadd.s32 s23, s6;
	[dreg:$0x15] =	wrdreg s0;
	v2 =	vsel vm14, $0xFFFFFFFF, v2  }
0x20: {  	v54 =	vimm.s32 $0xD;
	v55 =	vimm.s32 $0xE;
	v0 =	vmov s10;
	s22 =	simm.s32 $0x6600;
	[dreg:$0x12] =	wrdreg s1;
	s1 =	simm.s32 $0x0;
	[tilespmem:$0x1FFF0] =	vst v2  }
.LBB2_38:
0x21: {  	s1 =	rddreg [dreg:$0x16]  }
0x22: {  	s0 =	rddreg [dreg:$0x15];
	s1 =	sadd.s32 $0x1, s1  }
0x23: {  	p0 =	sne.s32 s1, s0  }
.Ltmp1:
0x24: {  	_ = 	snop;
	(pc) =	sbr.rel @!p0 .LBB2_39-.Ltmp1, $1  }
0x25: {  	_ =	sdelay $0x3  }
.LBB2_1:
0x26: {  	[dreg:$0x16] =	wrdreg s1;
	s1 =	simm.s32 $0x0  }
.LBB2_2:
0x27: {  	p0 =	sne.s32 s1, $0x43C0  }
.Ltmp2:
0x28: {  	_ = 	snop;
	(pc) =	sbr.rel @p0 .LBB2_2-.Ltmp2, $3  }
0x29: {  	_ =	sdelay $0x1  }
0x2a: {  	s3 =	sshra.s32 s1, $0x2  }
0x2b: {  	s1 =	sadd.s32 $0x40, s1;
	[tilespmem:s3+$0x2200] =	vst v58  }
.Ltmp3:
0x2c: {  	(pc) =	sbr.rel .LBB2_4-.Ltmp3, $2  }
0x2d: {  	_ =	sdelay $0x2  }
0x2e: {  	s1 =	simm.s32 $0x0;
	p1 =	por $0x1, $0x1  }
.LBB2_37:
0x2f: {  	s4 =	rddreg [dreg:$0x17]  }
0x30: {  	s1 =	rddreg [dreg:$0x9];
	s0 =	sshll.u32 s4, $0x2  }
0x31: {  	s3 =	simm.s32 $0x0;
	s1 =	sadd.s32 s1, s0  }
0x32: {  	[hbm4b:s1+s3] =	stream.linear.scatter [tilespmem:s22], [sflag:$0x3], $0x6200, $0x38;
	[tilespmem:$0x1F520] =	vst v63  }
0x33: {  	_ =	swait.ge [sflag:s24], $0x6200  }
0x34: {  	[sflag:s24] =	ssyncset.done $0x0;
	s16 =	rddreg [dreg:$0xa]  }
0x35: {  	[sflag:s24] =	ssyncadd.s32 $0xFFFF9E00;
	s1 =	sadd.s32 s16, s0  }
0x36: {  	[hbm4b:s1+s3] =	stream.linear.scatter [tilespmem:s2], [sflag:$0x3], $0x6200, $0x38;
	[tilespmem:$0x1F520] =	vst v63  }
0x37: {  	_ =	swait.ge [sflag:s24], $0x6200  }
0x38: {  	s17 =	sshrl.u32 s4, $0x3;
	[sflag:s24] =	ssyncset.done $0x0;
	s19 =	rddreg [dreg:$0xb]  }
0x39: {  	[sflag:s24] =	ssyncadd.s32 $0xFFFF9E00;
	s1 =	sadd.s32 s19, s17  }
0x3a: {  	[hbm4b:s1+s3] =	stream.linear.scatter [tilespmem:s8], [sflag:$0x3], $0x310, $0x38;
	[tilespmem:$0x1F520] =	vst v63  }
0x3b: {  	s20 =	stileid.u32;
	_ =	swait.ge [sflag:s24], $0x310  }
0x3c: {  	s1 =	sshll.u32 s20, $0x6;
	s21 =	rddreg [dreg:$0x7]  }
0x3d: {  	s1 =	sor.u32 $0x1C03, s1;
	[sflag:s24] =	ssyncset.done $0x0;
	s7 =	rddreg [dreg:$0xd]  }
0x3e: {  	[sflag:s24] =	ssyncadd.s32 $0xFFFFFCF0;
	s3 =	sadd.s32 s21, s0;
	s23 =	sshrl.u32 s7, $0x3  }
0x3f: {  	[hbm:s3], [sflag:s1] =	dma.local [spmem:s23], $0xC40  }
0x40: {  	_ =	swait.ge [sflag:s24], $0xC40  }
0x41: {  	[sflag:s24] =	ssyncset.done $0x0;
	s25 =	rddreg [dreg:$0x8]  }
0x42: {  	s9 =	rddreg [dreg:$0xe];
	[sflag:s24] =	ssyncadd.s32 $0xFFFFF3C0  }
.Ltmp4:
0x43: {  	s0 =	sadd.s32 s25, s0;
	s30 =	sshrl.u32 s9, $0x3;
	(pc) =	sbr.rel @!p0 .LBB2_38-.Ltmp4, $4  }
0x44: {  	[hbm:s0], [sflag:s1] =	dma.local [spmem:s30], $0xC40  }
0x45: {  	_ =	swait.ge [sflag:s24], $0xC40  }
0x46: {  	[sflag:s24] =	ssyncset.done $0x0  }
0x47: {  	p1 =	por $0x0, $0x0;
	v1 =	vimm.f32 $-3.000000010e+38;
	v3 =	vimm.f32 $3.000000010e+38;
	v4 =	vimm.f32 $0.0e+00;
	s1 =	simm.s32 $0x6200;
	[sflag:s24] =	ssyncadd.s32 $0xFFFFF3C0  }
.LBB2_4:
0x48: {  	p0 =	por p1, p1;
	s4 =	simm.s32 $0x80;
	s3 =	simm.s32 $0x0  }
.LBB2_5:
0x49: {  	p1 =	sne.s32 s4, $0x18780;
	[tilespmem:s3+$0xC910] =	vst v3;
	s5 =	smov.u32 s4;
	s4 =	sadd.s32 $0x80, s4  }
.Ltmp5:
0x4a: {  	[tilespmem:s3+$0xC900] =	vst v3;
	(pc) =	sbr.rel @p1 .LBB2_5-.Ltmp5, $3  }
0x4b: {  	[tilespmem:s3+$0x6600] =	vst v1  }
0x4c: {  	[tilespmem:s3+$0x6610] =	vst v1;
	_ =	sdelay $0x1  }
0x4d: {  	s3 =	sshra.s32 s5, $0x2  }
0x4e: {  	[tilespmem:s3+$0xC910] =	vst v3  }
0x4f: {  	[tilespmem:s3+$0xC900] =	vst v3  }
0x50: {  	[tilespmem:s3+$0x6600] =	vst v1  }
0x51: {  	[tilespmem:s3+$0x6610] =	vst v1;
	s3 =	simm.s32 $0x40;
	s4 =	simm.s32 $0x0  }
.LBB2_7:
0x52: {  	p1 =	sne.s32 s3, $0xC40;
	[tilespmem:s4+$0x12C00] =	vst v4;
	s4 =	smov.u32 s3;
	s3 =	sadd.s32 $0x40, s3  }
.Ltmp6:
0x53: {  	(pc) =	sbr.rel @p1 .LBB2_7-.Ltmp6, $2  }
0x54: {  	_ =	sdelay $0x2  }
0x55: {  	s4 =	sshra.s32 s4, $0x2  }
0x56: {  	[tilespmem:s4+$0x12C00] =	vst v4;
	s3 =	simm.s32 $0x80;
	s4 =	simm.s32 $0x0  }
.LBB2_9:
0x57: {  	p1 =	sne.s32 s3, $0x7F80;
	[tilespmem:s4+$0x4600] =	vst v4;
	s5 =	smov.u32 s3;
	s3 =	sadd.s32 $0x80, s3  }
.Ltmp7:
0x58: {  	[tilespmem:s4+$0x4610] =	vst v4;
	(pc) =	sbr.rel @p1 .LBB2_9-.Ltmp7, $2  }
0x59: {  	_ =	sdelay $0x2  }
0x5a: {  	s4 =	sshra.s32 s5, $0x2  }
0x5b: {  	[tilespmem:s4+$0x4600] =	vst v4  }
0x5c: {  	[tilespmem:s4+$0x4610] =	vst v4  }
0x5d: {  	[spmem:s7] =	stream.linear.scatter [tilespmem:s18], [sflag:$0x3], $0x2000, $0x38;
	[tilespmem:$0x1F520] =	vst v63  }
0x5e: {  	_ =	swait.ge [sflag:s24], $0x2000  }
0x5f: {  	[sflag:s24] =	ssyncset.done $0x0  }
0x60: {  	[sflag:s24] =	ssyncadd.s32 $0xFFFFE000  }
0x61: {  	[spmem:s9] =	stream.linear.scatter [tilespmem:s18], [sflag:$0x3], $0x2000, $0x38;
	[tilespmem:$0x1F520] =	vst v63  }
0x62: {  	_ =	swait.ge [sflag:s24], $0x2000  }
0x63: {  	[sflag:s24] =	ssyncset.done $0x0  }
0x64: {  	s0 =	rddreg [dreg:$0xf];
	[sflag:s24] =	ssyncadd.s32 $0xFFFFE000  }
0x65: {  	[spmem:s0] =	stream.linear.scatter [tilespmem:s18], [sflag:$0x3], $0x2000, $0x38;
	[tilespmem:$0x1F520] =	vst v63  }
0x66: {  	_ =	swait.ge [sflag:s24], $0x2000  }
0x67: {  	[sflag:s24] =	ssyncset.done $0x0  }
0x68: {  	s17 =	rddreg [dreg:$0x10];
	[sflag:s24] =	ssyncadd.s32 $0xFFFFE000  }
0x69: {  	[spmem:s17] =	stream.linear.scatter [tilespmem:s18], [sflag:$0x3], $0x2000, $0x38;
	[tilespmem:$0x1F520] =	vst v63  }
0x6a: {  	_ =	swait.ge [sflag:s24], $0x2000  }
0x6b: {  	[sflag:s24] =	ssyncset.done $0x0  }
0x6c: {  	s19 =	rddreg [dreg:$0x11];
	[sflag:s24] =	ssyncadd.s32 $0xFFFFE000  }
0x6d: {  	[spmem:s19] =	stream.linear.scatter [tilespmem:s18], [sflag:$0x3], $0x2000, $0x38;
	[tilespmem:$0x1F520] =	vst v63  }
0x6e: {  	_ =	swait.ge [sflag:s24], $0x2000  }
0x6f: {  	[sflag:s24] =	ssyncset.done $0x0  }
0x70: {  	s20 =	rddreg [dreg:$0x12];
	[sflag:s24] =	ssyncadd.s32 $0xFFFFE000  }
0x71: {  	[spmem:s20] =	stream.linear.scatter [tilespmem:s18], [sflag:$0x3], $0x2000, $0x38;
	[tilespmem:$0x1F520] =	vst v63  }
0x72: {  	_ =	swait.ge [sflag:s24], $0x2000  }
0x73: {  	[sflag:s24] =	ssyncset.done $0x0  }
0x74: {  	s21 =	rddreg [dreg:$0x13];
	[sflag:s24] =	ssyncadd.s32 $0xFFFFE000  }
0x75: {  	[spmem:s21] =	stream.linear.scatter [tilespmem:s18], [sflag:$0x3], $0x300, $0x38;
	[tilespmem:$0x1F520] =	vst v63  }
0x76: {  	_ =	swait.ge [sflag:s24], $0x300  }
0x77: {  	[sflag:s24] =	ssyncset.done $0x0  }
0x78: {  	s23 =	rddreg [dreg:$0x14];
	[sflag:s24] =	ssyncadd.s32 $0xFFFFFD00  }
0x79: {  	[spmem:s23] =	stream.linear.scatter [tilespmem:s18], [sflag:$0x3], $0x300, $0x38;
	[tilespmem:$0x1F520] =	vst v63  }
.Ltmp8:
0x7a: {  	s3 =	simm.s32 $0x0;
	_ =	swait.ge [sflag:s24], $0x300;
	(pc) =	sbr.rel .LBB2_11-.Ltmp8, $4  }
0x7b: {  	p1 =	por $0x0, $0x0;
	[sflag:s24] =	ssyncset.done $0x0;
	s30 =	rddreg [dreg:$0xc]  }
0x7c: {  	s25 =	rddreg [dreg:$0x6];
	[sflag:s24] =	ssyncadd.s32 $0xFFFFFD00;
	s0 =	sadd.s32 s30, s1  }
0x7d: {  	[tilespmem:s3], [sflag:$0x1] =	stream.linear.gather [hbm4b:s25+s3], $0x1000, $0x38;
	[tilespmem:$0x1F520] =	vst v63  }
0x7e: {  	s11 =	simm.s32 $0x100;
	s5 =	simm.s32 $0x0;
	vm1 =	vmmov vm2;
	[dreg:$0x17] =	wrdreg s0;
	v23 =	vmov s0  }
.LBB2_28:
0x7f: {  	s0 =	sand.u32 $0xFF, s5  }
0x80: {  	p2 =	slt.s32 s5, $0x1;
	p3 =	sne.s32 s0, $0x0  }
0x81: {  	s1 =	sshra.s32 s5, $0x1F;
	s3 =	rddreg [dreg:$0x18];
	p2 =	por !p2, !p3  }
0x82: {  	s30 =	sshrl.u32 s1, $0x18;
	s1 =	simm.s32 $0x1;
	p2 =	por !p2, !p2  }
0x83: {  	s1 =	simm.s32 @!p2 $0x0;
	p2 =	sne.s32 s3, $0x188  }
.Ltmp9:
0x84: {  	s0 =	sadd.s32 s30, s5;
	(pc) =	sbr.rel @!p2 .LBB2_29-.Ltmp9, $4  }
0x85: {  	s0 =	sshrl.u32 s0, $0x8  }
0x86: {  	s0 =	ssub.s32 s1, s0  }
0x87: {  	s0 =	sshll.u32 s0, $0x8  }
0x88: {  	p1 =	por !p1, !p1;
	s11 =	sadd.s32 $0x1000, s11;
	s5 =	sadd.s32 s5, s0  }
.LBB2_11:
0x89: {  	s1 =	simm.s32 $0x1;
	s0 =	simm.s32 $0x1  }
0x8a: {  	s4 =	sadd.s32 $0x1, s3;
	p2 =	seq.s32 s3, $0x187;
	s1 =	simm.s32 @!p1 $0x0  }
0x8b: {  	_ =	swait.ge [sflag:s0], $0x1000;
	[dreg:$0x18] =	wrdreg s4;
	s1 =	sshll.u32 s1, $0xC  }
0x8c: {  	s3 =	sshll.u32 @!p2 s4, $0x9;
	[sflag:s0] =	ssyncset.done $0x0;
	s20 =	sor.u32 $0x100, s1  }
0x8d: {  	[sflag:s0] =	ssyncadd.s32 $0xFFFFF000;
	s1 =	sshll.u32 @!p2 s4, $0xC;
	s0 =	rddreg [dreg:$0x6]  }
0x8e: {  	s4 =	simm.s32 @!p2 $0x0;
	s1 =	sand.u32 @!p2 $0x1000, s1;
	s3 =	sadd.s32 @!p2 s0, s3  }
0x8f: {  	v2 =	vld [tilespmem:$0x1FFA0];
	[tilespmem:s1], [sflag:$0x1] =	stream.linear.gather @!p2 [hbm4b:s3+s4], $0x1000, $0x38  }
0x90: {  	v1 =	vld [tilespmem:s20+$0xE0]  }
0x91: {  	v3 =	vld [tilespmem:s20+$0xD0]  }
0x92: {  	v4 =	vld [tilespmem:s20+$0xC0]  }
0x93: {  	v5 =	vld [tilespmem:s20+$0xB0]  }
0x94: {  	v6 =	vld [tilespmem:s20+$0xA0]  }
0x95: {  	v8 =	vld [tilespmem:s20+$0x90]  }
0x96: {  	v9 =	vld [tilespmem:s20+$0x80]  }
0x97: {  	v10 =	vld [tilespmem:s20+$0x70]  }
0x98: {  	v11 =	vld [tilespmem:s20+$0x60]  }
0x99: {  	v12 =	vld [tilespmem:s20+$0x50]  }
0x9a: {  	v13 =	vld [tilespmem:s20+$0x0]  }
0x9b: {  	s12 =	sadd.s32 $0x200, s20;
	v14 =	vld [tilespmem:s20+$0x10]  }
0x9c: {  	vm11 =	vmmov vm10;
	vm15 =	vmmov vm14;
	v19 =	vld [tilespmem:s12+$0xA0]  }
0x9d: {  	vm14 =	vmmov vm13;
	vm2 =	vmmov vm12;
	vm10 =	vnez.u8 v2;
	v2 =	vld [tilespmem:$0x1FFB0]  }
0x9e: {  	v15 =	vld [tilespmem:s20+$0x20];
	v1 =	vsub.s32 v1, v23;
	v5 =	vsub.s32 v5, v23;
	v4 =	vsub.s32 v4, v23  }
0x9f: {  	v16 =	vld [tilespmem:s20+$0x30];
	v3 =	vsub.s32 v3, v23;
	v9 =	vsub.s32 v9, v23;
	v8 =	vsub.s32 v8, v23  }
0xa0: {  	v17 =	vld [tilespmem:s20+$0x40];
	v6 =	vsub.s32 v6, v23;
	v12 =	vsub.s32 v12, v23;
	v11 =	vsub.s32 v11, v23  }
0xa1: {  	v13 =	vsub.s32 v13, v23;
	v10 =	vsub.s32 v10, v23;
	v14 =	vsub.s32 v14, v23  }
0xa2: {  	v19 =	vsub.s32 v19, v23;
	vm0 =	vlt.u32 v13, $0x310;
	vm12 =	vnez.u8 v2  }
0xa3: {  	v13 =	vmpcnt.ones.xlane vm0;
	vm0 =	vlt.u32 v14, $0x310;
	v14 =	vsub.s32 v15, v23  }
0xa4: {  	v15 =	vsub.s32 v16, v23;
	v16 =	vmpcnt.ones.xlane vm0;
	vm0 =	vlt.u32 v14, $0x310  }
0xa5: {  	v14 =	vmpcnt.ones.xlane vm0;
	vm0 =	vlt.u32 v15, $0x310;
	v15 =	vsub.s32 v17, v23  }
0xa6: {  	v13 =	vsel vm1, v13, v16;
	v16 =	vmpcnt.ones.xlane vm0;
	vm0 =	vlt.u32 v15, $0x310  }
0xa7: {  	v13 =	vsel vm3, v13, v14;
	v14 =	vmpcnt.ones.xlane vm0;
	vm0 =	vlt.u32 v12, $0x310  }
0xa8: {  	v20 =	vld [tilespmem:s12+$0x70];
	v12 =	vsel vm4, v13, v16;
	v13 =	vmpcnt.ones.xlane vm0;
	vm0 =	vlt.u32 v11, $0x310  }
0xa9: {  	v2 =	vld [tilespmem:$0x1FFC0];
	v11 =	vsel vm5, v12, v14;
	v12 =	vmpcnt.ones.xlane vm0;
	vm0 =	vlt.u32 v10, $0x310  }
0xaa: {  	v14 =	vld [tilespmem:s20+$0xFFFFFF70];
	v11 =	vsel vm6, v11, v13;
	v13 =	vmpcnt.ones.xlane vm0;
	vm0 =	vlt.u32 v9, $0x310  }
0xab: {  	v11 =	vsel vm7, v11, v12;
	v12 =	vmpcnt.ones.xlane vm0;
	vm0 =	vlt.u32 v8, $0x310  }
0xac: {  	v10 =	vld [tilespmem:s20+$0xF0];
	v11 =	vsel vm8, v11, v13;
	v13 =	vmpcnt.ones.xlane vm0;
	vm0 =	vlt.u32 v6, $0x310  }
0xad: {  	v9 =	vld [tilespmem:s20+$0xFFFFFF10];
	v11 =	vsel vm9, v11, v12;
	v12 =	vmpcnt.ones.xlane vm0;
	vm0 =	vlt.u32 v5, $0x310  }
0xae: {  	v20 =	vsub.s32 v20, v23;
	v8 =	vld [tilespmem:s20+$0xFFFFFF00];
	v11 =	vsel vm13, v11, v13;
	v13 =	vmpcnt.ones.xlane vm0  }
0xaf: {  	v6 =	vld [tilespmem:s20+$0xFFFFFF20];
	vm0 =	vlt.u32 v4, $0x310;
	vm13 =	vnez.u8 v2;
	v14 =	vsub.s32 v14, v23  }
0xb0: {  	v5 =	vld [tilespmem:s20+$0xFFFFFF30];
	v11 =	vsel vm10, v11, v12;
	v12 =	vmpcnt.ones.xlane vm0;
	vm0 =	vlt.u32 v3, $0x310  }
0xb1: {  	v4 =	vld [tilespmem:s20+$0xFFFFFF40];
	v11 =	vsel vm11, v11, v13;
	v13 =	vmpcnt.ones.xlane vm0;
	vm0 =	vlt.u32 v1, $0x310  }
0xb2: {  	v3 =	vld [tilespmem:s20+$0xFFFFFF50];
	v1 =	vsub.s32 v10, v23;
	v11 =	vsel vm12, v11, v12;
	v12 =	vmpcnt.ones.xlane vm0  }
0xb3: {  	vm0 =	vlt.u32 v1, $0x310;
	v1 =	vsub.s32 v8, v23;
	v8 =	vsel vm2, v11, v13  }
0xb4: {  	v10 =	vld [tilespmem:s20+$0xFFFFFF60];
	v13 =	vmpcnt.ones.xlane vm0;
	vm0 =	vlt.u32 v1, $0x310;
	v1 =	vsub.s32 v9, v23  }
0xb5: {  	v11 =	vld [tilespmem:s20+$0xFFFFFF80];
	v15 =	vmpcnt.ones.xlane vm0;
	vm0 =	vlt.u32 v1, $0x310;
	v1 =	vsub.s32 v6, v23  }
0xb6: {  	v9 =	vld [tilespmem:s20+$0xFFFFFF90];
	v8 =	vsel vm13, v8, v12;
	v4 =	vsub.s32 v4, v23;
	v16 =	vmpcnt.ones.xlane vm0  }
0xb7: {  	v6 =	vld [tilespmem:s20+$0xFFFFFFA0];
	vm0 =	vlt.u32 v1, $0x310;
	v1 =	vsub.s32 v5, v23;
	v3 =	vsub.s32 v3, v23  }
0xb8: {  	v5 =	vld [tilespmem:s20+$0xFFFFFFB0];
	v21 =	vsel vm15, v8, v13;
	v12 =	vmpcnt.ones.xlane vm0;
	vm0 =	vlt.u32 v1, $0x310  }
0xb9: {  	v8 =	vld [tilespmem:s12+$0x10];
	v15 =	vsel vm1, v15, v16;
	v16 =	vmpcnt.ones.xlane vm0;
	vm0 =	vlt.u32 v4, $0x310  }
0xba: {  	v18 =	vld [tilespmem:s12+$0xE0];
	v4 =	vsel vm3, v15, v12;
	v15 =	vmpcnt.ones.xlane vm0;
	vm0 =	vlt.u32 v3, $0x310  }
0xbb: {  	v17 =	vld [tilespmem:s20+$0xFFFFFFD0];
	v3 =	vsub.s32 v10, v23;
	v11 =	vsub.s32 v11, v23;
	v9 =	vsub.s32 v9, v23  }
0xbc: {  	v1 =	vld [tilespmem:s20+$0xFFFFFFC0];
	v4 =	vsel vm4, v4, v16;
	v16 =	vmpcnt.ones.xlane vm0;
	vm0 =	vlt.u32 v3, $0x310  }
0xbd: {  	v12 =	vld [tilespmem:s20+$0xFFFFFFE0];
	v6 =	vsub.s32 v6, v23;
	v4 =	vsel vm5, v4, v15;
	v15 =	vmpcnt.ones.xlane vm0  }
0xbe: {  	v10 =	vld [tilespmem:s20+$0xFFFFFFF0];
	vm0 =	vlt.u32 v14, $0x310;
	v5 =	vsub.s32 v5, v23;
	v8 =	vsub.s32 v8, v23  }
0xbf: {  	v3 =	vld [tilespmem:s12+$0xF0];
	v4 =	vsel vm6, v4, v16;
	v16 =	vmpcnt.ones.xlane vm0;
	vm0 =	vlt.u32 v11, $0x310  }
0xc0: {  	v14 =	vld [tilespmem:s12+$0xD0];
	v4 =	vsel vm7, v4, v15;
	v15 =	vmpcnt.ones.xlane vm0;
	vm0 =	vlt.u32 v9, $0x310  }
0xc1: {  	v11 =	vld [tilespmem:s12+$0xC0];
	v4 =	vsel vm8, v4, v16;
	v16 =	vmpcnt.ones.xlane vm0;
	vm0 =	vlt.u32 v6, $0x310  }
0xc2: {  	v9 =	vld [tilespmem:s12+$0xB0];
	v4 =	vsel vm9, v4, v15;
	v15 =	vmpcnt.ones.xlane vm0;
	vm0 =	vlt.u32 v5, $0x310  }
0xc3: {  	v1 =	vsub.s32 v1, v23;
	v6 =	vld [tilespmem:s12+$0x90];
	v4 =	vsel vm14, v4, v16;
	v16 =	vmpcnt.ones.xlane vm0  }
0xc4: {  	v5 =	vld [tilespmem:s12+$0x80];
	vm0 =	vlt.u32 v1, $0x310;
	v1 =	vsel vm10, v4, v15;
	v15 =	vsub.s32 v17, v23  }
0xc5: {  	v12 =	vsub.s32 v12, v23;
	v4 =	vmpcnt.ones.xlane vm0;
	v17 =	vld [tilespmem:s12+$0x60];
	vm0 =	vlt.u32 v15, $0x310  }
0xc6: {  	v1 =	vsel vm11, v1, v16;
	v16 =	vmpcnt.ones.xlane vm0;
	vm0 =	vlt.u32 v12, $0x310;
	v12 =	vld [tilespmem:s12+$0x0]  }
0xc7: {  	v10 =	vsub.s32 v10, v23;
	v15 =	vld [tilespmem:s12+$0x50];
	v1 =	vsel vm12, v1, v4;
	v4 =	vmpcnt.ones.xlane vm0  }
0xc8: {  	v13 =	vld [tilespmem:s12+$0x20];
	v9 =	vsub.s32 v9, v23;
	vm0 =	vlt.u32 v10, $0x310;
	v10 =	vsel vm2, v1, v16  }
0xc9: {  	v16 =	vsub.s32 v18, v23;
	v18 =	vsub.s32 v3, v23;
	v3 =	vsel vm13, v10, v4;
	v4 =	vld [tilespmem:s12+$0x30]  }
0xca: {  	v6 =	vsub.s32 v6, v23;
	v10 =	vsub.s32 v11, v23;
	v11 =	vsub.s32 v14, v23;
	v14 =	vld [tilespmem:s12+$0x40]  }
0xcb: {  	v5 =	vsub.s32 v5, v23;
	v1 =	vmpcnt.ones.xlane vm0;
	v12 =	vsub.s32 v12, v23  }
0xcc: {  	v17 =	vsub.s32 v17, v23;
	v15 =	vsub.s32 v15, v23;
	vm0 =	vlt.u32 v12, $0x310  }
0xcd: {  	v12 =	vmpcnt.ones.xlane vm0;
	vm0 =	vlt.u32 v8, $0x310;
	v8 =	vsub.s32 v13, v23  }
0xce: {  	v4 =	vsub.s32 v4, v23;
	v13 =	vmpcnt.ones.xlane vm0;
	vm0 =	vlt.u32 v8, $0x310  }
0xcf: {  	v8 =	vmpcnt.ones.xlane vm0;
	vm0 =	vlt.u32 v4, $0x310;
	v4 =	vsub.s32 v14, v23  }
0xd0: {  	v12 =	vsel vm1, v12, v13;
	v13 =	vmpcnt.ones.xlane vm0;
	vm0 =	vlt.u32 v4, $0x310  }
0xd1: {  	v4 =	vsel vm3, v12, v8;
	v8 =	vmpcnt.ones.xlane vm0;
	vm0 =	vlt.u32 v15, $0x310  }
0xd2: {  	v4 =	vsel vm4, v4, v13;
	v12 =	vmpcnt.ones.xlane vm0;
	vm0 =	vlt.u32 v17, $0x310  }
0xd3: {  	v4 =	vsel vm5, v4, v8;
	v8 =	vmpcnt.ones.xlane vm0;
	vm0 =	vlt.u32 v20, $0x310  }
0xd4: {  	v14 =	vld [tilespmem:s12+$0xFFFFFF10];
	v4 =	vsel vm6, v4, v12;
	v12 =	vmpcnt.ones.xlane vm0;
	vm0 =	vlt.u32 v5, $0x310  }
0xd5: {  	v15 =	vld [tilespmem:s12+$0xFFFFFF20];
	v4 =	vsel vm7, v4, v8;
	v8 =	vmpcnt.ones.xlane vm0;
	vm0 =	vlt.u32 v6, $0x310  }
0xd6: {  	v17 =	vld [tilespmem:s12+$0xFFFFFF30];
	v4 =	vsel vm8, v4, v12;
	v6 =	vmpcnt.ones.xlane vm0;
	vm0 =	vlt.u32 v19, $0x310  }
0xd7: {  	v5 =	vld [tilespmem:s12+$0xFFFFFF00];
	v4 =	vsel vm9, v4, v8;
	v8 =	vmpcnt.ones.xlane vm0;
	vm0 =	vlt.u32 v9, $0x310  }
0xd8: {  	v9 =	vld [tilespmem:s12+$0xFFFFFF40];
	v4 =	vsel vm14, v4, v6;
	v6 =	vmpcnt.ones.xlane vm0;
	vm0 =	vlt.u32 v10, $0x310  }
0xd9: {  	v13 =	vld [tilespmem:s12+$0xFFFFFF90];
	v4 =	vsel vm10, v4, v8;
	v8 =	vmpcnt.ones.xlane vm0;
	vm0 =	vlt.u32 v11, $0x310  }
0xda: {  	v20 =	vld [tilespmem:s12+$0xFFFFFF60];
	v4 =	vsel vm11, v4, v6;
	v6 =	vmpcnt.ones.xlane vm0;
	vm0 =	vlt.u32 v16, $0x310  }
0xdb: {  	v19 =	vld [tilespmem:s12+$0xFFFFFF50];
	v4 =	vsel vm12, v4, v8;
	v8 =	vmpcnt.ones.xlane vm0;
	vm0 =	vlt.u32 v18, $0x310  }
0xdc: {  	v12 =	vld [tilespmem:s12+$0xFFFFFF80];
	v5 =	vsub.s32 v5, v23;
	v4 =	vsel vm2, v4, v6;
	v16 =	vmpcnt.ones.xlane vm0  }
0xdd: {  	v10 =	vld [tilespmem:s12+$0xFFFFFFC0];
	vm0 =	vlt.u32 v5, $0x310;
	v5 =	vsub.s32 v14, v23;
	v9 =	vsub.s32 v9, v23  }
0xde: {  	v11 =	vld [tilespmem:s12+$0xFFFFFF70];
	v14 =	vmpcnt.ones.xlane vm0;
	vm0 =	vlt.u32 v5, $0x310;
	v5 =	vsub.s32 v15, v23  }
0xdf: {  	v6 =	vld [tilespmem:s12+$0xFFFFFFA0];
	v15 =	vmpcnt.ones.xlane vm0;
	vm0 =	vlt.u32 v5, $0x310;
	v5 =	vsub.s32 v17, v23  }
0xe0: {  	v4 =	vsel vm13, v4, v8;
	v8 =	vld [tilespmem:s12+$0xFFFFFFB0];
	v17 =	vmpcnt.ones.xlane vm0;
	vm0 =	vlt.u32 v5, $0x310  }
0xe1: {  	s9 =	simm.s32 $0x2010;
	v16 =	vsel vm15, v4, v16;
	v4 =	vld [tilespmem:s12+$0xFFFFFFD0];
	v15 =	vsel vm1, v14, v15;
	v14 =	vmpcnt.ones.xlane vm0  }
0xe2: {  	s13 =	simm.s32 $0x2030;
	[tilespmem:s9+$0x0] =	vst v21;
	v5 =	vld [tilespmem:s12+$0xFFFFFFE0];
	vm0 =	vlt.u32 v9, $0x310;
	v15 =	vsel vm3, v15, v17;
	v17 =	vsub.s32 v19, v23  }
0xe3: {  	s14 =	simm.s32 $0x2;
	s15 =	sadd.s32 $0x200, s12;
	[tilespmem:s13+$0x0] =	vst v16;
	v9 =	vld [tilespmem:s12+$0xFFFFFFF0];
	v16 =	vmpcnt.ones.xlane vm0;
	vm0 =	vlt.u32 v17, $0x310;
	v17 =	vsub.s32 v20, v23  }
.LBB2_12:
0xe4: {  	v2 =	vld [tilespmem:$0x1FF30];
	_ =	sdelay $0x4  }
0xe5: {  	vm5 =	vnez.u8 v2;
	v2 =	vld [tilespmem:$0x1FF40];
	_ =	sdelay $0x4  }
0xe6: {  	vm1 =	vnez.u8 v2;
	v2 =	vld [tilespmem:$0x1FF50];
	_ =	sdelay $0x4  }
0xe7: {  	vm6 =	vnez.u8 v2;
	v2 =	vld [tilespmem:$0x1FF60];
	_ =	sdelay $0x4  }
0xe8: {  	vm7 =	vnez.u8 v2;
	v2 =	vld [tilespmem:$0x1FF70];
	_ =	sdelay $0x4  }
0xe9: {  	vm8 =	vnez.u8 v2;
	v2 =	vld [tilespmem:$0x1FF80];
	_ =	sdelay $0x4  }
0xea: {  	vm9 =	vnez.u8 v2;
	v2 =	vld [tilespmem:$0x1FF90];
	_ =	sdelay $0x4  }
0xeb: {  	vm13 =	vnez.u8 v2;
	v2 =	vld [tilespmem:$0x1FFA0];
	_ =	sdelay $0x4  }
0xec: {  	vm12 =	vnez.u8 v2;
	v2 =	vld [tilespmem:$0x1FFD0];
	_ =	sdelay $0x4  }
0xed: {  	vm4 =	vnez.u8 v2;
	v2 =	vld [tilespmem:$0x1FFB0];
	_ =	sdelay $0x4  }
0xee: {  	vm15 =	vnez.u8 v2;
	v2 =	vld [tilespmem:$0x1FFE0]  }
0xef: {  	v11 =	vsub.s32 v11, v23;
	v6 =	vsub.s32 v6, v23  }
0xf0: {  	v14 =	vsel vm5, v15, v14;
	v15 =	vmpcnt.ones.xlane vm0;
	vm0 =	vlt.u32 v17, $0x310  }
0xf1: {  	v14 =	vsel vm1, v14, v16;
	v16 =	vmpcnt.ones.xlane vm0;
	vm0 =	vlt.u32 v11, $0x310  }
0xf2: {  	v18 =	vld [tilespmem:s15+$0xF0];
	v11 =	vsub.s32 v12, v23;
	v14 =	vsel vm6, v14, v15;
	v15 =	vmpcnt.ones.xlane vm0  }
0xf3: {  	vm0 =	vlt.u32 v11, $0x310;
	v11 =	vsub.s32 v13, v23;
	vm10 =	vnez.u8 v2;
	v2 =	vld [tilespmem:$0x1FFF0]  }
0xf4: {  	v19 =	vld [tilespmem:s15+$0xD0];
	v14 =	vsel vm7, v14, v16;
	v16 =	vmpcnt.ones.xlane vm0;
	vm0 =	vlt.u32 v11, $0x310  }
0xf5: {  	v20 =	vld [tilespmem:s15+$0x90];
	v14 =	vsel vm8, v14, v15;
	v15 =	vmpcnt.ones.xlane vm0;
	vm0 =	vlt.u32 v6, $0x310  }
0xf6: {  	v22 =	vld [tilespmem:s15+$0x20];
	v6 =	vsub.s32 v8, v23;
	v14 =	vsel vm9, v14, v16;
	v16 =	vmpcnt.ones.xlane vm0  }
0xf7: {  	v17 =	vld [tilespmem:s15+$0xE0];
	vm0 =	vlt.u32 v6, $0x310;
	v6 =	vsub.s32 v10, v23;
	v14 =	vsel vm13, v14, v15  }
0xf8: {  	v15 =	vmpcnt.ones.xlane vm0;
	vm0 =	vlt.u32 v6, $0x310;
	vm14 =	vnez.u8 v2;
	v2 =	vld [tilespmem:$0x1FFC0]  }
0xf9: {  	v4 =	vsub.s32 v4, v23;
	v12 =	vld [tilespmem:s15+$0xC0];
	v14 =	vsel vm12, v14, v16;
	v16 =	vmpcnt.ones.xlane vm0  }
0xfa: {  	v11 =	vld [tilespmem:s15+$0xA0];
	vm0 =	vlt.u32 v4, $0x310;
	v4 =	vsub.s32 v5, v23;
	v14 =	vsel vm4, v14, v15  }
0xfb: {  	v8 =	vld [tilespmem:s15+$0x80];
	v15 =	vmpcnt.ones.xlane vm0;
	vm0 =	vlt.u32 v4, $0x310;
	v4 =	vsub.s32 v9, v23  }
0xfc: {  	v14 =	vsel vm15, v14, v16;
	v16 =	vmpcnt.ones.xlane vm0;
	vm0 =	vlt.u32 v4, $0x310;
	v4 =	vld [tilespmem:s15+$0x10]  }
0xfd: {  	vm11 =	vnez.u8 v2;
	v2 =	vld [tilespmem:$0x1FF10]  }
0xfe: {  	v10 =	vld [tilespmem:s15+$0x70]  }
0xff: {  	v5 =	vld [tilespmem:s15+$0x30]  }
0x100: {  	v18 =	vsub.s32 v18, v23;
	v19 =	vsub.s32 v19, v23;
	v20 =	vsub.s32 v20, v23;
	v9 =	vld [tilespmem:s15+$0x0]  }
0x101: {  	v17 =	vsub.s32 v17, v23;
	v13 =	vld [tilespmem:s15+$0xB0];
	v24 =	vsub.s32 v11, v23;
	v8 =	vsub.s32 v8, v23  }
0x102: {  	v14 =	vsel vm10, v14, v15;
	v4 =	vsub.s32 v4, v23;
	vm3 =	vnez.u8 v2;
	v2 =	vld [tilespmem:$0x1FF20]  }
0x103: {  	v15 =	vsel vm14, v3, v1;
	v3 =	vsel vm11, v14, v16;
	v16 =	vsub.s32 v12, v23;
	v12 =	vld [tilespmem:s15+$0x40]  }
0x104: {  	v21 =	vld [tilespmem:s15+$0x50];
	v10 =	vsub.s32 v10, v23;
	v5 =	vsub.s32 v5, v23;
	vm1 =	vlt.u32 v4, $0x310  }
0x105: {  	v9 =	vsub.s32 v9, v23;
	v4 =	vsub.s32 v22, v23;
	v11 =	vmpcnt.ones.xlane vm1  }
0x106: {  	v6 =	vld [tilespmem:s15+$0x60];
	v1 =	vmpcnt.ones.xlane vm0;
	vm0 =	vlt.u32 v9, $0x310;
	[tilespmem:s9+$0xFFFFFFF0] =	vst v15;
	v15 =	vsub.s32 v13, v23  }
0x107: {  	v9 =	vmpcnt.ones.xlane vm0;
	vm0 =	vlt.u32 v4, $0x310;
	vm2 =	vnez.u8 v2;
	v2 =	vld [tilespmem:$0x1FF40]  }
0x108: {  	v4 =	vmpcnt.ones.xlane vm0;
	vm0 =	vlt.u32 v5, $0x310;
	v14 =	vld [tilespmem:s15+$0xFFFFFF10];
	v5 =	vsub.s32 v12, v23  }
0x109: {  	v13 =	vsub.s32 v21, v23;
	v21 =	vld [tilespmem:s15+$0xFFFFFF20];
	v29 =	vmpcnt.ones.xlane vm0;
	vm0 =	vlt.u32 v5, $0x310  }
0x10a: {  	v9 =	vsel vm3, v9, v11;
	v5 =	vmpcnt.ones.xlane vm0;
	vm0 =	vlt.u32 v13, $0x310  }
0x10b: {  	v6 =	vsub.s32 v6, v23;
	v4 =	vsel vm2, v9, v4;
	v9 =	vmpcnt.ones.xlane vm0  }
0x10c: {  	vm0 =	vlt.u32 v6, $0x310;
	v4 =	vsel vm5, v4, v29;
	vm1 =	vnez.u8 v2  }
0x10d: {  	v14 =	vsub.s32 v14, v23;
	v4 =	vsel vm1, v4, v5;
	v5 =	vmpcnt.ones.xlane vm0  }
0x10e: {  	vm0 =	vlt.u32 v10, $0x310;
	vm1 =	vlt.u32 v14, $0x310;
	v14 =	vsub.s32 v21, v23  }
0x10f: {  	v4 =	vsel vm6, v4, v9;
	v9 =	vmpcnt.ones.xlane vm0;
	vm0 =	vlt.u32 v8, $0x310  }
0x110: {  	v25 =	vld [tilespmem:s15+$0xFFFFFF00];
	v4 =	vsel vm7, v4, v5;
	v5 =	vmpcnt.ones.xlane vm0;
	vm0 =	vlt.u32 v20, $0x310  }
0x111: {  	v26 =	vld [tilespmem:s15+$0xFFFFFF30];
	v9 =	vsel vm8, v4, v9;
	v20 =	vmpcnt.ones.xlane vm0;
	vm0 =	vlt.u32 v24, $0x310  }
0x112: {  	v22 =	vld [tilespmem:s15+$0xFFFFFF40];
	v9 =	vsel vm9, v9, v5;
	v24 =	vmpcnt.ones.xlane vm0;
	vm0 =	vlt.u32 v15, $0x310  }
0x113: {  	v27 =	vld [tilespmem:s15+$0xFFFFFF50];
	v15 =	vsel vm13, v9, v20;
	v20 =	vmpcnt.ones.xlane vm0;
	vm0 =	vlt.u32 v16, $0x310  }
0x114: {  	v28 =	vld [tilespmem:s15+$0xFFFFFF60];
	v15 =	vsel vm12, v15, v24;
	v16 =	vmpcnt.ones.xlane vm0;
	vm0 =	vlt.u32 v19, $0x310  }
0x115: {  	v11 =	vld [tilespmem:s15+$0xFFFFFF70];
	v15 =	vsel vm4, v15, v20;
	v19 =	vmpcnt.ones.xlane vm0;
	vm0 =	vlt.u32 v17, $0x310  }
0x116: {  	v12 =	vld [tilespmem:s15+$0xFFFFFF80];
	v15 =	vsel vm15, v15, v16;
	v16 =	vmpcnt.ones.xlane vm0;
	vm0 =	vlt.u32 v18, $0x310  }
0x117: {  	s14 =	sadd.s32 $0x2, s14;
	v13 =	vld [tilespmem:s15+$0xFFFFFF90];
	v17 =	vsub.s32 v25, v23;
	v15 =	vsel vm10, v15, v19;
	v18 =	vmpcnt.ones.xlane vm0  }
0x118: {  	p2 =	slt.u32 s14, $0xE;
	v6 =	vld [tilespmem:s15+$0xFFFFFFA0];
	vm0 =	vlt.u32 v17, $0x310;
	v17 =	vmpcnt.ones.xlane vm1;
	v15 =	vsel vm11, v15, v16  }
.Ltmp10:
0x119: {  	s9 =	smov.u32 s13;
	s13 =	sadd.s32 $0x20, s13;
	v10 =	vld [tilespmem:s15+$0xFFFFFFC0];
	v16 =	vmpcnt.ones.xlane vm0;
	vm0 =	vlt.u32 v14, $0x310;
	v15 =	vsel vm14, v15, v18;
	(pc) =	sbr.rel @p2 .LBB2_12-.Ltmp10, $4  }
0x11a: {  	v8 =	vld [tilespmem:s15+$0xFFFFFFB0];
	v14 =	vmpcnt.ones.xlane vm0;
	v18 =	vsub.s32 v22, v23;
	[tilespmem:s13+$0x0] =	vst v15;
	v15 =	vsub.s32 v26, v23  }
0x11b: {  	v4 =	vld [tilespmem:s15+$0xFFFFFFD0];
	v16 =	vsel vm3, v16, v17;
	vm1 =	vlt.u32 v18, $0x310;
	v17 =	vsub.s32 v27, v23  }
0x11c: {  	v5 =	vld [tilespmem:s15+$0xFFFFFFE0];
	vm0 =	vlt.u32 v15, $0x310;
	v15 =	vsel vm2, v16, v14;
	v16 =	vmpcnt.ones.xlane vm1  }
0x11d: {  	v9 =	vld [tilespmem:s15+$0xFFFFFFF0];
	s15 =	sadd.s32 $0x200, s15;
	v14 =	vmpcnt.ones.xlane vm0;
	vm0 =	vlt.u32 v17, $0x310;
	v17 =	vsub.s32 v28, v23  }
0x11e: {  	v2 =	vld [tilespmem:$0x1FF30];
	_ =	sdelay $0x4  }
0x11f: {  	vm1 =	vnez.u8 v2;
	v2 =	vld [tilespmem:$0x1FF40];
	_ =	sdelay $0x4  }
0x120: {  	vm6 =	vnez.u8 v2;
	v2 =	vld [tilespmem:$0x1FF50];
	_ =	sdelay $0x4  }
0x121: {  	vm7 =	vnez.u8 v2;
	v2 =	vld [tilespmem:$0x1FF60];
	_ =	sdelay $0x3  }
0x122: {  	v14 =	vsel vm1, v15, v14  }
0x123: {  	v14 =	vsel vm6, v14, v16;
	vm6 =	vnez.u8 v2;
	v2 =	vld [tilespmem:$0x1FF70];
	_ =	sdelay $0x2  }
0x124: {  	v11 =	vsub.s32 v11, v23  }
0x125: {  	vm4 =	vlt.u32 v11, $0x310  }
0x126: {  	v43 =	vmpcnt.ones.xlane vm4;
	vm4 =	vnez.u8 v2;
	v2 =	vld [tilespmem:$0x1FF80];
	_ =	sdelay $0x2  }
0x127: {  	vm5 =	vlt.u32 v17, $0x310;
	v42 =	vsub.s32 v12, v23  }
0x128: {  	v41 =	vmpcnt.ones.xlane vm5;
	vm5 =	vlt.u32 v42, $0x310  }
0x129: {  	v56 =	vmpcnt.ones.xlane vm5;
	vm5 =	vnez.u8 v2;
	v2 =	vld [tilespmem:$0x1FF90]  }
0x12a: {  	v39 =	vmpcnt.ones.xlane vm0;
	_ =	sdelay $0x1  }
0x12b: {  	v14 =	vsel vm7, v14, v39  }
0x12c: {  	v45 =	vsel vm6, v14, v41  }
0x12d: {  	v57 =	vsel vm4, v45, v43;
	vm4 =	vnez.u8 v2;
	v2 =	vld [tilespmem:$0x1FFA0];
	_ =	sdelay $0x2  }
0x12e: {  	v6 =	vsub.s32 v6, v23  }
0x12f: {  	vm6 =	vlt.u32 v6, $0x310  }
0x130: {  	v6 =	vsub.s32 v8, v23;
	v8 =	vmpcnt.ones.xlane vm6;
	vm6 =	vnez.u8 v2;
	v2 =	vld [tilespmem:$0x1FFD0];
	_ =	sdelay $0x4  }
0x131: {  	v44 =	vsub.s32 v13, v23;
	vm10 =	vnez.u8 v2;
	v2 =	vld [tilespmem:$0x1FFB0]  }
0x132: {  	vm7 =	vlt.u32 v44, $0x310  }
0x133: {  	v61 =	vmpcnt.ones.xlane vm7  }
0x134: {  	vm7 =	vlt.u32 v6, $0x310;
	v6 =	vsub.s32 v10, v23;
	v11 =	vsel vm5, v57, v56  }
0x135: {  	vm5 =	vlt.u32 v6, $0x310;
	v62 =	vsel vm4, v11, v61  }
0x136: {  	v6 =	vsel vm6, v62, v8;
	v8 =	vmpcnt.ones.xlane vm5;
	vm5 =	vnez.u8 v2;
	v2 =	vld [tilespmem:$0x1FFE0];
	_ =	sdelay $0x4  }
0x137: {  	vm12 =	vnez.u8 v2;
	v2 =	vld [tilespmem:$0x1FFF0];
	_ =	sdelay $0x4  }
0x138: {  	v4 =	vsub.s32 v4, v23;
	vm14 =	vnez.u8 v2;
	v2 =	vld [tilespmem:$0x1FFC0]  }
0x139: {  	v63 =	vmpcnt.ones.xlane vm7;
	vm7 =	vlt.u32 v4, $0x310  }
0x13a: {  	v4 =	vsub.s32 v5, v23;
	v5 =	vmpcnt.ones.xlane vm7  }
0x13b: {  	vm4 =	vlt.u32 v4, $0x310;
	v4 =	vsub.s32 v9, v23;
	v6 =	vsel vm10, v6, v63  }
0x13c: {  	vm6 =	vlt.u32 v4, $0x310;
	v6 =	vsel vm5, v6, v8;
	v8 =	vmpcnt.ones.xlane vm4  }
0x13d: {  	v4 =	vsel vm12, v6, v5;
	v5 =	vmpcnt.ones.xlane vm6;
	vm7 =	vnez.u8 v2  }
0x13e: {  	v1 =	vsel vm14, v3, v1;
	v3 =	vsel vm7, v4, v8  }
0x13f: {  	[tilespmem:s9+$0xFFFFFFF0] =	vst v1;
	v1 =	vsel vm14, v3, v5  }
0x140: {  	s1 =	simm.s32 $0x0;
	[tilespmem:s13+$0xFFFFFFF0] =	vst v1  }
0x141: {  	v4 =	vld [tilespmem:s1+$0x2000];
	_ =	sdelay $0x4  }
0x142: {  	s3 =	simm.s32 $0x10;
	(xrf0) =	vadd.scan.msk.s32 $0xffff, v4  }
0x143: {  	v3 =	vld [tilespmem:s3+$0x2000];
	_ =	sdelay $0x1  }
0x144: {  	v1 =	vmov s5  }
0x145: {  	s4 =	simm.s32 $0x80;
	v4 =	vsub.s32 v1, v4  }
.LBB2_14:
0x146: {  	p2 =	sne.s32 s4, $0x3C0  }
.Ltmp11:
0x147: {  	s5 =	sshra.s32 s4, $0x2;
	s4 =	sadd.s32 $0x40, s4;
	(xrf0) =	vadd.scan.msk.s32 $0xffff, v3;
	v5, _, _ =	vpop (xrf0);
	v6 =	vmov v3;
	(pc) =	sbr.rel @p2 .LBB2_14-.Ltmp11, $4  }
0x148: {  	v3 =	vld [tilespmem:s5+$0x2000];
	v4 =	vadd.s32 v5, v4;
	v5 =	vperm.xlane v5, v30  }
0x149: {  	[tilespmem:s1+$0x2100] =	vst v4;
	s1 =	smov.u32 s3;
	s3 =	smov.u32 s5  }
0x14a: {  	v1 =	vadd.s32 v1, v5  }
0x14b: {  	v4 =	vsub.s32 v1, v6  }
0x14c: {  	_ = 	snop  }
0x14d: {  	(xrf0) =	vadd.scan.msk.s32 $0xffff, v3;
	_ =	sdelay $0x1  }
0x14e: {  	v62 =	vimm.s32 $0xF;
	v6, _, _ =	vpop (xrf0)  }
0x14f: {  	v5 =	vperm.xlane v6, v62;
	_ =	sdelay $0x1  }
0x150: {  	v5 =	vadd.s32 v1, v5  }
0x151: {  	v1 =	vadd.s32 v6, v4;
	v3 =	vsub.s32 v5, v3;
	v6, _, _ =	vpop (xrf0)  }
0x152: {  	[tilespmem:s1+$0x2100] =	vst v1;
	v1 =	vadd.s32 v6, v3  }
0x153: {  	[tilespmem:s3+$0x2100] =	vst v1  }
0x154: {  	v1 =	vld [tilespmem:s20+$0x0];
	_ =	sdelay $0x4  }
0x155: {  	v1 =	vsub.s32 v1, v23  }
0x156: {  	vm0 =	vlt.u32 v1, $0x310  }
0x157: {  	s0 =	simm.s32 $0x2110;
	v3 =	vld [tilespmem:s20+$0xFFFFFF00];
	v4 =	vsel vm0, $0x1, v58  }
0x158: {  	v42 =	vld [tilespmem:s0+$0x0];
	(xrf0) =	vadd.scan.msk.s32 $0xffff, v4;
	_ =	sdelay $0x4  }
0x159: {  	v4 =	vsub.s32 v3, v23;
	v3 =	vperm.xlane v42, v58  }
0x15a: {  	vm1 =	vlt.u32 v4, $0x310;
	v8, _, _ =	vpop (xrf0)  }
0x15b: {  	v9 =	vsel vm1, $0x1, v58;
	v8 =	vadd.s32 v8, v3  }
0x15c: {  	(xrf0) =	vadd.scan.msk.s32 $0xffff, v9;
	v3 =	vld [tilespmem:s0+$0xFFFFFFF0];
	v8 =	vadd.s32 $0xFFFFFFFF, v8;
	_ =	sdelay $0x2  }
0x15d: {  	v9 =	vor.u32 s11, v7;
	_ =	sdelay $0x1  }
0x15e: {  	v1 =	vadd.s32 v0, v1;
	v10 =	vperm.xlane v3, v58;
	[tilespmem:v8+s26+$0x0] =	vst.idx.msk vm0, v9  }
0x15f: {  	v9, _, _ =	vpop (xrf0);
	[tilespmem:v8+s28+$0x0] =	vst.idx.msk vm0, v1  }
0x160: {  	v1 =	vadd.s32 v9, v10;
	v8 =	vld [tilespmem:s20+$0x10]  }
0x161: {  	v1 =	vadd.s32 $0xFFFFFFFF, v1;
	_ =	sdelay $0x2  }
0x162: {  	s3 =	sadd.s32 $0xFFFFFF00, s11  }
0x163: {  	v9 =	vor.u32 s3, v7;
	v8 =	vsub.s32 v8, v23  }
0x164: {  	v4 =	vadd.s32 v0, v4;
	[tilespmem:v1+s26+$0x0] =	vst.idx.msk vm1, v9;
	vm0 =	vlt.u32 v8, $0x310  }
0x165: {  	[tilespmem:v1+s28+$0x0] =	vst.idx.msk vm1, v4;
	v1 =	vsel vm0, $0x1, v58  }
0x166: {  	v4 =	vld [tilespmem:s20+$0xFFFFFF10];
	(xrf0) =	vadd.scan.msk.s32 $0xffff, v1;
	_ =	sdelay $0x3  }
0x167: {  	v63 =	vimm.s32 $0x1  }
0x168: {  	v1 =	vsub.s32 v4, v23;
	v4 =	vperm.xlane v42, v63  }
0x169: {  	vm1 =	vlt.u32 v1, $0x310;
	v9, _, _ =	vpop (xrf0)  }
0x16a: {  	v10 =	vsel vm1, $0x1, v58;
	v4 =	vadd.s32 v9, v4  }
0x16b: {  	(xrf0) =	vadd.scan.msk.s32 $0xffff, v10;
	v4 =	vadd.s32 $0xFFFFFFFF, v4;
	_ =	sdelay $0x2  }
0x16c: {  	s4 =	sadd.s32 $0x10, s11  }
0x16d: {  	v9 =	vor.u32 s4, v7  }
0x16e: {  	v8 =	vadd.s32 v0, v8;
	v10 =	vperm.xlane v3, v63;
	[tilespmem:v4+s26+$0x0] =	vst.idx.msk vm0, v9  }
0x16f: {  	[tilespmem:v4+s28+$0x0] =	vst.idx.msk vm0, v8;
	v4, _, _ =	vpop (xrf0)  }
0x170: {  	v4 =	vadd.s32 v4, v10;
	v8 =	vld [tilespmem:s20+$0x20]  }
0x171: {  	v4 =	vadd.s32 $0xFFFFFFFF, v4;
	_ =	sdelay $0x2  }
0x172: {  	s5 =	sadd.s32 $0xFFFFFF10, s11  }
0x173: {  	v9 =	vor.u32 s5, v7;
	v8 =	vsub.s32 v8, v23  }
0x174: {  	v1 =	vadd.s32 v0, v1;
	[tilespmem:v4+s26+$0x0] =	vst.idx.msk vm1, v9;
	vm0 =	vlt.u32 v8, $0x310  }
0x175: {  	[tilespmem:v4+s28+$0x0] =	vst.idx.msk vm1, v1;
	v1 =	vsel vm0, $0x1, v58  }
0x176: {  	v4 =	vld [tilespmem:s20+$0xFFFFFF20];
	(xrf0) =	vadd.scan.msk.s32 $0xffff, v1;
	_ =	sdelay $0x4  }
0x177: {  	v1 =	vsub.s32 v4, v23;
	v4 =	vperm.xlane v42, v46  }
0x178: {  	vm1 =	vlt.u32 v1, $0x310;
	v9, _, _ =	vpop (xrf0)  }
0x179: {  	v10 =	vsel vm1, $0x1, v58;
	v4 =	vadd.s32 v9, v4  }
0x17a: {  	v4 =	vadd.s32 $0xFFFFFFFF, v4;
	(xrf0) =	vadd.scan.msk.s32 $0xffff, v10;
	_ =	sdelay $0x2  }
0x17b: {  	s6 =	sadd.s32 $0x20, s11  }
0x17c: {  	v9 =	vor.u32 s6, v7  }
0x17d: {  	v8 =	vadd.s32 v0, v8;
	v10 =	vperm.xlane v3, v46;
	[tilespmem:v4+s26+$0x0] =	vst.idx.msk vm0, v9  }
0x17e: {  	[tilespmem:v4+s28+$0x0] =	vst.idx.msk vm0, v8;
	v4, _, _ =	vpop (xrf0)  }
0x17f: {  	v4 =	vadd.s32 v4, v10;
	v8 =	vld [tilespmem:s20+$0x30]  }
0x180: {  	v4 =	vadd.s32 $0xFFFFFFFF, v4;
	_ =	sdelay $0x2  }
0x181: {  	s7 =	sadd.s32 $0xFFFFFF20, s11  }
0x182: {  	v9 =	vor.u32 s7, v7;
	v8 =	vsub.s32 v8, v23  }
0x183: {  	v1 =	vadd.s32 v0, v1;
	[tilespmem:v4+s26+$0x0] =	vst.idx.msk vm1, v9;
	vm0 =	vlt.u32 v8, $0x310  }
0x184: {  	[tilespmem:v4+s28+$0x0] =	vst.idx.msk vm1, v1;
	v1 =	vsel vm0, $0x1, v58  }
0x185: {  	(xrf0) =	vadd.scan.msk.s32 $0xffff, v1;
	_ =	sdelay $0x4  }
0x186: {  	v1 =	vperm.xlane v42, v52  }
0x187: {  	v4, _, _ =	vpop (xrf0)  }
0x188: {  	v1 =	vadd.s32 v4, v1  }
0x189: {  	v1 =	vadd.s32 $0xFFFFFFFF, v1  }
0x18a: {  	v4 =	vld [tilespmem:s20+$0xFFFFFF30];
	_ =	sdelay $0x1  }
0x18b: {  	s9 =	sadd.s32 $0x30, s11  }
0x18c: {  	v10 =	vld [tilespmem:s12+$0x0];
	v9 =	vor.u32 s9, v7  }
0x18d: {  	v8 =	vadd.s32 v0, v8;
	[tilespmem:v1+s26+$0x0] =	vst.idx.msk vm0, v9  }
0x18e: {  	v4 =	vsub.s32 v4, v23;
	[tilespmem:v1+s28+$0x0] =	vst.idx.msk vm0, v8;
	v1 =	vld [tilespmem:s12+$0xFFFFFF00]  }
0x18f: {  	vm2 =	vlt.u32 v4, $0x310  }
0x190: {  	v8 =	vsel vm2, $0x1, v58;
	v9 =	vld [tilespmem:s20+$0x40]  }
0x191: {  	(xrf0) =	vadd.scan.msk.s32 $0xffff, v8;
	v8 =	vsub.s32 v10, v23  }
0x192: {  	vm1 =	vlt.u32 v8, $0x310  }
0x193: {  	s10 =	simm.s32 $0x2130;
	v10 =	vsub.s32 v1, v23;
	v1 =	vsel vm1, $0x1, v58  }
0x194: {  	v43 =	vld [tilespmem:s10+$0x0];
	(xrf0) =	vadd.scan.msk.s32 $0xffff, v1  }
0x195: {  	vm0 =	vlt.u32 v10, $0x310;
	v9 =	vsub.s32 v9, v23  }
0x196: {  	v1 =	vperm.xlane v3, v52;
	v11 =	vsel vm0, $0x1, v58;
	vm4 =	vlt.u32 v9, $0x310  }
0x197: {  	v12, _, _ =	vpop (xrf0);
	(xrf0) =	vadd.scan.msk.s32 $0xffff, v11;
	v11 =	vsel vm4, $0x1, v58  }
0x198: {  	v1 =	vadd.s32 v12, v1;
	(xrf0) =	vadd.scan.msk.s32 $0xffff, v11  }
0x199: {  	v1 =	vadd.s32 $0xFFFFFFFF, v1;
	v11 =	vperm.xlane v43, v58  }
0x19a: {  	s14 =	sadd.s32 $0xFFFFFF30, s11;
	v12, _, _ =	vpop (xrf0)  }
0x19b: {  	v11 =	vadd.s32 v12, v11;
	v12 =	vor.u32 s14, v7;
	_ =	sdelay $0x1  }
0x19c: {  	v14 =	vperm.xlane v42, v51;
	v13, _, _ =	vpop (xrf0);
	v11 =	vadd.s32 $0xFFFFFFFF, v11  }
0x19d: {  	v4 =	vadd.s32 v0, v4;
	[tilespmem:v1+s26+$0x0] =	vst.idx.msk vm2, v12;
	v12, _, _ =	vpop (xrf0)  }
0x19e: {  	[tilespmem:v1+s28+$0x0] =	vst.idx.msk vm2, v4;
	v1 =	vadd.s32 v12, v14  }
0x19f: {  	s13 =	sadd.s32 $0x200, s11;
	v4 =	vld [tilespmem:s20+$0xFFFFFF40];
	v12 =	vadd.s32 $0xFFFFFFFF, v1  }
0x1a0: {  	v1 =	vor.u32 s13, v7  }
0x1a1: {  	[tilespmem:v11+s26+$0x0] =	vst.idx.msk vm1, v1;
	v1 =	vadd.s32 v0, v8  }
0x1a2: {  	s15 =	sadd.s32 $0x40, s11;
	[tilespmem:v11+s28+$0x0] =	vst.idx.msk vm1, v1  }
0x1a3: {  	v1 =	vor.u32 s15, v7;
	v8 =	vld [tilespmem:s12+$0x10]  }
0x1a4: {  	v9 =	vadd.s32 v0, v9;
	v4 =	vsub.s32 v4, v23;
	[tilespmem:v12+s26+$0x0] =	vst.idx.msk vm4, v1;
	v1 =	vld [tilespmem:s10+$0xFFFFFFF0]  }
0x1a5: {  	vm3 =	vlt.u32 v4, $0x310;
	[tilespmem:v12+s28+$0x0] =	vst.idx.msk vm4, v9  }
0x1a6: {  	v9 =	vsel vm3, $0x1, v58;
	v11 =	vld [tilespmem:s20+$0x50]  }
0x1a7: {  	(xrf0) =	vadd.scan.msk.s32 $0xffff, v9;
	_ =	sdelay $0x1  }
0x1a8: {  	v8 =	vsub.s32 v8, v23;
	v9 =	vperm.xlane v1, v58  }
0x1a9: {  	vm2 =	vlt.u32 v8, $0x310  }
0x1aa: {  	v12 =	vsel vm2, $0x1, v58;
	v11 =	vsub.s32 v11, v23;
	v9 =	vadd.s32 v13, v9  }
0x1ab: {  	(xrf0) =	vadd.scan.msk.s32 $0xffff, v12;
	v12 =	vperm.xlane v3, v51;
	vm1 =	vlt.u32 v11, $0x310;
	v9 =	vadd.s32 $0xFFFFFFFF, v9  }
0x1ac: {  	v13, _, _ =	vpop (xrf0);
	v14 =	vsel vm1, $0x1, v58  }
0x1ad: {  	v12 =	vadd.s32 v13, v12;
	(xrf0) =	vadd.scan.msk.s32 $0xffff, v14  }
0x1ae: {  	s16 =	sadd.s32 $0xFFFFFF00, s13;
	v12 =	vadd.s32 $0xFFFFFFFF, v12  }
0x1af: {  	s17 =	sadd.s32 $0xFFFFFF40, s11;
	v14 =	vor.u32 s16, v7  }
0x1b0: {  	v13 =	vperm.xlane v43, v63;
	[tilespmem:v9+s26+$0x0] =	vst.idx.msk vm0, v14;
	v14 =	vor.u32 s17, v7  }
0x1b1: {  	v10 =	vadd.s32 v0, v10;
	v15, _, _ =	vpop (xrf0)  }
0x1b2: {  	v13 =	vadd.s32 v15, v13;
	[tilespmem:v9+s28+$0x0] =	vst.idx.msk vm0, v10;
	v9 =	vperm.xlane v42, v47  }
0x1b3: {  	v4 =	vadd.s32 v0, v4;
	v10 =	vadd.s32 $0xFFFFFFFF, v13;
	v13 =	vld [tilespmem:s12+$0xFFFFFF10];
	[tilespmem:v12+s26+$0x0] =	vst.idx.msk vm3, v14;
	v14, _, _ =	vpop (xrf0)  }
0x1b4: {  	[tilespmem:v12+s28+$0x0] =	vst.idx.msk vm3, v4;
	v4 =	vadd.s32 v14, v9  }
0x1b5: {  	v4 =	vadd.s32 $0xFFFFFFFF, v4  }
0x1b6: {  	s18 =	sadd.s32 $0x10, s13;
	v9 =	vld [tilespmem:s20+$0xFFFFFF50]  }
0x1b7: {  	v12 =	vor.u32 s18, v7  }
0x1b8: {  	s19 =	sadd.s32 $0x50, s11;
	v8 =	vadd.s32 v0, v8;
	[tilespmem:v10+s26+$0x0] =	vst.idx.msk vm2, v12;
	v12 =	vsub.s32 v13, v23  }
0x1b9: {  	[tilespmem:v10+s28+$0x0] =	vst.idx.msk vm2, v8;
	v8 =	vor.u32 s19, v7;
	vm2 =	vlt.u32 v12, $0x310  }
0x1ba: {  	v10 =	vld [tilespmem:s12+$0x20];
	v13 =	vsel vm2, $0x1, v58;
	[tilespmem:v4+s26+$0x0] =	vst.idx.msk vm1, v8  }
0x1bb: {  	v9 =	vsub.s32 v9, v23;
	v8 =	vadd.s32 v0, v11;
	(xrf0) =	vadd.scan.msk.s32 $0xffff, v13  }
0x1bc: {  	vm3 =	vlt.u32 v9, $0x310;
	[tilespmem:v4+s28+$0x0] =	vst.idx.msk vm1, v8  }
0x1bd: {  	v4 =	vsel vm3, $0x1, v58;
	v8 =	vld [tilespmem:s20+$0x60]  }
0x1be: {  	(xrf0) =	vadd.scan.msk.s32 $0xffff, v4  }
0x1bf: {  	v4 =	vsub.s32 v10, v23  }
0x1c0: {  	v10 =	vperm.xlane v1, v63;
	vm1 =	vlt.u32 v4, $0x310  }
0x1c1: {  	v11 =	vsel vm1, $0x1, v58;
	v13, _, _ =	vpop (xrf0)  }
0x1c2: {  	(xrf0) =	vadd.scan.msk.s32 $0xffff, v11;
	v8 =	vsub.s32 v8, v23;
	v10 =	vadd.s32 v13, v10  }
0x1c3: {  	v11 =	vperm.xlane v3, v47;
	vm0 =	vlt.u32 v8, $0x310;
	v10 =	vadd.s32 $0xFFFFFFFF, v10  }
0x1c4: {  	v13, _, _ =	vpop (xrf0);
	v14 =	vsel vm0, $0x1, v58  }
0x1c5: {  	v11 =	vadd.s32 v13, v11;
	(xrf0) =	vadd.scan.msk.s32 $0xffff, v14  }
0x1c6: {  	s21 =	sadd.s32 $0xFFFFFF10, s13;
	v11 =	vadd.s32 $0xFFFFFFFF, v11  }
0x1c7: {  	s23 =	sadd.s32 $0xFFFFFF50, s11;
	v13 =	vperm.xlane v43, v46;
	v14 =	vor.u32 s21, v7  }
0x1c8: {  	v12 =	vadd.s32 v0, v12;
	v15, _, _ =	vpop (xrf0);
	[tilespmem:v10+s26+$0x0] =	vst.idx.msk vm2, v14;
	v14 =	vor.u32 s23, v7  }
0x1c9: {  	v13 =	vadd.s32 v15, v13;
	[tilespmem:v10+s28+$0x0] =	vst.idx.msk vm2, v12  }
0x1ca: {  	v10 =	vperm.xlane v42, v48;
	v12 =	vadd.s32 $0xFFFFFFFF, v13;
	v13 =	vld [tilespmem:s12+$0xFFFFFF20]  }
0x1cb: {  	v9 =	vadd.s32 v0, v9;
	[tilespmem:v11+s26+$0x0] =	vst.idx.msk vm3, v14;
	v14, _, _ =	vpop (xrf0)  }
0x1cc: {  	[tilespmem:v11+s28+$0x0] =	vst.idx.msk vm3, v9;
	v9 =	vadd.s32 v14, v10  }
0x1cd: {  	s25 =	sadd.s32 $0x20, s13;
	v10 =	vld [tilespmem:s20+$0xFFFFFF60];
	v9 =	vadd.s32 $0xFFFFFFFF, v9  }
0x1ce: {  	v11 =	vor.u32 s25, v7  }
0x1cf: {  	[tilespmem:v12+s26+$0x0] =	vst.idx.msk vm1, v11;
	v11 =	vsub.s32 v13, v23  }
0x1d0: {  	s30 =	sadd.s32 $0x60, s11;
	v4 =	vadd.s32 v0, v4;
	vm2 =	vlt.u32 v11, $0x310  }
0x1d1: {  	[tilespmem:v12+s28+$0x0] =	vst.idx.msk vm1, v4;
	v4 =	vor.u32 s30, v7;
	v13 =	vsel vm2, $0x1, v58  }
0x1d2: {  	v12 =	vld [tilespmem:s12+$0x30];
	v10 =	vsub.s32 v10, v23;
	[tilespmem:v9+s26+$0x0] =	vst.idx.msk vm0, v4;
	v4 =	vadd.s32 v0, v8;
	(xrf0) =	vadd.scan.msk.s32 $0xffff, v13  }
0x1d3: {  	vm3 =	vlt.u32 v10, $0x310;
	[tilespmem:v9+s28+$0x0] =	vst.idx.msk vm0, v4  }
0x1d4: {  	v4 =	vsel vm3, $0x1, v58;
	v8 =	vld [tilespmem:s20+$0x70]  }
0x1d5: {  	(xrf0) =	vadd.scan.msk.s32 $0xffff, v4;
	_ =	sdelay $0x1  }
0x1d6: {  	v9 =	vperm.xlane v1, v46;
	v4 =	vsub.s32 v12, v23  }
0x1d7: {  	vm1 =	vlt.u32 v4, $0x310;
	v13, _, _ =	vpop (xrf0)  }
0x1d8: {  	v12 =	vsel vm1, $0x1, v58;
	v8 =	vsub.s32 v8, v23;
	v9 =	vadd.s32 v13, v9  }
0x1d9: {  	(xrf0) =	vadd.scan.msk.s32 $0xffff, v12;
	v12 =	vperm.xlane v3, v48;
	vm0 =	vlt.u32 v8, $0x310;
	v9 =	vadd.s32 $0xFFFFFFFF, v9  }
0x1da: {  	v13, _, _ =	vpop (xrf0);
	v14 =	vsel vm0, $0x1, v58  }
0x1db: {  	v12 =	vadd.s32 v13, v12;
	(xrf0) =	vadd.scan.msk.s32 $0xffff, v14  }
0x1dc: {  	s0 =	sadd.s32 $0xFFFFFF20, s13;
	v12 =	vadd.s32 $0xFFFFFFFF, v12  }
0x1dd: {  	s3 =	sadd.s32 $0xFFFFFF60, s11;
	v14 =	vor.u32 s0, v7  }
0x1de: {  	v13 =	vperm.xlane v43, v52;
	[tilespmem:v9+s26+$0x0] =	vst.idx.msk vm2, v14;
	v14 =	vor.u32 s3, v7  }
0x1df: {  	v11 =	vadd.s32 v0, v11;
	v15, _, _ =	vpop (xrf0)  }
0x1e0: {  	v13 =	vadd.s32 v15, v13;
	[tilespmem:v9+s28+$0x0] =	vst.idx.msk vm2, v11;
	v9 =	vperm.xlane v42, v59  }
0x1e1: {  	v11 =	vadd.s32 $0xFFFFFFFF, v13;
	v13 =	vld [tilespmem:s12+$0xFFFFFF30];
	[tilespmem:v12+s26+$0x0] =	vst.idx.msk vm3, v14;
	v14, _, _ =	vpop (xrf0)  }
0x1e2: {  	v10 =	vadd.s32 v0, v10;
	v9 =	vadd.s32 v14, v9  }
0x1e3: {  	[tilespmem:v12+s28+$0x0] =	vst.idx.msk vm3, v10;
	v9 =	vadd.s32 $0xFFFFFFFF, v9  }
0x1e4: {  	s4 =	sadd.s32 $0x30, s13;
	v10 =	vld [tilespmem:s20+$0xFFFFFF70]  }
0x1e5: {  	s17 =	sadd.s32 $0x200, s12;
	v12 =	vor.u32 s4, v7  }
0x1e6: {  	s5 =	sadd.s32 $0x70, s11;
	v4 =	vadd.s32 v0, v4;
	[tilespmem:v11+s26+$0x0] =	vst.idx.msk vm1, v12;
	v12 =	vld [tilespmem:s17+$0x0];
	v13 =	vsub.s32 v13, v23  }
0x1e7: {  	[tilespmem:v11+s28+$0x0] =	vst.idx.msk vm1, v4;
	v11 =	vor.u32 s5, v7;
	vm4 =	vlt.u32 v13, $0x310  }
0x1e8: {  	v8 =	vadd.s32 v0, v8;
	v4 =	vld [tilespmem:s17+$0xFFFFFF00];
	v15 =	vsel vm4, $0x1, v58;
	[tilespmem:v9+s26+$0x0] =	vst.idx.msk vm0, v11  }
0x1e9: {  	v14 =	vld [tilespmem:s12+$0x40];
	v10 =	vsub.s32 v10, v23;
	(xrf0) =	vadd.scan.msk.s32 $0xffff, v15;
	[tilespmem:v9+s28+$0x0] =	vst.idx.msk vm0, v8  }
0x1ea: {  	vm5 =	vlt.u32 v10, $0x310;
	v9 =	vld [tilespmem:s20+$0x80]  }
0x1eb: {  	v8 =	vsel vm5, $0x1, v58;
	v11 =	vsub.s32 v12, v23  }
0x1ec: {  	(xrf0) =	vadd.scan.msk.s32 $0xffff, v8;
	vm0 =	vlt.u32 v11, $0x310  }
0x1ed: {  	s6 =	simm.s32 $0x2150;
	v8 =	vsub.s32 v4, v23;
	v4 =	vsel vm0, $0x1, v58  }
0x1ee: {  	v56 =	vld [tilespmem:s6+$0x0];
	vm1 =	vlt.u32 v8, $0x310;
	v12 =	vsub.s32 v14, v23;
	(xrf0) =	vadd.scan.msk.s32 $0xffff, v4;
	v4 =	vperm.xlane v1, v52  }
0x1ef: {  	v14 =	vsel vm1, $0x1, v58;
	vm2 =	vlt.u32 v12, $0x310;
	v15, _, _ =	vpop (xrf0);
	v9 =	vsub.s32 v9, v23  }
0x1f0: {  	(xrf0) =	vadd.scan.msk.s32 $0xffff, v14;
	v14 =	vsel vm2, $0x1, v58;
	v4 =	vadd.s32 v15, v4;
	vm3 =	vlt.u32 v9, $0x310  }
0x1f1: {  	(xrf0) =	vadd.scan.msk.s32 $0xffff, v14;
	v14 =	vperm.xlane v3, v59;
	v4 =	vadd.s32 $0xFFFFFFFF, v4;
	v16 =	vsel vm3, $0x1, v58  }
0x1f2: {  	v15, _, _ =	vpop (xrf0)  }
0x1f3: {  	v14 =	vadd.s32 v15, v14;
	v15 =	vperm.xlane v56, v58;
	(xrf0) =	vadd.scan.msk.s32 $0xffff, v16  }
0x1f4: {  	s7 =	sadd.s32 $0xFFFFFF30, s13;
	v14 =	vadd.s32 $0xFFFFFFFF, v14;
	v16, _, _ =	vpop (xrf0)  }
0x1f5: {  	v18 =	vor.u32 s7, v7;
	s9 =	sadd.s32 $0xFFFFFF70, s11;
	v15 =	vadd.s32 v16, v15  }
0x1f6: {  	v17 =	vperm.xlane v43, v51;
	v16, _, _ =	vpop (xrf0);
	[tilespmem:v4+s26+$0x0] =	vst.idx.msk vm4, v18;
	v18 =	vor.u32 s9, v7;
	v15 =	vadd.s32 $0xFFFFFFFF, v15  }
0x1f7: {  	v13 =	vadd.s32 v0, v13;
	v19, _, _ =	vpop (xrf0)  }
0x1f8: {  	[tilespmem:v4+s28+$0x0] =	vst.idx.msk vm4, v13;
	v4 =	vperm.xlane v42, v60;
	v17 =	vadd.s32 v19, v17  }
0x1f9: {  	s16 =	sadd.s32 $0x200, s13;
	v10 =	vadd.s32 v0, v10;
	[tilespmem:v14+s26+$0x0] =	vst.idx.msk vm5, v18;
	v13 =	vadd.s32 $0xFFFFFFFF, v17;
	v17 =	vld [tilespmem:s12+$0xFFFFFF40];
	v18, _, _ =	vpop (xrf0)  }
0x1fa: {  	[tilespmem:v14+s28+$0x0] =	vst.idx.msk vm5, v10;
	v10 =	vor.u32 s16, v7;
	v4 =	vadd.s32 v18, v4  }
0x1fb: {  	v14 =	vadd.s32 $0xFFFFFFFF, v4;
	v4 =	vld [tilespmem:s6+$0xFFFFFFF0];
	[tilespmem:v15+s26+$0x0] =	vst.idx.msk vm0, v10;
	v10 =	vadd.s32 v0, v11  }
0x1fc: {  	s10 =	sadd.s32 $0x40, s13;
	[tilespmem:v15+s28+$0x0] =	vst.idx.msk vm0, v10;
	v15 =	vld [tilespmem:s20+$0xFFFFFF80]  }
0x1fd: {  	v10 =	vor.u32 s10, v7;
	v11 =	vld [tilespmem:s17+$0x10]  }
0x1fe: {  	s14 =	sadd.s32 $0x80, s11;
	[tilespmem:v13+s26+$0x0] =	vst.idx.msk vm2, v10;
	v10 =	vadd.s32 v0, v12;
	v12 =	vsub.s32 v17, v23  }
0x1ff: {  	[tilespmem:v13+s28+$0x0] =	vst.idx.msk vm2, v10;
	vm5 =	vlt.u32 v12, $0x310;
	v10 =	vor.u32 s14, v7  }
0x200: {  	v9 =	vadd.s32 v0, v9;
	v13 =	vld [tilespmem:s12+$0x50];
	v17 =	vsel vm5, $0x1, v58;
	[tilespmem:v14+s26+$0x0] =	vst.idx.msk vm3, v10  }
0x201: {  	(xrf0) =	vadd.scan.msk.s32 $0xffff, v17;
	[tilespmem:v14+s28+$0x0] =	vst.idx.msk vm3, v9  }
0x202: {  	v10 =	vperm.xlane v4, v58;
	v9 =	vld [tilespmem:s20+$0x90];
	v14 =	vsub.s32 v15, v23;
	v11 =	vsub.s32 v11, v23  }
0x203: {  	vm0 =	vlt.u32 v14, $0x310;
	vm4 =	vlt.u32 v11, $0x310  }
0x204: {  	v10 =	vadd.s32 v16, v10;
	v16 =	vsel vm0, $0x1, v58;
	v15 =	vsel vm4, $0x1, v58  }
0x205: {  	v10 =	vadd.s32 $0xFFFFFFFF, v10;
	v13 =	vsub.s32 v13, v23;
	(xrf0) =	vadd.scan.msk.s32 $0xffff, v15  }
0x206: {  	vm2 =	vlt.u32 v13, $0x310;
	v15 =	vperm.xlane v1, v51  }
0x207: {  	v17 =	vsel vm2, $0x1, v58;
	(xrf0) =	vadd.scan.msk.s32 $0xffff, v16;
	v16, _, _ =	vpop (xrf0);
	v9 =	vsub.s32 v9, v23  }
0x208: {  	s15 =	sadd.s32 $0xFFFFFF00, s16;
	v8 =	vadd.s32 v0, v8;
	(xrf0) =	vadd.scan.msk.s32 $0xffff, v17;
	v15 =	vadd.s32 v16, v15;
	vm6 =	vlt.u32 v9, $0x310  }
0x209: {  	v16 =	vor.u32 s15, v7;
	v15 =	vadd.s32 $0xFFFFFFFF, v15;
	v17 =	vsel vm6, $0x1, v58  }
0x20a: {  	[tilespmem:v10+s26+$0x0] =	vst.idx.msk vm1, v16;
	v16 =	vperm.xlane v56, v63;
	(xrf0) =	vadd.scan.msk.s32 $0xffff, v17  }
0x20b: {  	[tilespmem:v10+s28+$0x0] =	vst.idx.msk vm1, v8;
	v8, _, _ =	vpop (xrf0)  }
0x20c: {  	s18 =	sadd.s32 $0xFFFFFF40, s13;
	v10 =	vld [tilespmem:s17+$0xFFFFFF10];
	v8 =	vadd.s32 v8, v16  }
0x20d: {  	v18 =	vor.u32 s18, v7;
	v16 =	vperm.xlane v43, v47;
	v17, _, _ =	vpop (xrf0);
	v8 =	vadd.s32 $0xFFFFFFFF, v8  }
0x20e: {  	v12 =	vadd.s32 v0, v12;
	v19, _, _ =	vpop (xrf0);
	[tilespmem:v15+s26+$0x0] =	vst.idx.msk vm5, v18  }
0x20f: {  	v16 =	vadd.s32 v19, v16;
	[tilespmem:v15+s28+$0x0] =	vst.idx.msk vm5, v12;
	v12 =	vperm.xlane v42, v49  }
0x210: {  	s19 =	sadd.s32 $0x10, s16;
	v15 =	vadd.s32 $0xFFFFFFFF, v16;
	v16 =	vld [tilespmem:s12+$0xFFFFFF50];
	v18, _, _ =	vpop (xrf0)  }
0x211: {  	v10 =	vsub.s32 v10, v23;
	v12 =	vadd.s32 v18, v12;
	v18 =	vor.u32 s19, v7  }
0x212: {  	v11 =	vadd.s32 v0, v11;
	vm3 =	vlt.u32 v10, $0x310;
	v12 =	vadd.s32 $0xFFFFFFFF, v12;
	[tilespmem:v8+s26+$0x0] =	vst.idx.msk vm4, v18  }
0x213: {  	s21 =	sadd.s32 $0x50, s13;
	v18 =	vsel vm3, $0x1, v58;
	[tilespmem:v8+s28+$0x0] =	vst.idx.msk vm4, v11  }
0x214: {  	v8 =	vor.u32 s21, v7;
	(xrf0) =	vadd.scan.msk.s32 $0xffff, v18;
	v11 =	vld [tilespmem:s17+$0x20]  }
0x215: {  	s23 =	sadd.s32 $0x90, s11;
	[tilespmem:v15+s26+$0x0] =	vst.idx.msk vm2, v8;
	v8 =	vadd.s32 v0, v13;
	v13 =	vsub.s32 v16, v23  }
0x216: {  	[tilespmem:v15+s28+$0x0] =	vst.idx.msk vm2, v8;
	vm5 =	vlt.u32 v13, $0x310;
	v8 =	vor.u32 s23, v7  }
0x217: {  	v15 =	vld [tilespmem:s12+$0x60];
	v16 =	vsel vm5, $0x1, v58;
	[tilespmem:v12+s26+$0x0] =	vst.idx.msk vm6, v8;
	v8 =	vadd.s32 v0, v9  }
0x218: {  	(xrf0) =	vadd.scan.msk.s32 $0xffff, v16;
	[tilespmem:v12+s28+$0x0] =	vst.idx.msk vm6, v8  }
0x219: {  	v8 =	vperm.xlane v4, v63;
	v9 =	vld [tilespmem:s20+$0xA0];
	v11 =	vsub.s32 v11, v23  }
0x21a: {  	v16, _, _ =	vpop (xrf0);
	vm4 =	vlt.u32 v11, $0x310  }
0x21b: {  	v12 =	vperm.xlane v3, v60;
	v8 =	vadd.s32 v16, v8;
	v16 =	vsel vm4, $0x1, v58  }
0x21c: {  	v15 =	vsub.s32 v15, v23;
	v8 =	vadd.s32 $0xFFFFFFFF, v8;
	(xrf0) =	vadd.scan.msk.s32 $0xffff, v16  }
0x21d: {  	v12 =	vadd.s32 v17, v12;
	vm1 =	vlt.u32 v15, $0x310;
	v16 =	vperm.xlane v1, v47  }
0x21e: {  	v12 =	vadd.s32 $0xFFFFFFFF, v12;
	v17 =	vsel vm1, $0x1, v58;
	v18, _, _ =	vpop (xrf0);
	v9 =	vsub.s32 v9, v23  }
0x21f: {  	s25 =	sadd.s32 $0xFFFFFF10, s16;
	(xrf0) =	vadd.scan.msk.s32 $0xffff, v17;
	v16 =	vadd.s32 v18, v16;
	vm2 =	vlt.u32 v9, $0x310  }
0x220: {  	v17 =	vor.u32 s25, v7;
	v16 =	vadd.s32 $0xFFFFFFFF, v16;
	v18 =	vsel vm2, $0x1, v58  }
0x221: {  	s30 =	sadd.s32 $0xFFFFFF80, s11;
	v10 =	vadd.s32 v0, v10;
	[tilespmem:v8+s26+$0x0] =	vst.idx.msk vm3, v17;
	(xrf0) =	vadd.scan.msk.s32 $0xffff, v18;
	v17 =	vperm.xlane v56, v46  }
0x222: {  	v14 =	vadd.s32 v0, v14;
	v18 =	vor.u32 s30, v7;
	[tilespmem:v8+s28+$0x0] =	vst.idx.msk vm3, v10;
	v8, _, _ =	vpop (xrf0)  }
0x223: {  	s0 =	sadd.s32 $0xFFFFFF50, s13;
	[tilespmem:v12+s26+$0x0] =	vst.idx.msk vm0, v18;
	v10 =	vld [tilespmem:s17+$0xFFFFFF20];
	v8 =	vadd.s32 v8, v17;
	v17 =	vperm.xlane v43, v48  }
0x224: {  	v18 =	vor.u32 s0, v7;
	[tilespmem:v12+s28+$0x0] =	vst.idx.msk vm0, v14;
	v8 =	vadd.s32 $0xFFFFFFFF, v8  }
0x225: {  	v13 =	vadd.s32 v0, v13;
	v12, _, _ =	vpop (xrf0);
	[tilespmem:v16+s26+$0x0] =	vst.idx.msk vm5, v18  }
0x226: {  	v14 =	vld [tilespmem:s20+$0xFFFFFF90];
	v12 =	vadd.s32 v12, v17;
	[tilespmem:v16+s28+$0x0] =	vst.idx.msk vm5, v13;
	v13 =	vperm.xlane v42, v50  }
0x227: {  	s3 =	sadd.s32 $0x20, s16;
	v12 =	vadd.s32 $0xFFFFFFFF, v12;
	v16 =	vld [tilespmem:s12+$0xFFFFFF60];
	v17, _, _ =	vpop (xrf0)  }
0x228: {  	v10 =	vsub.s32 v10, v23;
	v13 =	vadd.s32 v17, v13;
	v17 =	vor.u32 s3, v7  }
0x229: {  	v11 =	vadd.s32 v0, v11;
	vm3 =	vlt.u32 v10, $0x310;
	[tilespmem:v8+s26+$0x0] =	vst.idx.msk vm4, v17  }
0x22a: {  	v13 =	vadd.s32 $0xFFFFFFFF, v13;
	v17 =	vsel vm3, $0x1, v58;
	[tilespmem:v8+s28+$0x0] =	vst.idx.msk vm4, v11  }
0x22b: {  	s4 =	sadd.s32 $0x60, s13;
	v14 =	vsub.s32 v14, v23;
	(xrf0) =	vadd.scan.msk.s32 $0xffff, v17;
	v11 =	vld [tilespmem:s17+$0x30]  }
0x22c: {  	v8 =	vor.u32 s4, v7;
	vm4 =	vlt.u32 v14, $0x310;
	v16 =	vsub.s32 v16, v23  }
0x22d: {  	s5 =	sadd.s32 $0xA0, s11;
	[tilespmem:v12+s26+$0x0] =	vst.idx.msk vm1, v8;
	v8 =	vadd.s32 v0, v15;
	v15 =	vsel vm4, $0x1, v58;
	vm5 =	vlt.u32 v16, $0x310  }
0x22e: {  	[tilespmem:v12+s28+$0x0] =	vst.idx.msk vm1, v8;
	(xrf0) =	vadd.scan.msk.s32 $0xffff, v15;
	v8 =	vor.u32 s5, v7;
	v15 =	vsel vm5, $0x1, v58  }
0x22f: {  	v12 =	vld [tilespmem:s12+$0x70];
	[tilespmem:v13+s26+$0x0] =	vst.idx.msk vm2, v8;
	v8 =	vadd.s32 v0, v9  }
0x230: {  	[tilespmem:v13+s28+$0x0] =	vst.idx.msk vm2, v8;
	v8 =	vperm.xlane v4, v46;
	v11 =	vsub.s32 v11, v23  }
0x231: {  	(xrf0) =	vadd.scan.msk.s32 $0xffff, v15;
	v15, _, _ =	vpop (xrf0);
	vm0 =	vlt.u32 v11, $0x310  }
0x232: {  	v9 =	vld [tilespmem:s20+$0xB0];
	v8 =	vadd.s32 v15, v8;
	v15 =	vsel vm0, $0x1, v58  }
0x233: {  	v8 =	vadd.s32 $0xFFFFFFFF, v8;
	(xrf0) =	vadd.scan.msk.s32 $0xffff, v15  }
0x234: {  	v13 =	vperm.xlane v3, v49;
	v12 =	vsub.s32 v12, v23  }
0x235: {  	v10 =	vadd.s32 v0, v10;
	v17, _, _ =	vpop (xrf0);
	vm2 =	vlt.u32 v12, $0x310  }
0x236: {  	s6 =	sadd.s32 $0xFFFFFF20, s16;
	v15 =	vperm.xlane v1, v48;
	v13 =	vadd.s32 v17, v13;
	v17 =	vsel vm2, $0x1, v58  }
0x237: {  	v13 =	vadd.s32 $0xFFFFFFFF, v13;
	v18, _, _ =	vpop (xrf0);
	v9 =	vsub.s32 v9, v23;
	(xrf0) =	vadd.scan.msk.s32 $0xffff, v17;
	v17 =	vor.u32 s6, v7  }
0x238: {  	v15 =	vadd.s32 v18, v15;
	[tilespmem:v8+s26+$0x0] =	vst.idx.msk vm3, v17;
	v17 =	vperm.xlane v56, v52  }
0x239: {  	vm1 =	vlt.u32 v9, $0x310;
	v15 =	vadd.s32 $0xFFFFFFFF, v15;
	[tilespmem:v8+s28+$0x0] =	vst.idx.msk vm3, v10;
	v8, _, _ =	vpop (xrf0)  }
0x23a: {  	s7 =	sadd.s32 $0xFFFFFF90, s11;
	v18 =	vsel vm1, $0x1, v58;
	v8 =	vadd.s32 v8, v17  }
0x23b: {  	(xrf0) =	vadd.scan.msk.s32 $0xffff, v18;
	v18 =	vor.u32 s7, v7  }
0x23c: {  	s9 =	sadd.s32 $0xFFFFFF60, s13;
	v14 =	vadd.s32 v0, v14;
	v10 =	vld [tilespmem:s17+$0xFFFFFF30];
	[tilespmem:v13+s26+$0x0] =	vst.idx.msk vm4, v18;
	v17 =	vperm.xlane v43, v59  }
0x23d: {  	v18 =	vor.u32 s9, v7;
	[tilespmem:v13+s28+$0x0] =	vst.idx.msk vm4, v14;
	v13 =	vadd.s32 $0xFFFFFFFF, v8;
	v8, _, _ =	vpop (xrf0)  }
0x23e: {  	v14 =	vadd.s32 v0, v16;
	[tilespmem:v15+s26+$0x0] =	vst.idx.msk vm5, v18;
	v8 =	vadd.s32 v8, v17  }
0x23f: {  	v6 =	vperm.xlane v6, v62;
	v16 =	vld [tilespmem:s20+$0xFFFFFFA0];
	[tilespmem:v15+s28+$0x0] =	vst.idx.msk vm5, v14  }
0x240: {  	v14 =	vperm.xlane v42, v53;
	v17 =	vld [tilespmem:s12+$0xFFFFFF70];
	v15 =	vadd.s32 $0xFFFFFFFF, v8  }
0x241: {  	v5 =	vadd.s32 v5, v6;
	s10 =	sadd.s32 $0x30, s16;
	v10 =	vsub.s32 v10, v23;
	v8, _, _ =	vpop (xrf0)  }
0x242: {  	s18 =	sadd.s32 $0x200, s17;
	vm5 =	vlt.u32 v10, $0x310;
	v8 =	vadd.s32 v8, v14;
	v14 =	vor.u32 s10, v7  }
0x243: {  	s14 =	sadd.s32 $0x70, s13;
	v11 =	vadd.s32 v0, v11;
	v19 =	vsel vm5, $0x1, v58;
	v18 =	vadd.s32 $0xFFFFFFFF, v8;
	[tilespmem:v13+s26+$0x0] =	vst.idx.msk vm0, v14;
	v14 =	vld [tilespmem:s18+$0x0]  }
0x244: {  	(xrf0) =	vadd.scan.msk.s32 $0xffff, v19;
	v8 =	vsub.s32 v16, v23;
	[tilespmem:v13+s28+$0x0] =	vst.idx.msk vm0, v11;
	v11 =	vor.u32 s14, v7;
	v13 =	vld [tilespmem:s18+$0xFFFFFF00]  }
0x245: {  	v17 =	vsub.s32 v17, v23;
	vm0 =	vlt.u32 v8, $0x310;
	[tilespmem:v15+s26+$0x0] =	vst.idx.msk vm2, v11;
	v11 =	vadd.s32 v0, v12;
	v12 =	vld [tilespmem:s17+$0x40]  }
0x246: {  	s15 =	sadd.s32 $0xB0, s11;
	vm6 =	vlt.u32 v17, $0x310;
	[tilespmem:$0x1FC60] =	vst v5;
	v5 =	vsel vm0, $0x1, v58  }
0x247: {  	[tilespmem:v15+s28+$0x0] =	vst.idx.msk vm2, v11;
	(xrf0) =	vadd.scan.msk.s32 $0xffff, v5;
	v5 =	vor.u32 s15, v7;
	v15 =	vsel vm6, $0x1, v58  }
0x248: {  	[tilespmem:v18+s26+$0x0] =	vst.idx.msk vm1, v5;
	v5 =	vadd.s32 v0, v9;
	v9 =	vsub.s32 v14, v23;
	(xrf0) =	vadd.scan.msk.s32 $0xffff, v15  }
0x249: {  	v6 =	vperm.xlane v4, v52;
	v11 =	vld [tilespmem:s12+$0x80];
	v14 =	vsub.s32 v13, v23;
	vm3 =	vlt.u32 v9, $0x310  }
0x24a: {  	s19 =	simm.s32 $0x2170;
	vm2 =	vlt.u32 v14, $0x310;
	v13 =	vsel vm3, $0x1, v58;
	v15 =	vsub.s32 v12, v23  }
0x24b: {  	v26 =	vld [tilespmem:s19+$0x0];
	[tilespmem:v18+s28+$0x0] =	vst.idx.msk vm1, v5;
	v12, _, _ =	vpop (xrf0);
	v16 =	vsel vm2, $0x1, v58;
	(xrf0) =	vadd.scan.msk.s32 $0xffff, v13;
	vm4 =	vlt.u32 v15, $0x310  }
0x24c: {  	v5 =	vld [tilespmem:s20+$0xC0];
	v6 =	vadd.s32 v12, v6;
	(xrf0) =	vadd.scan.msk.s32 $0xffff, v16;
	v12 =	vsel vm4, $0x1, v58  }
0x24d: {  	(xrf0) =	vadd.scan.msk.s32 $0xffff, v12;
	v12 =	vperm.xlane v1, v59;
	v21, _, _ =	vpop (xrf0)  }
0x24e: {  	v6 =	vadd.s32 $0xFFFFFFFF, v6;
	v11 =	vsub.s32 v11, v23;
	v25, _, _ =	vpop (xrf0)  }
0x24f: {  	vm1 =	vlt.u32 v11, $0x310;
	v12 =	vadd.s32 v25, v12  }
0x250: {  	v13 =	vsel vm1, $0x1, v58  }
0x251: {  	s4 =	sadd.s32 $0xFFFFFF30, s16;
	v25 =	vsub.s32 v5, v23;
	v5 =	vperm.xlane v26, v58;
	v27 =	vadd.s32 $0xFFFFFFFF, v12  }
0x252: {  	v22 =	vor.u32 s4, v7;
	(xrf0) =	vadd.scan.msk.s32 $0xffff, v13;
	vm7 =	vlt.u32 v25, $0x310;
	v12, _, _ =	vpop (xrf0)  }
0x253: {  	[tilespmem:v6+s26+$0x0] =	vst.idx.msk vm5, v22;
	v22 =	vsel vm7, $0x1, v58;
	v12 =	vadd.s32 v12, v5  }
0x254: {  	s30 =	sadd.s32 $0xFFFFFF70, s13;
	v10 =	vadd.s32 v0, v10;
	v28, _, _ =	vpop (xrf0);
	(xrf0) =	vadd.scan.msk.s32 $0xffff, v22;
	v22 =	vadd.s32 $0xFFFFFFFF, v12  }
0x255: {  	v29 =	vperm.xlane v56, v51;
	v31 =	vor.u32 s30, v7;
	[tilespmem:v6+s28+$0x0] =	vst.idx.msk vm5, v10  }
0x256: {  	s3 =	sadd.s32 $0xFFFFFFE0, s11;
	v17 =	vadd.s32 v0, v17;
	v5 =	vld [tilespmem:s19+$0xFFFFFFF0];
	v6, _, _ =	vpop (xrf0);
	[tilespmem:v27+s26+$0x0] =	vst.idx.msk vm6, v31  }
0x257: {  	v2 =	vor.u32 s3, v7;
	v30 =	vld [tilespmem:s17+$0xFFFFFF40];
	s19 =	sadd.s32 $0x200, s16;
	v10 =	vadd.s32 v6, v29;
	v29 =	vperm.xlane v43, v60;
	[tilespmem:v27+s28+$0x0] =	vst.idx.msk vm6, v17  }
0x258: {  	v32 =	vadd.s32 $0xFFFFFFFF, v10;
	v33, _, _ =	vpop (xrf0);
	v17 =	vor.u32 s19, v7;
	[tilespmem:$0x1FE70] =	vst v2  }
0x259: {  	s5 =	sadd.s32 $0xFFFFFFF0, s11;
	v9 =	vadd.s32 v0, v9;
	v29 =	vadd.s32 v33, v29;
	[tilespmem:v22+s26+$0x0] =	vst.idx.msk vm3, v17  }
0x25a: {  	v27 =	vadd.s32 $0xFFFFFFFF, v29;
	v29 =	vperm.xlane v42, v40;
	[tilespmem:v22+s28+$0x0] =	vst.idx.msk vm3, v9;
	v22 =	vor.u32 s5, v7  }
0x25b: {  	v20 =	vperm.xlane v3, v50;
	s4 =	sadd.s32 $0x40, s16;
	v31, _, _ =	vpop (xrf0);
	[tilespmem:$0x1FC70] =	vst v22  }
0x25c: {  	v30 =	vsub.s32 v30, v23;
	v9 =	vor.u32 s4, v7;
	v22 =	vadd.s32 v31, v29;
	v29 =	vld [tilespmem:s18+$0x10]  }
0x25d: {  	s6 =	sadd.s32 $0x80, s13;
	v17 =	vperm.xlane v5, v58;
	[tilespmem:v32+s26+$0x0] =	vst.idx.msk vm4, v9;
	v9 =	vadd.s32 v0, v15  }
0x25e: {  	vm6 =	vlt.u32 v30, $0x310;
	v15 =	vld [tilespmem:s12+$0xFFFFFF80];
	v31 =	vadd.s32 $0xFFFFFFFF, v22;
	[tilespmem:v32+s28+$0x0] =	vst.idx.msk vm4, v9;
	v9 =	vor.u32 s6, v7  }
0x25f: {  	s21 =	sadd.s32 $0xFFFFFFA0, s11;
	v17 =	vadd.s32 v28, v17;
	v22 =	vsel vm6, $0x1, v58;
	[tilespmem:v27+s26+$0x0] =	vst.idx.msk vm1, v9;
	v9 =	vadd.s32 v0, v11  }
0x260: {  	v24 =	vor.u32 s21, v7;
	v17 =	vadd.s32 $0xFFFFFFFF, v17;
	(xrf0) =	vadd.scan.msk.s32 $0xffff, v22;
	v28 =	vld [tilespmem:s17+$0x50];
	[tilespmem:v27+s28+$0x0] =	vst.idx.msk vm1, v9  }
0x261: {  	s9 =	sadd.s32 $0xC0, s11;
	v14 =	vadd.s32 v0, v14;
	v11 =	vadd.s32 v21, v20;
	v20 =	vld [tilespmem:s12+$0x90];
	v27 =	vsub.s32 v29, v23  }
0x262: {  	v25 =	vadd.s32 v0, v25;
	v22 =	vor.u32 s9, v7;
	vm8 =	vlt.u32 v27, $0x310  }
0x263: {  	s7 =	sadd.s32 $0xFFFFFF00, s19;
	v11 =	vadd.s32 $0xFFFFFFFF, v11;
	[tilespmem:v31+s26+$0x0] =	vst.idx.msk vm7, v22;
	v22 =	vsub.s32 v15, v23;
	v15 =	vsel vm8, $0x1, v58  }
0x264: {  	v8 =	vadd.s32 v0, v8;
	v21 =	vor.u32 s7, v7;
	[tilespmem:v31+s28+$0x0] =	vst.idx.msk vm7, v25;
	(xrf0) =	vadd.scan.msk.s32 $0xffff, v15  }
0x265: {  	v9 =	vperm.xlane v4, v51;
	[tilespmem:v17+s26+$0x0] =	vst.idx.msk vm2, v21;
	vm1 =	vlt.u32 v22, $0x310;
	v25 =	vsub.s32 v28, v23;
	v28 =	vld [tilespmem:s20+$0xD0]  }
0x266: {  	[tilespmem:v17+s28+$0x0] =	vst.idx.msk vm2, v14;
	v21 =	vsel vm1, $0x1, v58;
	v14, _, _ =	vpop (xrf0);
	vm5 =	vlt.u32 v25, $0x310;
	v29 =	vsub.s32 v20, v23  }
0x267: {  	v45 =	vld [tilespmem:s18+$0xFFFFFF10];
	v9 =	vadd.s32 v14, v9;
	v15 =	vsel vm5, $0x1, v58;
	(xrf0) =	vadd.scan.msk.s32 $0xffff, v21;
	vm4 =	vlt.u32 v29, $0x310  }
0x268: {  	[tilespmem:v11+s26+$0x0] =	vst.idx.msk vm0, v24;
	v9 =	vadd.s32 $0xFFFFFFFF, v9;
	(xrf0) =	vadd.scan.msk.s32 $0xffff, v15;
	v14 =	vsel vm4, $0x1, v58  }
0x269: {  	[tilespmem:v11+s28+$0x0] =	vst.idx.msk vm0, v8;
	(xrf0) =	vadd.scan.msk.s32 $0xffff, v14;
	v14 =	vperm.xlane v26, v63  }
0x26a: {  	s25 =	sadd.s32 $0xFFFFFFC0, s11;
	v24 =	vsub.s32 v28, v23;
	v28 =	vld [tilespmem:s20+$0xFFFFFFB0];
	v11, _, _ =	vpop (xrf0)  }
0x26b: {  	s15 =	sadd.s32 $0xFFFFFF40, s16;
	v13 =	vor.u32 s25, v7;
	v8 =	vadd.s32 v0, v30;
	v11 =	vadd.s32 v11, v14  }
0x26c: {  	v15 =	vor.u32 s15, v7;
	v30 =	vsub.s32 v45, v23;
	vm3 =	vlt.u32 v24, $0x310  }
0x26d: {  	vm2 =	vlt.u32 v30, $0x310;
	v34 =	vsel vm3, $0x1, v58;
	[tilespmem:v9+s26+$0x0] =	vst.idx.msk vm6, v15;
	v14 =	vperm.xlane v56, v47;
	v32, _, _ =	vpop (xrf0)  }
0x26e: {  	(xrf0) =	vadd.scan.msk.s32 $0xffff, v34;
	[tilespmem:v9+s28+$0x0] =	vst.idx.msk vm6, v8;
	v9 =	vperm.xlane v43, v49;
	v35 =	vadd.s32 $0xFFFFFFFF, v11;
	v11, _, _ =	vpop (xrf0)  }
0x26f: {  	v61 =	vsel vm2, $0x1, v58;
	v28 =	vsub.s32 v28, v23;
	v8 =	vadd.s32 v11, v14;
	v37, _, _ =	vpop (xrf0)  }
0x270: {  	(xrf0) =	vadd.scan.msk.s32 $0xffff, v61;
	vm0 =	vlt.u32 v28, $0x310;
	v8 =	vadd.s32 $0xFFFFFFFF, v8;
	v9 =	vadd.s32 v37, v9  }
0x271: {  	s25 =	sadd.s32 $0x10, s19;
	v36 =	vld [tilespmem:s17+$0xFFFFFF50];
	v37 =	vadd.s32 $0xFFFFFFFF, v9;
	v9 =	vadd.s32 v0, v27;
	v27 =	vsel vm0, $0x1, v58  }
0x272: {  	v41 =	vor.u32 s25, v7  }
0x273: {  	v44 =	vperm.xlane v42, v54;
	s30 =	sadd.s32 $0x50, s16;
	[tilespmem:v35+s26+$0x0] =	vst.idx.msk vm8, v41  }
0x274: {  	v38 =	vperm.xlane v5, v63;
	[tilespmem:v35+s28+$0x0] =	vst.idx.msk vm8, v9;
	v9 =	vor.u32 s30, v7;
	(xrf0) =	vadd.scan.msk.s32 $0xffff, v27;
	v27, _, _ =	vpop (xrf0)  }
0x275: {  	s0 =	sadd.s32 $0xFFFFFFD0, s11;
	[tilespmem:v8+s26+$0x0] =	vst.idx.msk vm5, v9;
	v9 =	vadd.s32 v0, v25;
	v25 =	vadd.s32 v27, v44  }
0x276: {  	v10 =	vor.u32 s0, v7;
	s0 =	sadd.s32 $0x90, s13;
	v35 =	vsub.s32 v36, v23;
	v45 =	vld [tilespmem:s18+$0x20];
	v27, _, _ =	vpop (xrf0);
	v25 =	vadd.s32 $0xFFFFFFFF, v25  }
0x277: {  	vm6 =	vlt.u32 v35, $0x310;
	[tilespmem:v8+s28+$0x0] =	vst.idx.msk vm5, v9;
	v8 =	vor.u32 s0, v7;
	v27 =	vadd.s32 v27, v38  }
0x278: {  	s4 =	sadd.s32 $0xFFFFFFD0, s13;
	v61 =	vsel vm6, $0x1, v58;
	[tilespmem:v37+s26+$0x0] =	vst.idx.msk vm4, v8;
	v8 =	vadd.s32 v0, v29;
	v27 =	vadd.s32 $0xFFFFFFFF, v27  }
0x279: {  	s23 =	sadd.s32 $0xFFFFFFB0, s11;
	v19 =	vperm.xlane v3, v53;
	v2 =	vor.u32 s4, v7;
	s6 =	sadd.s32 $0xD0, s11;
	(xrf0) =	vadd.scan.msk.s32 $0xffff, v61;
	[tilespmem:v37+s28+$0x0] =	vst.idx.msk vm4, v8  }
0x27a: {  	s10 =	sadd.s32 $0xFFFFFF80, s13;
	v18 =	vor.u32 s23, v7;
	v31 =	vperm.xlane v1, v60;
	v41 =	vor.u32 s6, v7;
	v39 =	vld [tilespmem:s17+$0x60];
	[tilespmem:$0x1FC80] =	vst v2  }
0x27b: {  	v33 =	vor.u32 s10, v7;
	s5 =	sadd.s32 $0xFFFFFF10, s19;
	v24 =	vadd.s32 v0, v24;
	v36 =	vsub.s32 v45, v23;
	v29 =	vld [tilespmem:s12+$0xA0];
	[tilespmem:v25+s26+$0x0] =	vst.idx.msk vm3, v41  }
0x27c: {  	v31 =	vadd.s32 v32, v31;
	v37 =	vor.u32 s5, v7;
	vm8 =	vlt.u32 v36, $0x310;
	[tilespmem:v25+s28+$0x0] =	vst.idx.msk vm3, v24  }
0x27d: {  	v2 =	vperm.xlane v1, v54;
	v44 =	vsel vm8, $0x1, v58;
	v24 =	vadd.s32 v0, v30;
	[tilespmem:v27+s26+$0x0] =	vst.idx.msk vm2, v37  }
0x27e: {  	v34 =	vperm.xlane v4, v47;
	v31 =	vadd.s32 $0xFFFFFFFF, v31;
	v61, _, _ =	vpop (xrf0);
	(xrf0) =	vadd.scan.msk.s32 $0xffff, v44;
	[tilespmem:v27+s28+$0x0] =	vst.idx.msk vm2, v24  }
0x27f: {  	v22 =	vadd.s32 v0, v22;
	v45 =	vsub.s32 v39, v23;
	v25, _, _ =	vpop (xrf0);
	v41 =	vld [tilespmem:s20+$0xE0];
	[tilespmem:$0x1FC90] =	vst v2;
	v2 =	vperm.xlane v1, v55  }
0x280: {  	s7 =	sadd.s32 $0xFFFFFFE0, s13;
	vm7 =	vlt.u32 v45, $0x310;
	v24 =	vadd.s32 v25, v34;
	v29 =	vsub.s32 v29, v23  }
0x281: {  	v30 =	vsel vm7, $0x1, v58;
	v25 =	vld [tilespmem:s18+$0xFFFFFF20];
	vm4 =	vlt.u32 v29, $0x310;
	[tilespmem:$0x1FCA0] =	vst v2;
	v2 =	vor.u32 s7, v7  }
0x282: {  	v17 =	vperm.xlane v1, v50;
	(xrf0) =	vadd.scan.msk.s32 $0xffff, v30;
	v27 =	vsel vm4, $0x1, v58;
	[tilespmem:$0x1FCB0] =	vst v2  }
0x283: {  	s14 =	sadd.s32 $0xFFFFFF90, s13;
	v24 =	vadd.s32 $0xFFFFFFFF, v24;
	(xrf0) =	vadd.scan.msk.s32 $0xffff, v27;
	[tilespmem:v31+s26+$0x0] =	vst.idx.msk vm1, v33;
	v27 =	vperm.xlane v26, v46  }
0x284: {  	v21 =	vperm.xlane v1, v49;
	v20 =	vor.u32 s14, v7;
	v19 =	vadd.s32 v61, v19;
	[tilespmem:v31+s28+$0x0] =	vst.idx.msk vm1, v22;
	v22, _, _ =	vpop (xrf0)  }
0x285: {  	v14 =	vperm.xlane v1, v53;
	v19 =	vadd.s32 $0xFFFFFFFF, v19;
	v22 =	vadd.s32 v22, v27  }
0x286: {  	s9 =	sadd.s32 $0xFFFFFF50, s16;
	v28 =	vadd.s32 v0, v28;
	v9 =	vperm.xlane v1, v40;
	v61 =	vperm.xlane v1, v62  }
0x287: {  	v1 =	vor.u32 s9, v7;
	v30 =	vadd.s32 v0, v35;
	v31 =	vld [tilespmem:s12+$0xFFFFFF90];
	v27 =	vperm.xlane v56, v48  }
0x288: {  	v32 =	vsub.s32 v41, v23;
	[tilespmem:v24+s26+$0x0] =	vst.idx.msk vm6, v1;
	v25 =	vsub.s32 v25, v23;
	v1 =	vadd.s32 $0xFFFFFFFF, v22;
	v22, _, _ =	vpop (xrf0)  }
0x289: {  	vm5 =	vlt.u32 v32, $0x310;
	[tilespmem:v24+s28+$0x0] =	vst.idx.msk vm6, v30;
	v24 =	vperm.xlane v43, v50;
	v22 =	vadd.s32 v22, v27  }
0x28a: {  	[tilespmem:v19+s26+$0x0] =	vst.idx.msk vm0, v18;
	v18 =	vsel vm5, $0x1, v58;
	vm1 =	vlt.u32 v25, $0x310;
	v27 =	vld [tilespmem:s17+$0xFFFFFF60];
	v30, _, _ =	vpop (xrf0);
	v22 =	vadd.s32 $0xFFFFFFFF, v22  }
0x28b: {  	s10 =	sadd.s32 $0x20, s19;
	[tilespmem:v19+s28+$0x0] =	vst.idx.msk vm0, v28;
	(xrf0) =	vadd.scan.msk.s32 $0xffff, v18;
	v18 =	vsel vm1, $0x1, v58;
	v19 =	vadd.s32 v30, v24  }
0x28c: {  	v28 =	vsub.s32 v31, v23;
	v30 =	vor.u32 s10, v7;
	v19 =	vadd.s32 $0xFFFFFFFF, v19  }
0x28d: {  	s21 =	sadd.s32 $0xFFFFFFA0, s13;
	s14 =	sadd.s32 $0x60, s16;
	(xrf0) =	vadd.scan.msk.s32 $0xffff, v18;
	v18 =	vadd.s32 v0, v36;
	v24 =	vld [tilespmem:s20+$0xFFFFFFC0];
	vm0 =	vlt.u32 v28, $0x310;
	[tilespmem:v1+s26+$0x0] =	vst.idx.msk vm8, v30  }
0x28e: {  	v15 =	vor.u32 s21, v7;
	v31 =	vsel vm0, $0x1, v58;
	[tilespmem:v1+s28+$0x0] =	vst.idx.msk vm8, v18;
	v1 =	vor.u32 s14, v7  }
0x28f: {  	s15 =	sadd.s32 $0xA0, s13;
	(xrf0) =	vadd.scan.msk.s32 $0xffff, v31;
	v27 =	vsub.s32 v27, v23;
	[tilespmem:v22+s26+$0x0] =	vst.idx.msk vm7, v1;
	v1 =	vadd.s32 v0, v45  }
0x290: {  	v18 =	vld [tilespmem:s18+$0x30];
	v31 =	vperm.xlane v42, v55;
	vm3 =	vlt.u32 v27, $0x310;
	[tilespmem:v22+s28+$0x0] =	vst.idx.msk vm7, v1;
	v1 =	vor.u32 s15, v7  }
0x291: {  	s23 =	sadd.s32 $0xFFFFFFB0, s13;
	v30 =	vperm.xlane v5, v46;
	v22, _, _ =	vpop (xrf0);
	v44 =	vsel vm3, $0x1, v58;
	[tilespmem:v19+s26+$0x0] =	vst.idx.msk vm4, v1;
	v1 =	vadd.s32 v0, v29;
	v29 =	vld [tilespmem:s17+$0x70]  }
0x292: {  	s21 =	sadd.s32 $0xFFFFFFF0, s13;
	v11 =	vor.u32 s23, v7;
	v24 =	vsub.s32 v24, v23;
	v22 =	vadd.s32 v22, v31;
	(xrf0) =	vadd.scan.msk.s32 $0xffff, v44  }
0x293: {  	s23 =	sadd.s32 $0xE0, s11;
	vm2 =	vlt.u32 v24, $0x310;
	[tilespmem:v19+s28+$0x0] =	vst.idx.msk vm4, v1;
	v1 =	vor.u32 s21, v7;
	v19, _, _ =	vpop (xrf0);
	v22 =	vadd.s32 $0xFFFFFFFF, v22  }
0x294: {  	v36 =	vor.u32 s23, v7;
	[tilespmem:$0x1FCC0] =	vst v1;
	v1 =	vsel vm2, $0x1, v58;
	v19 =	vadd.s32 v19, v30  }
0x295: {  	v45 =	vperm.xlane v4, v48;
	v30, _, _ =	vpop (xrf0);
	v31 =	vld [tilespmem:s12+$0xB0];
	(xrf0) =	vadd.scan.msk.s32 $0xffff, v1;
	v1 =	vsub.s32 v18, v23;
	v19 =	vadd.s32 $0xFFFFFFFF, v19  }
0x296: {  	v21 =	vadd.s32 v30, v21;
	vm6 =	vlt.u32 v1, $0x310;
	v29 =	vsub.s32 v29, v23  }
0x297: {  	v21 =	vadd.s32 $0xFFFFFFFF, v21;
	v30 =	vsel vm6, $0x1, v58;
	vm4 =	vlt.u32 v29, $0x310  }
0x298: {  	(xrf0) =	vadd.scan.msk.s32 $0xffff, v30;
	[tilespmem:v22+s26+$0x0] =	vst.idx.msk vm5, v36;
	v30 =	vadd.s32 v0, v32;
	v37, _, _ =	vpop (xrf0);
	v38 =	vsel vm4, $0x1, v58  }
0x299: {  	v16 =	vperm.xlane v3, v40;
	s25 =	sadd.s32 $0xFFFFFF20, s19;
	[tilespmem:v22+s28+$0x0] =	vst.idx.msk vm5, v30;
	v22 =	vadd.s32 v37, v45;
	(xrf0) =	vadd.scan.msk.s32 $0xffff, v38  }
0x29a: {  	v30 =	vor.u32 s25, v7;
	v31 =	vsub.s32 v31, v23;
	v41 =	vadd.s32 $0xFFFFFFFF, v22  }
0x29b: {  	s30 =	sadd.s32 $0xFFFFFF60, s16;
	v25 =	vadd.s32 v0, v25;
	v28 =	vadd.s32 v0, v28;
	[tilespmem:v19+s26+$0x0] =	vst.idx.msk vm1, v30;
	vm5 =	vlt.u32 v31, $0x310;
	v39, _, _ =	vpop (xrf0)  }
0x29c: {  	v32 =	vld [tilespmem:s20+$0xF0];
	[tilespmem:v19+s28+$0x0] =	vst.idx.msk vm1, v25;
	v25 =	vor.u32 s30, v7;
	v22 =	vsel vm5, $0x1, v58;
	v16 =	vadd.s32 v39, v16  }
0x29d: {  	[tilespmem:v21+s26+$0x0] =	vst.idx.msk vm0, v20;
	v44 =	vld [tilespmem:s18+$0xFFFFFF30];
	(xrf0) =	vadd.scan.msk.s32 $0xffff, v22;
	v19 =	vadd.s32 $0xFFFFFFFF, v16;
	v16 =	vperm.xlane v26, v52  }
0x29e: {  	v2 =	vperm.xlane v4, v50;
	[tilespmem:v21+s28+$0x0] =	vst.idx.msk vm0, v28;
	v28 =	vperm.xlane v56, v59;
	v20, _, _ =	vpop (xrf0)  }
0x29f: {  	v27 =	vadd.s32 v0, v27;
	v45 =	vld [tilespmem:s12+$0xFFFFFFA0];
	v20 =	vadd.s32 v20, v16;
	[tilespmem:v41+s26+$0x0] =	vst.idx.msk vm3, v25;
	v25, _, _ =	vpop (xrf0)  }
0x2a0: {  	v24 =	vadd.s32 v0, v24;
	v20 =	vadd.s32 $0xFFFFFFFF, v20;
	[tilespmem:v41+s28+$0x0] =	vst.idx.msk vm3, v27;
	v25 =	vadd.s32 v25, v28  }
0x2a1: {  	s21 =	sadd.s32 $0x200, s18;
	v18 =	vperm.xlane v4, v59;
	v16 =	vsub.s32 v32, v23;
	v27 =	vperm.xlane v43, v53;
	v41 =	vld [tilespmem:s17+$0xFFFFFF70]  }
0x2a2: {  	vm9 =	vlt.u32 v16, $0x310;
	v28 =	vsub.s32 v44, v23;
	v44 =	vld [tilespmem:s21+$0x0];
	[tilespmem:v19+s26+$0x0] =	vst.idx.msk vm2, v13;
	v13 =	vadd.s32 $0xFFFFFFFF, v25  }
0x2a3: {  	s4 =	sadd.s32 $0x30, s19;
	v1 =	vadd.s32 v0, v1;
	v39 =	vsel vm9, $0x1, v58;
	vm3 =	vlt.u32 v28, $0x310;
	[tilespmem:v19+s28+$0x0] =	vst.idx.msk vm2, v24;
	v25, _, _ =	vpop (xrf0)  }
0x2a4: {  	(xrf0) =	vadd.scan.msk.s32 $0xffff, v39;
	v24 =	vld [tilespmem:s20+$0xFFFFFFD0];
	v19 =	vadd.s32 v25, v27;
	v25 =	vor.u32 s4, v7;
	v27 =	vsub.s32 v45, v23  }
0x2a5: {  	s5 =	sadd.s32 $0x70, s16;
	v19 =	vadd.s32 $0xFFFFFFFF, v19;
	[tilespmem:v20+s26+$0x0] =	vst.idx.msk vm6, v25;
	v25 =	vsel vm3, $0x1, v58;
	vm2 =	vlt.u32 v27, $0x310  }
0x2a6: {  	v33 =	vsub.s32 v41, v23;
	[tilespmem:v20+s28+$0x0] =	vst.idx.msk vm6, v1;
	v1 =	vor.u32 s5, v7;
	v20 =	vld [tilespmem:s21+$0xFFFFFF00];
	(xrf0) =	vadd.scan.msk.s32 $0xffff, v25  }
0x2a7: {  	v32 =	vsub.s32 v44, v23;
	v25 =	vsel vm2, $0x1, v58;
	[tilespmem:v13+s26+$0x0] =	vst.idx.msk vm4, v1;
	v1 =	vadd.s32 v0, v29;
	v29 =	vld [tilespmem:s18+$0x40]  }
0x2a8: {  	s6 =	sadd.s32 $0xB0, s13;
	v30 =	vperm.xlane v5, v52;
	vm6 =	vlt.u32 v33, $0x310;
	vm7 =	vlt.u32 v32, $0x310;
	(xrf0) =	vadd.scan.msk.s32 $0xffff, v25  }
0x2a9: {  	[tilespmem:v13+s28+$0x0] =	vst.idx.msk vm4, v1;
	v1 =	vor.u32 s6, v7;
	v25 =	vsub.s32 v24, v23;
	v24 =	vsel vm6, $0x1, v58  }
0x2aa: {  	s14 =	simm.s32 $0x2190;
	v13 =	vld [tilespmem:s17+$0x80];
	vm1 =	vlt.u32 v25, $0x310;
	(xrf0) =	vadd.scan.msk.s32 $0xffff, v24;
	[tilespmem:v19+s26+$0x0] =	vst.idx.msk vm5, v1;
	v1 =	vadd.s32 v0, v31  }
0x2ab: {  	v24 =	vsel vm7, $0x1, v58;
	v31 =	vld [tilespmem:s14+$0x0];
	[tilespmem:v19+s28+$0x0] =	vst.idx.msk vm5, v1;
	v1 =	vsel vm1, $0x1, v58;
	v34 =	vsub.s32 v20, v23;
	v20, _, _ =	vpop (xrf0)  }
0x2ac: {  	v19 =	vld [tilespmem:s12+$0xC0];
	(xrf0) =	vadd.scan.msk.s32 $0xffff, v1;
	v29 =	vsub.s32 v29, v23;
	v45, _, _ =	vpop (xrf0);
	[tilespmem:$0x1FCD0] =	vst v2;
	v2 =	vperm.xlane v4, v53  }
0x2ad: {  	vm0 =	vlt.u32 v34, $0x310;
	(xrf0) =	vadd.scan.msk.s32 $0xffff, v24;
	vm8 =	vlt.u32 v29, $0x310;
	v24 =	vadd.s32 v45, v30  }
0x2ae: {  	v30 =	vsel vm8, $0x1, v58;
	v24 =	vadd.s32 $0xFFFFFFFF, v24;
	[tilespmem:$0x1FCE0] =	vst v2;
	v2 =	vperm.xlane v4, v40  }
0x2af: {  	v28 =	vadd.s32 v0, v28;
	v41 =	vsel vm0, $0x1, v58;
	v13 =	vsub.s32 v13, v23  }
0x2b0: {  	(xrf0) =	vadd.scan.msk.s32 $0xffff, v41;
	vm5 =	vlt.u32 v13, $0x310;
	[tilespmem:$0x1FCF0] =	vst v2;
	v2 =	vperm.xlane v4, v54  }
0x2b1: {  	s7 =	sadd.s32 $0xFFFFFF30, s19;
	(xrf0) =	vadd.scan.msk.s32 $0xffff, v30;
	v45 =	vperm.xlane v31, v58;
	v44 =	vsel vm5, $0x1, v58;
	v30, _, _ =	vpop (xrf0);
	v37 =	vsub.s32 v19, v23  }
0x2b2: {  	[tilespmem:$0x1FD00] =	vst v2;
	v19, _, _ =	vpop (xrf0);
	(xrf0) =	vadd.scan.msk.s32 $0xffff, v44;
	vm4 =	vlt.u32 v37, $0x310;
	v44 =	vor.u32 s7, v7  }
0x2b3: {  	v2 =	vperm.xlane v4, v55;
	v18 =	vadd.s32 v19, v18;
	v36, _, _ =	vpop (xrf0);
	v19 =	vsel vm4, $0x1, v58;
	[tilespmem:v24+s26+$0x0] =	vst.idx.msk vm3, v44  }
0x2b4: {  	v57 =	vperm.xlane v3, v62;
	v40 =	vadd.s32 $0xFFFFFFFF, v18;
	v41, _, _ =	vpop (xrf0);
	(xrf0) =	vadd.scan.msk.s32 $0xffff, v19;
	[tilespmem:v24+s28+$0x0] =	vst.idx.msk vm3, v28  }
0x2b5: {  	s10 =	sadd.s32 $0xFFFFFFA0, s16;
	v19 =	vld [tilespmem:s14+$0xFFFFFFF0];
	v38 =	vadd.s32 v41, v45;
	v45 =	vperm.xlane v26, v51;
	[tilespmem:$0x1FD10] =	vst v2;
	v2 =	vperm.xlane v4, v62  }
0x2b6: {  	v12 =	vperm.xlane v3, v54;
	v6 =	vperm.xlane v3, v55;
	v3 =	vor.u32 s10, v7;
	v39, _, _ =	vpop (xrf0)  }
0x2b7: {  	s0 =	sadd.s32 $0xFFFFFF70, s16;
	v22 =	vperm.xlane v4, v60;
	v1 =	vperm.xlane v4, v49;
	v4 =	vadd.s32 $0xFFFFFFFF, v38;
	v24, _, _ =	vpop (xrf0);
	[tilespmem:$0x1FD20] =	vst v2  }
0x2b8: {  	v35 =	vor.u32 s0, v7;
	v44 =	vperm.xlane v56, v60;
	v41 =	vadd.s32 v24, v45;
	v38 =	vld [tilespmem:s18+$0xFFFFFF40];
	[tilespmem:$0x1FD30] =	vst v3  }
0x2b9: {  	s15 =	sadd.s32 $0xFFFFFFB0, s16;
	v33 =	vadd.s32 v0, v33;
	v41 =	vadd.s32 $0xFFFFFFFF, v41;
	v45, _, _ =	vpop (xrf0);
	[tilespmem:v40+s26+$0x0] =	vst.idx.msk vm6, v35  }
0x2ba: {  	s5 =	sadd.s32 $0x200, s19;
	v2 =	vimm.s32 $0xC;
	v3 =	vor.u32 s15, v7;
	v35 =	vadd.s32 v45, v44;
	[tilespmem:v40+s28+$0x0] =	vst.idx.msk vm6, v33  }
0x2bb: {  	v44 =	vperm.xlane v43, v2;
	v33 =	vor.u32 s5, v7;
	v35 =	vadd.s32 $0xFFFFFFFF, v35;
	[tilespmem:$0x1FD40] =	vst v3  }
0x2bc: {  	s23 =	sadd.s32 $0x40, s19;
	v32 =	vadd.s32 v0, v32;
	v45 =	vperm.xlane v19, v58;
	v40, _, _ =	vpop (xrf0);
	[tilespmem:v4+s26+$0x0] =	vst.idx.msk vm7, v33  }
0x2bd: {  	v40 =	vadd.s32 v40, v44;
	[tilespmem:v4+s28+$0x0] =	vst.idx.msk vm7, v32;
	v4 =	vor.u32 s23, v7  }
0x2be: {  	s25 =	sadd.s32 $0x80, s16;
	v44 =	vadd.s32 v39, v45;
	[tilespmem:v41+s26+$0x0] =	vst.idx.msk vm8, v4;
	v4 =	vadd.s32 v0, v29  }
0x2bf: {  	v3 =	vperm.xlane v5, v59;
	v33 =	vld [tilespmem:s17+$0xFFFFFF80];
	v29 =	vadd.s32 $0xFFFFFFFF, v44;
	v44 =	vor.u32 s25, v7;
	[tilespmem:v41+s28+$0x0] =	vst.idx.msk vm8, v4  }
0x2c0: {  	v38 =	vsub.s32 v38, v23;
	v32 =	vadd.s32 $0xFFFFFFFF, v40;
	v39 =	vld [tilespmem:s21+$0x10];
	[tilespmem:v35+s26+$0x0] =	vst.idx.msk vm5, v44  }
0x2c1: {  	vm6 =	vlt.u32 v38, $0x310;
	v40 =	vld [tilespmem:s18+$0x50];
	[tilespmem:$0x1FD50] =	vst v3;
	v3 =	vperm.xlane v5, v60  }
0x2c2: {  	v45 =	vsel vm6, $0x1, v58  }
0x2c3: {  	s3 =	sadd.s32 $0xFFFFFFC0, s13;
	s30 =	sadd.s32 $0xC0, s13;
	(xrf0) =	vadd.scan.msk.s32 $0xffff, v45;
	v45 =	vadd.s32 v0, v13;
	[tilespmem:$0x1FD60] =	vst v3  }
0x2c4: {  	v8 =	vor.u32 s3, v7;
	s3 =	sadd.s32 $0xFFFFFF80, s16;
	v44 =	vor.u32 s30, v7;
	[tilespmem:v35+s28+$0x0] =	vst.idx.msk vm5, v45  }
0x2c5: {  	v21 =	vor.u32 s3, v7;
	s3 =	sadd.s32 $0xFFFFFF00, s5;
	v17 =	vadd.s32 v30, v17;
	[tilespmem:v32+s26+$0x0] =	vst.idx.msk vm4, v44;
	v45 =	vadd.s32 v0, v37  }
0x2c6: {  	v13 =	vperm.xlane v5, v49;
	v33 =	vsub.s32 v33, v23;
	v44 =	vor.u32 s3, v7;
	[tilespmem:v32+s28+$0x0] =	vst.idx.msk vm4, v45  }
0x2c7: {  	v17 =	vadd.s32 $0xFFFFFFFF, v17;
	v39 =	vsub.s32 v39, v23;
	v30 =	vld [tilespmem:s17+$0x90];
	v45 =	vadd.s32 v0, v34;
	[tilespmem:v29+s26+$0x0] =	vst.idx.msk vm0, v44  }
0x2c8: {  	v28 =	vperm.xlane v5, v51;
	vm3 =	vlt.u32 v33, $0x310;
	vm5 =	vlt.u32 v39, $0x310;
	[tilespmem:v29+s28+$0x0] =	vst.idx.msk vm0, v45  }
0x2c9: {  	v32 =	vsub.s32 v40, v23;
	v44 =	vsel vm3, $0x1, v58;
	v34 =	vld [tilespmem:s12+$0xD0];
	v29 =	vsel vm5, $0x1, v58;
	v35, _, _ =	vpop (xrf0);
	[tilespmem:$0x1FD70] =	vst v13  }
0x2ca: {  	vm8 =	vlt.u32 v32, $0x310;
	(xrf0) =	vadd.scan.msk.s32 $0xffff, v29;
	v28 =	vadd.s32 v35, v28;
	v13 =	vperm.xlane v5, v50;
	v45 =	vld [tilespmem:s21+$0xFFFFFF10]  }
0x2cb: {  	v27 =	vadd.s32 v0, v27;
	v29 =	vsel vm8, $0x1, v58;
	(xrf0) =	vadd.scan.msk.s32 $0xffff, v44;
	v28 =	vadd.s32 $0xFFFFFFFF, v28  }
0x2cc: {  	s0 =	sadd.s32 $0xFFFFFF40, s19;
	v12 =	vadd.s32 v36, v12;
	[tilespmem:$0x1FD80] =	vst v13;
	(xrf0) =	vadd.scan.msk.s32 $0xffff, v29;
	v30 =	vsub.s32 v30, v23  }
0x2cd: {  	v12 =	vadd.s32 $0xFFFFFFFF, v12;
	v41 =	vor.u32 s0, v7;
	[tilespmem:v17+s26+$0x0] =	vst.idx.msk vm2, v15;
	vm7 =	vlt.u32 v30, $0x310  }
0x2ce: {  	v13 =	vperm.xlane v5, v53;
	v29 =	vsub.s32 v34, v23;
	[tilespmem:v17+s28+$0x0] =	vst.idx.msk vm2, v27;
	v15 =	vsel vm7, $0x1, v58  }
0x2cf: {  	v27 =	vperm.xlane v31, v63;
	vm4 =	vlt.u32 v29, $0x310;
	(xrf0) =	vadd.scan.msk.s32 $0xffff, v15;
	v15 =	vld [tilespmem:s12+$0xFFFFFFB0];
	v17 =	vsub.s32 v45, v23  }
0x2d0: {  	v35 =	vadd.s32 v0, v38;
	v40 =	vsel vm4, $0x1, v58;
	v44, _, _ =	vpop (xrf0);
	[tilespmem:v28+s26+$0x0] =	vst.idx.msk vm6, v41;
	vm2 =	vlt.u32 v17, $0x310  }
0x2d1: {  	(xrf0) =	vadd.scan.msk.s32 $0xffff, v40;
	v27 =	vadd.s32 v44, v27;
	v40 =	vperm.xlane v26, v47;
	v37, _, _ =	vpop (xrf0);
	[tilespmem:$0x1FD90] =	vst v13  }
0x2d2: {  	v45 =	vsel vm2, $0x1, v58;
	[tilespmem:v28+s28+$0x0] =	vst.idx.msk vm6, v35;
	v27 =	vadd.s32 $0xFFFFFFFF, v27;
	v28, _, _ =	vpop (xrf0)  }
0x2d3: {  	v28 =	vadd.s32 v28, v40  }
0x2d4: {  	v41 =	vperm.xlane v56, v49;
	(xrf0) =	vadd.scan.msk.s32 $0xffff, v45;
	v28 =	vadd.s32 $0xFFFFFFFF, v28;
	v15 =	vsub.s32 v15, v23  }
0x2d5: {  	s4 =	sadd.s32 $0x10, s5;
	v25 =	vadd.s32 v0, v25;
	[tilespmem:v12+s26+$0x0] =	vst.idx.msk vm1, v10;
	v45, _, _ =	vpop (xrf0);
	vm0 =	vlt.u32 v15, $0x310  }
0x2d6: {  	[tilespmem:v12+s28+$0x0] =	vst.idx.msk vm1, v25;
	v25 =	vor.u32 s4, v7;
	v10 =	vadd.s32 v45, v41;
	v12 =	vsel vm0, $0x1, v58  }
0x2d7: {  	s6 =	sadd.s32 $0x50, s19;
	[tilespmem:v27+s26+$0x0] =	vst.idx.msk vm5, v25;
	v10 =	vadd.s32 $0xFFFFFFFF, v10;
	(xrf0) =	vadd.scan.msk.s32 $0xffff, v12;
	v12 =	vadd.s32 v0, v39  }
0x2d8: {  	v32 =	vadd.s32 v0, v32;
	v41 =	vor.u32 s6, v7;
	[tilespmem:v27+s28+$0x0] =	vst.idx.msk vm5, v12  }
0x2d9: {  	v44 =	vperm.xlane v19, v63;
	v13 =	vperm.xlane v5, v2;
	v34 =	vld [tilespmem:s18+$0xFFFFFF50];
	v40, _, _ =	vpop (xrf0);
	[tilespmem:v28+s26+$0x0] =	vst.idx.msk vm8, v41  }
0x2da: {  	s7 =	sadd.s32 $0x90, s16;
	v63 =	vperm.xlane v43, v54;
	v45 =	vld [tilespmem:s20+$0xFFFFFFE0];
	[tilespmem:v28+s28+$0x0] =	vst.idx.msk vm8, v32;
	v12, _, _ =	vpop (xrf0)  }
0x2db: {  	v28 =	vor.u32 s7, v7;
	v12 =	vadd.s32 v12, v44;
	v44 =	vld [tilespmem:s21+$0x20];
	[tilespmem:$0x1FDA0] =	vst v13;
	v13 =	vperm.xlane v5, v54  }
0x2dc: {  	v25 =	vadd.s32 v40, v63;
	[tilespmem:v10+s26+$0x0] =	vst.idx.msk vm7, v28  }
0x2dd: {  	v24 =	vperm.xlane v5, v47;
	v25 =	vadd.s32 $0xFFFFFFFF, v25;
	v32 =	vld [tilespmem:s18+$0x60];
	[tilespmem:$0x1FDB0] =	vst v13;
	v13 =	vperm.xlane v5, v55  }
0x2de: {  	v4 =	vperm.xlane v5, v48;
	v27 =	vsub.s32 v34, v23;
	v12 =	vadd.s32 $0xFFFFFFFF, v12  }
0x2df: {  	s9 =	sadd.s32 $0xFFFFFF90, s16;
	vm5 =	vlt.u32 v27, $0x310;
	v28 =	vadd.s32 v0, v30;
	v5 =	vperm.xlane v5, v62;
	[tilespmem:$0x1FDC0] =	vst v13  }
0x2e0: {  	v18 =	vor.u32 s9, v7;
	s9 =	sadd.s32 $0xD0, s13;
	v22 =	vadd.s32 v37, v22;
	v63 =	vsel vm5, $0x1, v58;
	[tilespmem:v10+s28+$0x0] =	vst.idx.msk vm7, v28  }
0x2e1: {  	s15 =	sadd.s32 $0xFFFFFF10, s5;
	v22 =	vadd.s32 $0xFFFFFFFF, v22;
	(xrf0) =	vadd.scan.msk.s32 $0xffff, v63;
	v10 =	vor.u32 s9, v7;
	[tilespmem:$0x1FDD0] =	vst v5  }
0x2e2: {  	v30 =	vsub.s32 v44, v23;
	[tilespmem:v25+s26+$0x0] =	vst.idx.msk vm4, v10;
	v10 =	vadd.s32 v0, v29;
	v29 =	vor.u32 s15, v7  }
0x2e3: {  	v17 =	vadd.s32 v0, v17;
	vm8 =	vlt.u32 v30, $0x310;
	v5 =	vld [tilespmem:s17+$0xA0];
	[tilespmem:v12+s26+$0x0] =	vst.idx.msk vm2, v29  }
0x2e4: {  	[tilespmem:v12+s28+$0x0] =	vst.idx.msk vm2, v17;
	v12 =	vsel vm8, $0x1, v58  }
0x2e5: {  	[tilespmem:v25+s28+$0x0] =	vst.idx.msk vm4, v10  }
0x2e6: {  	v10 =	vsub.s32 v45, v23;
	v25 =	vld [tilespmem:s12+$0xE0];
	v17 =	vsub.s32 v32, v23;
	v29, _, _ =	vpop (xrf0);
	(xrf0) =	vadd.scan.msk.s32 $0xffff, v12  }
0x2e7: {  	v39 =	vadd.s32 v0, v33;
	[tilespmem:v22+s26+$0x0] =	vst.idx.msk vm3, v21;
	vm1 =	vlt.u32 v10, $0x310;
	vm7 =	vlt.u32 v17, $0x310;
	v12, _, _ =	vpop (xrf0)  }
0x2e8: {  	[tilespmem:v22+s28+$0x0] =	vst.idx.msk vm3, v39;
	v40 =	vld [tilespmem:s21+$0xFFFFFF20];
	v41 =	vsub.s32 v5, v23;
	v12 =	vadd.s32 v12, v24;
	v24 =	vsel vm7, $0x1, v58  }
0x2e9: {  	v5 =	vsel vm1, $0x1, v58;
	vm6 =	vlt.u32 v41, $0x310;
	v12 =	vadd.s32 $0xFFFFFFFF, v12;
	(xrf0) =	vadd.scan.msk.s32 $0xffff, v24  }
0x2ea: {  	v15 =	vadd.s32 v0, v15;
	v21 =	vsel vm6, $0x1, v58;
	(xrf0) =	vadd.scan.msk.s32 $0xffff, v5;
	v5 =	vadd.s32 v29, v14;
	v14 =	vld [tilespmem:s17+$0xFFFFFF90]  }
0x2eb: {  	s10 =	sadd.s32 $0xFFFFFF50, s19;
	v22 =	vperm.xlane v31, v46;
	v24 =	vsub.s32 v25, v23;
	(xrf0) =	vadd.scan.msk.s32 $0xffff, v21;
	v5 =	vadd.s32 $0xFFFFFFFF, v5  }
0x2ec: {  	v27 =	vadd.s32 v0, v27;
	v28 =	vor.u32 s10, v7;
	vm4 =	vlt.u32 v24, $0x310;
	v29, _, _ =	vpop (xrf0)  }
0x2ed: {  	v21 =	vsub.s32 v40, v23;
	v25 =	vsel vm4, $0x1, v58;
	v22 =	vadd.s32 v29, v22  }
0x2ee: {  	(xrf0) =	vadd.scan.msk.s32 $0xffff, v25;
	v22 =	vadd.s32 $0xFFFFFFFF, v22;
	[tilespmem:v12+s26+$0x0] =	vst.idx.msk vm5, v28;
	v28 =	vperm.xlane v26, v48  }
0x2ef: {  	vm3 =	vlt.u32 v21, $0x310;
	v29 =	vperm.xlane v42, v62;
	[tilespmem:v12+s28+$0x0] =	vst.idx.msk vm5, v27;
	v12, _, _ =	vpop (xrf0);
	v14 =	vsub.s32 v14, v23  }
0x2f0: {  	v27 =	vld [tilespmem:s18+$0xFFFFFF60];
	v12 =	vadd.s32 v12, v28;
	v28 =	vperm.xlane v56, v50;
	v42, _, _ =	vpop (xrf0);
	[tilespmem:v5+s26+$0x0] =	vst.idx.msk vm0, v11;
	vm2 =	vlt.u32 v14, $0x310  }
0x2f1: {  	s23 =	sadd.s32 $0x20, s5;
	v25 =	vsel vm3, $0x1, v58;
	v12 =	vadd.s32 $0xFFFFFFFF, v12;
	v44, _, _ =	vpop (xrf0);
	[tilespmem:v5+s28+$0x0] =	vst.idx.msk vm0, v15;
	v5 =	vsel vm2, $0x1, v58  }
0x2f2: {  	(xrf0) =	vadd.scan.msk.s32 $0xffff, v25;
	v15 =	vor.u32 s23, v7;
	v11 =	vadd.s32 v44, v28;
	v28 =	vperm.xlane v43, v55  }
0x2f3: {  	s30 =	sadd.s32 $0xFFFFFFC0, s16;
	(xrf0) =	vadd.scan.msk.s32 $0xffff, v5;
	[tilespmem:v22+s26+$0x0] =	vst.idx.msk vm8, v15;
	v5 =	vadd.s32 v0, v30;
	v11 =	vadd.s32 $0xFFFFFFFF, v11  }
0x2f4: {  	s25 =	sadd.s32 $0x60, s19;
	v3 =	vor.u32 s30, v7;
	v45, _, _ =	vpop (xrf0);
	[tilespmem:v22+s28+$0x0] =	vst.idx.msk vm8, v5  }
0x2f5: {  	v15 =	vadd.s32 v45, v28;
	[tilespmem:$0x1FDE0] =	vst v3;
	v28 =	vsub.s32 v27, v23;
	v27 =	vor.u32 s25, v7  }
0x2f6: {  	s0 =	sadd.s32 $0xA0, s16;
	v17 =	vadd.s32 v0, v17;
	v30 =	vadd.s32 $0xFFFFFFFF, v15;
	[tilespmem:v12+s26+$0x0] =	vst.idx.msk vm7, v27  }
0x2f7: {  	v25 =	vperm.xlane v19, v46;
	[tilespmem:v12+s28+$0x0] =	vst.idx.msk vm7, v17;
	v12 =	vor.u32 s0, v7  }
0x2f8: {  	s4 =	sadd.s32 $0xFFFFFFD0, s16;
	v22, _, _ =	vpop (xrf0);
	[tilespmem:v11+s26+$0x0] =	vst.idx.msk vm6, v12;
	v12 =	vadd.s32 v0, v41  }
0x2f9: {  	s3 =	sadd.s32 $0xE0, s13;
	v3 =	vor.u32 s4, v7;
	v15 =	vadd.s32 v22, v25;
	v25 =	vld [tilespmem:s12+$0xFFFFFFC0];
	[tilespmem:v11+s28+$0x0] =	vst.idx.msk vm6, v12  }
0x2fa: {  	v46 =	vld [tilespmem:s21+$0x30];
	v11 =	vor.u32 s3, v7;
	[tilespmem:$0x1FDF0] =	vst v3  }
0x2fb: {  	[tilespmem:v30+s26+$0x0] =	vst.idx.msk vm4, v11;
	v11 =	vadd.s32 v0, v24;
	v24, _, _ =	vpop (xrf0)  }
0x2fc: {  	v22 =	vadd.s32 $0xFFFFFFFF, v15;
	v3 =	vperm.xlane v19, v47;
	v1 =	vadd.s32 v24, v1  }
0x2fd: {  	v1 =	vadd.s32 $0xFFFFFFFF, v1  }
0x2fe: {  	s7 =	sadd.s32 $0xFFFFFFE0, s16;
	[tilespmem:$0x1FE00] =	vst v3  }
0x2ff: {  	s6 =	sadd.s32 $0xFFFFFF20, s5;
	v5 =	vor.u32 s7, v7;
	[tilespmem:v30+s28+$0x0] =	vst.idx.msk vm4, v11  }
0x300: {  	v12 =	vor.u32 s6, v7;
	v47 =	vld [tilespmem:s18+$0x70];
	[tilespmem:$0x1FE10] =	vst v5  }
0x301: {  	[tilespmem:v22+s26+$0x0] =	vst.idx.msk vm3, v12  }
0x302: {  	v12 =	vadd.s32 v0, v14;
	[tilespmem:v1+s26+$0x0] =	vst.idx.msk vm2, v18  }
0x303: {  	v11 =	vadd.s32 v0, v21;
	v21 =	vld [tilespmem:s17+$0xB0];
	[tilespmem:v1+s28+$0x0] =	vst.idx.msk vm2, v12;
	v1 =	vperm.xlane v19, v60  }
0x304: {  	vm5 =	vlt.u32 v28, $0x310;
	v14 =	vsub.s32 v25, v23;
	v25 =	vld [tilespmem:s12+$0xF0];
	[tilespmem:v22+s28+$0x0] =	vst.idx.msk vm3, v11  }
0x305: {  	v15 =	vsel vm5, $0x1, v58;
	v22 =	vld [tilespmem:s21+$0xFFFFFF30];
	[tilespmem:$0x1FE20] =	vst v1;
	v1 =	vperm.xlane v19, v49  }
0x306: {  	(xrf0) =	vadd.scan.msk.s32 $0xffff, v15  }
0x307: {  	s15 =	sadd.s32 $0xFFFFFF70, s19;
	[tilespmem:$0x1FE30] =	vst v1;
	v1 =	vperm.xlane v19, v50  }
0x308: {  	v16 =	vadd.s32 v0, v16;
	s9 =	sadd.s32 $0xFFFFFFF0, s16;
	v35 =	vor.u32 s15, v7;
	v10 =	vadd.s32 v0, v10  }
0x309: {  	v20 =	vadd.s32 v20, v29;
	v6 =	vadd.s32 v42, v6;
	[tilespmem:$0x1FE40] =	vst v1;
	v1 =	vor.u32 s9, v7  }
0x30a: {  	v29 =	vperm.xlane v19, v52;
	v20 =	vadd.s32 $0xFFFFFFFF, v20;
	[tilespmem:$0x1FE50] =	vst v1;
	v1 =	vperm.xlane v19, v53  }
0x30b: {  	v30 =	vadd.s32 $0xFFFFFFFF, v6;
	vm0 =	vlt.u32 v14, $0x310;
	v11 =	vsub.s32 v46, v23  }
0x30c: {  	v6, _, _ =	vpop (xrf0);
	v24 =	vsel vm0, $0x1, v58;
	vm6 =	vlt.u32 v11, $0x310;
	v44 =	vsub.s32 v47, v23;
	[tilespmem:$0x1FE60] =	vst v1;
	v1 =	vld [tilespmem:$0x1FE70]  }
0x30d: {  	v4 =	vadd.s32 v6, v4;
	(xrf0) =	vadd.scan.msk.s32 $0xffff, v24;
	v24 =	vsel vm6, $0x1, v58;
	vm4 =	vlt.u32 v44, $0x310  }
0x30e: {  	v4 =	vadd.s32 $0xFFFFFFFF, v4;
	(xrf0) =	vadd.scan.msk.s32 $0xffff, v24;
	v24 =	vsub.s32 v21, v23;
	v18 =	vsel vm4, $0x1, v58  }
0x30f: {  	v6 =	vsub.s32 v25, v23;
	vm3 =	vlt.u32 v24, $0x310;
	v21 =	vsub.s32 v22, v23  }
0x310: {  	(xrf0) =	vadd.scan.msk.s32 $0xffff, v18;
	vm15 =	vlt.u32 v6, $0x310;
	v18 =	vsel vm3, $0x1, v58;
	vm2 =	vlt.u32 v21, $0x310  }
0x311: {  	(xrf0) =	vadd.scan.msk.s32 $0xffff, v18;
	v22 =	vsel vm2, $0x1, v58;
	[tilespmem:v30+s26+$0x0] =	vst.idx.msk vm1, v1;
	v1 =	vperm.xlane v19, v2  }
0x312: {  	s10 =	sadd.s32 $0xFFFFFF60, s19;
	v27 =	vperm.xlane v19, v51;
	v15 =	vperm.xlane v19, v48;
	v12 =	vsel vm15, $0x1, v58  }
0x313: {  	v3 =	vor.u32 s10, v7;
	v25 =	vadd.s32 v0, v28;
	(xrf0) =	vadd.scan.msk.s32 $0xffff, v12;
	[tilespmem:$0x1FE80] =	vst v1  }
0x314: {  	s23 =	sadd.s32 $0xFFFFFF80, s19;
	v49 =	vperm.xlane v43, v62;
	v18 =	vperm.xlane v19, v59;
	(xrf0) =	vadd.scan.msk.s32 $0xffff, v22;
	v22, _, _ =	vpop (xrf0);
	[tilespmem:v30+s28+$0x0] =	vst.idx.msk vm1, v10  }
0x315: {  	v17 =	vor.u32 s23, v7;
	s10 =	sadd.s32 $0xFFFFFF30, s5;
	v43 =	vadd.s32 v0, v21;
	v10, _, _ =	vpop (xrf0);
	[tilespmem:v4+s26+$0x0] =	vst.idx.msk vm5, v3;
	v3 =	vperm.xlane v26, v59  }
0x316: {  	s25 =	sadd.s32 $0xFFFFFF90, s19;
	v37 =	vor.u32 s10, v7;
	v1 =	vperm.xlane v19, v62;
	v28 =	vld [tilespmem:s17+$0xFFFFFFA0];
	v48, _, _ =	vpop (xrf0);
	[tilespmem:v4+s28+$0x0] =	vst.idx.msk vm5, v25;
	v4 =	vperm.xlane v56, v53  }
0x317: {  	s6 =	sadd.s32 $0xF0, s11;
	v21 =	vor.u32 s25, v7;
	v22 =	vadd.s32 v22, v9;
	v50 =	vld [tilespmem:s20+$0xFFFFFFF0];
	v25, _, _ =	vpop (xrf0);
	v3 =	vadd.s32 v48, v3  }
0x318: {  	s7 =	sadd.s32 $0xFFFFFFC0, s19;
	s0 =	sadd.s32 $0xFFFFFFB0, s19;
	v4 =	vadd.s32 v25, v4;
	v25 =	vld [tilespmem:s18+$0xFFFFFF70];
	[tilespmem:$0x1FE90] =	vst v1;
	v46 =	vadd.s32 $0xFFFFFFFF, v3;
	v3 =	vor.u32 s6, v7  }
0x319: {  	v12 =	vor.u32 s7, v7;
	s9 =	sadd.s32 $0xFFFFFFD0, s19;
	v22 =	vadd.s32 $0xFFFFFFFF, v22;
	v1 =	vor.u32 s0, v7;
	[tilespmem:v20+s26+$0x0] =	vst.idx.msk vm9, v3  }
0x31a: {  	s7 =	sadd.s32 $0xFFFFFF90, s5;
	v9 =	vperm.xlane v19, v54;
	v30 =	vperm.xlane v31, v52;
	[tilespmem:$0x1FEA0] =	vst v1;
	v1 =	vor.u32 s9, v7  }
0x31b: {  	s15 =	sadd.s32 $0xFFFFFF40, s5;
	v54 =	vperm.xlane v19, v55;
	v55 =	vor.u32 s7, v7;
	v2 =	vadd.s32 v0, v14;
	s6 =	sadd.s32 $0xFFFFFFF0, s19;
	[tilespmem:$0x1FEB0] =	vst v1  }
0x31c: {  	s10 =	sadd.s32 $0xFFFFFFB0, s5;
	v19 =	vor.u32 s15, v7;
	v10 =	vadd.s32 v10, v30;
	v1 =	vor.u32 s6, v7;
	[tilespmem:v20+s28+$0x0] =	vst.idx.msk vm9, v16  }
0x31d: {  	s23 =	sadd.s32 $0xFFFFFF60, s5;
	v62 =	vor.u32 s10, v7;
	s20 =	sadd.s32 $0xFFFFFF50, s5;
	v14 =	vsub.s32 v28, v23;
	v28 =	vadd.s32 $0xFFFFFFFF, v10;
	[tilespmem:$0x1FEC0] =	vst v1  }
0x31e: {  	s30 =	sadd.s32 $0xFFFFFFA0, s19;
	v32 =	vor.u32 s20, v7;
	v42 =	vadd.s32 $0xFFFFFFFF, v4;
	v1 =	vor.u32 s23, v7;
	[tilespmem:v22+s26+$0x0] =	vst.idx.msk vm0, v8  }
0x31f: {  	s0 =	sadd.s32 $0x30, s5;
	v30, _, _ =	vpop (xrf0);
	vm1 =	vlt.u32 v14, $0x310;
	v41 =	vadd.s32 v0, v14;
	v14 =	vor.u32 s30, v7;
	s30 =	sadd.s32 $0xFFFFFF80, s5;
	[tilespmem:$0x1FED0] =	vst v1  }
0x320: {  	s25 =	sadd.s32 $0xFFFFFF70, s5;
	v4 =	vadd.s32 v0, v11;
	v3 =	vor.u32 s0, v7;
	v63, _, _ =	vpop (xrf0);
	v1 =	vor.u32 s30, v7;
	[tilespmem:v22+s28+$0x0] =	vst.idx.msk vm0, v2  }
0x321: {  	s4 =	sadd.s32 $0xFFFFFFE0, s19;
	v30 =	vadd.s32 v30, v49;
	v10 =	vor.u32 s25, v7;
	v38 =	vadd.s32 v63, v29;
	[tilespmem:$0x1FEE0] =	vst v1  }
0x322: {  	s20 =	sadd.s32 $0xFFFFFFD0, s5;
	s9 =	sadd.s32 $0xFFFFFFA0, s5;
	v29 =	vsub.s32 v50, v23;
	v33 =	vadd.s32 $0xFFFFFFFF, v30;
	v50 =	vor.u32 s4, v7;
	[tilespmem:v28+s26+$0x0] =	vst.idx.msk vm6, v3  }
0x323: {  	s15 =	sadd.s32 $0xFFFFFFC0, s5;
	v53 =	vor.u32 s9, v7;
	v45 =	vsub.s32 v25, v23;
	v1 =	vor.u32 s20, v7;
	[tilespmem:v28+s28+$0x0] =	vst.idx.msk vm6, v4  }
0x324: {  	s25 =	sadd.s32 $0xFFFFFFF0, s5;
	s23 =	sadd.s32 $0xFFFFFFE0, s5;
	vm5 =	vlt.u32 v45, $0x310;
	s30 =	sadd.s32 $0x70, s19;
	v22 =	vor.u32 s15, v7;
	v4 =	vsel vm1, $0x1, v58;
	[tilespmem:$0x1FEF0] =	vst v1  }
0x325: {  	s15 =	sadd.s32 $0x200, s21;
	v39 =	vor.u32 s30, v7;
	s20 =	simm.s32 $0x8;
	v28 =	vor.u32 s23, v7;
	(xrf0) =	vadd.scan.msk.s32 $0xffff, v4;
	v4 =	vor.u32 s25, v7;
	v47 =	vld [tilespmem:s12+$0xFFFFFFD0]  }
.LBB2_16:
0x326: {  	v1 =	vmov v22  }
0x327: {  	[tilespmem:$0x1FC00] =	vst v1;
	v1 =	vld [tilespmem:$0x1FCB0];
	_ =	sdelay $0x4  }
0x328: {  	v2 =	vmov v1;
	v1 =	vmov v28  }
0x329: {  	[tilespmem:$0x1FC20] =	vst v1;
	v1 =	vld [tilespmem:$0x1FCD0]  }
0x32a: {  	[tilespmem:$0x1FC10] =	vst v2;
	v2 =	vld [tilespmem:$0x1FE10];
	_ =	sdelay $0x2  }
0x32b: {  	v36 =	vmov v31;
	v31, _, _ =	vpop (xrf0)  }
0x32c: {  	v31 =	vadd.s32 v31, v1;
	v1 =	vld [tilespmem:$0x1FD80]  }
0x32d: {  	s1 =	sadd.s32 $0xB0, s16;
	v3 =	vmov v2;
	v2 =	vmov v50  }
0x32e: {  	[tilespmem:$0x1FE10] =	vst v2;
	v2 =	vor.u32 s1, v7  }
0x32f: {  	v40 =	vld [tilespmem:s15+$0x0];
	v49 =	vsel vm5, $0x1, v58;
	[tilespmem:v46+s26+$0x0] =	vst.idx.msk vm4, v39;
	v44 =	vadd.s32 v0, v44  }
0x330: {  	v48 =	vadd.s32 $0xFFFFFFFF, v38;
	[tilespmem:v46+s28+$0x0] =	vst.idx.msk vm4, v44;
	(xrf0) =	vadd.scan.msk.s32 $0xffff, v49  }
0x331: {  	v28 =	vld [tilespmem:s21+$0x40];
	[tilespmem:v42+s26+$0x0] =	vst.idx.msk vm3, v2;
	v2 =	vmov v1;
	v1 =	vmov v57  }
0x332: {  	[tilespmem:$0x1FBF0] =	vst v1;
	v1 =	vld [tilespmem:$0x1FD50];
	_ =	sdelay $0x2  }
0x333: {  	v22 =	vld [tilespmem:s15+$0xFFFFFF00];
	[tilespmem:v48+s26+$0x0] =	vst.idx.msk vm2, v37  }
0x334: {  	[tilespmem:v48+s28+$0x0] =	vst.idx.msk vm2, v43;
	v43 =	vsub.s32 v28, v23;
	v28, _, _ =	vpop (xrf0)  }
0x335: {  	s10 =	sadd.s32 $0xF0, s13;
	v28 =	vadd.s32 v28, v1;
	v1 =	vmov v18  }
0x336: {  	v39 =	vsub.s32 v47, v23;
	v50 =	vor.u32 s10, v7;
	v47 =	vadd.s32 $0xFFFFFFFF, v31;
	[tilespmem:$0x1FD50] =	vst v1;
	v1 =	vld [tilespmem:$0x1FD30]  }
0x337: {  	v6 =	vadd.s32 v0, v6;
	[tilespmem:v33+s26+$0x0] =	vst.idx.msk vm15, v50  }
0x338: {  	v24 =	vadd.s32 v0, v24;
	s14 =	sadd.s32 $0x20, s14;
	vm7 =	vlt.u32 v39, $0x310;
	v46 =	vld [tilespmem:s18+$0x80];
	[tilespmem:v33+s28+$0x0] =	vst.idx.msk vm15, v6  }
0x339: {  	v44 =	vld [tilespmem:s14+$0xFFFFFFF0];
	v31 =	vsel vm7, $0x1, v58;
	[tilespmem:v42+s28+$0x0] =	vst.idx.msk vm3, v24  }
0x33a: {  	(xrf0) =	vadd.scan.msk.s32 $0xffff, v31;
	v6 =	vsub.s32 v22, v23;
	v22 =	vld [tilespmem:s17+$0xC0]  }
0x33b: {  	v18 =	vld [tilespmem:s21+$0xFFFFFF40];
	[tilespmem:v47+s26+$0x0] =	vst.idx.msk vm1, v1;
	v1 =	vmov v14  }
0x33c: {  	[tilespmem:$0x1FD30] =	vst v1;
	v1 =	vld [tilespmem:$0x1FC90];
	_ =	sdelay $0x2  }
0x33d: {  	[tilespmem:$0x1FCD0] =	vst v2;
	v2 =	vld [tilespmem:$0x1FE40]  }
0x33e: {  	v48 =	vsub.s32 v22, v23;
	v22, _, _ =	vpop (xrf0)  }
0x33f: {  	v22 =	vadd.s32 v22, v1;
	v1 =	vadd.s32 v0, v29  }
0x340: {  	[tilespmem:$0x1FC40] =	vst v1;
	v1 =	vld [tilespmem:$0x1FD00]  }
0x341: {  	v50 =	vsub.s32 v40, v23  }
0x342: {  	vm6 =	vlt.u32 v50, $0x310;
	v2 =	vmov v2  }
0x343: {  	v63 =	vsel vm6, $0x1, v58  }
0x344: {  	vm3 =	vlt.u32 v6, $0x310;
	(xrf0) =	vadd.scan.msk.s32 $0xffff, v63  }
0x345: {  	vm0 =	vlt.u32 v29, $0x310;
	vm15 =	vlt.u32 v43, $0x310;
	v34 =	vsel vm3, $0x1, v58;
	[tilespmem:$0x1FD80] =	vst v2;
	v2 =	vmovc v1  }
0x346: {  	v40 =	vsel vm15, $0x1, v58;
	(xrf0) =	vadd.scan.msk.s32 $0xffff, v34;
	v46 =	vsub.s32 v46, v23;
	[tilespmem:$0x1FC90] =	vst v2;
	v2 =	vld [tilespmem:$0x1FDB0]  }
0x347: {  	v24 =	vsel vm0, $0x1, v58;
	(xrf0) =	vadd.scan.msk.s32 $0xffff, v40;
	vm4 =	vlt.u32 v46, $0x310  }
0x348: {  	v31 =	vld [tilespmem:s14+$0x0];
	(xrf0) =	vadd.scan.msk.s32 $0xffff, v24;
	vm2 =	vlt.u32 v48, $0x310;
	v14 =	vsel vm4, $0x1, v58  }
0x349: {  	v24 =	vsel vm2, $0x1, v58;
	(xrf0) =	vadd.scan.msk.s32 $0xffff, v14  }
0x34a: {  	v42 =	vadd.s32 v0, v39;
	v39 =	vmov v53;
	v53, _, _ =	vpop (xrf0);
	(xrf0) =	vadd.scan.msk.s32 $0xffff, v24  }
0x34b: {  	[tilespmem:$0x1FCB0] =	vst v3;
	v2 =	vmov v2  }
0x34c: {  	v57 =	vperm.xlane v36, v51;
	v16, _, _ =	vpop (xrf0);
	v1 =	vmov v9;
	[tilespmem:$0x1FD00] =	vst v2;
	v2 =	vperm.xlane v44, v58  }
0x34d: {  	v11 =	vimm.s32 $0xC;
	v3 =	vperm.xlane v31, v58;
	v29, _, _ =	vpop (xrf0);
	[tilespmem:$0x1FDB0] =	vst v1;
	v1 =	vperm.xlane v44, v52  }
0x34e: {  	v28 =	vadd.s32 $0xFFFFFFFF, v28;
	[tilespmem:v47+s28+$0x0] =	vst.idx.msk vm1, v41;
	v16 =	vadd.s32 v16, v2;
	v2 =	vadd.s32 v29, v57;
	v29, _, _ =	vpop (xrf0)  }
0x34f: {  	[tilespmem:$0x1FC50] =	vst v1;
	v1 =	vimm.s32 $0x4;
	v41 =	vadd.s32 $0xFFFFFFFF, v2;
	v63, _, _ =	vpop (xrf0);
	v2 =	vperm.xlane v56, v11  }
0x350: {  	v51 =	vperm.xlane v44, v1;
	v1 =	vld [tilespmem:$0x1FC80];
	v57, _, _ =	vpop (xrf0)  }
0x351: {  	v47 =	vadd.s32 $0xFFFFFFFF, v22;
	v9 =	vadd.s32 v53, v3;
	v3 =	vadd.s32 v57, v2;
	v2 =	vld [tilespmem:$0x1FDF0]  }
0x352: {  	v5 =	vmov v12  }
0x353: {  	[tilespmem:$0x1FC30] =	vst v5;
	v9 =	vadd.s32 $0xFFFFFFFF, v9  }
0x354: {  	v45 =	vadd.s32 v0, v45;
	v49 =	vld [tilespmem:s17+$0xFFFFFFB0];
	[tilespmem:v28+s26+$0x0] =	vst.idx.msk vm5, v35  }
0x355: {  	s13 =	smov.u32 s16;
	[tilespmem:v28+s28+$0x0] =	vst.idx.msk vm5, v45  }
0x356: {  	s16 =	smov.u32 s19;
	s19 =	smov.u32 s5;
	s5 =	sadd.s32 $0x200, s5;
	v18 =	vsub.s32 v18, v23;
	v28 =	vperm.xlane v26, v60;
	v53 =	vld [tilespmem:s18+$0xFFFFFF80];
	[tilespmem:v47+s26+$0x0] =	vst.idx.msk vm7, v1;
	v1 =	vmov v2  }
0x357: {  	vm1 =	vlt.u32 v18, $0x310;
	v35 =	vor.u32 s5, v7;
	v16 =	vadd.s32 $0xFFFFFFFF, v16;
	[tilespmem:$0x1FC80] =	vst v1;
	v1 =	vld [tilespmem:$0x1FEB0]  }
0x358: {  	[tilespmem:v9+s26+$0x0] =	vst.idx.msk vm6, v35;
	v28 =	vadd.s32 v63, v28;
	v63 =	vsel vm1, $0x1, v58;
	v58 =	vadd.s32 v0, v50  }
0x359: {  	s6 =	sadd.s32 $0x40, s19;
	[tilespmem:v9+s28+$0x0] =	vst.idx.msk vm6, v58  }
0x35a: {  	s23 =	sadd.s32 $0xFFFFFF00, s5;
	v14 =	vmov v54;
	[tilespmem:v47+s28+$0x0] =	vst.idx.msk vm7, v42;
	v54 =	vadd.s32 $0xFFFFFFFF, v28;
	v9 =	vor.u32 s6, v7;
	v57 =	vld [tilespmem:s15+$0x10]  }
0x35b: {  	v38 =	vmov v55;
	v55 =	vor.u32 s23, v7;
	v28 =	vld [tilespmem:s12+$0xFFFFFFE0];
	(xrf0) =	vadd.scan.msk.s32 $0xffff, v63;
	[tilespmem:v41+s26+$0x0] =	vst.idx.msk vm15, v9  }
0x35c: {  	v5 =	vmov v56;
	v56 =	vadd.s32 $0xFFFFFFFF, v3;
	v3 =	vld [tilespmem:$0x1FDD0];
	[tilespmem:v16+s26+$0x0] =	vst.idx.msk vm3, v55;
	v2 =	vmov v1  }
0x35d: {  	s10 =	sadd.s32 $0x80, s16;
	v9 =	vadd.s32 v0, v43;
	[tilespmem:$0x1FDF0] =	vst v2;
	v2 =	vld [tilespmem:$0x1FEF0]  }
0x35e: {  	[tilespmem:v41+s28+$0x0] =	vst.idx.msk vm15, v9;
	v9 =	vor.u32 s10, v7  }
0x35f: {  	v42 =	vld [tilespmem:s21+$0x50];
	[tilespmem:v54+s26+$0x0] =	vst.idx.msk vm4, v9;
	v9 =	vadd.s32 v0, v46;
	v57 =	vsub.s32 v57, v23  }
0x360: {  	v12 =	vadd.s32 v0, v6;
	v35 =	vmovc v10;
	v10 =	vimm.s32 $0x0;
	[tilespmem:v54+s28+$0x0] =	vst.idx.msk vm4, v9;
	vm4 =	vlt.u32 v57, $0x310  }
0x361: {  	[tilespmem:v16+s28+$0x0] =	vst.idx.msk vm3, v12;
	v16, _, _ =	vpop (xrf0);
	v12 =	vsel vm4, $0x1, v10  }
0x362: {  	(xrf0) =	vadd.scan.msk.s32 $0xffff, v12;
	v12 =	vadd.s32 v16, v27;
	v27 =	vmov v3;
	v3 =	vld [tilespmem:$0x1FE90];
	v1 =	vmov v2  }
0x363: {  	[tilespmem:$0x1FEB0] =	vst v1;
	v1 =	vld [tilespmem:$0x1FD20];
	_ =	sdelay $0x4  }
0x364: {  	v13 =	vmov v1;
	v1 =	vmov v3;
	v3 =	vld [tilespmem:$0x1FCC0]  }
0x365: {  	[tilespmem:$0x1FDD0] =	vst v1;
	v1 =	vld [tilespmem:$0x1FC70];
	_ =	sdelay $0x1  }
0x366: {  	s23 =	sadd.s32 $0xC0, s13  }
0x367: {  	v58 =	vadd.s32 v0, v18;
	v9 =	vor.u32 s23, v7;
	v46 =	vld [tilespmem:s18+$0x90]  }
0x368: {  	v18 =	vperm.xlane v44, v59;
	v59 =	vld [tilespmem:s15+$0xFFFFFF10];
	[tilespmem:v56+s26+$0x0] =	vst.idx.msk vm2, v9;
	v9 =	vadd.s32 v0, v48  }
0x369: {  	v30 =	vimm.s32 $0xA;
	[tilespmem:v56+s28+$0x0] =	vst.idx.msk vm2, v9;
	v56 =	vsub.s32 v42, v23;
	v42 =	vmovc v1;
	v1 =	vmov v3;
	v3 =	vld [tilespmem:$0x1FE50]  }
0x36a: {  	v40 =	vmov v61;
	v61 =	vsub.s32 v53, v23;
	v55 =	vld [tilespmem:s17+$0xD0];
	[tilespmem:$0x1FC70] =	vst v1;
	v1 =	vperm.xlane v44, v30  }
0x36b: {  	v20 =	vmovc v51;
	v9 =	vperm.xlane v44, v60;
	vm2 =	vlt.u32 v61, $0x310;
	v51 =	vadd.s32 $0xFFFFFFFF, v12  }
0x36c: {  	v34 =	vsel vm2, $0x1, v10;
	vm3 =	vlt.u32 v56, $0x310;
	v60 =	vsub.s32 v46, v23  }
0x36d: {  	(xrf0) =	vadd.scan.msk.s32 $0xffff, v34;
	v12 =	vsel vm3, $0x1, v10;
	vm7 =	vlt.u32 v60, $0x310  }
0x36e: {  	(xrf0) =	vadd.scan.msk.s32 $0xffff, v12;
	v34 =	vsel vm7, $0x1, v10;
	[tilespmem:$0x1FE40] =	vst v1;
	v1 =	vmov v3;
	v3 =	vld [tilespmem:$0x1FEC0]  }
0x36f: {  	v55 =	vsub.s32 v55, v23;
	(xrf0) =	vadd.scan.msk.s32 $0xffff, v34;
	v34 =	vsub.s32 v59, v23  }
0x370: {  	v25 =	vimm.s32 $0x1;
	s7 =	sadd.s32 $0xFFFFFF40, s5;
	vm5 =	vlt.u32 v55, $0x310;
	[tilespmem:v51+s26+$0x0] =	vst.idx.msk vm1, v19  }
0x371: {  	v8 =	vor.u32 s7, v7;
	v12 =	vmovc v62;
	v62 =	vsel vm5, $0x1, v10;
	vm6 =	vlt.u32 v34, $0x310;
	[tilespmem:$0x1FCC0] =	vst v1;
	v1 =	vmovc v4  }
0x372: {  	v4 =	vadd.s32 v0, v34;
	v34, _, _ =	vpop (xrf0);
	(xrf0) =	vadd.scan.msk.s32 $0xffff, v62;
	[tilespmem:$0x1FEC0] =	vst v1;
	v1 =	vsel vm6, $0x1, v10  }
0x373: {  	v49 =	vsub.s32 v49, v23;
	[tilespmem:v51+s28+$0x0] =	vst.idx.msk vm1, v58;
	v58, _, _ =	vpop (xrf0);
	v3 =	vmov v3;
	(xrf0) =	vadd.scan.msk.s32 $0xffff, v1;
	v1 =	vld [tilespmem:$0x1FD60]  }
0x374: {  	v63 =	vimm.s32 $0x5;
	v54 =	vadd.s32 v0, v61;
	v61 =	vperm.xlane v31, v25;
	[tilespmem:$0x1FE50] =	vst v3;
	v3 =	vld [tilespmem:$0x1FE20]  }
0x375: {  	v22 =	vperm.xlane v44, v25;
	vm8 =	vlt.u32 v49, $0x310;
	v16 =	vimm.s32 $0x9  }
0x376: {  	s30 =	sadd.s32 $0xFFFFFF60, s5;
	v51 =	vperm.xlane v36, v63;
	v59 =	vadd.s32 v34, v61;
	v34 =	vperm.xlane v26, v16  }
0x377: {  	v52 =	vperm.xlane v44, v63;
	v41 =	vor.u32 s30, v7;
	v61 =	vld [tilespmem:s21+$0xFFFFFF50];
	v59 =	vadd.s32 $0xFFFFFFFF, v59;
	v63, _, _ =	vpop (xrf0)  }
0x378: {  	[tilespmem:$0x1FD20] =	vst v27;
	v27 =	vlaneseq.u32;
	v51 =	vadd.s32 v63, v51;
	v58 =	vadd.s32 v58, v1;
	v1, _, _ =	vpop (xrf0)  }
0x379: {  	s30 =	sadd.s32 $0x10, s5;
	v19 =	vmovc v8;
	v62 =	vsel vm8, $0x1, v10;
	v8 =	vadd.s32 $0xFFFFFFFF, v51;
	v3 =	vmovc v3;
	v51 =	vadd.s32 v1, v34  }
0x37a: {  	v34 =	vmovc v21;
	v21 =	vmovc v15;
	v15 =	vimm.s32 $0xD;
	v1 =	vmov v9;
	v9 =	vor.u32 s30, v27  }
0x37b: {  	v57 =	vadd.s32 v0, v57;
	(xrf0) =	vadd.scan.msk.s32 $0xffff, v62;
	[tilespmem:$0x1FD60] =	vst v3;
	v25 =	vperm.xlane v5, v15  }
0x37c: {  	v62, _, _ =	vpop (xrf0);
	v3 =	vadd.s32 v0, v49;
	[tilespmem:v59+s26+$0x0] =	vst.idx.msk vm4, v9;
	v49 =	vsub.s32 v61, v23  }
0x37d: {  	s25 =	sadd.s32 $0xFFFFFF30, s5;
	[tilespmem:v59+s28+$0x0] =	vst.idx.msk vm4, v57;
	vm4 =	vlt.u32 v49, $0x310;
	v57 =	vadd.s32 v0, v49;
	v49 =	vperm.xlane v44, v11;
	v11 =	vld [tilespmem:$0x1FCE0];
	v9, _, _ =	vpop (xrf0)  }
0x37e: {  	v37 =	vor.u32 s25, v7;
	s1 =	sadd.s32 $0xFFFFFFB0, s5;
	v9 =	vadd.s32 v9, v22  }
0x37f: {  	s3 =	sadd.s32 $0xFFFFFF10, s5;
	[tilespmem:$0x1FE20] =	vst v1;
	v1 =	vadd.s32 $0xFFFFFFFF, v51;
	v51 =	vor.u32 s1, v27;
	s1 =	sadd.s32 $0x50, s19;
	v25 =	vadd.s32 v62, v25  }
0x380: {  	v50 =	vor.u32 s3, v7;
	v62 =	vor.u32 s1, v27;
	v25 =	vadd.s32 $0xFFFFFFFF, v25  }
0x381: {  	s0 =	sadd.s32 $0xFFFFFF70, s5;
	s3 =	sadd.s32 $0xFFFFFF90, s5;
	v59 =	vld [tilespmem:s15+$0x20];
	[tilespmem:v8+s26+$0x0] =	vst.idx.msk vm3, v62;
	v22 =	vadd.s32 v0, v56;
	v62 =	vsel vm4, $0x1, v10;
	v56 =	vadd.s32 $0xFFFFFFFF, v9;
	v9, _, _ =	vpop (xrf0)  }
0x382: {  	s4 =	sadd.s32 $0xFFFFFF20, s5;
	s9 =	sadd.s32 $0xFFFFFF50, s5;
	v33 =	vor.u32 s0, v7;
	v46 =	vor.u32 s3, v7;
	s3 =	sadd.s32 $0x90, s16;
	(xrf0) =	vadd.scan.msk.s32 $0xffff, v62;
	v62 =	vadd.s32 v9, v11;
	v11 =	vld [tilespmem:$0x1FD90]  }
0x383: {  	v45 =	vor.u32 s4, v7;
	s4 =	sadd.s32 $0xFFFFFFA0, s5;
	v47 =	vor.u32 s9, v7;
	s6 =	sadd.s32 $0xFFFFFF80, s5;
	[tilespmem:v8+s28+$0x0] =	vst.idx.msk vm3, v22;
	v8 =	vor.u32 s3, v27  }
0x384: {  	v53 =	vor.u32 s6, v7;
	v7 =	vor.u32 s4, v27;
	s4 =	sadd.s32 $0xD0, s13;
	v61 =	vld [tilespmem:s21+$0x60];
	[tilespmem:v1+s26+$0x0] =	vst.idx.msk vm7, v8;
	v8 =	vadd.s32 v0, v60  }
0x385: {  	[tilespmem:v1+s28+$0x0] =	vst.idx.msk vm7, v8;
	v1 =	vor.u32 s4, v27  }
0x386: {  	v58 =	vadd.s32 $0xFFFFFFFF, v58;
	v60 =	vld [tilespmem:s18+$0xA0];
	[tilespmem:v25+s26+$0x0] =	vst.idx.msk vm5, v1;
	v1 =	vadd.s32 v0, v55  }
0x387: {  	[tilespmem:v25+s28+$0x0] =	vst.idx.msk vm5, v1;
	v25 =	vsub.s32 v28, v23;
	v28 =	vmov v11;
	v11 =	vld [tilespmem:$0x1FE00]  }
0x388: {  	v55 =	vsub.s32 v59, v23  }
0x389: {  	v9 =	vperm.xlane v44, v15;
	[tilespmem:v56+s26+$0x0] =	vst.idx.msk vm6, v50;
	vm9 =	vlt.u32 v55, $0x310  }
0x38a: {  	v59 =	vadd.s32 $0xFFFFFFFF, v62;
	[tilespmem:v56+s28+$0x0] =	vst.idx.msk vm6, v4;
	v15 =	vsel vm9, $0x1, v10;
	v56 =	vsub.s32 v61, v23  }
0x38b: {  	vm1 =	vlt.u32 v25, $0x310;
	v4, _, _ =	vpop (xrf0);
	v61 =	vld [tilespmem:s15+$0xFFFFFF20];
	(xrf0) =	vadd.scan.msk.s32 $0xffff, v15;
	vm15 =	vlt.u32 v56, $0x310;
	[tilespmem:v58+s26+$0x0] =	vst.idx.msk vm2, v17  }
0x38c: {  	v15 =	vsel vm15, $0x1, v10;
	[tilespmem:v58+s28+$0x0] =	vst.idx.msk vm2, v54;
	v54 =	vsub.s32 v60, v23;
	v4 =	vadd.s32 v4, v11;
	v11 =	vld [tilespmem:$0x1FD40]  }
0x38d: {  	[tilespmem:$0x1FCE0] =	vst v28;
	v28 =	vsel vm1, $0x1, v10;
	(xrf0) =	vadd.scan.msk.s32 $0xffff, v15;
	vm7 =	vlt.u32 v54, $0x310  }
0x38e: {  	v1 =	vld [tilespmem:s17+$0xE0];
	v60 =	vsel vm7, $0x1, v10;
	(xrf0) =	vadd.scan.msk.s32 $0xffff, v28  }
0x38f: {  	v6 =	vimm.s32 $0x2;
	(xrf0) =	vadd.scan.msk.s32 $0xffff, v60;
	v60 =	vld [tilespmem:$0x1FE60]  }
0x390: {  	v24 =	vperm.xlane v44, v6  }
0x391: {  	v48 =	vperm.xlane v44, v16;
	v2 =	vimm.s32 $0x6;
	v16 =	vimm.s32 $0xB;
	v58 =	vld [tilespmem:s18+$0xFFFFFF90];
	[tilespmem:v59+s26+$0x0] =	vst.idx.msk vm8, v11  }
0x392: {  	s10 =	sadd.s32 $0xFFFFFFD0, s5;
	v63 =	vperm.xlane v44, v16;
	v62 =	vimm.s32 $0xE;
	v4 =	vadd.s32 $0xFFFFFFFF, v4;
	v11 =	vmovc v52;
	[tilespmem:v59+s28+$0x0] =	vst.idx.msk vm8, v3;
	v3 =	vld [tilespmem:$0x1FEE0]  }
0x393: {  	v43 =	vperm.xlane v44, v2;
	v8 =	vor.u32 s10, v27;
	v50 =	vperm.xlane v44, v62  }
0x394: {  	[tilespmem:$0x1FEF0] =	vst v8;
	v8 =	vimm.s32 $0xF;
	v1 =	vsub.s32 v1, v23;
	v15 =	vmovc v53;
	v53 =	vperm.xlane v31, v6;
	v6 =	vmovc v60  }
0x395: {  	v52 =	vadd.s32 v0, v25;
	v25 =	vsub.s32 v61, v23;
	[tilespmem:$0x1FE00] =	vst v11;
	vm8 =	vlt.u32 v1, $0x310;
	v11 =	vmovc v63  }
0x396: {  	v60 =	vperm.xlane v36, v2;
	vm3 =	vlt.u32 v25, $0x310;
	v59 =	vsel vm8, $0x1, v10;
	v63, _, _ =	vpop (xrf0);
	[tilespmem:$0x1FE60] =	vst v11  }
0x397: {  	v11 =	vperm.xlane v44, v8;
	v44 =	vadd.s32 v63, v53;
	v17 =	vmov v3;
	v3 =	vld [tilespmem:s17+$0xFFFFFFC0];
	[tilespmem:v4+s26+$0x0] =	vst.idx.msk vm4, v32  }
0x398: {  	(xrf0) =	vadd.scan.msk.s32 $0xffff, v59;
	v59 =	vsel vm3, $0x1, v10;
	v44 =	vadd.s32 $0xFFFFFFFF, v44;
	[tilespmem:v4+s28+$0x0] =	vst.idx.msk vm4, v57;
	v4, _, _ =	vpop (xrf0)  }
0x399: {  	v61 =	vsub.s32 v58, v23;
	(xrf0) =	vadd.scan.msk.s32 $0xffff, v59;
	v57 =	vld [tilespmem:s21+$0xFFFFFF60];
	v4 =	vadd.s32 v4, v60  }
0x39a: {  	s7 =	sadd.s32 $0xFFFFFFE0, s5;
	[tilespmem:$0x1FD90] =	vst v6;
	v6 =	vperm.xlane v26, v30;
	vm2 =	vlt.u32 v61, $0x310;
	v58, _, _ =	vpop (xrf0);
	v4 =	vadd.s32 $0xFFFFFFFF, v4  }
0x39b: {  	s6 =	sadd.s32 $0x20, s5;
	v55 =	vadd.s32 v0, v55;
	v28 =	vor.u32 s7, v27;
	v59 =	vsel vm2, $0x1, v10;
	[tilespmem:$0x1FE90] =	vst v11;
	v11 =	vld [tilespmem:$0x1FEA0];
	v32, _, _ =	vpop (xrf0)  }
0x39c: {  	v53 =	vadd.s32 v0, v61;
	v60 =	vor.u32 s6, v27;
	v2 =	vadd.s32 v32, v6  }
0x39d: {  	s7 =	sadd.s32 $0x60, s19;
	(xrf0) =	vadd.scan.msk.s32 $0xffff, v59;
	v59 =	vperm.xlane v5, v62;
	[tilespmem:v44+s26+$0x0] =	vst.idx.msk vm9, v60;
	v61 =	vadd.s32 $0xFFFFFFFF, v2  }
0x39e: {  	v62 =	vor.u32 s7, v27;
	v32, _, _ =	vpop (xrf0);
	v3 =	vsub.s32 v3, v23;
	[tilespmem:v44+s28+$0x0] =	vst.idx.msk vm9, v55;
	v55 =	vsub.s32 v57, v23  }
0x39f: {  	v44, _, _ =	vpop (xrf0);
	v2 =	vadd.s32 v0, v56;
	vm5 =	vlt.u32 v3, $0x310;
	vm6 =	vlt.u32 v55, $0x310;
	[tilespmem:v4+s26+$0x0] =	vst.idx.msk vm15, v62  }
0x3a0: {  	s10 =	sadd.s32 $0xA0, s16;
	v24 =	vadd.s32 v44, v24;
	v60 =	vsel vm5, $0x1, v10;
	v44 =	vld [tilespmem:s15+$0x30];
	v62 =	vsel vm6, $0x1, v10;
	[tilespmem:v4+s28+$0x0] =	vst.idx.msk vm15, v2;
	v10 =	vmovc v11  }
0x3a1: {  	v4 =	vor.u32 s10, v27;
	[tilespmem:$0x1FD40] =	vst v10  }
0x3a2: {  	[tilespmem:v61+s26+$0x0] =	vst.idx.msk vm7, v4;
	v10 =	vld [tilespmem:$0x1FD70]  }
0x3a3: {  	v4 =	vadd.s32 v0, v54;
	v54 =	vld [tilespmem:s21+$0x70]  }
0x3a4: {  	[tilespmem:v61+s28+$0x0] =	vst.idx.msk vm7, v4;
	v61 =	vmov v13;
	v13 =	vld [tilespmem:$0x1FE30];
	_ =	sdelay $0x3  }
0x3a5: {  	v11, _, _ =	vpop (xrf0)  }
0x3a6: {  	v2 =	vld [tilespmem:$0x1FBF0];
	v11 =	vadd.s32 v11, v10;
	v10 =	vmov v13  }
0x3a7: {  	[tilespmem:$0x1FD70] =	vst v10;
	v10 =	vld [tilespmem:$0x1FD10]  }
0x3a8: {  	v32 =	vadd.s32 v32, v59  }
0x3a9: {  	v59 =	vadd.s32 $0xFFFFFFFF, v32;
	_ =	sdelay $0x2  }
0x3aa: {  	s23 =	sadd.s32 $0xE0, s13;
	[tilespmem:$0x1FEE0] =	vst v15;
	v15 =	vadd.s32 v29, v2;
	v2 =	vmov v10;
	v10 =	vld [tilespmem:$0x1FDC0]  }
0x3ab: {  	v4 =	vor.u32 s23, v27  }
0x3ac: {  	v24 =	vadd.s32 $0xFFFFFFFF, v24;
	[tilespmem:v59+s26+$0x0] =	vst.idx.msk vm8, v4  }
0x3ad: {  	v1 =	vadd.s32 v0, v1;
	v56 =	vld [tilespmem:s18+$0xB0]  }
0x3ae: {  	[tilespmem:v59+s28+$0x0] =	vst.idx.msk vm8, v1;
	v1 =	vld [tilespmem:$0x1FCA0]  }
0x3af: {  	v6 =	vmov v10;
	v10 =	vmov v14  }
0x3b0: {  	v32 =	vmovc v47;
	v47 =	vadd.s32 v0, v55;
	(xrf0) =	vadd.scan.msk.s32 $0xffff, v62;
	v55 =	vadd.s32 $0xFFFFFFFF, v11;
	[tilespmem:$0x1FDC0] =	vst v10;
	v10 =	vld [tilespmem:$0x1FDA0]  }
0x3b1: {  	v25 =	vadd.s32 v0, v25;
	[tilespmem:v24+s26+$0x0] =	vst.idx.msk vm3, v45  }
0x3b2: {  	[tilespmem:v24+s28+$0x0] =	vst.idx.msk vm3, v25;
	v11 =	vmov v12  }
0x3b3: {  	(xrf0) =	vadd.scan.msk.s32 $0xffff, v60;
	v25 =	vld [tilespmem:s15+$0xFFFFFF30];
	v1 =	vadd.s32 v58, v1;
	[tilespmem:$0x1FEA0] =	vst v11  }
0x3b4: {  	v45 =	vsub.s32 v44, v23;
	v1 =	vadd.s32 $0xFFFFFFFF, v1;
	[tilespmem:$0x1FCA0] =	vst v2;
	v2 =	vld [tilespmem:$0x1FC10]  }
0x3b5: {  	vm7 =	vlt.u32 v45, $0x310;
	v58 =	vimm.s32 $0x0;
	[tilespmem:v55+s26+$0x0] =	vst.idx.msk vm2, v34;
	v11 =	vmov v10;
	v10 =	vld [tilespmem:$0x1FE80]  }
0x3b6: {  	v44 =	vsub.s32 v54, v23;
	v24, _, _ =	vpop (xrf0);
	[tilespmem:$0x1FD10] =	vst v6;
	v6 =	vsel vm7, $0x1, v58  }
0x3b7: {  	v29 =	vld [tilespmem:s17+$0xF0];
	vm4 =	vlt.u32 v44, $0x310;
	[tilespmem:v55+s28+$0x0] =	vst.idx.msk vm2, v53;
	(xrf0) =	vadd.scan.msk.s32 $0xffff, v6;
	v6 =	vadd.s32 v24, v21  }
0x3b8: {  	v13 =	vmov v48;
	v34 =	vld [tilespmem:s18+$0xFFFFFFA0];
	v48 =	vadd.s32 $0xFFFFFFFF, v6;
	v6 =	vsel vm4, $0x1, v58  }
0x3b9: {  	[tilespmem:v1+s26+$0x0] =	vst.idx.msk vm1, v2;
	v21, _, _ =	vpop (xrf0);
	(xrf0) =	vadd.scan.msk.s32 $0xffff, v6;
	v6 =	vld [tilespmem:$0x1FCF0]  }
0x3ba: {  	v2 =	vld [tilespmem:$0x1FC30];
	[tilespmem:v1+s28+$0x0] =	vst.idx.msk vm1, v52;
	v1 =	vmov v10;
	v10 =	vmov v49  }
0x3bb: {  	[tilespmem:$0x1FE80] =	vst v10;
	v10 =	vld [tilespmem:$0x1FED0]  }
0x3bc: {  	v59 =	vimm.s32 $0x7;
	v24 =	vsub.s32 v56, v23  }
0x3bd: {  	v57 =	vadd.s32 $0xFFFFFFFF, v15;
	v15 =	vmovc v43;
	v25 =	vsub.s32 v25, v23;
	vm3 =	vlt.u32 v24, $0x310  }
0x3be: {  	v14 =	vmovc v39;
	[tilespmem:$0x1FCF0] =	vst v11;
	v39 =	vadd.s32 v21, v6;
	v6 =	vsub.s32 v29, v23;
	v29 =	vsel vm3, $0x1, v58  }
0x3bf: {  	v43 =	vadd.s32 v0, v25;
	v55 =	vmovc v46;
	vm2 =	vlt.u32 v25, $0x310;
	(xrf0) =	vadd.scan.msk.s32 $0xffff, v29;
	[tilespmem:$0x1FDA0] =	vst v1  }
0x3c0: {  	v52 =	vimm.s32 $0x3;
	v25 =	vld [tilespmem:s12+$0xFFFFFFF0];
	v2 =	vmovc v2;
	v11 =	vperm.xlane v36, v59;
	vm15 =	vlt.u32 v6, $0x310;
	[tilespmem:v48+s26+$0x0] =	vst.idx.msk vm6, v10;
	v10 =	vmovc v41  }
0x3c1: {  	v46, _, _ =	vpop (xrf0);
	v53 =	vadd.s32 $0xFFFFFFFF, v39;
	v29 =	vsel vm15, $0x1, v58;
	v1 =	vperm.xlane v31, v52;
	[tilespmem:$0x1FED0] =	vst v10  }
0x3c2: {  	v56, _, _ =	vpop (xrf0);
	(xrf0) =	vadd.scan.msk.s32 $0xffff, v29;
	v29 =	vsel vm2, $0x1, v58;
	[tilespmem:v48+s28+$0x0] =	vst.idx.msk vm6, v47;
	v48 =	vsub.s32 v34, v23;
	v10 =	vld [tilespmem:$0x1FDE0]  }
0x3c3: {  	[tilespmem:$0x1FDE0] =	vst v2;
	v2 =	vadd.s32 v56, v11;
	vm1 =	vlt.u32 v48, $0x310  }
0x3c4: {  	(xrf0) =	vadd.scan.msk.s32 $0xffff, v29;
	v1 =	vadd.s32 v46, v1;
	v46 =	vadd.s32 $0xFFFFFFFF, v2;
	v2 =	vsel vm1, $0x1, v58  }
0x3c5: {  	v29, _, _ =	vpop (xrf0);
	(xrf0) =	vadd.scan.msk.s32 $0xffff, v2;
	v2 =	vld [tilespmem:$0x1FC40]  }
0x3c6: {  	s12 =	smov.u32 s17;
	s17 =	smov.u32 s18;
	s18 =	smov.u32 s21  }
0x3c7: {  	s25 =	sadd.s32 $0xFFFFFFC0, s5;
	v3 =	vadd.s32 v0, v3;
	v39 =	vld [tilespmem:s18+$0xFFFFFF70];
	[tilespmem:v53+s26+$0x0] =	vst.idx.msk vm5, v10  }
0x3c8: {  	v22 =	vor.u32 s25, v27;
	v63 =	vimm.s32 $0x6;
	v60 =	vimm.s32 $0x8;
	[tilespmem:v53+s28+$0x0] =	vst.idx.msk vm5, v3  }
0x3c9: {  	s20 =	sadd.s32 $0x2, s20;
	s9 =	sadd.s32 $0xFFFFFFF0, s5;
	v1 =	vadd.s32 $0xFFFFFFFF, v1;
	v34 =	vperm.xlane v26, v16;
	v56 =	vperm.xlane v5, v8;
	v47 =	vld [tilespmem:s12+$0xFFFFFFD0];
	[tilespmem:v57+s26+$0x0] =	vst.idx.msk vm0, v42  }
0x3ca: {  	p2 =	slt.u32 s20, $0xE;
	v4 =	vor.u32 s9, v27;
	v27 =	vmovc v20;
	v62 =	vmovc v51;
	v51 =	vimm.s32 $0x4;
	v54 =	vmov v50;
	[tilespmem:v57+s28+$0x0] =	vst.idx.msk vm0, v2;
	v2 =	vld [tilespmem:$0x1FC50]  }
.Ltmp12:
0x3cb: {  	v21 =	vmovc v38;
	v41 =	vadd.s32 v0, v48;
	v38 =	vadd.s32 v29, v34;
	v29 =	vsub.s32 v25, v23;
	(pc) =	sbr.rel @p2 .LBB2_16-.Ltmp12, $4  }
0x3cc: {  	s25 =	sadd.s32 $0x30, s5;
	v10 =	vmov v33;
	v53 =	vmov v7;
	v7 =	vlaneseq.u32;
	v3, _, _ =	vpop (xrf0)  }
0x3cd: {  	[tilespmem:$0x1FE30] =	vst v13;
	v25 =	vor.u32 s25, v7;
	v42 =	vadd.s32 $0xFFFFFFFF, v38;
	v3 =	vadd.s32 v3, v56;
	v56 =	vmovc v26;
	v57 =	vmovc v40  }
0x3ce: {  	s30 =	sadd.s32 $0x70, s19;
	v50 =	vld [tilespmem:$0x1FC20];
	v26, _, _ =	vpop (xrf0);
	[tilespmem:v1+s26+$0x0] =	vst.idx.msk vm7, v25;
	v25 =	vadd.s32 v0, v45;
	v45 =	vsub.s32 v39, v23;
	v33 =	vadd.s32 $0xFFFFFFFF, v3  }
0x3cf: {  	v12 =	vld [tilespmem:$0x1FC00];
	s21 =	smov.u32 s15;
	s15 =	sadd.s32 $0x200, s15;
	v39 =	vor.u32 s30, v7;
	[tilespmem:v1+s28+$0x0] =	vst.idx.msk vm7, v25;
	vm5 =	vlt.u32 v45, $0x310;
	v38 =	vadd.s32 v26, v2;
	v26 =	vmovc v36  }
0x3d0: {  	v1 =	vld [tilespmem:s21+$0x40];
	_ =	sdelay $0x3  }
0x3d1: {  	v36 =	vsub.s32 v47, v23  }
0x3d2: {  	v3 =	vsel vm5, $0x1, v58;
	[tilespmem:v46+s26+$0x0] =	vst.idx.msk vm4, v39;
	vm0 =	vlt.u32 v36, $0x310;
	v1 =	vsub.s32 v1, v23  }
0x3d3: {  	(xrf0) =	vadd.scan.msk.s32 $0xffff, v3;
	v3 =	vadd.s32 v0, v44;
	v25 =	vsel vm0, $0x1, v58;
	vm6 =	vlt.u32 v1, $0x310  }
0x3d4: {  	s0 =	sadd.s32 $0xB0, s16;
	[tilespmem:v46+s28+$0x0] =	vst.idx.msk vm4, v3;
	(xrf0) =	vadd.scan.msk.s32 $0xffff, v25;
	v3 =	vsel vm6, $0x1, v58  }
0x3d5: {  	(xrf0) =	vadd.scan.msk.s32 $0xffff, v3;
	v3 =	vor.u32 s0, v7  }
0x3d6: {  	[tilespmem:v42+s26+$0x0] =	vst.idx.msk vm3, v3;
	v3 =	vadd.s32 v0, v24  }
0x3d7: {  	[tilespmem:v42+s28+$0x0] =	vst.idx.msk vm3, v3  }
0x3d8: {  	v2 =	vld [tilespmem:$0x1FD50];
	_ =	sdelay $0x1  }
0x3d9: {  	v47 =	vld [tilespmem:s18+$0x80]  }
0x3da: {  	v3, _, _ =	vpop (xrf0)  }
0x3db: {  	v38 =	vadd.s32 $0xFFFFFFFF, v38;
	v49, _, _ =	vpop (xrf0)  }
0x3dc: {  	v13 =	vadd.s32 v49, v2  }
0x3dd: {  	v48 =	vld [tilespmem:s17+$0xC0];
	v13 =	vadd.s32 $0xFFFFFFFF, v13  }
0x3de: {  	vm8 =	vlt.u32 v29, $0x310;
	v40 =	vperm.xlane v31, v51;
	v25 =	vsub.s32 v47, v23;
	v39, _, _ =	vpop (xrf0)  }
0x3df: {  	v11 =	vsel vm8, $0x1, v58;
	vm3 =	vlt.u32 v25, $0x310;
	v16, _, _ =	vpop (xrf0)  }
0x3e0: {  	v34 =	vsel vm3, $0x1, v58;
	[tilespmem:v38+s26+$0x0] =	vst.idx.msk vm2, v37;
	(xrf0) =	vadd.scan.msk.s32 $0xffff, v11;
	v40 =	vadd.s32 v16, v40  }
0x3e1: {  	[tilespmem:v38+s28+$0x0] =	vst.idx.msk vm2, v43;
	(xrf0) =	vadd.scan.msk.s32 $0xffff, v34;
	v40 =	vadd.s32 $0xFFFFFFFF, v40  }
0x3e2: {  	v45 =	vadd.s32 v0, v45;
	s7 =	sadd.s32 $0x40, s5;
	v24 =	vsub.s32 v48, v23;
	[tilespmem:v13+s26+$0x0] =	vst.idx.msk vm5, v35  }
0x3e3: {  	vm4 =	vlt.u32 v24, $0x310;
	[tilespmem:v13+s28+$0x0] =	vst.idx.msk vm5, v45;
	v13 =	vor.u32 s7, v7  }
0x3e4: {  	v46 =	vld [tilespmem:s21+$0xFFFFFF40];
	v44 =	vsel vm4, $0x1, v58  }
0x3e5: {  	(xrf0) =	vadd.scan.msk.s32 $0xffff, v44  }
0x3e6: {  	v47 =	vperm.xlane v26, v60;
	[tilespmem:v40+s26+$0x0] =	vst.idx.msk vm6, v13;
	v13, _, _ =	vpop (xrf0)  }
0x3e7: {  	v48, _, _ =	vpop (xrf0)  }
0x3e8: {  	v35 =	vadd.s32 v48, v47  }
0x3e9: {  	v2 =	vimm.s32 $0xC;
	v37 =	vsub.s32 v46, v23;
	v35 =	vadd.s32 $0xFFFFFFFF, v35  }
0x3ea: {  	v1 =	vadd.s32 v0, v1;
	v11 =	vperm.xlane v56, v2;
	vm5 =	vlt.u32 v37, $0x310  }
0x3eb: {  	v34 =	vsel vm5, $0x1, v58;
	[tilespmem:v40+s28+$0x0] =	vst.idx.msk vm6, v1;
	v1 =	vld [tilespmem:s18+$0xFFFFFF80];
	v16, _, _ =	vpop (xrf0)  }
0x3ec: {  	s9 =	sadd.s32 $0x80, s19;
	v49 =	vld [tilespmem:s21+$0x50];
	(xrf0) =	vadd.scan.msk.s32 $0xffff, v34;
	v40 =	vadd.s32 v16, v11  }
0x3ed: {  	v45 =	vor.u32 s9, v7;
	v40 =	vadd.s32 $0xFFFFFFFF, v40  }
0x3ee: {  	v25 =	vadd.s32 v0, v25;
	[tilespmem:v35+s26+$0x0] =	vst.idx.msk vm3, v45  }
0x3ef: {  	[tilespmem:v35+s28+$0x0] =	vst.idx.msk vm3, v25  }
0x3f0: {  	s10 =	sadd.s32 $0xC0, s16;
	v1 =	vsub.s32 v1, v23;
	v5 =	vld [tilespmem:$0x1FCD0]  }
0x3f1: {  	v48 =	vor.u32 s10, v7;
	vm2 =	vlt.u32 v1, $0x310;
	v38 =	vsub.s32 v49, v23;
	v35 =	vld [tilespmem:s18+$0x90]  }
0x3f2: {  	v24 =	vadd.s32 v0, v24;
	vm7 =	vlt.u32 v38, $0x310;
	v46 =	vsel vm2, $0x1, v58;
	v49, _, _ =	vpop (xrf0);
	[tilespmem:v40+s26+$0x0] =	vst.idx.msk vm4, v48  }
0x3f3: {  	(xrf0) =	vadd.scan.msk.s32 $0xffff, v46;
	v47 =	vsel vm7, $0x1, v58;
	[tilespmem:v40+s28+$0x0] =	vst.idx.msk vm4, v24;
	v24 =	vadd.s32 v49, v27  }
0x3f4: {  	(xrf0) =	vadd.scan.msk.s32 $0xffff, v47;
	v24 =	vadd.s32 $0xFFFFFFFF, v24  }
0x3f5: {  	v3 =	vadd.s32 v3, v5;
	v5 =	vimm.s32 $0x5  }
0x3f6: {  	v27 =	vsub.s32 v35, v23;
	v3 =	vadd.s32 $0xFFFFFFFF, v3;
	v11 =	vperm.xlane v31, v5;
	v5 =	vld [tilespmem:$0x1FD30]  }
0x3f7: {  	vm4 =	vlt.u32 v27, $0x310  }
0x3f8: {  	v34 =	vsel vm4, $0x1, v58  }
0x3f9: {  	v40, _, _ =	vpop (xrf0);
	[tilespmem:v24+s26+$0x0] =	vst.idx.msk vm5, v19;
	(xrf0) =	vadd.scan.msk.s32 $0xffff, v34;
	v34 =	vadd.s32 v0, v37  }
0x3fa: {  	v16, _, _ =	vpop (xrf0);
	[tilespmem:v24+s28+$0x0] =	vst.idx.msk vm5, v34  }
0x3fb: {  	v35 =	vadd.s32 v16, v11;
	[tilespmem:v3+s26+$0x0] =	vst.idx.msk vm1, v5  }
0x3fc: {  	v25 =	vld [tilespmem:s17+$0xD0];
	v42 =	vadd.s32 $0xFFFFFFFF, v35;
	[tilespmem:v3+s28+$0x0] =	vst.idx.msk vm1, v41  }
0x3fd: {  	v5 =	vld [tilespmem:$0x1FC90];
	_ =	sdelay $0x1  }
0x3fe: {  	s14 =	sadd.s32 $0x50, s5  }
0x3ff: {  	v48 =	vor.u32 s14, v7  }
0x400: {  	v49 =	vadd.s32 v0, v38;
	[tilespmem:v42+s26+$0x0] =	vst.idx.msk vm7, v48  }
0x401: {  	v3 =	vsub.s32 v25, v23;
	[tilespmem:v42+s28+$0x0] =	vst.idx.msk vm7, v49;
	v47 =	vadd.s32 v39, v5  }
0x402: {  	vm6 =	vlt.u32 v3, $0x310;
	v5 =	vld [tilespmem:$0x1FC80];
	v19 =	vadd.s32 $0xFFFFFFFF, v47  }
0x403: {  	v45 =	vsel vm6, $0x1, v58  }
0x404: {  	(xrf0) =	vadd.scan.msk.s32 $0xffff, v45;
	_ =	sdelay $0x1  }
0x405: {  	v8 =	vimm.s32 $0x9  }
0x406: {  	v16 =	vperm.xlane v26, v8;
	[tilespmem:v19+s26+$0x0] =	vst.idx.msk vm0, v5  }
0x407: {  	v44, _, _ =	vpop (xrf0);
	v42 =	vimm.s32 $0xD;
	v5 =	vld [tilespmem:$0x1FD60]  }
0x408: {  	v43 =	vld [tilespmem:s17+$0xFFFFFFB0];
	v35 =	vadd.s32 v44, v16;
	v45 =	vperm.xlane v56, v42  }
0x409: {  	v46 =	vld [tilespmem:s21+$0xFFFFFF50];
	v35 =	vadd.s32 $0xFFFFFFFF, v35;
	v47, _, _ =	vpop (xrf0)  }
0x40a: {  	v38 =	vadd.s32 v47, v45  }
0x40b: {  	v38 =	vadd.s32 $0xFFFFFFFF, v38  }
0x40c: {  	s15 =	sadd.s32 $0x90, s19;
	v36 =	vadd.s32 v0, v36;
	v49 =	vadd.s32 v40, v5  }
0x40d: {  	v16 =	vor.u32 s15, v7;
	v24 =	vsub.s32 v43, v23;
	[tilespmem:v19+s28+$0x0] =	vst.idx.msk vm0, v36;
	v11 =	vadd.s32 $0xFFFFFFFF, v49  }
0x40e: {  	s20 =	sadd.s32 $0xD0, s16;
	v27 =	vadd.s32 v0, v27;
	v34 =	vsub.s32 v46, v23;
	vm1 =	vlt.u32 v24, $0x310;
	[tilespmem:v35+s26+$0x0] =	vst.idx.msk vm4, v16  }
0x40f: {  	v41 =	vor.u32 s20, v7;
	vm5 =	vlt.u32 v34, $0x310;
	v46 =	vsel vm1, $0x1, v58;
	[tilespmem:v35+s28+$0x0] =	vst.idx.msk vm4, v27  }
0x410: {  	v3 =	vadd.s32 v0, v3;
	v48 =	vsel vm5, $0x1, v58;
	(xrf0) =	vadd.scan.msk.s32 $0xffff, v46;
	[tilespmem:v38+s26+$0x0] =	vst.idx.msk vm6, v41  }
0x411: {  	(xrf0) =	vadd.scan.msk.s32 $0xffff, v48;
	[tilespmem:v38+s28+$0x0] =	vst.idx.msk vm6, v3  }
0x412: {  	v37 =	vld [tilespmem:s21+$0x60];
	[tilespmem:v11+s26+$0x0] =	vst.idx.msk vm2, v17  }
0x413: {  	v5 =	vld [tilespmem:$0x1FE00];
	_ =	sdelay $0x2  }
0x414: {  	v43, _, _ =	vpop (xrf0)  }
0x415: {  	v44, _, _ =	vpop (xrf0)  }
0x416: {  	v1 =	vadd.s32 v0, v1;
	v37 =	vsub.s32 v37, v23;
	v45 =	vadd.s32 v44, v5  }
0x417: {  	vm3 =	vlt.u32 v37, $0x310;
	[tilespmem:v11+s28+$0x0] =	vst.idx.msk vm2, v1;
	v1 =	vadd.s32 $0xFFFFFFFF, v45  }
0x418: {  	v19 =	vsel vm3, $0x1, v58;
	v5 =	vld [tilespmem:$0x1FCE0]  }
0x419: {  	(xrf0) =	vadd.scan.msk.s32 $0xffff, v19;
	v40 =	vld [tilespmem:s12+$0xFFFFFFE0]  }
0x41a: {  	v3 =	vld [tilespmem:s18+$0xA0];
	_ =	sdelay $0x1  }
0x41b: {  	v46 =	vld [tilespmem:s17+$0xE0];
	v11 =	vadd.s32 v0, v34;
	[tilespmem:v1+s26+$0x0] =	vst.idx.msk vm5, v32  }
0x41c: {  	v48 =	vld [tilespmem:s18+$0xFFFFFF90];
	v47 =	vadd.s32 v43, v5;
	[tilespmem:v1+s28+$0x0] =	vst.idx.msk vm5, v11  }
0x41d: {  	v30 =	vperm.xlane v31, v63;
	v27 =	vsub.s32 v40, v23;
	v25 =	vadd.s32 $0xFFFFFFFF, v47;
	v1 =	vld [tilespmem:$0x1FD40]  }
0x41e: {  	v49, _, _ =	vpop (xrf0);
	v3 =	vsub.s32 v3, v23;
	vm0 =	vlt.u32 v27, $0x310  }
0x41f: {  	v30 =	vadd.s32 v49, v30;
	v63 =	vsel vm0, $0x1, v58;
	vm2 =	vlt.u32 v3, $0x310  }
0x420: {  	v30 =	vadd.s32 $0xFFFFFFFF, v30;
	v17 =	vsub.s32 v46, v23;
	(xrf0) =	vadd.scan.msk.s32 $0xffff, v63;
	v19 =	vsel vm2, $0x1, v58  }
0x421: {  	vm4 =	vlt.u32 v17, $0x310;
	(xrf0) =	vadd.scan.msk.s32 $0xffff, v19  }
0x422: {  	v36 =	vsel vm4, $0x1, v58;
	[tilespmem:v25+s26+$0x0] =	vst.idx.msk vm1, v1;
	v1 =	vadd.s32 v0, v24;
	v24 =	vsub.s32 v48, v23  }
0x423: {  	s23 =	sadd.s32 $0x60, s5;
	(xrf0) =	vadd.scan.msk.s32 $0xffff, v36;
	[tilespmem:v25+s28+$0x0] =	vst.idx.msk vm1, v1;
	vm1 =	vlt.u32 v24, $0x310  }
0x424: {  	v1 =	vor.u32 s23, v7;
	v40 =	vsel vm1, $0x1, v58  }
0x425: {  	v39 =	vadd.s32 v0, v37;
	v11 =	vimm.s32 $0xA;
	[tilespmem:v30+s26+$0x0] =	vst.idx.msk vm3, v1;
	(xrf0) =	vadd.scan.msk.s32 $0xffff, v40  }
0x426: {  	v41 =	vperm.xlane v26, v11;
	[tilespmem:v30+s28+$0x0] =	vst.idx.msk vm3, v39;
	v30, _, _ =	vpop (xrf0)  }
0x427: {  	v39 =	vimm.s32 $0xE;
	v44, _, _ =	vpop (xrf0);
	v5 =	vld [tilespmem:$0x1FD70]  }
0x428: {  	v38 =	vld [tilespmem:s21+$0xFFFFFF60];
	v45 =	vperm.xlane v56, v39;
	v25 =	vadd.s32 v44, v41  }
0x429: {  	v1 =	vld [tilespmem:s17+$0xFFFFFFC0];
	v46, _, _ =	vpop (xrf0);
	v25 =	vadd.s32 $0xFFFFFFFF, v25  }
0x42a: {  	v35 =	vadd.s32 v46, v45  }
0x42b: {  	v35 =	vadd.s32 $0xFFFFFFFF, v35;
	v49, _, _ =	vpop (xrf0)  }
0x42c: {  	s25 =	sadd.s32 $0xA0, s19;
	v37 =	vadd.s32 v49, v5  }
0x42d: {  	v16 =	vor.u32 s25, v7;
	v34 =	vsub.s32 v38, v23;
	v63 =	vadd.s32 $0xFFFFFFFF, v37  }
0x42e: {  	s30 =	sadd.s32 $0xE0, s16;
	v3 =	vadd.s32 v0, v3;
	vm6 =	vlt.u32 v34, $0x310;
	v1 =	vsub.s32 v1, v23;
	[tilespmem:v25+s26+$0x0] =	vst.idx.msk vm2, v16  }
0x42f: {  	v47 =	vsel vm6, $0x1, v58;
	v40 =	vor.u32 s30, v7;
	vm5 =	vlt.u32 v1, $0x310;
	[tilespmem:v25+s28+$0x0] =	vst.idx.msk vm2, v3  }
0x430: {  	v17 =	vadd.s32 v0, v17;
	(xrf0) =	vadd.scan.msk.s32 $0xffff, v47;
	v48 =	vsel vm5, $0x1, v58;
	v3 =	vld [tilespmem:$0x1FCA0];
	[tilespmem:v35+s26+$0x0] =	vst.idx.msk vm4, v40  }
0x431: {  	(xrf0) =	vadd.scan.msk.s32 $0xffff, v48;
	[tilespmem:v35+s28+$0x0] =	vst.idx.msk vm4, v17  }
0x432: {  	v43 =	vld [tilespmem:s21+$0x70];
	[tilespmem:v63+s26+$0x0] =	vst.idx.msk vm1, v21  }
0x433: {  	v5 =	vld [tilespmem:$0x1FCF0];
	_ =	sdelay $0x2  }
0x434: {  	v41, _, _ =	vpop (xrf0);
	v21 =	vadd.s32 v0, v24  }
0x435: {  	v32 =	vsub.s32 v43, v23;
	v43, _, _ =	vpop (xrf0);
	[tilespmem:v63+s28+$0x0] =	vst.idx.msk vm1, v21;
	v3 =	vadd.s32 v30, v3  }
0x436: {  	v3 =	vadd.s32 $0xFFFFFFFF, v3;
	v17 =	vadd.s32 v43, v5;
	v5 =	vld [tilespmem:$0x1FCB0];
	_ =	sdelay $0x4  }
0x437: {  	v27 =	vadd.s32 v0, v27;
	[tilespmem:v3+s26+$0x0] =	vst.idx.msk vm0, v5  }
0x438: {  	v15 =	vadd.s32 v41, v15;
	[tilespmem:v3+s28+$0x0] =	vst.idx.msk vm0, v27  }
0x439: {  	v15 =	vadd.s32 $0xFFFFFFFF, v15;
	v5 =	vld [tilespmem:$0x1FED0]  }
0x43a: {  	vm3 =	vlt.u32 v32, $0x310  }
0x43b: {  	v19 =	vsel vm3, $0x1, v58  }
0x43c: {  	(xrf0) =	vadd.scan.msk.s32 $0xffff, v19  }
0x43d: {  	v21 =	vld [tilespmem:s18+$0xB0]  }
0x43e: {  	v46 =	vadd.s32 v0, v34;
	[tilespmem:v15+s26+$0x0] =	vst.idx.msk vm6, v5  }
0x43f: {  	[tilespmem:v15+s28+$0x0] =	vst.idx.msk vm6, v46  }
0x440: {  	v17 =	vadd.s32 $0xFFFFFFFF, v17;
	v5 =	vld [tilespmem:$0x1FDE0]  }
0x441: {  	v44 =	vperm.xlane v31, v59  }
0x442: {  	v47 =	vld [tilespmem:s17+$0xF0];
	v45, _, _ =	vpop (xrf0);
	v20 =	vsub.s32 v21, v23  }
0x443: {  	v24 =	vadd.s32 v45, v44;
	vm4 =	vlt.u32 v20, $0x310;
	v15 =	vld [tilespmem:s18+$0xFFFFFFA0]  }
0x444: {  	v48 =	vsel vm4, $0x1, v58;
	v3 =	vadd.s32 $0xFFFFFFFF, v24  }
0x445: {  	v1 =	vadd.s32 v0, v1;
	(xrf0) =	vadd.scan.msk.s32 $0xffff, v48;
	v21 =	vld [tilespmem:s21+$0xFFFFFF70];
	[tilespmem:v17+s26+$0x0] =	vst.idx.msk vm5, v5  }
0x446: {  	[tilespmem:v17+s28+$0x0] =	vst.idx.msk vm5, v1  }
0x447: {  	s1 =	sadd.s32 $0x70, s5;
	v16 =	vimm.s32 $0xB;
	v49 =	vld [tilespmem:s17+$0xFFFFFFD0]  }
0x448: {  	v63 =	vld [tilespmem:s12+$0xFFFFFFF0];
	v25 =	vsub.s32 v15, v23;
	v5 =	vsub.s32 v47, v23;
	v1 =	vor.u32 s1, v7  }
0x449: {  	vm1 =	vlt.u32 v25, $0x310;
	vm7 =	vlt.u32 v5, $0x310;
	[tilespmem:v3+s26+$0x0] =	vst.idx.msk vm3, v1;
	v1 =	vadd.s32 v0, v32  }
0x44a: {  	v21 =	vsub.s32 v21, v23;
	v32 =	vperm.xlane v26, v16;
	[tilespmem:v3+s28+$0x0] =	vst.idx.msk vm3, v1;
	v3 =	vsel vm7, $0x1, v58  }
0x44b: {  	v34, _, _ =	vpop (xrf0);
	vm3 =	vlt.u32 v21, $0x310;
	(xrf0) =	vadd.scan.msk.s32 $0xffff, v3;
	v3 =	vsel vm1, $0x1, v58  }
0x44c: {  	v17 =	vadd.s32 v34, v32;
	(xrf0) =	vadd.scan.msk.s32 $0xffff, v3;
	v3 =	vsel vm3, $0x1, v58;
	v24 =	vsub.s32 v49, v23  }
0x44d: {  	v15 =	vsub.s32 v63, v23;
	v27 =	vadd.s32 $0xFFFFFFFF, v17;
	(xrf0) =	vadd.scan.msk.s32 $0xffff, v3;
	vm2 =	vlt.u32 v24, $0x310  }
0x44e: {  	vm0 =	vlt.u32 v15, $0x310;
	v1 =	vld [tilespmem:s21+$0x80];
	v3 =	vsel vm2, $0x1, v58  }
0x44f: {  	(xrf0) =	vadd.scan.msk.s32 $0xffff, v3;
	v3 =	vsel vm0, $0x1, v58  }
0x450: {  	s3 =	sadd.s32 $0xB0, s19  }
0x451: {  	v30 =	vor.u32 s3, v7;
	v17, _, _ =	vpop (xrf0)  }
0x452: {  	v20 =	vadd.s32 v0, v20;
	[tilespmem:v27+s26+$0x0] =	vst.idx.msk vm4, v30;
	(xrf0) =	vadd.scan.msk.s32 $0xffff, v3;
	v3, _, _ =	vpop (xrf0)  }
0x453: {  	v1 =	vsub.s32 v1, v23;
	[tilespmem:v27+s28+$0x0] =	vst.idx.msk vm4, v20;
	v36, _, _ =	vpop (xrf0)  }
0x454: {  	vm5 =	vlt.u32 v1, $0x310;
	v38 =	vld [tilespmem:s18+$0xC0];
	v20 =	vadd.s32 v36, v18  }
0x455: {  	v35 =	vsel vm5, $0x1, v58;
	v20 =	vadd.s32 $0xFFFFFFFF, v20  }
0x456: {  	(xrf0) =	vadd.scan.msk.s32 $0xffff, v35;
	_ =	sdelay $0x2  }
0x457: {  	v41 =	vadd.s32 v0, v21;
	v21 =	vsub.s32 v38, v23  }
0x458: {  	v30, _, _ =	vpop (xrf0);
	vm6 =	vlt.u32 v21, $0x310;
	[tilespmem:v20+s26+$0x0] =	vst.idx.msk vm3, v10  }
0x459: {  	v37 =	vperm.xlane v31, v60;
	v18, _, _ =	vpop (xrf0);
	[tilespmem:v20+s28+$0x0] =	vst.idx.msk vm3, v41;
	v20 =	vsel vm6, $0x1, v58  }
0x45a: {  	v40, _, _ =	vpop (xrf0);
	(xrf0) =	vadd.scan.msk.s32 $0xffff, v20  }
0x45b: {  	v27 =	vadd.s32 v40, v37  }
0x45c: {  	v27 =	vadd.s32 $0xFFFFFFFF, v27;
	_ =	sdelay $0x2  }
0x45d: {  	s4 =	sadd.s32 $0x80, s5;
	v20 =	vperm.xlane v26, v2  }
0x45e: {  	v43 =	vor.u32 s4, v7;
	v45, _, _ =	vpop (xrf0)  }
0x45f: {  	v1 =	vadd.s32 v0, v1;
	[tilespmem:v27+s26+$0x0] =	vst.idx.msk vm5, v43;
	v20 =	vadd.s32 v45, v20  }
0x460: {  	v44 =	vld [tilespmem:s21+$0xFFFFFF80];
	[tilespmem:v27+s28+$0x0] =	vst.idx.msk vm5, v1;
	v20 =	vadd.s32 $0xFFFFFFFF, v20  }
0x461: {  	v1 =	vld [tilespmem:s21+$0x90]  }
0x462: {  	v10 =	vld [tilespmem:$0x1FD80]  }
0x463: {  	s6 =	sadd.s32 $0xC0, s19  }
0x464: {  	v48 =	vor.u32 s6, v7  }
0x465: {  	v19 =	vsub.s32 v44, v23;
	[tilespmem:v20+s26+$0x0] =	vst.idx.msk vm6, v48  }
0x466: {  	vm3 =	vlt.u32 v19, $0x310;
	v1 =	vsub.s32 v1, v23;
	v49 =	vld [tilespmem:$0x1FD00]  }
0x467: {  	v46 =	vsel vm3, $0x1, v58;
	v3 =	vadd.s32 v3, v10;
	vm4 =	vlt.u32 v1, $0x310  }
0x468: {  	(xrf0) =	vadd.scan.msk.s32 $0xffff, v46;
	v3 =	vadd.s32 $0xFFFFFFFF, v3;
	v47 =	vsel vm4, $0x1, v58  }
0x469: {  	v21 =	vadd.s32 v0, v21;
	(xrf0) =	vadd.scan.msk.s32 $0xffff, v47  }
0x46a: {  	[tilespmem:v20+s28+$0x0] =	vst.idx.msk vm6, v21  }
0x46b: {  	v63 =	vadd.s32 v30, v49;
	v30 =	vld [tilespmem:s18+$0xD0];
	_ =	sdelay $0x1  }
0x46c: {  	[tilespmem:v3+s26+$0x0] =	vst.idx.msk vm1, v14;
	v14 =	vadd.s32 v0, v25  }
0x46d: {  	v20, _, _ =	vpop (xrf0);
	v21 =	vperm.xlane v31, v8;
	[tilespmem:v3+s28+$0x0] =	vst.idx.msk vm1, v14  }
0x46e: {  	v8 =	vld [tilespmem:$0x1FDF0];
	v10, _, _ =	vpop (xrf0);
	v27 =	vadd.s32 $0xFFFFFFFF, v63  }
0x46f: {  	v21 =	vadd.s32 v10, v21;
	v14 =	vsub.s32 v30, v23  }
0x470: {  	v21 =	vadd.s32 $0xFFFFFFFF, v21;
	vm5 =	vlt.u32 v14, $0x310  }
0x471: {  	v35 =	vsel vm5, $0x1, v58  }
0x472: {  	(xrf0) =	vadd.scan.msk.s32 $0xffff, v35  }
0x473: {  	s7 =	sadd.s32 $0x90, s5;
	v3 =	vadd.s32 v0, v24;
	[tilespmem:v27+s26+$0x0] =	vst.idx.msk vm2, v8  }
0x474: {  	[tilespmem:v27+s28+$0x0] =	vst.idx.msk vm2, v3;
	v3 =	vor.u32 s7, v7  }
0x475: {  	v1 =	vadd.s32 v0, v1;
	v34 =	vld [tilespmem:s18+$0xFFFFFFB0];
	[tilespmem:v21+s26+$0x0] =	vst.idx.msk vm4, v3  }
0x476: {  	v3 =	vld [tilespmem:s17+$0xFFFFFFE0];
	[tilespmem:v21+s28+$0x0] =	vst.idx.msk vm4, v1  }
0x477: {  	v36 =	vperm.xlane v26, v42;
	v1 =	vld [tilespmem:s21+$0xA0]  }
0x478: {  	v38, _, _ =	vpop (xrf0)  }
0x479: {  	v24 =	vadd.s32 v38, v36  }
0x47a: {  	v21 =	vsub.s32 v34, v23;
	v24 =	vadd.s32 $0xFFFFFFFF, v24  }
0x47b: {  	vm2 =	vlt.u32 v21, $0x310;
	v8 =	vld [tilespmem:$0x1FE20];
	v3 =	vsub.s32 v3, v23  }
0x47c: {  	v37 =	vsel vm2, $0x1, v58;
	vm1 =	vlt.u32 v3, $0x310;
	v1 =	vsub.s32 v1, v23  }
0x47d: {  	s9 =	sadd.s32 $0xD0, s19;
	(xrf0) =	vadd.scan.msk.s32 $0xffff, v37;
	v40 =	vsel vm1, $0x1, v58;
	vm4 =	vlt.u32 v1, $0x310  }
0x47e: {  	v43 =	vor.u32 s9, v7;
	(xrf0) =	vadd.scan.msk.s32 $0xffff, v40;
	v41 =	vsel vm4, $0x1, v58  }
0x47f: {  	v14 =	vadd.s32 v0, v14;
	(xrf0) =	vadd.scan.msk.s32 $0xffff, v41;
	[tilespmem:v24+s26+$0x0] =	vst.idx.msk vm5, v43  }
0x480: {  	v20 =	vadd.s32 v20, v8;
	v45 =	vld [tilespmem:$0x1FD90];
	[tilespmem:v24+s28+$0x0] =	vst.idx.msk vm5, v14  }
0x481: {  	v20 =	vadd.s32 $0xFFFFFFFF, v20;
	v8 =	vld [tilespmem:$0x1FEE0];
	_ =	sdelay $0x1  }
0x482: {  	v44, _, _ =	vpop (xrf0)  }
0x483: {  	v14 =	vperm.xlane v31, v11;
	v46, _, _ =	vpop (xrf0)  }
0x484: {  	v30, _, _ =	vpop (xrf0)  }
0x485: {  	v48 =	vadd.s32 v30, v14;
	v14 =	vadd.s32 v0, v19;
	[tilespmem:v20+s26+$0x0] =	vst.idx.msk vm3, v8  }
0x486: {  	v47 =	vld [tilespmem:s18+$0xE0];
	v25 =	vadd.s32 v44, v45;
	[tilespmem:v20+s28+$0x0] =	vst.idx.msk vm3, v14  }
0x487: {  	v25 =	vadd.s32 $0xFFFFFFFF, v25;
	v8 =	vld [tilespmem:$0x1FEA0];
	_ =	sdelay $0x1  }
0x488: {  	v10 =	vadd.s32 $0xFFFFFFFF, v48;
	_ =	sdelay $0x1  }
0x489: {  	v63 =	vsub.s32 v47, v23  }
0x48a: {  	s10 =	sadd.s32 $0xA0, s5;
	v49 =	vadd.s32 v0, v21;
	vm5 =	vlt.u32 v63, $0x310;
	v14 =	vld [tilespmem:s21+$0xFFFFFF90];
	[tilespmem:v25+s26+$0x0] =	vst.idx.msk vm2, v8  }
0x48b: {  	v21 =	vsel vm5, $0x1, v58;
	[tilespmem:v25+s28+$0x0] =	vst.idx.msk vm2, v49;
	v25 =	vor.u32 s10, v7  }
0x48c: {  	v1 =	vadd.s32 v0, v1;
	(xrf0) =	vadd.scan.msk.s32 $0xffff, v21;
	[tilespmem:v10+s26+$0x0] =	vst.idx.msk vm4, v25  }
0x48d: {  	v20 =	vld [tilespmem:s18+$0xFFFFFFC0];
	[tilespmem:v10+s28+$0x0] =	vst.idx.msk vm4, v1  }
0x48e: {  	v1 =	vld [tilespmem:s21+$0xB0]  }
0x48f: {  	v14 =	vsub.s32 v14, v23  }
0x490: {  	vm4 =	vlt.u32 v14, $0x310  }
0x491: {  	v34 =	vperm.xlane v26, v39;
	v27 =	vsel vm4, $0x1, v58  }
0x492: {  	(xrf0) =	vadd.scan.msk.s32 $0xffff, v27;
	v32 =	vsub.s32 v20, v23;
	v20, _, _ =	vpop (xrf0)  }
0x493: {  	v19 =	vadd.s32 v20, v34;
	v1 =	vsub.s32 v1, v23  }
0x494: {  	v8 =	vld [tilespmem:$0x1FE30];
	v19 =	vadd.s32 $0xFFFFFFFF, v19;
	vm3 =	vlt.u32 v1, $0x310  }
0x495: {  	vm2 =	vlt.u32 v32, $0x310;
	v20 =	vsel vm3, $0x1, v58  }
0x496: {  	v21 =	vsel vm2, $0x1, v58  }
0x497: {  	s12 =	sadd.s32 $0xE0, s19;
	(xrf0) =	vadd.scan.msk.s32 $0xffff, v21  }
0x498: {  	v35 =	vor.u32 s12, v7;
	(xrf0) =	vadd.scan.msk.s32 $0xffff, v20;
	v20, _, _ =	vpop (xrf0)  }
0x499: {  	v21 =	vld [tilespmem:$0x1FD10];
	[tilespmem:v19+s26+$0x0] =	vst.idx.msk vm5, v35;
	v20 =	vadd.s32 v20, v8  }
0x49a: {  	v25 =	vld [tilespmem:$0x1FDA0];
	v20 =	vadd.s32 $0xFFFFFFFF, v20;
	_ =	sdelay $0x2  }
0x49b: {  	v11 =	vadd.s32 v0, v63  }
0x49c: {  	[tilespmem:v19+s28+$0x0] =	vst.idx.msk vm5, v11;
	v36, _, _ =	vpop (xrf0)  }
0x49d: {  	v14 =	vadd.s32 v0, v14;
	v24 =	vadd.s32 v36, v25;
	[tilespmem:v20+s26+$0x0] =	vst.idx.msk vm4, v55  }
0x49e: {  	v21 =	vadd.s32 v46, v21;
	v38 =	vadd.s32 $0xFFFFFFFF, v24;
	[tilespmem:v20+s28+$0x0] =	vst.idx.msk vm4, v14  }
0x49f: {  	v37 =	vperm.xlane v31, v16;
	v21 =	vadd.s32 $0xFFFFFFFF, v21;
	v41 =	vld [tilespmem:$0x1FE10]  }
0x4a0: {  	v40, _, _ =	vpop (xrf0)  }
0x4a1: {  	v19 =	vadd.s32 v40, v37  }
0x4a2: {  	v14 =	vadd.s32 $0xFFFFFFFF, v19  }
0x4a3: {  	[tilespmem:v38+s26+$0x0] =	vst.idx.msk vm2, v12  }
0x4a4: {  	v3 =	vadd.s32 v0, v3;
	[tilespmem:v21+s26+$0x0] =	vst.idx.msk vm1, v41  }
0x4a5: {  	s14 =	sadd.s32 $0xB0, s5;
	v43 =	vld [tilespmem:s18+$0xF0];
	[tilespmem:v21+s28+$0x0] =	vst.idx.msk vm1, v3;
	v3 =	vadd.s32 v0, v32  }
0x4a6: {  	v44 =	vld [tilespmem:s21+$0xFFFFFFA0];
	[tilespmem:v38+s28+$0x0] =	vst.idx.msk vm2, v3;
	v3 =	vor.u32 s14, v7  }
0x4a7: {  	v1 =	vadd.s32 v0, v1;
	v11 =	vld [tilespmem:s18+$0xFFFFFFD0];
	[tilespmem:v14+s26+$0x0] =	vst.idx.msk vm3, v3  }
0x4a8: {  	v3 =	vld [tilespmem:s17+$0xFFFFFFF0];
	[tilespmem:v14+s28+$0x0] =	vst.idx.msk vm3, v1  }
0x4a9: {  	v14 =	vld [tilespmem:s21+$0xC0]  }
0x4aa: {  	v1 =	vsub.s32 v43, v23  }
0x4ab: {  	v19 =	vsub.s32 v44, v23;
	vm1 =	vlt.u32 v1, $0x310  }
0x4ac: {  	vm4 =	vlt.u32 v19, $0x310;
	v45 =	vsel vm1, $0x1, v58;
	v20 =	vsub.s32 v11, v23  }
0x4ad: {  	v46 =	vsel vm4, $0x1, v58;
	(xrf0) =	vadd.scan.msk.s32 $0xffff, v45;
	v3 =	vsub.s32 v3, v23;
	vm3 =	vlt.u32 v20, $0x310  }
0x4ae: {  	(xrf0) =	vadd.scan.msk.s32 $0xffff, v46;
	vm2 =	vlt.u32 v3, $0x310;
	v47 =	vsel vm3, $0x1, v58;
	v14 =	vsub.s32 v14, v23  }
0x4af: {  	v48 =	vsel vm2, $0x1, v58;
	(xrf0) =	vadd.scan.msk.s32 $0xffff, v47;
	vm5 =	vlt.u32 v14, $0x310  }
0x4b0: {  	(xrf0) =	vadd.scan.msk.s32 $0xffff, v48;
	v49 =	vsel vm5, $0x1, v58  }
0x4b1: {  	(xrf0) =	vadd.scan.msk.s32 $0xffff, v49  }
0x4b2: {  	v32 =	vperm.xlane v31, v2;
	v2 =	vld [tilespmem:$0x1FE40]  }
0x4b3: {  	v11, _, _ =	vpop (xrf0)  }
0x4b4: {  	v21, _, _ =	vpop (xrf0)  }
0x4b5: {  	v55, _, _ =	vpop (xrf0)  }
0x4b6: {  	v63, _, _ =	vpop (xrf0)  }
0x4b7: {  	v12 =	vadd.s32 v21, v2;
	v34, _, _ =	vpop (xrf0)  }
0x4b8: {  	v12 =	vadd.s32 $0xFFFFFFFF, v12;
	v25 =	vadd.s32 v34, v32  }
0x4b9: {  	v25 =	vadd.s32 $0xFFFFFFFF, v25;
	_ =	sdelay $0x2  }
0x4ba: {  	s15 =	sadd.s32 $0xC0, s5  }
0x4bb: {  	v21 =	vor.u32 s15, v7;
	[tilespmem:v12+s26+$0x0] =	vst.idx.msk vm4, v53  }
0x4bc: {  	v14 =	vadd.s32 v0, v14;
	[tilespmem:v25+s26+$0x0] =	vst.idx.msk vm5, v21  }
0x4bd: {  	[tilespmem:v25+s28+$0x0] =	vst.idx.msk vm5, v14;
	v14 =	vadd.s32 v0, v19  }
0x4be: {  	v35 =	vld [tilespmem:s21+$0xD0];
	[tilespmem:v12+s28+$0x0] =	vst.idx.msk vm4, v14  }
0x4bf: {  	v12 =	vld [tilespmem:s21+$0xFFFFFFB0];
	_ =	sdelay $0x3  }
0x4c0: {  	v14 =	vsub.s32 v35, v23  }
0x4c1: {  	v2 =	vld [tilespmem:$0x1FDB0];
	vm4 =	vlt.u32 v14, $0x310;
	v12 =	vsub.s32 v12, v23  }
0x4c2: {  	v36 =	vsel vm4, $0x1, v58;
	vm5 =	vlt.u32 v12, $0x310  }
0x4c3: {  	(xrf0) =	vadd.scan.msk.s32 $0xffff, v36;
	v37 =	vsel vm5, $0x1, v58  }
0x4c4: {  	(xrf0) =	vadd.scan.msk.s32 $0xffff, v37;
	_ =	sdelay $0x1  }
0x4c5: {  	v38 =	vadd.s32 v55, v2;
	v2 =	vld [tilespmem:$0x1FE60];
	_ =	sdelay $0x1  }
0x4c6: {  	v40 =	vperm.xlane v31, v42  }
0x4c7: {  	v21, _, _ =	vpop (xrf0)  }
0x4c8: {  	v19 =	vadd.s32 v21, v40;
	v21, _, _ =	vpop (xrf0)  }
0x4c9: {  	v16 =	vadd.s32 $0xFFFFFFFF, v38;
	v21 =	vadd.s32 v21, v2;
	v2 =	vld [tilespmem:$0x1FEB0]  }
0x4ca: {  	v19 =	vadd.s32 $0xFFFFFFFF, v19;
	_ =	sdelay $0x2  }
0x4cb: {  	s17 =	sadd.s32 $0xD0, s5;
	v21 =	vadd.s32 $0xFFFFFFFF, v21  }
0x4cc: {  	v41 =	vor.u32 s17, v7;
	[tilespmem:v16+s26+$0x0] =	vst.idx.msk vm3, v2  }
0x4cd: {  	v20 =	vadd.s32 v0, v20;
	[tilespmem:v19+s26+$0x0] =	vst.idx.msk vm4, v41  }
0x4ce: {  	v14 =	vadd.s32 v0, v14;
	[tilespmem:v16+s28+$0x0] =	vst.idx.msk vm3, v20  }
0x4cf: {  	[tilespmem:v19+s28+$0x0] =	vst.idx.msk vm4, v14;
	v42 =	vld [tilespmem:s18+$0xFFFFFFE0]  }
0x4d0: {  	v12 =	vadd.s32 v0, v12;
	[tilespmem:v21+s26+$0x0] =	vst.idx.msk vm5, v62;
	v14 =	vld [tilespmem:s21+$0xE0]  }
0x4d1: {  	[tilespmem:v21+s28+$0x0] =	vst.idx.msk vm5, v12  }
0x4d2: {  	v12 =	vld [tilespmem:s21+$0xFFFFFFC0];
	_ =	sdelay $0x1  }
0x4d3: {  	v16 =	vsub.s32 v42, v23  }
0x4d4: {  	v14 =	vsub.s32 v14, v23;
	vm4 =	vlt.u32 v16, $0x310  }
0x4d5: {  	vm3 =	vlt.u32 v14, $0x310;
	v43 =	vsel vm4, $0x1, v58  }
0x4d6: {  	v12 =	vsub.s32 v12, v23;
	v44 =	vsel vm3, $0x1, v58;
	(xrf0) =	vadd.scan.msk.s32 $0xffff, v43  }
0x4d7: {  	vm5 =	vlt.u32 v12, $0x310;
	(xrf0) =	vadd.scan.msk.s32 $0xffff, v44  }
0x4d8: {  	v45 =	vsel vm5, $0x1, v58  }
0x4d9: {  	(xrf0) =	vadd.scan.msk.s32 $0xffff, v45;
	_ =	sdelay $0x1  }
0x4da: {  	v2 =	vld [tilespmem:$0x1FE80]  }
0x4db: {  	v20 =	vperm.xlane v31, v39;
	v46, _, _ =	vpop (xrf0)  }
0x4dc: {  	v21, _, _ =	vpop (xrf0)  }
0x4dd: {  	v20 =	vadd.s32 v21, v20  }
0x4de: {  	v21, _, _ =	vpop (xrf0);
	v20 =	vadd.s32 $0xFFFFFFFF, v20  }
0x4df: {  	v21 =	vadd.s32 v21, v2  }
0x4e0: {  	v21 =	vadd.s32 $0xFFFFFFFF, v21  }
0x4e1: {  	s20 =	sadd.s32 $0xE0, s5  }
0x4e2: {  	v47 =	vor.u32 s20, v7  }
0x4e3: {  	v14 =	vadd.s32 v0, v14;
	[tilespmem:v20+s26+$0x0] =	vst.idx.msk vm3, v47  }
0x4e4: {  	[tilespmem:v20+s28+$0x0] =	vst.idx.msk vm3, v14  }
0x4e5: {  	v12 =	vadd.s32 v0, v12;
	[tilespmem:v21+s26+$0x0] =	vst.idx.msk vm5, v22  }
0x4e6: {  	v14 =	vld [tilespmem:s21+$0xF0];
	[tilespmem:v21+s28+$0x0] =	vst.idx.msk vm5, v12  }
0x4e7: {  	v12 =	vld [tilespmem:s21+$0xFFFFFFD0];
	_ =	sdelay $0x2  }
0x4e8: {  	v2 =	vld [tilespmem:$0x1FDC0]  }
0x4e9: {  	v14 =	vsub.s32 v14, v23  }
0x4ea: {  	vm3 =	vlt.u32 v14, $0x310;
	v12 =	vsub.s32 v12, v23  }
0x4eb: {  	v20 =	vsel vm3, $0x1, v58;
	vm5 =	vlt.u32 v12, $0x310  }
0x4ec: {  	(xrf0) =	vadd.scan.msk.s32 $0xffff, v20;
	v20 =	vsel vm5, $0x1, v58  }
0x4ed: {  	v19 =	vadd.s32 v46, v2;
	(xrf0) =	vadd.scan.msk.s32 $0xffff, v20  }
0x4ee: {  	v19 =	vadd.s32 $0xFFFFFFFF, v19;
	_ =	sdelay $0x3  }
0x4ef: {  	v20, _, _ =	vpop (xrf0)  }
0x4f0: {  	v16 =	vadd.s32 v0, v16;
	[tilespmem:v19+s26+$0x0] =	vst.idx.msk vm4, v50;
	v21, _, _ =	vpop (xrf0)  }
0x4f1: {  	[tilespmem:v19+s28+$0x0] =	vst.idx.msk vm4, v16;
	v9 =	vadd.s32 v21, v9  }
0x4f2: {  	v2 =	vld [tilespmem:$0x1FEF0];
	v9 =	vadd.s32 $0xFFFFFFFF, v9;
	_ =	sdelay $0x4  }
0x4f3: {  	v12 =	vadd.s32 v0, v12;
	[tilespmem:v9+s26+$0x0] =	vst.idx.msk vm5, v2  }
0x4f4: {  	v8 =	vld [tilespmem:s18+$0xFFFFFFF0];
	[tilespmem:v9+s28+$0x0] =	vst.idx.msk vm5, v12  }
0x4f5: {  	v9 =	vld [tilespmem:s21+$0xFFFFFFE0];
	_ =	sdelay $0x3  }
0x4f6: {  	v8 =	vsub.s32 v8, v23  }
0x4f7: {  	vm4 =	vlt.u32 v8, $0x310;
	v9 =	vsub.s32 v9, v23  }
0x4f8: {  	v12 =	vsel vm4, $0x1, v58;
	vm5 =	vlt.u32 v9, $0x310  }
0x4f9: {  	(xrf0) =	vadd.scan.msk.s32 $0xffff, v12;
	v12 =	vsel vm5, $0x1, v58  }
0x4fa: {  	(xrf0) =	vadd.scan.msk.s32 $0xffff, v12;
	_ =	sdelay $0x4  }
0x4fb: {  	v12, _, _ =	vpop (xrf0)  }
0x4fc: {  	v48, _, _ =	vpop (xrf0)  }
0x4fd: {  	v16 =	vadd.s32 v48, v54  }
0x4fe: {  	v16 =	vadd.s32 $0xFFFFFFFF, v16;
	_ =	sdelay $0x4  }
0x4ff: {  	v9 =	vadd.s32 v0, v9;
	[tilespmem:v16+s26+$0x0] =	vst.idx.msk vm5, v28  }
0x500: {  	[tilespmem:v16+s28+$0x0] =	vst.idx.msk vm5, v9  }
0x501: {  	v9 =	vld [tilespmem:s21+$0xFFFFFFF0];
	_ =	sdelay $0x2  }
0x502: {  	v50 =	vld [tilespmem:$0x1FC60]  }
0x503: {  	s21 =	sadd.s32 $0xF0, s13  }
0x504: {  	v54 =	vor.u32 s21, v7;
	v9 =	vsub.s32 v9, v23  }
0x505: {  	v6 =	vadd.s32 v0, v6;
	v21 =	vimm.s32 $0xF;
	[tilespmem:v33+s26+$0x0] =	vst.idx.msk vm15, v54;
	vm5 =	vlt.u32 v9, $0x310  }
0x506: {  	v13 =	vadd.s32 v13, v57;
	v53 =	vperm.xlane v56, v21;
	[tilespmem:v33+s28+$0x0] =	vst.idx.msk vm15, v6;
	v49 =	vsel vm5, $0x1, v58  }
0x507: {  	v13 =	vadd.s32 $0xFFFFFFFF, v13;
	v6 =	vadd.s32 v18, v61;
	v61 =	vld [tilespmem:$0x1FC70];
	v16 =	vsel vm14, $0x0, v50;
	(xrf0) =	vadd.scan.msk.s32 $0xffff, v49  }
0x508: {  	(xrf0) =	vadd.scan.msk.s32 $0xffff, v16;
	v16 =	vadd.s32 v17, v53  }
0x509: {  	v16 =	vadd.s32 $0xFFFFFFFF, v16;
	_ =	sdelay $0x2  }
0x50a: {  	s23 =	sadd.s32 $0xF0, s16;
	v62 =	vadd.s32 v0, v29;
	[tilespmem:v13+s26+$0x0] =	vst.idx.msk vm8, v61  }
0x50b: {  	[tilespmem:v13+s28+$0x0] =	vst.idx.msk vm8, v62;
	v13 =	vor.u32 s23, v7  }
0x50c: {  	[tilespmem:v16+s26+$0x0] =	vst.idx.msk vm7, v13  }
0x50d: {  	v2 =	vld [tilespmem:$0x1FD20];
	_ =	sdelay $0x2  }
0x50e: {  	v5 =	vadd.s32 v0, v5  }
0x50f: {  	v57 =	vperm.xlane v26, v21;
	[tilespmem:v16+s28+$0x0] =	vst.idx.msk vm7, v5  }
0x510: {  	v6 =	vadd.s32 $0xFFFFFFFF, v6;
	v10 =	vadd.s32 v63, v2;
	v2 =	vld [tilespmem:$0x1FCC0]  }
0x511: {  	v11 =	vadd.s32 v11, v57  }
0x512: {  	v11 =	vadd.s32 $0xFFFFFFFF, v11  }
0x513: {  	v13 =	vperm.xlane v31, v21;
	_ =	sdelay $0x1  }
0x514: {  	s25 =	sadd.s32 $0xF0, s19;
	v63 =	vadd.s32 v20, v13;
	v13 =	vadd.s32 v0, v15;
	[tilespmem:v6+s26+$0x0] =	vst.idx.msk vm0, v2  }
0x515: {  	[tilespmem:v6+s28+$0x0] =	vst.idx.msk vm0, v13;
	v6 =	vor.u32 s25, v7  }
0x516: {  	[tilespmem:v11+s26+$0x0] =	vst.idx.msk vm1, v6  }
0x517: {  	v2 =	vld [tilespmem:$0x1FDD0];
	_ =	sdelay $0x2  }
0x518: {  	v1 =	vadd.s32 v0, v1  }
0x519: {  	[tilespmem:v11+s28+$0x0] =	vst.idx.msk vm1, v1  }
0x51a: {  	v5 =	vadd.s32 $0xFFFFFFFF, v10;
	v6 =	vadd.s32 v12, v2;
	v2 =	vld [tilespmem:$0x1FE50];
	_ =	sdelay $0x3  }
0x51b: {  	v10 =	vadd.s32 $0xFFFFFFFF, v63  }
0x51c: {  	[tilespmem:v5+s26+$0x0] =	vst.idx.msk vm2, v2  }
0x51d: {  	v2 =	vld [tilespmem:$0x1FE90]  }
0x51e: {  	s30 =	sadd.s32 $0xF0, s5;
	v3 =	vadd.s32 v0, v3  }
0x51f: {  	[tilespmem:v5+s28+$0x0] =	vst.idx.msk vm2, v3;
	v3 =	vor.u32 s30, v7  }
0x520: {  	[tilespmem:v10+s26+$0x0] =	vst.idx.msk vm3, v3;
	v3 =	vadd.s32 v0, v14  }
0x521: {  	v55, _, _ =	vpop (xrf0);
	[tilespmem:v10+s28+$0x0] =	vst.idx.msk vm3, v3  }
0x522: {  	v1 =	vadd.s32 $0xFFFFFFFF, v6;
	v6 =	vadd.s32 v55, v2;
	v2 =	vld [tilespmem:$0x1FEC0];
	_ =	sdelay $0x1  }
0x523: {  	v5 =	vadd.s32 $0xFFFFFFFF, v6;
	_ =	sdelay $0x2  }
0x524: {  	v3 =	vadd.s32 v0, v8;
	[tilespmem:v1+s26+$0x0] =	vst.idx.msk vm4, v2  }
0x525: {  	[tilespmem:v1+s28+$0x0] =	vst.idx.msk vm4, v3  }
0x526: {  	[tilespmem:v5+s26+$0x0] =	vst.idx.msk vm5, v4;
	v1 =	vadd.s32 v0, v9  }
0x527: {  	[tilespmem:v5+s28+$0x0] =	vst.idx.msk vm5, v1  }
0x528: {  	v1 =	vld [tilespmem:$0x1FF10];
	_ =	sdelay $0x4  }
0x529: {  	vm1 =	vnez.u8 v1;
	v1 =	vld [tilespmem:$0x1FF20];
	_ =	sdelay $0x4  }
0x52a: {  	vm3 =	vnez.u8 v1;
	v1 =	vld [tilespmem:$0x1FF30];
	_ =	sdelay $0x4  }
0x52b: {  	vm4 =	vnez.u8 v1;
	v1 =	vld [tilespmem:$0x1FF40];
	_ =	sdelay $0x4  }
0x52c: {  	vm5 =	vnez.u8 v1;
	v1 =	vld [tilespmem:$0x1FF50];
	_ =	sdelay $0x2  }
0x52d: {  	v56, _, _ =	vpop (xrf0)  }
0x52e: {  	(v2sf) =	vpush v56, $0xF  }
0x52f: {  	vm6 =	vnez.u8 v1;
	v1 =	vld [tilespmem:$0x1FF60];
	_ =	sdelay $0x4  }
0x530: {  	vm7 =	vnez.u8 v1;
	v1 =	vld [tilespmem:$0x1FF70];
	_ =	sdelay $0x4  }
0x531: {  	vm8 =	vnez.u8 v1;
	v1 =	vld [tilespmem:$0x1FF80];
	_ =	sdelay $0x3  }
0x532: {  	s5 =	spop (v2sf)  }
0x533: {  	p2 =	slt.s32 s5, $0x100;
	vm9 =	vnez.u8 v1;
	v1 =	vld [tilespmem:$0x1FF90]  }
.Ltmp13:
0x534: {  	_ = 	snop;
	(pc) =	sbr.rel @p2 .LBB2_28-.Ltmp13, $4  }
0x535: {  	s6 =	rddreg [dreg:$0x0];
	v30 =	vimm.s32 $0xF;
	v40 =	vimm.s32 $0xC;
	v47 =	vimm.s32 $0x5  }
0x536: {  	s9 =	rddreg [dreg:$0x3];
	v46 =	vimm.s32 $0x2;
	v48 =	vimm.s32 $0x6;
	v54 =	vimm.s32 $0xD  }
0x537: {  	s19 =	simm.s32 $0x4400;
	s7 =	rddreg [dreg:$0x2];
	v50 =	vimm.s32 $0xA;
	v49 =	vimm.s32 $0x9;
	v53 =	vimm.s32 $0xB  }
0x538: {  	s10 =	simm.s32 $0x4500;
	s18 =	simm.s32 $0x4600;
	v13 =	vimm.f32 $1.000000000e+00;
	v55 =	vimm.s32 $0xE;
	s17 =	rddreg [dreg:$0x5];
	vm13 =	vnez.u8 v1  }
0x539: {  	s14 =	simm.s32 $0x0  }
0x53a: {  	s1 =	simm.s32 $0x100;
	s12 =	simm.s32 $0x3300;
	s3 =	simm.s32 $0x400  }
.LBB2_19:
0x53b: {  	v1 =	vld [tilespmem:s14+$0x3300];
	_ =	sdelay $0x4  }
0x53c: {  	[tilespmem:$0x4400] =	vst v1  }
0x53d: {  	v1 =	vld [tilespmem:s14+$0x3310];
	_ =	sdelay $0x4  }
0x53e: {  	[tilespmem:$0x4410] =	vst v1  }
0x53f: {  	v1 =	vld [tilespmem:s14+$0x3320];
	_ =	sdelay $0x4  }
0x540: {  	[tilespmem:$0x4420] =	vst v1  }
0x541: {  	v1 =	vld [tilespmem:s14+$0x3330];
	_ =	sdelay $0x4  }
0x542: {  	[tilespmem:$0x4430] =	vst v1  }
0x543: {  	v1 =	vld [tilespmem:s14+$0x3340];
	_ =	sdelay $0x4  }
0x544: {  	[tilespmem:$0x4440] =	vst v1  }
0x545: {  	v1 =	vld [tilespmem:s14+$0x3350];
	_ =	sdelay $0x4  }
0x546: {  	[tilespmem:$0x4450] =	vst v1  }
0x547: {  	v1 =	vld [tilespmem:s14+$0x3360];
	_ =	sdelay $0x4  }
0x548: {  	[tilespmem:$0x4460] =	vst v1  }
0x549: {  	v1 =	vld [tilespmem:s14+$0x3370];
	_ =	sdelay $0x4  }
0x54a: {  	[tilespmem:$0x4470] =	vst v1  }
0x54b: {  	v1 =	vld [tilespmem:s14+$0x3380];
	_ =	sdelay $0x4  }
0x54c: {  	[tilespmem:$0x4480] =	vst v1  }
0x54d: {  	v1 =	vld [tilespmem:s14+$0x3390];
	_ =	sdelay $0x4  }
0x54e: {  	[tilespmem:$0x4490] =	vst v1  }
0x54f: {  	v1 =	vld [tilespmem:s14+$0x33A0];
	_ =	sdelay $0x4  }
0x550: {  	[tilespmem:$0x44A0] =	vst v1  }
0x551: {  	v1 =	vld [tilespmem:s14+$0x33B0];
	_ =	sdelay $0x4  }
0x552: {  	[tilespmem:$0x44B0] =	vst v1  }
0x553: {  	v1 =	vld [tilespmem:s14+$0x33C0];
	_ =	sdelay $0x4  }
0x554: {  	[tilespmem:$0x44C0] =	vst v1  }
0x555: {  	v1 =	vld [tilespmem:s14+$0x33D0];
	_ =	sdelay $0x4  }
0x556: {  	[tilespmem:$0x44D0] =	vst v1  }
0x557: {  	v1 =	vld [tilespmem:s14+$0x33E0];
	_ =	sdelay $0x4  }
0x558: {  	[tilespmem:$0x44E0] =	vst v1  }
0x559: {  	v1 =	vld [tilespmem:s14+$0x33F0];
	_ =	sdelay $0x4  }
0x55a: {  	s0 =	sadd.s32 $0x2200, s14;
	[tilespmem:$0x44F0] =	vst v1  }
0x55b: {  	[tilespmem:s10], [sflag:$0x2] =	stream.indirect.gather [hbm4b:s17+s29], $0x1, s0, s29, $0xb8;
	[tilespmem:$0x1F520] =	vst v63  }
0x55c: {  	_ =	swait.ge [sflag:s31], $0x100  }
0x55d: {  	[sflag:s31] =	ssyncset.done $0x0  }
0x55e: {  	[sflag:s31] =	ssyncadd.s32 $0xFFFFFF00  }
0x55f: {  	[tilespmem:s18], [sflag:$0x2] =	stream.indirect.gather [hbm4b:s6+s29], $0x20, s10, s29, $0xb8;
	[tilespmem:$0x1F520] =	vst v63  }
0x560: {  	v1 =	vmov s12;
	_ =	swait.ge [sflag:s31], $0x2000  }
0x561: {  	s13 =	smov.u32 s3;
	s15 =	simm.s32 $0x4700;
	[sflag:s31] =	ssyncset.done $0x0  }
0x562: {  	s16 =	simm.s32 $0x0;
	s14 =	smov.u32 s1;
	[sflag:s31] =	ssyncadd.s32 $0xFFFFE000  }
0x563: {  	[spmem:s7] =	stream.indirect.scatter.add.f32 [tilespmem:s18], [sflag:$0x2], $0x20, s19, s29, $0xb8;
	[tilespmem:$0x1F520] =	vst v63  }
.LBB2_20:
0x564: {  	s0 =	sshra.s32 s16, $0x2  }
0x565: {  	v3 =	vld.idx.msk [tilespmem:v1+s0+$0x0 ss:$0x1], $0xffff;
	_ =	sdelay $0x4  }
0x566: {  	v4 =	vsub.s32 v3, v0  }
0x567: {  	v5 =	vperm.xlane v4, v58;
	_ =	sdelay $0x1  }
0x568: {  	v6 =	vshll.u32 v5, $0x5  }
0x569: {  	v8 =	vor.u32 v7, v6;
	_ =	sdelay $0x3  }
0x56a: {  	v9 =	vld [tilespmem:s15+$0xFFFFFF00]  }
0x56b: {  	v10 =	vld.idx.msk [tilespmem:v8+s22+$0x0], $0xffff  }
0x56c: {  	v3 =	vor.u32 $0x10, v7  }
0x56d: {  	v6 =	vor.u32 v3, v6;
	_ =	sdelay $0x2  }
0x56e: {  	v10 =	vmax.f32 v10, v9  }
0x56f: {  	v11 =	vld [tilespmem:s15+$0xFFFFFF10];
	[tilespmem:v8+s22+$0x0] =	vst.idx.msk $0xffff, v10  }
0x570: {  	v10 =	vld.idx.msk [tilespmem:v6+s22+$0x0], $0xffff;
	_ =	sdelay $0x4  }
0x571: {  	v10 =	vmax.f32 v10, v11  }
0x572: {  	[tilespmem:v6+s22+$0x0] =	vst.idx.msk $0xffff, v10  }
0x573: {  	v10 =	vld.idx.msk [tilespmem:v8+s2+$0x0], $0xffff;
	_ =	sdelay $0x4  }
0x574: {  	v9 =	vmin.f32 v10, v9  }
0x575: {  	[tilespmem:v8+s2+$0x0] =	vst.idx.msk $0xffff, v9  }
0x576: {  	v2 =	vimm.s32 $0x1;
	v8 =	vld.idx.msk [tilespmem:v6+s2+$0x0], $0xffff  }
0x577: {  	v33 =	vperm.xlane v4, v2;
	_ =	sdelay $0x1  }
0x578: {  	v34 =	vshll.u32 v33, $0x5  }
0x579: {  	v12 =	vor.u32 v7, v34  }
0x57a: {  	v8 =	vmin.f32 v8, v11  }
0x57b: {  	[tilespmem:v6+s2+$0x0] =	vst.idx.msk $0xffff, v8  }
0x57c: {  	[tilespmem:v5+s8+$0x0] =	vst.idx.add.f32.msk $0x1, v13  }
0x57d: {  	v5 =	vld [tilespmem:s15+$0xFFFFFF20]  }
0x57e: {  	v6 =	vld.idx.msk [tilespmem:v12+s22+$0x0], $0xffff;
	_ =	sdelay $0x1  }
0x57f: {  	v8 =	vor.u32 v3, v34;
	_ =	sdelay $0x2  }
0x580: {  	v6 =	vmax.f32 v6, v5  }
0x581: {  	v35 =	vld [tilespmem:s15+$0xFFFFFF30];
	[tilespmem:v12+s22+$0x0] =	vst.idx.msk $0xffff, v6  }
0x582: {  	v6 =	vld.idx.msk [tilespmem:v8+s22+$0x0], $0xffff;
	_ =	sdelay $0x4  }
0x583: {  	v6 =	vmax.f32 v6, v35  }
0x584: {  	[tilespmem:v8+s22+$0x0] =	vst.idx.msk $0xffff, v6  }
0x585: {  	v6 =	vld.idx.msk [tilespmem:v12+s2+$0x0], $0xffff;
	_ =	sdelay $0x4  }
0x586: {  	v5 =	vmin.f32 v6, v5  }
0x587: {  	[tilespmem:v12+s2+$0x0] =	vst.idx.msk $0xffff, v5  }
0x588: {  	v5 =	vld.idx.msk [tilespmem:v8+s2+$0x0], $0xffff  }
0x589: {  	v6 =	vperm.xlane v4, v46;
	_ =	sdelay $0x1  }
0x58a: {  	v36 =	vshll.u32 v6, $0x5  }
0x58b: {  	v12 =	vor.u32 v7, v36  }
0x58c: {  	v5 =	vmin.f32 v5, v35  }
0x58d: {  	[tilespmem:v8+s2+$0x0] =	vst.idx.msk $0xffff, v5  }
0x58e: {  	[tilespmem:v33+s8+$0x0] =	vst.idx.add.f32.msk $0x1, v13  }
0x58f: {  	v5 =	vld [tilespmem:s15+$0xFFFFFF40]  }
0x590: {  	v8 =	vld.idx.msk [tilespmem:v12+s22+$0x0], $0xffff;
	_ =	sdelay $0x1  }
0x591: {  	v37 =	vor.u32 v3, v36;
	_ =	sdelay $0x2  }
0x592: {  	v8 =	vmax.f32 v8, v5  }
0x593: {  	v38 =	vld [tilespmem:s15+$0xFFFFFF50];
	[tilespmem:v12+s22+$0x0] =	vst.idx.msk $0xffff, v8  }
0x594: {  	v8 =	vld.idx.msk [tilespmem:v37+s22+$0x0], $0xffff;
	_ =	sdelay $0x4  }
0x595: {  	v8 =	vmax.f32 v8, v38  }
0x596: {  	[tilespmem:v37+s22+$0x0] =	vst.idx.msk $0xffff, v8  }
0x597: {  	v8 =	vld.idx.msk [tilespmem:v12+s2+$0x0], $0xffff;
	_ =	sdelay $0x4  }
0x598: {  	v5 =	vmin.f32 v8, v5  }
0x599: {  	[tilespmem:v12+s2+$0x0] =	vst.idx.msk $0xffff, v5  }
0x59a: {  	v5 =	vld.idx.msk [tilespmem:v37+s2+$0x0], $0xffff  }
0x59b: {  	v8 =	vperm.xlane v4, v52;
	_ =	sdelay $0x1  }
0x59c: {  	v39 =	vshll.u32 v8, $0x5  }
0x59d: {  	v12 =	vor.u32 v7, v39  }
0x59e: {  	v5 =	vmin.f32 v5, v38  }
0x59f: {  	[tilespmem:v37+s2+$0x0] =	vst.idx.msk $0xffff, v5  }
0x5a0: {  	[tilespmem:v6+s8+$0x0] =	vst.idx.add.f32.msk $0x1, v13  }
0x5a1: {  	v5 =	vld [tilespmem:s15+$0xFFFFFF60]  }
0x5a2: {  	v6 =	vld.idx.msk [tilespmem:v12+s22+$0x0], $0xffff;
	_ =	sdelay $0x1  }
0x5a3: {  	v41 =	vor.u32 v3, v39;
	_ =	sdelay $0x2  }
0x5a4: {  	v6 =	vmax.f32 v6, v5  }
0x5a5: {  	v42 =	vld [tilespmem:s15+$0xFFFFFF70];
	[tilespmem:v12+s22+$0x0] =	vst.idx.msk $0xffff, v6  }
0x5a6: {  	v6 =	vld.idx.msk [tilespmem:v41+s22+$0x0], $0xffff;
	_ =	sdelay $0x4  }
0x5a7: {  	v6 =	vmax.f32 v6, v42  }
0x5a8: {  	[tilespmem:v41+s22+$0x0] =	vst.idx.msk $0xffff, v6  }
0x5a9: {  	v6 =	vld.idx.msk [tilespmem:v12+s2+$0x0], $0xffff;
	_ =	sdelay $0x4  }
0x5aa: {  	v5 =	vmin.f32 v6, v5  }
0x5ab: {  	[tilespmem:v12+s2+$0x0] =	vst.idx.msk $0xffff, v5  }
0x5ac: {  	v5 =	vld.idx.msk [tilespmem:v41+s2+$0x0], $0xffff  }
0x5ad: {  	v6 =	vperm.xlane v4, v51;
	_ =	sdelay $0x1  }
0x5ae: {  	v43 =	vshll.u32 v6, $0x5  }
0x5af: {  	v12 =	vor.u32 v7, v43  }
0x5b0: {  	v5 =	vmin.f32 v5, v42  }
0x5b1: {  	[tilespmem:v41+s2+$0x0] =	vst.idx.msk $0xffff, v5  }
0x5b2: {  	[tilespmem:v8+s8+$0x0] =	vst.idx.add.f32.msk $0x1, v13  }
0x5b3: {  	v5 =	vld [tilespmem:s15+$0xFFFFFF80]  }
0x5b4: {  	v8 =	vld.idx.msk [tilespmem:v12+s22+$0x0], $0xffff;
	_ =	sdelay $0x1  }
0x5b5: {  	v44 =	vor.u32 v3, v43;
	_ =	sdelay $0x2  }
0x5b6: {  	v8 =	vmax.f32 v8, v5  }
0x5b7: {  	v45 =	vld [tilespmem:s15+$0xFFFFFF90];
	[tilespmem:v12+s22+$0x0] =	vst.idx.msk $0xffff, v8  }
0x5b8: {  	v8 =	vld.idx.msk [tilespmem:v44+s22+$0x0], $0xffff;
	_ =	sdelay $0x4  }
0x5b9: {  	v8 =	vmax.f32 v8, v45  }
0x5ba: {  	[tilespmem:v44+s22+$0x0] =	vst.idx.msk $0xffff, v8  }
0x5bb: {  	v8 =	vld.idx.msk [tilespmem:v12+s2+$0x0], $0xffff;
	_ =	sdelay $0x4  }
0x5bc: {  	v5 =	vmin.f32 v8, v5  }
0x5bd: {  	[tilespmem:v12+s2+$0x0] =	vst.idx.msk $0xffff, v5  }
0x5be: {  	v5 =	vld.idx.msk [tilespmem:v44+s2+$0x0], $0xffff  }
0x5bf: {  	v8 =	vperm.xlane v4, v47;
	_ =	sdelay $0x1  }
0x5c0: {  	v56 =	vshll.u32 v8, $0x5  }
0x5c1: {  	v12 =	vor.u32 v7, v56  }
0x5c2: {  	v5 =	vmin.f32 v5, v45  }
0x5c3: {  	[tilespmem:v44+s2+$0x0] =	vst.idx.msk $0xffff, v5  }
0x5c4: {  	[tilespmem:v6+s8+$0x0] =	vst.idx.add.f32.msk $0x1, v13  }
0x5c5: {  	v5 =	vld [tilespmem:s15+$0xFFFFFFA0]  }
0x5c6: {  	v6 =	vld.idx.msk [tilespmem:v12+s22+$0x0], $0xffff;
	_ =	sdelay $0x1  }
0x5c7: {  	v57 =	vor.u32 v3, v56;
	_ =	sdelay $0x2  }
0x5c8: {  	v6 =	vmax.f32 v6, v5  }
0x5c9: {  	v61 =	vld [tilespmem:s15+$0xFFFFFFB0];
	[tilespmem:v12+s22+$0x0] =	vst.idx.msk $0xffff, v6  }
0x5ca: {  	v6 =	vld.idx.msk [tilespmem:v57+s22+$0x0], $0xffff;
	_ =	sdelay $0x4  }
0x5cb: {  	v6 =	vmax.f32 v6, v61  }
0x5cc: {  	[tilespmem:v57+s22+$0x0] =	vst.idx.msk $0xffff, v6  }
0x5cd: {  	v6 =	vld.idx.msk [tilespmem:v12+s2+$0x0], $0xffff;
	_ =	sdelay $0x4  }
0x5ce: {  	v5 =	vmin.f32 v6, v5  }
0x5cf: {  	[tilespmem:v12+s2+$0x0] =	vst.idx.msk $0xffff, v5  }
0x5d0: {  	v5 =	vld.idx.msk [tilespmem:v57+s2+$0x0], $0xffff  }
0x5d1: {  	v6 =	vperm.xlane v4, v48;
	_ =	sdelay $0x1  }
0x5d2: {  	v62 =	vshll.u32 v6, $0x5  }
0x5d3: {  	v12 =	vor.u32 v7, v62  }
0x5d4: {  	v5 =	vmin.f32 v5, v61  }
0x5d5: {  	[tilespmem:v57+s2+$0x0] =	vst.idx.msk $0xffff, v5  }
0x5d6: {  	[tilespmem:v8+s8+$0x0] =	vst.idx.add.f32.msk $0x1, v13  }
0x5d7: {  	v5 =	vld [tilespmem:s15+$0xFFFFFFC0]  }
0x5d8: {  	v8 =	vld.idx.msk [tilespmem:v12+s22+$0x0], $0xffff;
	_ =	sdelay $0x1  }
0x5d9: {  	v63 =	vor.u32 v3, v62;
	_ =	sdelay $0x2  }
0x5da: {  	v8 =	vmax.f32 v8, v5  }
0x5db: {  	v16 =	vld [tilespmem:s15+$0xFFFFFFD0];
	[tilespmem:v12+s22+$0x0] =	vst.idx.msk $0xffff, v8  }
0x5dc: {  	v8 =	vld.idx.msk [tilespmem:v63+s22+$0x0], $0xffff;
	_ =	sdelay $0x4  }
0x5dd: {  	v8 =	vmax.f32 v8, v16  }
0x5de: {  	[tilespmem:v63+s22+$0x0] =	vst.idx.msk $0xffff, v8  }
0x5df: {  	v8 =	vld.idx.msk [tilespmem:v12+s2+$0x0], $0xffff;
	_ =	sdelay $0x4  }
0x5e0: {  	v5 =	vmin.f32 v8, v5  }
0x5e1: {  	[tilespmem:v12+s2+$0x0] =	vst.idx.msk $0xffff, v5  }
0x5e2: {  	v5 =	vld.idx.msk [tilespmem:v63+s2+$0x0], $0xffff  }
0x5e3: {  	v8 =	vperm.xlane v4, v59;
	_ =	sdelay $0x1  }
0x5e4: {  	v17 =	vshll.u32 v8, $0x5  }
0x5e5: {  	v12 =	vor.u32 v7, v17  }
0x5e6: {  	v5 =	vmin.f32 v5, v16  }
0x5e7: {  	[tilespmem:v63+s2+$0x0] =	vst.idx.msk $0xffff, v5  }
0x5e8: {  	[tilespmem:v6+s8+$0x0] =	vst.idx.add.f32.msk $0x1, v13  }
0x5e9: {  	v5 =	vld [tilespmem:s15+$0xFFFFFFE0]  }
0x5ea: {  	v6 =	vld.idx.msk [tilespmem:v12+s22+$0x0], $0xffff;
	_ =	sdelay $0x1  }
0x5eb: {  	v18 =	vor.u32 v3, v17;
	_ =	sdelay $0x2  }
0x5ec: {  	v6 =	vmax.f32 v6, v5  }
0x5ed: {  	v19 =	vld [tilespmem:s15+$0xFFFFFFF0];
	[tilespmem:v12+s22+$0x0] =	vst.idx.msk $0xffff, v6  }
0x5ee: {  	v6 =	vld.idx.msk [tilespmem:v18+s22+$0x0], $0xffff;
	_ =	sdelay $0x4  }
0x5ef: {  	v6 =	vmax.f32 v6, v19  }
0x5f0: {  	[tilespmem:v18+s22+$0x0] =	vst.idx.msk $0xffff, v6  }
0x5f1: {  	v6 =	vld.idx.msk [tilespmem:v12+s2+$0x0], $0xffff;
	_ =	sdelay $0x4  }
0x5f2: {  	v5 =	vmin.f32 v6, v5  }
0x5f3: {  	[tilespmem:v12+s2+$0x0] =	vst.idx.msk $0xffff, v5  }
0x5f4: {  	v5 =	vld.idx.msk [tilespmem:v18+s2+$0x0], $0xffff  }
0x5f5: {  	v6 =	vperm.xlane v4, v60;
	_ =	sdelay $0x1  }
0x5f6: {  	v24 =	vshll.u32 v6, $0x5  }
0x5f7: {  	v12 =	vor.u32 v7, v24  }
0x5f8: {  	v5 =	vmin.f32 v5, v19  }
0x5f9: {  	[tilespmem:v18+s2+$0x0] =	vst.idx.msk $0xffff, v5  }
0x5fa: {  	[tilespmem:v8+s8+$0x0] =	vst.idx.add.f32.msk $0x1, v13  }
0x5fb: {  	v5 =	vld [tilespmem:s15+$0x0]  }
0x5fc: {  	v8 =	vld.idx.msk [tilespmem:v12+s22+$0x0], $0xffff;
	_ =	sdelay $0x1  }
0x5fd: {  	v25 =	vor.u32 v3, v24;
	_ =	sdelay $0x2  }
0x5fe: {  	v8 =	vmax.f32 v8, v5  }
0x5ff: {  	v26 =	vld [tilespmem:s15+$0x10];
	[tilespmem:v12+s22+$0x0] =	vst.idx.msk $0xffff, v8  }
0x600: {  	v8 =	vld.idx.msk [tilespmem:v25+s22+$0x0], $0xffff;
	_ =	sdelay $0x4  }
0x601: {  	v8 =	vmax.f32 v8, v26  }
0x602: {  	[tilespmem:v25+s22+$0x0] =	vst.idx.msk $0xffff, v8  }
0x603: {  	v8 =	vld.idx.msk [tilespmem:v12+s2+$0x0], $0xffff;
	_ =	sdelay $0x4  }
0x604: {  	v5 =	vmin.f32 v8, v5  }
0x605: {  	[tilespmem:v12+s2+$0x0] =	vst.idx.msk $0xffff, v5  }
0x606: {  	v5 =	vld.idx.msk [tilespmem:v25+s2+$0x0], $0xffff  }
0x607: {  	v8 =	vperm.xlane v4, v49;
	_ =	sdelay $0x1  }
0x608: {  	v27 =	vshll.u32 v8, $0x5  }
0x609: {  	v12 =	vor.u32 v7, v27  }
0x60a: {  	v5 =	vmin.f32 v5, v26  }
0x60b: {  	[tilespmem:v25+s2+$0x0] =	vst.idx.msk $0xffff, v5  }
0x60c: {  	[tilespmem:v6+s8+$0x0] =	vst.idx.add.f32.msk $0x1, v13  }
0x60d: {  	v5 =	vld [tilespmem:s15+$0x20]  }
0x60e: {  	v6 =	vld.idx.msk [tilespmem:v12+s22+$0x0], $0xffff;
	_ =	sdelay $0x1  }
0x60f: {  	v32 =	vor.u32 v3, v27;
	_ =	sdelay $0x2  }
0x610: {  	v6 =	vmax.f32 v6, v5  }
0x611: {  	v33 =	vld [tilespmem:s15+$0x30];
	[tilespmem:v12+s22+$0x0] =	vst.idx.msk $0xffff, v6  }
0x612: {  	v6 =	vld.idx.msk [tilespmem:v32+s22+$0x0], $0xffff;
	_ =	sdelay $0x4  }
0x613: {  	v6 =	vmax.f32 v6, v33  }
0x614: {  	[tilespmem:v32+s22+$0x0] =	vst.idx.msk $0xffff, v6  }
0x615: {  	v6 =	vld.idx.msk [tilespmem:v12+s2+$0x0], $0xffff;
	_ =	sdelay $0x4  }
0x616: {  	v5 =	vmin.f32 v6, v5  }
0x617: {  	[tilespmem:v12+s2+$0x0] =	vst.idx.msk $0xffff, v5  }
0x618: {  	v5 =	vld.idx.msk [tilespmem:v32+s2+$0x0], $0xffff  }
0x619: {  	v6 =	vperm.xlane v4, v50;
	_ =	sdelay $0x1  }
0x61a: {  	v34 =	vshll.u32 v6, $0x5  }
0x61b: {  	v12 =	vor.u32 v7, v34  }
0x61c: {  	v5 =	vmin.f32 v5, v33  }
0x61d: {  	[tilespmem:v32+s2+$0x0] =	vst.idx.msk $0xffff, v5  }
0x61e: {  	[tilespmem:v8+s8+$0x0] =	vst.idx.add.f32.msk $0x1, v13  }
0x61f: {  	v5 =	vld [tilespmem:s15+$0x40]  }
0x620: {  	v8 =	vld.idx.msk [tilespmem:v12+s22+$0x0], $0xffff;
	_ =	sdelay $0x1  }
0x621: {  	v35 =	vor.u32 v3, v34;
	_ =	sdelay $0x2  }
0x622: {  	v8 =	vmax.f32 v8, v5  }
0x623: {  	v36 =	vld [tilespmem:s15+$0x50];
	[tilespmem:v12+s22+$0x0] =	vst.idx.msk $0xffff, v8  }
0x624: {  	v8 =	vld.idx.msk [tilespmem:v35+s22+$0x0], $0xffff;
	_ =	sdelay $0x4  }
0x625: {  	v8 =	vmax.f32 v8, v36  }
0x626: {  	[tilespmem:v35+s22+$0x0] =	vst.idx.msk $0xffff, v8  }
0x627: {  	v8 =	vld.idx.msk [tilespmem:v12+s2+$0x0], $0xffff;
	_ =	sdelay $0x4  }
0x628: {  	v5 =	vmin.f32 v8, v5  }
0x629: {  	[tilespmem:v12+s2+$0x0] =	vst.idx.msk $0xffff, v5  }
0x62a: {  	v5 =	vld.idx.msk [tilespmem:v35+s2+$0x0], $0xffff  }
0x62b: {  	v8 =	vperm.xlane v4, v53;
	_ =	sdelay $0x1  }
0x62c: {  	v37 =	vshll.u32 v8, $0x5  }
0x62d: {  	v12 =	vor.u32 v7, v37  }
0x62e: {  	v5 =	vmin.f32 v5, v36  }
0x62f: {  	[tilespmem:v35+s2+$0x0] =	vst.idx.msk $0xffff, v5  }
0x630: {  	[tilespmem:v6+s8+$0x0] =	vst.idx.add.f32.msk $0x1, v13  }
0x631: {  	v5 =	vld [tilespmem:s15+$0x60]  }
0x632: {  	v6 =	vld.idx.msk [tilespmem:v12+s22+$0x0], $0xffff;
	_ =	sdelay $0x1  }
0x633: {  	v38 =	vor.u32 v3, v37;
	_ =	sdelay $0x2  }
0x634: {  	v6 =	vmax.f32 v6, v5  }
0x635: {  	v39 =	vld [tilespmem:s15+$0x70];
	[tilespmem:v12+s22+$0x0] =	vst.idx.msk $0xffff, v6  }
0x636: {  	v6 =	vld.idx.msk [tilespmem:v38+s22+$0x0], $0xffff;
	_ =	sdelay $0x4  }
0x637: {  	v6 =	vmax.f32 v6, v39  }
0x638: {  	[tilespmem:v38+s22+$0x0] =	vst.idx.msk $0xffff, v6  }
0x639: {  	v6 =	vld.idx.msk [tilespmem:v12+s2+$0x0], $0xffff;
	_ =	sdelay $0x4  }
0x63a: {  	v5 =	vmin.f32 v6, v5  }
0x63b: {  	[tilespmem:v12+s2+$0x0] =	vst.idx.msk $0xffff, v5  }
0x63c: {  	v5 =	vld.idx.msk [tilespmem:v38+s2+$0x0], $0xffff  }
0x63d: {  	v6 =	vperm.xlane v4, v40;
	_ =	sdelay $0x1  }
0x63e: {  	v41 =	vshll.u32 v6, $0x5  }
0x63f: {  	v12 =	vor.u32 v7, v41  }
0x640: {  	v5 =	vmin.f32 v5, v39  }
0x641: {  	[tilespmem:v38+s2+$0x0] =	vst.idx.msk $0xffff, v5  }
0x642: {  	[tilespmem:v8+s8+$0x0] =	vst.idx.add.f32.msk $0x1, v13  }
0x643: {  	v5 =	vld [tilespmem:s15+$0x80]  }
0x644: {  	v8 =	vld.idx.msk [tilespmem:v12+s22+$0x0], $0xffff;
	_ =	sdelay $0x1  }
0x645: {  	v42 =	vor.u32 v3, v41;
	_ =	sdelay $0x2  }
0x646: {  	v8 =	vmax.f32 v8, v5  }
0x647: {  	v43 =	vld [tilespmem:s15+$0x90];
	[tilespmem:v12+s22+$0x0] =	vst.idx.msk $0xffff, v8  }
0x648: {  	v8 =	vld.idx.msk [tilespmem:v42+s22+$0x0], $0xffff;
	_ =	sdelay $0x4  }
0x649: {  	v8 =	vmax.f32 v8, v43  }
0x64a: {  	[tilespmem:v42+s22+$0x0] =	vst.idx.msk $0xffff, v8  }
0x64b: {  	v8 =	vld.idx.msk [tilespmem:v12+s2+$0x0], $0xffff;
	_ =	sdelay $0x4  }
0x64c: {  	v5 =	vmin.f32 v8, v5  }
0x64d: {  	[tilespmem:v12+s2+$0x0] =	vst.idx.msk $0xffff, v5  }
0x64e: {  	v5 =	vld.idx.msk [tilespmem:v42+s2+$0x0], $0xffff  }
0x64f: {  	v8 =	vperm.xlane v4, v54;
	_ =	sdelay $0x1  }
0x650: {  	v44 =	vshll.u32 v8, $0x5  }
0x651: {  	v12 =	vor.u32 v7, v44  }
0x652: {  	v5 =	vmin.f32 v5, v43  }
0x653: {  	[tilespmem:v42+s2+$0x0] =	vst.idx.msk $0xffff, v5  }
0x654: {  	[tilespmem:v6+s8+$0x0] =	vst.idx.add.f32.msk $0x1, v13  }
0x655: {  	v5 =	vld [tilespmem:s15+$0xA0]  }
0x656: {  	v6 =	vld.idx.msk [tilespmem:v12+s22+$0x0], $0xffff;
	_ =	sdelay $0x1  }
0x657: {  	v45 =	vor.u32 v3, v44;
	_ =	sdelay $0x2  }
0x658: {  	v6 =	vmax.f32 v6, v5  }
0x659: {  	v56 =	vld [tilespmem:s15+$0xB0];
	[tilespmem:v12+s22+$0x0] =	vst.idx.msk $0xffff, v6  }
0x65a: {  	v6 =	vld.idx.msk [tilespmem:v45+s22+$0x0], $0xffff;
	_ =	sdelay $0x4  }
0x65b: {  	v6 =	vmax.f32 v6, v56  }
0x65c: {  	[tilespmem:v45+s22+$0x0] =	vst.idx.msk $0xffff, v6  }
0x65d: {  	v6 =	vld.idx.msk [tilespmem:v12+s2+$0x0], $0xffff;
	_ =	sdelay $0x4  }
0x65e: {  	v5 =	vmin.f32 v6, v5  }
0x65f: {  	[tilespmem:v12+s2+$0x0] =	vst.idx.msk $0xffff, v5  }
0x660: {  	v5 =	vld.idx.msk [tilespmem:v45+s2+$0x0], $0xffff  }
0x661: {  	v6 =	vperm.xlane v4, v55;
	_ =	sdelay $0x1  }
0x662: {  	v57 =	vshll.u32 v6, $0x5  }
0x663: {  	v12 =	vor.u32 v7, v57  }
0x664: {  	v5 =	vmin.f32 v5, v56  }
0x665: {  	[tilespmem:v45+s2+$0x0] =	vst.idx.msk $0xffff, v5  }
0x666: {  	[tilespmem:v8+s8+$0x0] =	vst.idx.add.f32.msk $0x1, v13  }
0x667: {  	v5 =	vld [tilespmem:s15+$0xC0]  }
0x668: {  	v8 =	vld.idx.msk [tilespmem:v12+s22+$0x0], $0xffff;
	_ =	sdelay $0x1  }
0x669: {  	v61 =	vor.u32 v3, v57;
	_ =	sdelay $0x2  }
0x66a: {  	v8 =	vmax.f32 v8, v5  }
0x66b: {  	v62 =	vld [tilespmem:s15+$0xD0];
	[tilespmem:v12+s22+$0x0] =	vst.idx.msk $0xffff, v8  }
0x66c: {  	v8 =	vld.idx.msk [tilespmem:v61+s22+$0x0], $0xffff;
	_ =	sdelay $0x4  }
0x66d: {  	v8 =	vmax.f32 v8, v62  }
0x66e: {  	[tilespmem:v61+s22+$0x0] =	vst.idx.msk $0xffff, v8  }
0x66f: {  	v8 =	vld.idx.msk [tilespmem:v12+s2+$0x0], $0xffff;
	_ =	sdelay $0x4  }
0x670: {  	v5 =	vmin.f32 v8, v5  }
0x671: {  	[tilespmem:v12+s2+$0x0] =	vst.idx.msk $0xffff, v5  }
0x672: {  	v5 =	vld.idx.msk [tilespmem:v61+s2+$0x0], $0xffff  }
0x673: {  	v4 =	vperm.xlane v4, v30;
	_ =	sdelay $0x1  }
0x674: {  	v8 =	vshll.u32 v4, $0x5  }
0x675: {  	v63 =	vor.u32 v7, v8  }
0x676: {  	v5 =	vmin.f32 v5, v62  }
0x677: {  	[tilespmem:v61+s2+$0x0] =	vst.idx.msk $0xffff, v5  }
0x678: {  	[tilespmem:v6+s8+$0x0] =	vst.idx.add.f32.msk $0x1, v13  }
0x679: {  	v5 =	vld [tilespmem:s15+$0xE0]  }
0x67a: {  	v6 =	vld.idx.msk [tilespmem:v63+s22+$0x0], $0xffff;
	_ =	sdelay $0x1  }
0x67b: {  	v3 =	vor.u32 v3, v8;
	_ =	sdelay $0x2  }
0x67c: {  	v6 =	vmax.f32 v6, v5  }
0x67d: {  	v8 =	vld [tilespmem:s15+$0xF0];
	[tilespmem:v63+s22+$0x0] =	vst.idx.msk $0xffff, v6  }
0x67e: {  	v6 =	vld.idx.msk [tilespmem:v3+s22+$0x0], $0xffff;
	_ =	sdelay $0x4  }
0x67f: {  	v6 =	vmax.f32 v6, v8  }
0x680: {  	[tilespmem:v3+s22+$0x0] =	vst.idx.msk $0xffff, v6  }
0x681: {  	v6 =	vld.idx.msk [tilespmem:v63+s2+$0x0], $0xffff;
	_ =	sdelay $0x4  }
0x682: {  	v5 =	vmin.f32 v6, v5  }
0x683: {  	[tilespmem:v63+s2+$0x0] =	vst.idx.msk $0xffff, v5  }
0x684: {  	v5 =	vld.idx.msk [tilespmem:v3+s2+$0x0], $0xffff;
	_ =	sdelay $0x1  }
0x685: {  	p2 =	sne.s32 s16, $0x3C0  }
.Ltmp14:
0x686: {  	_ = 	snop;
	(pc) =	sbr.rel @p2 .LBB2_20-.Ltmp14, $4  }
0x687: {  	_ = 	snop  }
0x688: {  	v5 =	vmin.f32 v5, v8  }
0x689: {  	[tilespmem:v3+s2+$0x0] =	vst.idx.msk $0xffff, v5  }
0x68a: {  	s16 =	sadd.s32 $0x40, s16;
	s15 =	sadd.s32 $0x200, s15;
	[tilespmem:v4+s8+$0x0] =	vst.idx.add.f32.msk $0x1, v13  }
0x68b: {  	_ =	swait.ge [sflag:s31], $0x2000  }
0x68c: {  	[sflag:s31] =	ssyncset.done $0x0  }
0x68d: {  	s1 =	simm.s32 $0x4640;
	[sflag:s31] =	ssyncadd.s32 $0xFFFFE000  }
0x68e: {  	v4 =	vld [tilespmem:s1+$0x30]  }
0x68f: {  	v6 =	vld [tilespmem:s1+$0xFFFFFFD0]  }
0x690: {  	v9 =	vld [tilespmem:s1+$0xFFFFFFE0]  }
0x691: {  	v5 =	vld [tilespmem:s1+$0xFFFFFFF0]  }
0x692: {  	v3 =	vld [tilespmem:s1+$0x0]  }
0x693: {  	v1 =	vld [tilespmem:s1+$0x10];
	v10 =	vmul.f32 v4, v4  }
0x694: {  	v4 =	vld [tilespmem:s1+$0x20];
	v8 =	vmul.f32 v6, v6  }
0x695: {  	s3 =	simm.s32 $0x0;
	s4 =	simm.s32 $0x46C0;
	v6 =	vld [tilespmem:s1+$0xFFFFFFC0];
	v9 =	vmul.f32 v9, v9;
	[tilespmem:s1+$0x30] =	vst v10  }
.LBB2_22:
0x696: {  	v10 =	vld [tilespmem:s4+$0x30];
	s3 =	sadd.s32 $0x4, s3;
	[tilespmem:s1+$0xFFFFFFD0] =	vst v8;
	v5 =	vmul.f32 v5, v5  }
0x697: {  	v8 =	vld [tilespmem:s4+$0xFFFFFFD0];
	p2 =	slt.u32 s3, $0xFC;
	[tilespmem:s1+$0xFFFFFFE0] =	vst v9;
	v3 =	vmul.f32 v3, v3  }
0x698: {  	v9 =	vld [tilespmem:s4+$0xFFFFFFE0];
	[tilespmem:s1+$0xFFFFFFF0] =	vst v5;
	v1 =	vmul.f32 v1, v1  }
.Ltmp15:
0x699: {  	v5 =	vld [tilespmem:s4+$0xFFFFFFF0];
	[tilespmem:s1+$0x0] =	vst v3;
	v4 =	vmul.f32 v4, v4;
	(pc) =	sbr.rel @p2 .LBB2_22-.Ltmp15, $4  }
0x69a: {  	v3 =	vld [tilespmem:s4+$0x0];
	v6 =	vmul.f32 v6, v6;
	[tilespmem:s1+$0x10] =	vst v1  }
0x69b: {  	v1 =	vld [tilespmem:s4+$0x10];
	v10 =	vmul.f32 v10, v10;
	[tilespmem:s1+$0x20] =	vst v4  }
0x69c: {  	v8 =	vmul.f32 v8, v8;
	v4 =	vld [tilespmem:s4+$0x20];
	[tilespmem:s1+$0xFFFFFFC0] =	vst v6;
	s1 =	smov.u32 s4  }
0x69d: {  	s4 =	sadd.s32 $0x80, s4;
	v6 =	vld [tilespmem:s1+$0xFFFFFFC0];
	v9 =	vmul.f32 v9, v9;
	[tilespmem:s1+$0x30] =	vst v10  }
0x69e: {  	[tilespmem:s1+$0xFFFFFFD0] =	vst v8;
	v5 =	vmul.f32 v5, v5  }
0x69f: {  	[tilespmem:s1+$0xFFFFFFE0] =	vst v9;
	v3 =	vmul.f32 v3, v3  }
0x6a0: {  	[tilespmem:s1+$0xFFFFFFF0] =	vst v5;
	v1 =	vmul.f32 v1, v1  }
0x6a1: {  	[tilespmem:s1+$0x0] =	vst v3;
	v3 =	vmul.f32 v4, v4  }
0x6a2: {  	v4 =	vmul.f32 v6, v6;
	[tilespmem:s1+$0x10] =	vst v1  }
0x6a3: {  	[tilespmem:s1+$0x20] =	vst v3  }
0x6a4: {  	[tilespmem:s1+$0xFFFFFFC0] =	vst v4;
	s1 =	sadd.s32 $0x100, s14  }
0x6a5: {  	p2 =	sle.s32 s1, s5  }
.Ltmp16:
0x6a6: {  	_ = 	snop;
	(pc) =	sbr.rel @p2 .LBB2_19-.Ltmp16, $4  }
0x6a7: {  	[spmem:s9] =	stream.indirect.scatter.add.f32 [tilespmem:s18], [sflag:$0x3], $0x20, s19, s29, $0xb8;
	[tilespmem:$0x1F520] =	vst v63  }
0x6a8: {  	_ =	swait.ge [sflag:s24], $0x2000  }
0x6a9: {  	[sflag:s24] =	ssyncset.done $0x0  }
0x6aa: {  	s12 =	sadd.s32 $0x100, s12;
	s3 =	sadd.s32 $0x400, s13;
	[sflag:s24] =	ssyncadd.s32 $0xFFFFE000  }
0x6ab: {  	p2 =	slt.s32 s14, $0x1  }
.Ltmp17:
0x6ac: {  	_ = 	snop;
	(pc) =	sbr.rel @p2 .LBB2_28-.Ltmp17, $2  }
0x6ad: {  	_ =	sdelay $0x2  }
0x6ae: {  	s1 =	simm.s32 $0x0  }
0x6af: {  	s4 =	sshra.s32 s13, $0x2;
	s3 =	simm.s32 $0x40  }
.LBB2_26:
0x6b0: {  	p2 =	sne.s32 s3, $0x3C0;
	v1 =	vld [tilespmem:s4+$0x2200];
	_ =	sdelay $0x3  }
0x6b1: {  	s0 =	sshra.s32 s1, $0x2;
	s1 =	smov.u32 s3  }
0x6b2: {  	[tilespmem:s0+$0x2200] =	vst v1  }
0x6b3: {  	v1 =	vld [tilespmem:s4+$0x3300]  }
.Ltmp18:
0x6b4: {  	(pc) =	sbr.rel @p2 .LBB2_26-.Ltmp18, $3  }
0x6b5: {  	_ =	sdelay $0x1  }
0x6b6: {  	s13 =	sadd.s32 $0x40, s13  }
0x6b7: {  	s3 =	sadd.s32 $0x40, s3;
	s4 =	sshra.s32 s13, $0x2;
	[tilespmem:s0+$0x3300] =	vst v1  }
0x6b8: {  	v1 =	vld [tilespmem:s4+$0x2200];
	_ =	sdelay $0x3  }
0x6b9: {  	s0 =	sshra.s32 s1, $0x2  }
0x6ba: {  	[tilespmem:s0+$0x2200] =	vst v1  }
0x6bb: {  	v1 =	vld [tilespmem:s4+$0x3300]  }
.Ltmp19:
0x6bc: {  	_ = 	snop;
	(pc) =	sbr.rel .LBB2_28-.Ltmp19, $2  }
0x6bd: {  	_ =	sdelay $0x2  }
0x6be: {  	[tilespmem:s0+$0x3300] =	vst v1  }
.LBB2_29:
0x6bf: {  	p1 =	slt.s32 s5, $0x1  }
.Ltmp20:
0x6c0: {  	_ = 	snop;
	(pc) =	sbr.rel @p1 .LBB2_37-.Ltmp20, $2  }
0x6c1: {  	_ =	sdelay $0x2  }
0x6c2: {  	vm2 =	vmmov vm1;
	v12 =	vld [tilespmem:$0x1FF00]  }
0x6c3: {  	s1 =	simm.s32 $0x3300  }
0x6c4: {  	v1 =	vmov s5;
	s3 =	simm.s32 $0x0;
	s4 =	simm.s32 $0x10;
	v3 =	vld [tilespmem:s1+$0x0]  }
.LBB2_31:
0x6c5: {  	p1 =	sne.s32 s4, $0xF0;
	_ =	sdelay $0x1  }
.Ltmp21:
0x6c6: {  	v4 =	vor.u32 s3, v7;
	s3 =	smov.u32 s4;
	(pc) =	sbr.rel @p1 .LBB2_31-.Ltmp21, $4  }
0x6c7: {  	vm0 =	vlt.s32 v4, v1  }
0x6c8: {  	v3 =	vsel vm0, v3, v12  }
0x6c9: {  	[tilespmem:s1+$0x0] =	vst v3;
	s1 =	sadd.s32 $0x10, s1  }
0x6ca: {  	s4 =	sadd.s32 $0x10, s4;
	v3 =	vld [tilespmem:s1+$0x0]  }
0x6cb: {  	_ =	sdelay $0x1  }
0x6cc: {  	v4 =	vor.u32 s3, v7  }
0x6cd: {  	vm0 =	vlt.s32 v4, v1  }
0x6ce: {  	v1 =	vsel vm0, v3, v12  }
0x6cf: {  	[tilespmem:s1+$0x0] =	vst v1  }
0x6d0: {  	v1 =	vld [tilespmem:$0x3300]  }
0x6d1: {  	v3 =	vld [tilespmem:$0x3310]  }
0x6d2: {  	v4 =	vld [tilespmem:$0x3320]  }
0x6d3: {  	v5 =	vld [tilespmem:$0x3330]  }
0x6d4: {  	v6 =	vld [tilespmem:$0x3340]  }
0x6d5: {  	[tilespmem:$0x4400] =	vst v1;
	v1 =	vld [tilespmem:$0x3350]  }
0x6d6: {  	[tilespmem:$0x4410] =	vst v3;
	v3 =	vld [tilespmem:$0x3360]  }
0x6d7: {  	[tilespmem:$0x4420] =	vst v4;
	v4 =	vld [tilespmem:$0x3370]  }
0x6d8: {  	[tilespmem:$0x4430] =	vst v5;
	v5 =	vld [tilespmem:$0x3380]  }
0x6d9: {  	[tilespmem:$0x4440] =	vst v6;
	v6 =	vld [tilespmem:$0x3390]  }
0x6da: {  	[tilespmem:$0x4450] =	vst v1;
	v1 =	vld [tilespmem:$0x33A0]  }
0x6db: {  	[tilespmem:$0x4460] =	vst v3;
	v3 =	vld [tilespmem:$0x33B0]  }
0x6dc: {  	[tilespmem:$0x4470] =	vst v4;
	v4 =	vld [tilespmem:$0x33C0]  }
0x6dd: {  	[tilespmem:$0x4480] =	vst v5;
	v5 =	vld [tilespmem:$0x33D0]  }
0x6de: {  	[tilespmem:$0x4490] =	vst v6;
	v6 =	vld [tilespmem:$0x33E0]  }
0x6df: {  	[tilespmem:$0x44A0] =	vst v1;
	v1 =	vld [tilespmem:$0x33F0]  }
0x6e0: {  	[tilespmem:$0x44B0] =	vst v3  }
0x6e1: {  	[tilespmem:$0x44C0] =	vst v4  }
0x6e2: {  	[tilespmem:$0x44D0] =	vst v5  }
0x6e3: {  	[tilespmem:$0x44E0] =	vst v6  }
0x6e4: {  	[tilespmem:$0x44F0] =	vst v1  }
0x6e5: {  	[tilespmem:s10], [sflag:$0x2] =	stream.indirect.gather [hbm4b:s17+s29], $0x1, s26, s29, $0xb8;
	[tilespmem:$0x1F520] =	vst v63  }
0x6e6: {  	_ =	swait.ge [sflag:s31], $0x100  }
0x6e7: {  	[sflag:s31] =	ssyncset.done $0x0  }
0x6e8: {  	[sflag:s31] =	ssyncadd.s32 $0xFFFFFF00  }
0x6e9: {  	[tilespmem:s18], [sflag:$0x2] =	stream.indirect.gather [hbm4b:s6+s29], $0x20, s10, s29, $0xb8;
	[tilespmem:$0x1F520] =	vst v63  }
0x6ea: {  	_ =	swait.ge [sflag:s31], $0x2000  }
0x6eb: {  	[sflag:s31] =	ssyncset.done $0x0  }
0x6ec: {  	s5 =	simm.s32 $0x0;
	s10 =	simm.s32 $0x4700;
	[sflag:s31] =	ssyncadd.s32 $0xFFFFE000  }
0x6ed: {  	[spmem:s7] =	stream.indirect.scatter.add.f32 [tilespmem:s18], [sflag:$0x2], $0x20, s19, s29, $0xb8;
	[tilespmem:$0x1F520] =	vst v63  }
.LBB2_33:
0x6ee: {  	s0 =	sshra.s32 s5, $0x2  }
0x6ef: {  	v1 =	vld [tilespmem:s0+$0x3300];
	_ =	sdelay $0x4  }
0x6f0: {  	v3 =	vsub.s32 v1, v0  }
0x6f1: {  	v4 =	vperm.xlane v3, v58;
	_ =	sdelay $0x1  }
0x6f2: {  	v5 =	vshll.u32 v4, $0x5  }
0x6f3: {  	v6 =	vor.u32 v7, v5;
	_ =	sdelay $0x3  }
0x6f4: {  	v8 =	vld [tilespmem:s10+$0xFFFFFF00]  }
0x6f5: {  	v9 =	vld.idx.msk [tilespmem:v6+s22+$0x0], $0xffff  }
0x6f6: {  	v1 =	vor.u32 $0x10, v7  }
0x6f7: {  	v5 =	vor.u32 v1, v5;
	_ =	sdelay $0x2  }
0x6f8: {  	v9 =	vmax.f32 v9, v8  }
0x6f9: {  	v10 =	vld [tilespmem:s10+$0xFFFFFF10];
	[tilespmem:v6+s22+$0x0] =	vst.idx.msk $0xffff, v9  }
0x6fa: {  	v9 =	vld.idx.msk [tilespmem:v5+s22+$0x0], $0xffff;
	_ =	sdelay $0x4  }
0x6fb: {  	v9 =	vmax.f32 v9, v10  }
0x6fc: {  	[tilespmem:v5+s22+$0x0] =	vst.idx.msk $0xffff, v9  }
0x6fd: {  	v9 =	vld.idx.msk [tilespmem:v6+s2+$0x0], $0xffff;
	_ =	sdelay $0x4  }
0x6fe: {  	v8 =	vmin.f32 v9, v8  }
0x6ff: {  	[tilespmem:v6+s2+$0x0] =	vst.idx.msk $0xffff, v8  }
0x700: {  	v2 =	vimm.s32 $0x1;
	v6 =	vld.idx.msk [tilespmem:v5+s2+$0x0], $0xffff  }
0x701: {  	v8 =	vperm.xlane v3, v2;
	_ =	sdelay $0x1  }
0x702: {  	v38 =	vshll.u32 v8, $0x5  }
0x703: {  	v11 =	vor.u32 v7, v38  }
0x704: {  	v6 =	vmin.f32 v6, v10  }
0x705: {  	[tilespmem:v5+s2+$0x0] =	vst.idx.msk $0xffff, v6  }
0x706: {  	[tilespmem:v4+s8+$0x0] =	vst.idx.add.f32.msk $0x1, v13  }
0x707: {  	v4 =	vld [tilespmem:s10+$0xFFFFFF20]  }
0x708: {  	v5 =	vld.idx.msk [tilespmem:v11+s22+$0x0], $0xffff;
	_ =	sdelay $0x1  }
0x709: {  	v6 =	vor.u32 v1, v38;
	_ =	sdelay $0x2  }
0x70a: {  	v5 =	vmax.f32 v5, v4  }
0x70b: {  	v39 =	vld [tilespmem:s10+$0xFFFFFF30];
	[tilespmem:v11+s22+$0x0] =	vst.idx.msk $0xffff, v5  }
0x70c: {  	v5 =	vld.idx.msk [tilespmem:v6+s22+$0x0], $0xffff;
	_ =	sdelay $0x4  }
0x70d: {  	v5 =	vmax.f32 v5, v39  }
0x70e: {  	[tilespmem:v6+s22+$0x0] =	vst.idx.msk $0xffff, v5  }
0x70f: {  	v5 =	vld.idx.msk [tilespmem:v11+s2+$0x0], $0xffff;
	_ =	sdelay $0x4  }
0x710: {  	v4 =	vmin.f32 v5, v4  }
0x711: {  	[tilespmem:v11+s2+$0x0] =	vst.idx.msk $0xffff, v4  }
0x712: {  	v4 =	vld.idx.msk [tilespmem:v6+s2+$0x0], $0xffff  }
0x713: {  	v5 =	vperm.xlane v3, v46;
	_ =	sdelay $0x1  }
0x714: {  	v41 =	vshll.u32 v5, $0x5  }
0x715: {  	v42 =	vor.u32 v7, v41  }
0x716: {  	v4 =	vmin.f32 v4, v39  }
0x717: {  	[tilespmem:v6+s2+$0x0] =	vst.idx.msk $0xffff, v4  }
0x718: {  	[tilespmem:v8+s8+$0x0] =	vst.idx.add.f32.msk $0x1, v13  }
0x719: {  	v4 =	vld [tilespmem:s10+$0xFFFFFF40]  }
0x71a: {  	v6 =	vld.idx.msk [tilespmem:v42+s22+$0x0], $0xffff;
	_ =	sdelay $0x1  }
0x71b: {  	v8 =	vor.u32 v1, v41;
	_ =	sdelay $0x2  }
0x71c: {  	v6 =	vmax.f32 v6, v4  }
0x71d: {  	v43 =	vld [tilespmem:s10+$0xFFFFFF50];
	[tilespmem:v42+s22+$0x0] =	vst.idx.msk $0xffff, v6  }
0x71e: {  	v6 =	vld.idx.msk [tilespmem:v8+s22+$0x0], $0xffff;
	_ =	sdelay $0x4  }
0x71f: {  	v6 =	vmax.f32 v6, v43  }
0x720: {  	[tilespmem:v8+s22+$0x0] =	vst.idx.msk $0xffff, v6  }
0x721: {  	v6 =	vld.idx.msk [tilespmem:v42+s2+$0x0], $0xffff;
	_ =	sdelay $0x4  }
0x722: {  	v4 =	vmin.f32 v6, v4  }
0x723: {  	[tilespmem:v42+s2+$0x0] =	vst.idx.msk $0xffff, v4  }
0x724: {  	v4 =	vld.idx.msk [tilespmem:v8+s2+$0x0], $0xffff  }
0x725: {  	v6 =	vperm.xlane v3, v52;
	_ =	sdelay $0x1  }
0x726: {  	v44 =	vshll.u32 v6, $0x5  }
0x727: {  	v45 =	vor.u32 v7, v44  }
0x728: {  	v4 =	vmin.f32 v4, v43  }
0x729: {  	[tilespmem:v8+s2+$0x0] =	vst.idx.msk $0xffff, v4  }
0x72a: {  	[tilespmem:v5+s8+$0x0] =	vst.idx.add.f32.msk $0x1, v13  }
0x72b: {  	v4 =	vld [tilespmem:s10+$0xFFFFFF60]  }
0x72c: {  	v5 =	vld.idx.msk [tilespmem:v45+s22+$0x0], $0xffff;
	_ =	sdelay $0x1  }
0x72d: {  	v8 =	vor.u32 v1, v44;
	_ =	sdelay $0x2  }
0x72e: {  	v5 =	vmax.f32 v5, v4  }
0x72f: {  	v56 =	vld [tilespmem:s10+$0xFFFFFF70];
	[tilespmem:v45+s22+$0x0] =	vst.idx.msk $0xffff, v5  }
0x730: {  	v5 =	vld.idx.msk [tilespmem:v8+s22+$0x0], $0xffff;
	_ =	sdelay $0x4  }
0x731: {  	v5 =	vmax.f32 v5, v56  }
0x732: {  	[tilespmem:v8+s22+$0x0] =	vst.idx.msk $0xffff, v5  }
0x733: {  	v5 =	vld.idx.msk [tilespmem:v45+s2+$0x0], $0xffff;
	_ =	sdelay $0x4  }
0x734: {  	v4 =	vmin.f32 v5, v4  }
0x735: {  	[tilespmem:v45+s2+$0x0] =	vst.idx.msk $0xffff, v4  }
0x736: {  	v4 =	vld.idx.msk [tilespmem:v8+s2+$0x0], $0xffff  }
0x737: {  	v5 =	vperm.xlane v3, v51;
	_ =	sdelay $0x1  }
0x738: {  	v57 =	vshll.u32 v5, $0x5  }
0x739: {  	v61 =	vor.u32 v7, v57  }
0x73a: {  	v4 =	vmin.f32 v4, v56  }
0x73b: {  	[tilespmem:v8+s2+$0x0] =	vst.idx.msk $0xffff, v4  }
0x73c: {  	[tilespmem:v6+s8+$0x0] =	vst.idx.add.f32.msk $0x1, v13  }
0x73d: {  	v4 =	vld [tilespmem:s10+$0xFFFFFF80]  }
0x73e: {  	v6 =	vld.idx.msk [tilespmem:v61+s22+$0x0], $0xffff;
	_ =	sdelay $0x1  }
0x73f: {  	v8 =	vor.u32 v1, v57;
	_ =	sdelay $0x2  }
0x740: {  	v6 =	vmax.f32 v6, v4  }
0x741: {  	v62 =	vld [tilespmem:s10+$0xFFFFFF90];
	[tilespmem:v61+s22+$0x0] =	vst.idx.msk $0xffff, v6  }
0x742: {  	v6 =	vld.idx.msk [tilespmem:v8+s22+$0x0], $0xffff;
	_ =	sdelay $0x4  }
0x743: {  	v6 =	vmax.f32 v6, v62  }
0x744: {  	[tilespmem:v8+s22+$0x0] =	vst.idx.msk $0xffff, v6  }
0x745: {  	v6 =	vld.idx.msk [tilespmem:v61+s2+$0x0], $0xffff;
	_ =	sdelay $0x4  }
0x746: {  	v4 =	vmin.f32 v6, v4  }
0x747: {  	[tilespmem:v61+s2+$0x0] =	vst.idx.msk $0xffff, v4  }
0x748: {  	v4 =	vld.idx.msk [tilespmem:v8+s2+$0x0], $0xffff  }
0x749: {  	v6 =	vperm.xlane v3, v47;
	_ =	sdelay $0x1  }
0x74a: {  	v63 =	vshll.u32 v6, $0x5  }
0x74b: {  	v16 =	vor.u32 v7, v63  }
0x74c: {  	v4 =	vmin.f32 v4, v62  }
0x74d: {  	[tilespmem:v8+s2+$0x0] =	vst.idx.msk $0xffff, v4  }
0x74e: {  	[tilespmem:v5+s8+$0x0] =	vst.idx.add.f32.msk $0x1, v13  }
0x74f: {  	v4 =	vld [tilespmem:s10+$0xFFFFFFA0]  }
0x750: {  	v5 =	vld.idx.msk [tilespmem:v16+s22+$0x0], $0xffff;
	_ =	sdelay $0x1  }
0x751: {  	v8 =	vor.u32 v1, v63;
	_ =	sdelay $0x2  }
0x752: {  	v5 =	vmax.f32 v5, v4  }
0x753: {  	v17 =	vld [tilespmem:s10+$0xFFFFFFB0];
	[tilespmem:v16+s22+$0x0] =	vst.idx.msk $0xffff, v5  }
0x754: {  	v5 =	vld.idx.msk [tilespmem:v8+s22+$0x0], $0xffff;
	_ =	sdelay $0x4  }
0x755: {  	v5 =	vmax.f32 v5, v17  }
0x756: {  	[tilespmem:v8+s22+$0x0] =	vst.idx.msk $0xffff, v5  }
0x757: {  	v5 =	vld.idx.msk [tilespmem:v16+s2+$0x0], $0xffff;
	_ =	sdelay $0x4  }
0x758: {  	v4 =	vmin.f32 v5, v4  }
0x759: {  	[tilespmem:v16+s2+$0x0] =	vst.idx.msk $0xffff, v4  }
0x75a: {  	v4 =	vld.idx.msk [tilespmem:v8+s2+$0x0], $0xffff  }
0x75b: {  	v5 =	vperm.xlane v3, v48;
	_ =	sdelay $0x1  }
0x75c: {  	v18 =	vshll.u32 v5, $0x5  }
0x75d: {  	v19 =	vor.u32 v7, v18  }
0x75e: {  	v4 =	vmin.f32 v4, v17  }
0x75f: {  	[tilespmem:v8+s2+$0x0] =	vst.idx.msk $0xffff, v4  }
0x760: {  	[tilespmem:v6+s8+$0x0] =	vst.idx.add.f32.msk $0x1, v13  }
0x761: {  	v4 =	vld [tilespmem:s10+$0xFFFFFFC0]  }
0x762: {  	v6 =	vld.idx.msk [tilespmem:v19+s22+$0x0], $0xffff;
	_ =	sdelay $0x1  }
0x763: {  	v8 =	vor.u32 v1, v18;
	_ =	sdelay $0x2  }
0x764: {  	v6 =	vmax.f32 v6, v4  }
0x765: {  	v20 =	vld [tilespmem:s10+$0xFFFFFFD0];
	[tilespmem:v19+s22+$0x0] =	vst.idx.msk $0xffff, v6  }
0x766: {  	v6 =	vld.idx.msk [tilespmem:v8+s22+$0x0], $0xffff;
	_ =	sdelay $0x4  }
0x767: {  	v6 =	vmax.f32 v6, v20  }
0x768: {  	[tilespmem:v8+s22+$0x0] =	vst.idx.msk $0xffff, v6  }
0x769: {  	v6 =	vld.idx.msk [tilespmem:v19+s2+$0x0], $0xffff;
	_ =	sdelay $0x4  }
0x76a: {  	v4 =	vmin.f32 v6, v4  }
0x76b: {  	[tilespmem:v19+s2+$0x0] =	vst.idx.msk $0xffff, v4  }
0x76c: {  	v4 =	vld.idx.msk [tilespmem:v8+s2+$0x0], $0xffff  }
0x76d: {  	v6 =	vperm.xlane v3, v59;
	_ =	sdelay $0x1  }
0x76e: {  	v21 =	vshll.u32 v6, $0x5  }
0x76f: {  	v22 =	vor.u32 v7, v21  }
0x770: {  	v4 =	vmin.f32 v4, v20  }
0x771: {  	[tilespmem:v8+s2+$0x0] =	vst.idx.msk $0xffff, v4  }
0x772: {  	[tilespmem:v5+s8+$0x0] =	vst.idx.add.f32.msk $0x1, v13  }
0x773: {  	v4 =	vld [tilespmem:s10+$0xFFFFFFE0]  }
0x774: {  	v5 =	vld.idx.msk [tilespmem:v22+s22+$0x0], $0xffff;
	_ =	sdelay $0x1  }
0x775: {  	v8 =	vor.u32 v1, v21;
	_ =	sdelay $0x2  }
0x776: {  	v5 =	vmax.f32 v5, v4  }
0x777: {  	v23 =	vld [tilespmem:s10+$0xFFFFFFF0];
	[tilespmem:v22+s22+$0x0] =	vst.idx.msk $0xffff, v5  }
0x778: {  	v5 =	vld.idx.msk [tilespmem:v8+s22+$0x0], $0xffff;
	_ =	sdelay $0x4  }
0x779: {  	v5 =	vmax.f32 v5, v23  }
0x77a: {  	[tilespmem:v8+s22+$0x0] =	vst.idx.msk $0xffff, v5  }
0x77b: {  	v5 =	vld.idx.msk [tilespmem:v22+s2+$0x0], $0xffff;
	_ =	sdelay $0x4  }
0x77c: {  	v4 =	vmin.f32 v5, v4  }
0x77d: {  	[tilespmem:v22+s2+$0x0] =	vst.idx.msk $0xffff, v4  }
0x77e: {  	v4 =	vld.idx.msk [tilespmem:v8+s2+$0x0], $0xffff  }
0x77f: {  	v5 =	vperm.xlane v3, v60;
	_ =	sdelay $0x1  }
0x780: {  	v24 =	vshll.u32 v5, $0x5  }
0x781: {  	v25 =	vor.u32 v7, v24  }
0x782: {  	v4 =	vmin.f32 v4, v23  }
0x783: {  	[tilespmem:v8+s2+$0x0] =	vst.idx.msk $0xffff, v4  }
0x784: {  	[tilespmem:v6+s8+$0x0] =	vst.idx.add.f32.msk $0x1, v13  }
0x785: {  	v4 =	vld [tilespmem:s10+$0x0]  }
0x786: {  	v6 =	vld.idx.msk [tilespmem:v25+s22+$0x0], $0xffff;
	_ =	sdelay $0x1  }
0x787: {  	v8 =	vor.u32 v1, v24;
	_ =	sdelay $0x2  }
0x788: {  	v6 =	vmax.f32 v6, v4  }
0x789: {  	v26 =	vld [tilespmem:s10+$0x10];
	[tilespmem:v25+s22+$0x0] =	vst.idx.msk $0xffff, v6  }
0x78a: {  	v6 =	vld.idx.msk [tilespmem:v8+s22+$0x0], $0xffff;
	_ =	sdelay $0x4  }
0x78b: {  	v6 =	vmax.f32 v6, v26  }
0x78c: {  	[tilespmem:v8+s22+$0x0] =	vst.idx.msk $0xffff, v6  }
0x78d: {  	v6 =	vld.idx.msk [tilespmem:v25+s2+$0x0], $0xffff;
	_ =	sdelay $0x4  }
0x78e: {  	v4 =	vmin.f32 v6, v4  }
0x78f: {  	[tilespmem:v25+s2+$0x0] =	vst.idx.msk $0xffff, v4  }
0x790: {  	v4 =	vld.idx.msk [tilespmem:v8+s2+$0x0], $0xffff  }
0x791: {  	v6 =	vperm.xlane v3, v49;
	_ =	sdelay $0x1  }
0x792: {  	v27 =	vshll.u32 v6, $0x5  }
0x793: {  	v32 =	vor.u32 v7, v27  }
0x794: {  	v4 =	vmin.f32 v4, v26  }
0x795: {  	[tilespmem:v8+s2+$0x0] =	vst.idx.msk $0xffff, v4  }
0x796: {  	[tilespmem:v5+s8+$0x0] =	vst.idx.add.f32.msk $0x1, v13  }
0x797: {  	v4 =	vld [tilespmem:s10+$0x20]  }
0x798: {  	v5 =	vld.idx.msk [tilespmem:v32+s22+$0x0], $0xffff;
	_ =	sdelay $0x1  }
0x799: {  	v8 =	vor.u32 v1, v27;
	_ =	sdelay $0x2  }
0x79a: {  	v5 =	vmax.f32 v5, v4  }
0x79b: {  	v33 =	vld [tilespmem:s10+$0x30];
	[tilespmem:v32+s22+$0x0] =	vst.idx.msk $0xffff, v5  }
0x79c: {  	v5 =	vld.idx.msk [tilespmem:v8+s22+$0x0], $0xffff;
	_ =	sdelay $0x4  }
0x79d: {  	v5 =	vmax.f32 v5, v33  }
0x79e: {  	[tilespmem:v8+s22+$0x0] =	vst.idx.msk $0xffff, v5  }
0x79f: {  	v5 =	vld.idx.msk [tilespmem:v32+s2+$0x0], $0xffff;
	_ =	sdelay $0x4  }
0x7a0: {  	v4 =	vmin.f32 v5, v4  }
0x7a1: {  	[tilespmem:v32+s2+$0x0] =	vst.idx.msk $0xffff, v4  }
0x7a2: {  	v4 =	vld.idx.msk [tilespmem:v8+s2+$0x0], $0xffff  }
0x7a3: {  	v5 =	vperm.xlane v3, v50;
	_ =	sdelay $0x1  }
0x7a4: {  	v34 =	vshll.u32 v5, $0x5  }
0x7a5: {  	v35 =	vor.u32 v7, v34  }
0x7a6: {  	v4 =	vmin.f32 v4, v33  }
0x7a7: {  	[tilespmem:v8+s2+$0x0] =	vst.idx.msk $0xffff, v4  }
0x7a8: {  	[tilespmem:v6+s8+$0x0] =	vst.idx.add.f32.msk $0x1, v13  }
0x7a9: {  	v4 =	vld [tilespmem:s10+$0x40]  }
0x7aa: {  	v6 =	vld.idx.msk [tilespmem:v35+s22+$0x0], $0xffff;
	_ =	sdelay $0x1  }
0x7ab: {  	v8 =	vor.u32 v1, v34;
	_ =	sdelay $0x2  }
0x7ac: {  	v6 =	vmax.f32 v6, v4  }
0x7ad: {  	v36 =	vld [tilespmem:s10+$0x50];
	[tilespmem:v35+s22+$0x0] =	vst.idx.msk $0xffff, v6  }
0x7ae: {  	v6 =	vld.idx.msk [tilespmem:v8+s22+$0x0], $0xffff;
	_ =	sdelay $0x4  }
0x7af: {  	v6 =	vmax.f32 v6, v36  }
0x7b0: {  	[tilespmem:v8+s22+$0x0] =	vst.idx.msk $0xffff, v6  }
0x7b1: {  	v6 =	vld.idx.msk [tilespmem:v35+s2+$0x0], $0xffff;
	_ =	sdelay $0x4  }
0x7b2: {  	v4 =	vmin.f32 v6, v4  }
0x7b3: {  	[tilespmem:v35+s2+$0x0] =	vst.idx.msk $0xffff, v4  }
0x7b4: {  	v4 =	vld.idx.msk [tilespmem:v8+s2+$0x0], $0xffff  }
0x7b5: {  	v6 =	vperm.xlane v3, v53;
	_ =	sdelay $0x1  }
0x7b6: {  	v37 =	vshll.u32 v6, $0x5  }
0x7b7: {  	v38 =	vor.u32 v7, v37  }
0x7b8: {  	v4 =	vmin.f32 v4, v36  }
0x7b9: {  	[tilespmem:v8+s2+$0x0] =	vst.idx.msk $0xffff, v4  }
0x7ba: {  	[tilespmem:v5+s8+$0x0] =	vst.idx.add.f32.msk $0x1, v13  }
0x7bb: {  	v4 =	vld [tilespmem:s10+$0x60]  }
0x7bc: {  	v5 =	vld.idx.msk [tilespmem:v38+s22+$0x0], $0xffff;
	_ =	sdelay $0x1  }
0x7bd: {  	v8 =	vor.u32 v1, v37;
	_ =	sdelay $0x2  }
0x7be: {  	v5 =	vmax.f32 v5, v4  }
0x7bf: {  	v39 =	vld [tilespmem:s10+$0x70];
	[tilespmem:v38+s22+$0x0] =	vst.idx.msk $0xffff, v5  }
0x7c0: {  	v5 =	vld.idx.msk [tilespmem:v8+s22+$0x0], $0xffff;
	_ =	sdelay $0x4  }
0x7c1: {  	v5 =	vmax.f32 v5, v39  }
0x7c2: {  	[tilespmem:v8+s22+$0x0] =	vst.idx.msk $0xffff, v5  }
0x7c3: {  	v5 =	vld.idx.msk [tilespmem:v38+s2+$0x0], $0xffff;
	_ =	sdelay $0x4  }
0x7c4: {  	v4 =	vmin.f32 v5, v4  }
0x7c5: {  	[tilespmem:v38+s2+$0x0] =	vst.idx.msk $0xffff, v4  }
0x7c6: {  	v4 =	vld.idx.msk [tilespmem:v8+s2+$0x0], $0xffff  }
0x7c7: {  	v5 =	vperm.xlane v3, v40;
	_ =	sdelay $0x1  }
0x7c8: {  	v41 =	vshll.u32 v5, $0x5  }
0x7c9: {  	v42 =	vor.u32 v7, v41  }
0x7ca: {  	v4 =	vmin.f32 v4, v39  }
0x7cb: {  	[tilespmem:v8+s2+$0x0] =	vst.idx.msk $0xffff, v4  }
0x7cc: {  	[tilespmem:v6+s8+$0x0] =	vst.idx.add.f32.msk $0x1, v13  }
0x7cd: {  	v4 =	vld [tilespmem:s10+$0x80]  }
0x7ce: {  	v6 =	vld.idx.msk [tilespmem:v42+s22+$0x0], $0xffff;
	_ =	sdelay $0x1  }
0x7cf: {  	v8 =	vor.u32 v1, v41;
	_ =	sdelay $0x2  }
0x7d0: {  	v6 =	vmax.f32 v6, v4  }
0x7d1: {  	v43 =	vld [tilespmem:s10+$0x90];
	[tilespmem:v42+s22+$0x0] =	vst.idx.msk $0xffff, v6  }
0x7d2: {  	v6 =	vld.idx.msk [tilespmem:v8+s22+$0x0], $0xffff;
	_ =	sdelay $0x4  }
0x7d3: {  	v6 =	vmax.f32 v6, v43  }
0x7d4: {  	[tilespmem:v8+s22+$0x0] =	vst.idx.msk $0xffff, v6  }
0x7d5: {  	v6 =	vld.idx.msk [tilespmem:v42+s2+$0x0], $0xffff;
	_ =	sdelay $0x4  }
0x7d6: {  	v4 =	vmin.f32 v6, v4  }
0x7d7: {  	[tilespmem:v42+s2+$0x0] =	vst.idx.msk $0xffff, v4  }
0x7d8: {  	v4 =	vld.idx.msk [tilespmem:v8+s2+$0x0], $0xffff  }
0x7d9: {  	v6 =	vperm.xlane v3, v54;
	_ =	sdelay $0x1  }
0x7da: {  	v44 =	vshll.u32 v6, $0x5  }
0x7db: {  	v45 =	vor.u32 v7, v44  }
0x7dc: {  	v4 =	vmin.f32 v4, v43  }
0x7dd: {  	[tilespmem:v8+s2+$0x0] =	vst.idx.msk $0xffff, v4  }
0x7de: {  	[tilespmem:v5+s8+$0x0] =	vst.idx.add.f32.msk $0x1, v13  }
0x7df: {  	v4 =	vld [tilespmem:s10+$0xA0]  }
0x7e0: {  	v5 =	vld.idx.msk [tilespmem:v45+s22+$0x0], $0xffff;
	_ =	sdelay $0x1  }
0x7e1: {  	v8 =	vor.u32 v1, v44;
	_ =	sdelay $0x2  }
0x7e2: {  	v5 =	vmax.f32 v5, v4  }
0x7e3: {  	v56 =	vld [tilespmem:s10+$0xB0];
	[tilespmem:v45+s22+$0x0] =	vst.idx.msk $0xffff, v5  }
0x7e4: {  	v5 =	vld.idx.msk [tilespmem:v8+s22+$0x0], $0xffff;
	_ =	sdelay $0x4  }
0x7e5: {  	v5 =	vmax.f32 v5, v56  }
0x7e6: {  	[tilespmem:v8+s22+$0x0] =	vst.idx.msk $0xffff, v5  }
0x7e7: {  	v5 =	vld.idx.msk [tilespmem:v45+s2+$0x0], $0xffff;
	_ =	sdelay $0x4  }
0x7e8: {  	v4 =	vmin.f32 v5, v4  }
0x7e9: {  	[tilespmem:v45+s2+$0x0] =	vst.idx.msk $0xffff, v4  }
0x7ea: {  	v4 =	vld.idx.msk [tilespmem:v8+s2+$0x0], $0xffff  }
0x7eb: {  	v5 =	vperm.xlane v3, v55;
	_ =	sdelay $0x1  }
0x7ec: {  	v57 =	vshll.u32 v5, $0x5  }
0x7ed: {  	v61 =	vor.u32 v7, v57  }
0x7ee: {  	v4 =	vmin.f32 v4, v56  }
0x7ef: {  	[tilespmem:v8+s2+$0x0] =	vst.idx.msk $0xffff, v4  }
0x7f0: {  	[tilespmem:v6+s8+$0x0] =	vst.idx.add.f32.msk $0x1, v13  }
0x7f1: {  	v4 =	vld [tilespmem:s10+$0xC0]  }
0x7f2: {  	v6 =	vld.idx.msk [tilespmem:v61+s22+$0x0], $0xffff;
	_ =	sdelay $0x1  }
0x7f3: {  	v8 =	vor.u32 v1, v57;
	_ =	sdelay $0x2  }
0x7f4: {  	v6 =	vmax.f32 v6, v4  }
0x7f5: {  	v62 =	vld [tilespmem:s10+$0xD0];
	[tilespmem:v61+s22+$0x0] =	vst.idx.msk $0xffff, v6  }
0x7f6: {  	v6 =	vld.idx.msk [tilespmem:v8+s22+$0x0], $0xffff;
	_ =	sdelay $0x4  }
0x7f7: {  	v6 =	vmax.f32 v6, v62  }
0x7f8: {  	[tilespmem:v8+s22+$0x0] =	vst.idx.msk $0xffff, v6  }
0x7f9: {  	v6 =	vld.idx.msk [tilespmem:v61+s2+$0x0], $0xffff;
	_ =	sdelay $0x4  }
0x7fa: {  	v4 =	vmin.f32 v6, v4  }
0x7fb: {  	[tilespmem:v61+s2+$0x0] =	vst.idx.msk $0xffff, v4  }
0x7fc: {  	v4 =	vld.idx.msk [tilespmem:v8+s2+$0x0], $0xffff  }
0x7fd: {  	v3 =	vperm.xlane v3, v30;
	_ =	sdelay $0x1  }
0x7fe: {  	v6 =	vshll.u32 v3, $0x5  }
0x7ff: {  	v63 =	vor.u32 v7, v6  }
0x800: {  	v4 =	vmin.f32 v4, v62  }
0x801: {  	[tilespmem:v8+s2+$0x0] =	vst.idx.msk $0xffff, v4  }
0x802: {  	[tilespmem:v5+s8+$0x0] =	vst.idx.add.f32.msk $0x1, v13  }
0x803: {  	v4 =	vld [tilespmem:s10+$0xE0]  }
0x804: {  	v5 =	vld.idx.msk [tilespmem:v63+s22+$0x0], $0xffff;
	_ =	sdelay $0x1  }
0x805: {  	v1 =	vor.u32 v1, v6;
	_ =	sdelay $0x2  }
0x806: {  	v5 =	vmax.f32 v5, v4  }
0x807: {  	v6 =	vld [tilespmem:s10+$0xF0];
	[tilespmem:v63+s22+$0x0] =	vst.idx.msk $0xffff, v5  }
0x808: {  	v5 =	vld.idx.msk [tilespmem:v1+s22+$0x0], $0xffff;
	_ =	sdelay $0x4  }
0x809: {  	v5 =	vmax.f32 v5, v6  }
0x80a: {  	[tilespmem:v1+s22+$0x0] =	vst.idx.msk $0xffff, v5  }
0x80b: {  	v5 =	vld.idx.msk [tilespmem:v63+s2+$0x0], $0xffff;
	_ =	sdelay $0x4  }
0x80c: {  	v4 =	vmin.f32 v5, v4  }
0x80d: {  	[tilespmem:v63+s2+$0x0] =	vst.idx.msk $0xffff, v4  }
0x80e: {  	v4 =	vld.idx.msk [tilespmem:v1+s2+$0x0], $0xffff;
	_ =	sdelay $0x1  }
0x80f: {  	p1 =	sne.s32 s5, $0x3C0  }
.Ltmp22:
0x810: {  	_ = 	snop;
	(pc) =	sbr.rel @p1 .LBB2_33-.Ltmp22, $4  }
0x811: {  	_ = 	snop  }
0x812: {  	v4 =	vmin.f32 v4, v6  }
0x813: {  	[tilespmem:v1+s2+$0x0] =	vst.idx.msk $0xffff, v4  }
0x814: {  	s5 =	sadd.s32 $0x40, s5;
	s10 =	sadd.s32 $0x200, s10;
	[tilespmem:v3+s8+$0x0] =	vst.idx.add.f32.msk $0x1, v13  }
0x815: {  	_ =	swait.ge [sflag:s31], $0x2000  }
0x816: {  	[sflag:s31] =	ssyncset.done $0x0  }
0x817: {  	s1 =	simm.s32 $0x4640;
	[sflag:s31] =	ssyncadd.s32 $0xFFFFE000  }
0x818: {  	v4 =	vld [tilespmem:s1+$0x30]  }
0x819: {  	v6 =	vld [tilespmem:s1+$0xFFFFFFD0]  }
0x81a: {  	v9 =	vld [tilespmem:s1+$0xFFFFFFE0]  }
0x81b: {  	v5 =	vld [tilespmem:s1+$0xFFFFFFF0]  }
0x81c: {  	v3 =	vld [tilespmem:s1+$0x0]  }
0x81d: {  	v1 =	vld [tilespmem:s1+$0x10];
	v10 =	vmul.f32 v4, v4  }
0x81e: {  	v4 =	vld [tilespmem:s1+$0x20];
	v8 =	vmul.f32 v6, v6  }
0x81f: {  	s3 =	simm.s32 $0x0;
	s4 =	simm.s32 $0x46C0;
	v6 =	vld [tilespmem:s1+$0xFFFFFFC0];
	v9 =	vmul.f32 v9, v9;
	[tilespmem:s1+$0x30] =	vst v10  }
.LBB2_35:
0x820: {  	v10 =	vld [tilespmem:s4+$0x30];
	s3 =	sadd.s32 $0x4, s3;
	[tilespmem:s1+$0xFFFFFFD0] =	vst v8;
	v5 =	vmul.f32 v5, v5  }
0x821: {  	v8 =	vld [tilespmem:s4+$0xFFFFFFD0];
	p1 =	slt.u32 s3, $0xFC;
	[tilespmem:s1+$0xFFFFFFE0] =	vst v9;
	v3 =	vmul.f32 v3, v3  }
0x822: {  	v9 =	vld [tilespmem:s4+$0xFFFFFFE0];
	[tilespmem:s1+$0xFFFFFFF0] =	vst v5;
	v1 =	vmul.f32 v1, v1  }
.Ltmp23:
0x823: {  	v5 =	vld [tilespmem:s4+$0xFFFFFFF0];
	[tilespmem:s1+$0x0] =	vst v3;
	v4 =	vmul.f32 v4, v4;
	(pc) =	sbr.rel @p1 .LBB2_35-.Ltmp23, $4  }
0x824: {  	v3 =	vld [tilespmem:s4+$0x0];
	v6 =	vmul.f32 v6, v6;
	[tilespmem:s1+$0x10] =	vst v1  }
0x825: {  	v1 =	vld [tilespmem:s4+$0x10];
	v10 =	vmul.f32 v10, v10;
	[tilespmem:s1+$0x20] =	vst v4  }
0x826: {  	v8 =	vmul.f32 v8, v8;
	v4 =	vld [tilespmem:s4+$0x20];
	[tilespmem:s1+$0xFFFFFFC0] =	vst v6;
	s1 =	smov.u32 s4  }
0x827: {  	s4 =	sadd.s32 $0x80, s4;
	v6 =	vld [tilespmem:s1+$0xFFFFFFC0];
	v9 =	vmul.f32 v9, v9;
	[tilespmem:s1+$0x30] =	vst v10  }
0x828: {  	[tilespmem:s1+$0xFFFFFFD0] =	vst v8;
	v5 =	vmul.f32 v5, v5  }
0x829: {  	[tilespmem:s1+$0xFFFFFFE0] =	vst v9;
	v3 =	vmul.f32 v3, v3  }
0x82a: {  	[tilespmem:s1+$0xFFFFFFF0] =	vst v5;
	v1 =	vmul.f32 v1, v1  }
0x82b: {  	[tilespmem:s1+$0x0] =	vst v3;
	v3 =	vmul.f32 v4, v4  }
0x82c: {  	v4 =	vmul.f32 v6, v6;
	[tilespmem:s1+$0x10] =	vst v1  }
0x82d: {  	[tilespmem:s1+$0x20] =	vst v3  }
.Ltmp24:
0x82e: {  	[tilespmem:s1+$0xFFFFFFC0] =	vst v4;
	(pc) =	sbr.rel .LBB2_37-.Ltmp24, $4  }
0x82f: {  	[spmem:s9] =	stream.indirect.scatter.add.f32 [tilespmem:s18], [sflag:$0x3], $0x20, s19, s29, $0xb8;
	[tilespmem:$0x1F520] =	vst v63  }
0x830: {  	_ =	swait.ge [sflag:s24], $0x2000  }
0x831: {  	[sflag:s24] =	ssyncset.done $0x0  }
0x832: {  	[sflag:s24] =	ssyncadd.s32 $0xFFFFE000  }
.LBB2_39:
0x833: {  	_ =	sfence.sel $0x180000  }
0x834: {  	[bflag:$0x0] =	sbarrier.arrive $0xFFFF  }
0x835: {  	_ =	strace $0x90000047  }
0x836: {  	s0 =	stileid.u32;
	[bflag:$0x2] =	sbarrier.arrive $0xFFFF  }
0x837: {  	p0 =	sne.s32 s0, $0x0;
	s0 =	rddreg [dreg:$0x4]  }
0x838: {  	s0 =	sadd.s32 @!p0 $0x100000, s0  }
0x839: {  	[sflag:s0] =	ssyncadd.tile.s32 @!p0 $0x1;
	_ =	shalt  }
.Lfunc_end2:
_tile_overlayer_lowered:
.L_overlay_start_2:
0x83a: {  	(tag) =	ssettag $0x2  }
0x83b: {  	s0 =	rddreg [dreg:$0x0];
	s2 =	stileid.u32  }
0x83c: {  	s1 =	rddreg [dreg:$0x1];
	p0 =	sne.s32 s2, $0x0  }
0x83d: {  	s3 =	rddreg [dreg:$0x2];
	[bflag:$0x3] =	sbarrier.arrive $0xFFFF;
	s2 =	simm.s32 @!p0 $0x1C03  }
0x83e: {  	[timem:s3], [sflag:s2] =	dma.local @!p0 [hbm:s0], s1  }
0x83f: {  	s0 =	simm.s32 @!p0 $0x3  }
0x840: {  	_ =	swait.ge @!p0 [sflag:s0], s1  }
0x841: {  	s1 =	ssub.s32 @!p0 $0x0, s1;
	[sflag:s0] =	ssyncset.done @!p0 $0x0  }
0x842: {  	[sflag:s0] =	ssyncadd.s32 @!p0 s1  }
0x843: {  	[bflag:$0x3] =	sbarrier.arrive $0xFFFF  }
0x844: {  	_ =	shalt  }

</sc_bundles>
